<compile_context>
chip_gen: v7x
topology: tpu7x:2x2x1
jax: 0.10.2.dev20260603
libtpu: 0.0.44.dev20260713+nightly
codegen_flags: <defaults>
</compile_context>

<pallas_src>
import functools

import numpy as np
import jax
import jax.numpy as jnp
from jax import lax
from jax.experimental import pallas as pl
from jax.experimental.pallas import tpu as pltpu
from jax.experimental.pallas import tpu_sc as plsc

_L = 68
_NCOL = _L * (_L - 1) // 2
_B = 16384
_NW = 32
_ROWS_PER_W = _B // _NW
_R = 8
_NCHUNK = _ROWS_PER_W // _R
_NPAIR = _NCHUNK // 2
_JS = (0, 16, 32, 48, 64)
_NT = len(_JS)
_JW = _NT * 16
_TAB = _L * _JW


def _tables():
    i = np.arange(_L)[:, None]
    jpos = np.concatenate([np.arange(js, js + 16) for js in _JS])[None, :]
    tri_i = (i * (i - 1)) // 2
    tri_j = (jpos * (jpos - 1)) // 2
    idx = np.where(i > jpos, tri_i + jpos, np.minimum(tri_j + i, _NCOL - 1))
    idx = np.where(i == jpos, 0, idx)
    sgn = np.where(i > jpos, 1.0, np.where(i < jpos, -1.0, 0.0))
    sgn = np.where(jpos >= _L, 0.0, sgn)
    return (jnp.asarray(idx.reshape(-1), dtype=jnp.int32),
            jnp.asarray(sgn.reshape(-1), dtype=jnp.float32))


_H = _R // 2


def _body(x_hbm, idx_hbm, sgn_hbm, out_hbm,
          idx_v, sgn_v, x0, x1, o0, o1, si0, si1, so0, so1):
    wid = lax.axis_index("s") * 2 + lax.axis_index("c")
    base = wid * _ROWS_PER_W
    pltpu.sync_copy(idx_hbm, idx_v)
    pltpu.sync_copy(sgn_hbm, sgn_v)

    in_bufs = ((x0, si0), (x1, si1))
    out_bufs = ((o0, so0), (o1, so1))

    def in_slice(c):
        return x_hbm.at[pl.ds(pl.multiple_of(base + c * _R, _R), _R)]

    def out_slice(c, h):
        return out_hbm.at[pl.ds(base + c * _R + h * _H, _H)]

    pltpu.async_copy(in_slice(0), x0, si0)
    pltpu.async_copy(in_slice(1), x1, si1)
    pltpu.async_copy(o0, out_slice(0, 0), so0)
    pltpu.async_copy(o1, out_slice(0, 1), so1)

    row_splats = [jnp.full((16,), r, jnp.int32) for r in range(_H)]

    def compute(xb, ob, h):
        @plsc.parallel_loop(0, _L, 1, unroll=4)
        def ibody(i):
            off0 = i * _JW
            for t in range(_NT):
                off = off0 + t * 16
                idxv = idx_v[pl.ds(off, 16)]
                sgnv = sgn_v[pl.ds(off, 16)]
                for r in range(_H):
                    v = plsc.load_gather(xb, [row_splats[r] + h * _H, idxv])
                    ob[r, i, pl.ds(_JS[t], 16)] = v * sgnv

    @pl.loop(0, _NPAIR)
    def pair(cp):
        for b in range(2):
            xb, si = in_bufs[b]
            c = 2 * cp + b
            pltpu.make_async_copy(in_slice(c), xb, si).wait()
            for h in range(2):
                ob, so = out_bufs[h]
                pltpu.make_async_copy(ob, out_slice(c, h), so).wait()
                compute(xb, ob, h)
                pltpu.async_copy(ob, out_slice(c, h), so)

            @pl.when(cp < _NPAIR - 1)
            def _next_in():
                pltpu.async_copy(in_slice(c + 2), xb, si)

    pltpu.make_async_copy(o0, out_slice(_NCHUNK - 1, 0), so0).wait()
    pltpu.make_async_copy(o1, out_slice(_NCHUNK - 1, 1), so1).wait()


@jax.jit
def kernel(rel_column):
    idx, sgn = _tables()
    mesh = plsc.VectorSubcoreMesh(core_axis_name="c", subcore_axis_name="s")
    call = pl.kernel(
        _body,
        out_type=jax.ShapeDtypeStruct((_B, 72, 128), jnp.float32),
        mesh=mesh,
        compiler_params=pltpu.CompilerParams(needs_layout_passes=False),
        scratch_types=[
            pltpu.VMEM((_TAB,), jnp.int32),
            pltpu.VMEM((_TAB,), jnp.float32),
            pltpu.VMEM((_R, _NCOL), jnp.float32),
            pltpu.VMEM((_R, _NCOL), jnp.float32),
            pltpu.VMEM((_H, 72, 128), jnp.float32),
            pltpu.VMEM((_H, 72, 128), jnp.float32),
            pltpu.SemaphoreType.DMA,
            pltpu.SemaphoreType.DMA,
            pltpu.SemaphoreType.DMA,
            pltpu.SemaphoreType.DMA,
        ],
    )
    padded = call(rel_column, idx, sgn)
    return padded[:, :_L, :_L]

# --- scband reference (transcript-rebuilt; emitter-appended) ---
"""Pipeline reference for scband-rel-col2-matrix-58514634440837 (READ-ONLY COPY).

The authoritative reference and input builder live on the scoring server;
editing this copy changes nothing except your own understanding.
"""

import jax, jax.numpy as jnp
import numpy as np

NUM_LANDMARK = 68
BATCH = 16384

def _masks(L):
    xx = np.broadcast_to(np.arange(L)[:, None], (L, L))
    yy = xx.T
    col_mask = xx > yy  # strictly lower triangular, row-major True order
    rows, cols = np.nonzero(col_mask)
    crows, ccols = np.nonzero(~col_mask)  # complement: upper triangle + diagonal
    return rows, cols, crows, ccols

def setup_inputs(seed: int = 0) -> dict:
    key = jax.random.key(seed)
    n_col = NUM_LANDMARK * (NUM_LANDMARK - 1) // 2
    rel_column = jax.random.normal(key, (BATCH, n_col), dtype=jnp.float32)
    return {"rel_column": rel_column}

def reference(rel_column):
    L = NUM_LANDMARK
    rows, cols, crows, ccols = _masks(L)
    B = rel_column.shape[0]
    # rel_matrix = zeros; rel_matrix[..., col_mask] = rel_column
    M = jnp.zeros((B, L, L), dtype=rel_column.dtype)
    M = M.at[:, rows, cols].set(rel_column)
    # rel_matrix[..., ~col_mask] = -rel_matrix.T[..., ~col_mask]
    Mt = jnp.swapaxes(M, -1, -2)
    out = M.at[:, crows, ccols].set(-Mt[:, crows, ccols])
    return out

if __name__ == "__main__":
    import jax
    _d = setup_inputs()
    print(jax.jit(kernel)(*tuple(_d.values())))

</pallas_src>

<mosaic_0001>
#map = affine_map<(d0, d1) -> (0, 0)>
#map1 = affine_map<(d0, d1) -> (0)>
#map2 = affine_map<(d0, d1) -> (0, 0, 0)>
module attributes {stable_mosaic.version = 14 : i64} {
  func.func @_body(%arg0: i32, %arg1: i32, %arg2: memref<16384x2278xf32, #tpu.memory_space<hbm>>, %arg3: memref<5440xi32, #tpu.memory_space<hbm>>, %arg4: memref<5440xf32, #tpu.memory_space<hbm>>, %arg5: memref<16384x72x128xf32, #tpu.memory_space<hbm>>, %arg6: memref<5440xi32, #tpu.memory_space<vmem>>, %arg7: memref<5440xf32, #tpu.memory_space<vmem>>, %arg8: memref<8x2278xf32, #tpu.memory_space<vmem>>, %arg9: memref<8x2278xf32, #tpu.memory_space<vmem>>, %arg10: memref<4x72x128xf32, #tpu.memory_space<vmem>>, %arg11: memref<4x72x128xf32, #tpu.memory_space<vmem>>, %arg12: memref<!tpu.dma_semaphore, #tpu.memory_space<semaphore_mem>>, %arg13: memref<!tpu.dma_semaphore, #tpu.memory_space<semaphore_mem>>, %arg14: memref<!tpu.dma_semaphore, #tpu.memory_space<semaphore_mem>>, %arg15: memref<!tpu.dma_semaphore, #tpu.memory_space<semaphore_mem>>) attributes {dimension_semantics = [#tpu.dimension_semantics<core_parallel>, #tpu.dimension_semantics<subcore_parallel>], iteration_bounds = array<i64: 2, 16>, scalar_prefetch = 0 : i64, scratch_operands = 10 : i64, tpu.core_type = #tpu.core_type<sc_vector_subcore>, window_params = [{transform_indices = #map}, {transform_indices = #map1}, {transform_indices = #map1}, {transform_indices = #map2}]} {
    %mul3A = arith.constant 2 : i32
    %mul3A_0 = arith.muli %arg1, %mul3A : i32
    %add3A = arith.addi %mul3A_0, %arg0 : i32
    %mul3A_1 = arith.constant 512 : i32
    %mul3A_2 = arith.muli %add3A, %mul3A_1 : i32
    "tpu.region"() ({
      %run_scoped3A = tpu.sem_alloc : memref<!tpu.dma_semaphore, #tpu.memory_space<semaphore_mem>>
      tpu.enqueue_dma source(%arg3 : memref<5440xi32, #tpu.memory_space<hbm>>) target(%arg6 : memref<5440xi32, #tpu.memory_space<vmem>>) target_semaphore(%run_scoped3A : memref<!tpu.dma_semaphore, #tpu.memory_space<semaphore_mem>>)
      tpu.wait_dma2 semaphore(%run_scoped3A : memref<!tpu.dma_semaphore, #tpu.memory_space<semaphore_mem>>) src(%arg3 : memref<5440xi32, #tpu.memory_space<hbm>>) dst(%arg6 : memref<5440xi32, #tpu.memory_space<vmem>>)
      tpu.yield
    }) : () -> ()
    "tpu.region"() ({
      %run_scoped3A = tpu.sem_alloc : memref<!tpu.dma_semaphore, #tpu.memory_space<semaphore_mem>>
      tpu.enqueue_dma source(%arg4 : memref<5440xf32, #tpu.memory_space<hbm>>) target(%arg7 : memref<5440xf32, #tpu.memory_space<vmem>>) target_semaphore(%run_scoped3A : memref<!tpu.dma_semaphore, #tpu.memory_space<semaphore_mem>>)
      tpu.wait_dma2 semaphore(%run_scoped3A : memref<!tpu.dma_semaphore, #tpu.memory_space<semaphore_mem>>) src(%arg4 : memref<5440xf32, #tpu.memory_space<hbm>>) dst(%arg7 : memref<5440xf32, #tpu.memory_space<vmem>>)
      tpu.yield
    }) : () -> ()
    %add3A_3 = arith.constant 0 : i32
    %add3A_4 = arith.addi %mul3A_2, %add3A_3 : i32
    %multiple_of3A = tpu.assume_multiple %add3A_4, 8 : i32
    %dma_start3A = arith.constant 0 : i32
    %dma_start3A_5 = tpu.memref_slice %arg2[%multiple_of3A, %dma_start3A] : memref<16384x2278xf32, #tpu.memory_space<hbm>> -> memref<8x2278xf32, #tpu.memory_space<hbm>>
    %dma_start3A_6 = arith.constant 0 : i32
    %dma_start3A_7 = tpu.memref_slice %arg2[%multiple_of3A, %dma_start3A_6] : memref<16384x2278xf32, #tpu.memory_space<hbm>> -> memref<8x2278xf32, #tpu.memory_space<hbm>>
    tpu.enqueue_dma source(%dma_start3A_7 : memref<8x2278xf32, #tpu.memory_space<hbm>>) target(%arg8 : memref<8x2278xf32, #tpu.memory_space<vmem>>) target_semaphore(%arg12 : memref<!tpu.dma_semaphore, #tpu.memory_space<semaphore_mem>>)
    %add3A_8 = arith.constant 8 : i32
    %add3A_9 = arith.addi %mul3A_2, %add3A_8 : i32
    %multiple_of3A_10 = tpu.assume_multiple %add3A_9, 8 : i32
    %dma_start3A_11 = arith.constant 0 : i32
    %dma_start3A_12 = tpu.memref_slice %arg2[%multiple_of3A_10, %dma_start3A_11] : memref<16384x2278xf32, #tpu.memory_space<hbm>> -> memref<8x2278xf32, #tpu.memory_space<hbm>>
    %dma_start3A_13 = arith.constant 0 : i32
    %dma_start3A_14 = tpu.memref_slice %arg2[%multiple_of3A_10, %dma_start3A_13] : memref<16384x2278xf32, #tpu.memory_space<hbm>> -> memref<8x2278xf32, #tpu.memory_space<hbm>>
    tpu.enqueue_dma source(%dma_start3A_14 : memref<8x2278xf32, #tpu.memory_space<hbm>>) target(%arg9 : memref<8x2278xf32, #tpu.memory_space<vmem>>) target_semaphore(%arg13 : memref<!tpu.dma_semaphore, #tpu.memory_space<semaphore_mem>>)
    %add3A_15 = arith.constant 0 : i32
    %add3A_16 = arith.addi %mul3A_2, %add3A_15 : i32
    %add3A_17 = arith.constant 0 : i32
    %add3A_18 = arith.addi %add3A_16, %add3A_17 : i32
    %dma_start3A_19 = arith.constant 0 : i32
    %dma_start3A_20 = arith.constant 0 : i32
    %dma_start3A_21 = tpu.memref_slice %arg5[%add3A_18, %dma_start3A_19, %dma_start3A_20] : memref<16384x72x128xf32, #tpu.memory_space<hbm>> -> memref<4x72x128xf32, #tpu.memory_space<hbm>>
    %dma_start3A_22 = arith.constant 0 : i32
    %dma_start3A_23 = arith.constant 0 : i32
    %dma_start3A_24 = tpu.memref_slice %arg5[%add3A_18, %dma_start3A_22, %dma_start3A_23] : memref<16384x72x128xf32, #tpu.memory_space<hbm>> -> memref<4x72x128xf32, #tpu.memory_space<hbm>>
    tpu.enqueue_dma source(%arg10 : memref<4x72x128xf32, #tpu.memory_space<vmem>>) target(%dma_start3A_24 : memref<4x72x128xf32, #tpu.memory_space<hbm>>) target_semaphore(%arg14 : memref<!tpu.dma_semaphore, #tpu.memory_space<semaphore_mem>>)
    %add3A_25 = arith.constant 0 : i32
    %add3A_26 = arith.addi %mul3A_2, %add3A_25 : i32
    %add3A_27 = arith.constant 4 : i32
    %add3A_28 = arith.addi %add3A_26, %add3A_27 : i32
    %dma_start3A_29 = arith.constant 0 : i32
    %dma_start3A_30 = arith.constant 0 : i32
    %dma_start3A_31 = tpu.memref_slice %arg5[%add3A_28, %dma_start3A_29, %dma_start3A_30] : memref<16384x72x128xf32, #tpu.memory_space<hbm>> -> memref<4x72x128xf32, #tpu.memory_space<hbm>>
    %dma_start3A_32 = arith.constant 0 : i32
    %dma_start3A_33 = arith.constant 0 : i32
    %dma_start3A_34 = tpu.memref_slice %arg5[%add3A_28, %dma_start3A_32, %dma_start3A_33] : memref<16384x72x128xf32, #tpu.memory_space<hbm>> -> memref<4x72x128xf32, #tpu.memory_space<hbm>>
    tpu.enqueue_dma source(%arg11 : memref<4x72x128xf32, #tpu.memory_space<vmem>>) target(%dma_start3A_34 : memref<4x72x128xf32, #tpu.memory_space<hbm>>) target_semaphore(%arg15 : memref<!tpu.dma_semaphore, #tpu.memory_space<semaphore_mem>>)
    %broadcast_in_dim3A = arith.constant 0 : i32
    %broadcast_in_dim3A_35 = vector.broadcast %broadcast_in_dim3A : i32 to vector<16xi32>
    %broadcast_in_dim3A_36 = arith.constant 1 : i32
    %broadcast_in_dim3A_37 = vector.broadcast %broadcast_in_dim3A_36 : i32 to vector<16xi32>
    %broadcast_in_dim3A_38 = arith.constant 2 : i32
    %broadcast_in_dim3A_39 = vector.broadcast %broadcast_in_dim3A_38 : i32 to vector<16xi32>
    %broadcast_in_dim3A_40 = arith.constant 3 : i32
    %broadcast_in_dim3A_41 = vector.broadcast %broadcast_in_dim3A_40 : i32 to vector<16xi32>
    %scan3A = arith.constant 0 : i32
    %scan3A_42 = arith.constant 32 : i32
    %scan3A_43 = arith.addi %scan3A, %scan3A_42 : i32
    %scan3A_44 = arith.constant 1 : i32
    scf.for %scan3A_65 = %scan3A to %scan3A_43 step %scan3A_44  : i32 {
      %mul3A_66 = arith.constant 1 : i32
      %mul3A_67 = arith.muli %scan3A_65, %mul3A_66 : i32
      %add3A_68 = arith.constant 0 : i32
      %add3A_69 = arith.addi %add3A_68, %mul3A_67 : i32
      %mul3A_70 = arith.constant 2 : i32
      %mul3A_71 = arith.muli %mul3A_70, %add3A_69 : i32
      %add3A_72 = arith.constant 0 : i32
      %add3A_73 = arith.addi %mul3A_71, %add3A_72 : i32
      %mul3A_74 = arith.constant 8 : i32
      %mul3A_75 = arith.muli %add3A_73, %mul3A_74 : i32
      %add3A_76 = arith.addi %mul3A_2, %mul3A_75 : i32
      %multiple_of3A_77 = tpu.assume_multiple %add3A_76, 8 : i32
      %dma_wait3A_78 = arith.constant 0 : i32
      %dma_wait3A_79 = tpu.memref_slice %arg2[%multiple_of3A_77, %dma_wait3A_78] : memref<16384x2278xf32, #tpu.memory_space<hbm>> -> memref<8x2278xf32, #tpu.memory_space<hbm>>
      %dma_wait3A_80 = arith.constant 0 : i32
      %dma_wait3A_81 = tpu.memref_slice %arg2[%multiple_of3A_77, %dma_wait3A_80] : memref<16384x2278xf32, #tpu.memory_space<hbm>> -> memref<8x2278xf32, #tpu.memory_space<hbm>>
      tpu.wait_dma2 semaphore(%arg12 : memref<!tpu.dma_semaphore, #tpu.memory_space<semaphore_mem>>) src(%dma_wait3A_81 : memref<8x2278xf32, #tpu.memory_space<hbm>>) dst(%arg8 : memref<8x2278xf32, #tpu.memory_space<vmem>>)
      %mul3A_82 = arith.constant 8 : i32
      %mul3A_83 = arith.muli %add3A_73, %mul3A_82 : i32
      %add3A_84 = arith.addi %mul3A_2, %mul3A_83 : i32
      %add3A_85 = arith.constant 0 : i32
      %add3A_86 = arith.addi %add3A_84, %add3A_85 : i32
      %dma_wait3A_87 = arith.constant 0 : i32
      %dma_wait3A_88 = arith.constant 0 : i32
      %dma_wait3A_89 = tpu.memref_slice %arg5[%add3A_86, %dma_wait3A_87, %dma_wait3A_88] : memref<16384x72x128xf32, #tpu.memory_space<hbm>> -> memref<4x72x128xf32, #tpu.memory_space<hbm>>
      %dma_wait3A_90 = arith.constant 0 : i32
      %dma_wait3A_91 = arith.constant 0 : i32
      %dma_wait3A_92 = tpu.memref_slice %arg5[%add3A_86, %dma_wait3A_90, %dma_wait3A_91] : memref<16384x72x128xf32, #tpu.memory_space<hbm>> -> memref<4x72x128xf32, #tpu.memory_space<hbm>>
      tpu.wait_dma2 semaphore(%arg14 : memref<!tpu.dma_semaphore, #tpu.memory_space<semaphore_mem>>) src(%arg10 : memref<4x72x128xf32, #tpu.memory_space<vmem>>) dst(%dma_wait3A_92 : memref<4x72x128xf32, #tpu.memory_space<hbm>>)
      %parallel_loop3A = arith.constant 0 : i32
      %parallel_loop3A_93 = arith.constant 68 : i32
      %parallel_loop3A_94 = arith.constant 1 : i32
      scf.for %parallel_loop3A_200 = %parallel_loop3A to %parallel_loop3A_93 step %parallel_loop3A_94  : i32 {
        %parallel_loop3A_201 = arith.constant 80 : i32
        %parallel_loop3A_202 = arith.muli %parallel_loop3A_200, %parallel_loop3A_201 : i32
        %parallel_loop3A_203 = arith.constant 0 : i32
        %parallel_loop3A_204 = arith.addi %parallel_loop3A_202, %parallel_loop3A_203 : i32
        %parallel_loop3A_205 = arith.index_cast %parallel_loop3A_204 : i32 to index
        %parallel_loop3A_206 = tpu.vector_load %arg6[%parallel_loop3A_205] {strides = array<i32>} : memref<5440xi32, #tpu.memory_space<vmem>>, vector<16xi32>,
        %parallel_loop3A_207 = arith.index_cast %parallel_loop3A_204 : i32 to index
        %parallel_loop3A_208 = tpu.vector_load %arg7[%parallel_loop3A_207] {strides = array<i32>} : memref<5440xf32, #tpu.memory_space<vmem>>, vector<16xf32>,
        %parallel_loop3A_209 = arith.constant 0 : i32
        %parallel_loop3A_210 = vector.broadcast %parallel_loop3A_209 : i32 to vector<16xi32>
        %parallel_loop3A_211 = arith.addi %broadcast_in_dim3A_35, %parallel_loop3A_210 : vector<16xi32>
        %parallel_loop3A_212 = tpu.vector_load_idx %arg8[%parallel_loop3A_211, %parallel_loop3A_206] : memref<8x2278xf32, #tpu.memory_space<vmem>>[vector<16xi32>, vector<16xi32>], vector<16xf32>,
        %parallel_loop3A_213 = arith.mulf %parallel_loop3A_212, %parallel_loop3A_208 : vector<16xf32>
        %parallel_loop3A_214 = arith.constant 0 : i32
        %parallel_loop3A_215 = arith.index_cast %parallel_loop3A_214 : i32 to index
        %parallel_loop3A_216 = arith.index_cast %parallel_loop3A_200 : i32 to index
        %parallel_loop3A_217 = arith.constant 0 : index
        %parallel_loop3A_218 = tpu.vector_load %arg10[%parallel_loop3A_215, %parallel_loop3A_216, %parallel_loop3A_217] {strides = array<i32>} : memref<4x72x128xf32, #tpu.memory_space<vmem>>, vector<16xf32>,
        tpu.vector_store %arg10[%parallel_loop3A_215, %parallel_loop3A_216, %parallel_loop3A_217], %parallel_loop3A_213 {strides = array<i32>} : memref<4x72x128xf32, #tpu.memory_space<vmem>>, vector<16xf32>,
        %parallel_loop3A_219 = arith.constant 0 : i32
        %parallel_loop3A_220 = vector.broadcast %parallel_loop3A_219 : i32 to vector<16xi32>
        %parallel_loop3A_221 = arith.addi %broadcast_in_dim3A_37, %parallel_loop3A_220 : vector<16xi32>
        %parallel_loop3A_222 = tpu.vector_load_idx %arg8[%parallel_loop3A_221, %parallel_loop3A_206] : memref<8x2278xf32, #tpu.memory_space<vmem>>[vector<16xi32>, vector<16xi32>], vector<16xf32>,
        %parallel_loop3A_223 = arith.mulf %parallel_loop3A_222, %parallel_loop3A_208 : vector<16xf32>
        %parallel_loop3A_224 = arith.constant 1 : i32
        %parallel_loop3A_225 = arith.index_cast %parallel_loop3A_224 : i32 to index
        %parallel_loop3A_226 = arith.index_cast %parallel_loop3A_200 : i32 to index
        %parallel_loop3A_227 = arith.constant 0 : index
        %parallel_loop3A_228 = tpu.vector_load %arg10[%parallel_loop3A_225, %parallel_loop3A_226, %parallel_loop3A_227] {strides = array<i32>} : memref<4x72x128xf32, #tpu.memory_space<vmem>>, vector<16xf32>,
        tpu.vector_store %arg10[%parallel_loop3A_225, %parallel_loop3A_226, %parallel_loop3A_227], %parallel_loop3A_223 {strides = array<i32>} : memref<4x72x128xf32, #tpu.memory_space<vmem>>, vector<16xf32>,
        %parallel_loop3A_229 = arith.constant 0 : i32
        %parallel_loop3A_230 = vector.broadcast %parallel_loop3A_229 : i32 to vector<16xi32>
        %parallel_loop3A_231 = arith.addi %broadcast_in_dim3A_39, %parallel_loop3A_230 : vector<16xi32>
        %parallel_loop3A_232 = tpu.vector_load_idx %arg8[%parallel_loop3A_231, %parallel_loop3A_206] : memref<8x2278xf32, #tpu.memory_space<vmem>>[vector<16xi32>, vector<16xi32>], vector<16xf32>,
        %parallel_loop3A_233 = arith.mulf %parallel_loop3A_232, %parallel_loop3A_208 : vector<16xf32>
        %parallel_loop3A_234 = arith.constant 2 : i32
        %parallel_loop3A_235 = arith.index_cast %parallel_loop3A_234 : i32 to index
        %parallel_loop3A_236 = arith.index_cast %parallel_loop3A_200 : i32 to index
        %parallel_loop3A_237 = arith.constant 0 : index
        %parallel_loop3A_238 = tpu.vector_load %arg10[%parallel_loop3A_235, %parallel_loop3A_236, %parallel_loop3A_237] {strides = array<i32>} : memref<4x72x128xf32, #tpu.memory_space<vmem>>, vector<16xf32>,
        tpu.vector_store %arg10[%parallel_loop3A_235, %parallel_loop3A_236, %parallel_loop3A_237], %parallel_loop3A_233 {strides = array<i32>} : memref<4x72x128xf32, #tpu.memory_space<vmem>>, vector<16xf32>,
        %parallel_loop3A_239 = arith.constant 0 : i32
        %parallel_loop3A_240 = vector.broadcast %parallel_loop3A_239 : i32 to vector<16xi32>
        %parallel_loop3A_241 = arith.addi %broadcast_in_dim3A_41, %parallel_loop3A_240 : vector<16xi32>
        %parallel_loop3A_242 = tpu.vector_load_idx %arg8[%parallel_loop3A_241, %parallel_loop3A_206] : memref<8x2278xf32, #tpu.memory_space<vmem>>[vector<16xi32>, vector<16xi32>], vector<16xf32>,
        %parallel_loop3A_243 = arith.mulf %parallel_loop3A_242, %parallel_loop3A_208 : vector<16xf32>
        %parallel_loop3A_244 = arith.constant 3 : i32
        %parallel_loop3A_245 = arith.index_cast %parallel_loop3A_244 : i32 to index
        %parallel_loop3A_246 = arith.index_cast %parallel_loop3A_200 : i32 to index
        %parallel_loop3A_247 = arith.constant 0 : index
        %parallel_loop3A_248 = tpu.vector_load %arg10[%parallel_loop3A_245, %parallel_loop3A_246, %parallel_loop3A_247] {strides = array<i32>} : memref<4x72x128xf32, #tpu.memory_space<vmem>>, vector<16xf32>,
        tpu.vector_store %arg10[%parallel_loop3A_245, %parallel_loop3A_246, %parallel_loop3A_247], %parallel_loop3A_243 {strides = array<i32>} : memref<4x72x128xf32, #tpu.memory_space<vmem>>, vector<16xf32>,
        %parallel_loop3A_249 = arith.constant 16 : i32
        %parallel_loop3A_250 = arith.addi %parallel_loop3A_202, %parallel_loop3A_249 : i32
        %parallel_loop3A_251 = arith.index_cast %parallel_loop3A_250 : i32 to index
        %parallel_loop3A_252 = tpu.vector_load %arg6[%parallel_loop3A_251] {strides = array<i32>} : memref<5440xi32, #tpu.memory_space<vmem>>, vector<16xi32>,
        %parallel_loop3A_253 = arith.index_cast %parallel_loop3A_250 : i32 to index
        %parallel_loop3A_254 = tpu.vector_load %arg7[%parallel_loop3A_253] {strides = array<i32>} : memref<5440xf32, #tpu.memory_space<vmem>>, vector<16xf32>,
        %parallel_loop3A_255 = arith.constant 0 : i32
        %parallel_loop3A_256 = vector.broadcast %parallel_loop3A_255 : i32 to vector<16xi32>
        %parallel_loop3A_257 = arith.addi %broadcast_in_dim3A_35, %parallel_loop3A_256 : vector<16xi32>
        %parallel_loop3A_258 = tpu.vector_load_idx %arg8[%parallel_loop3A_257, %parallel_loop3A_252] : memref<8x2278xf32, #tpu.memory_space<vmem>>[vector<16xi32>, vector<16xi32>], vector<16xf32>,
        %parallel_loop3A_259 = arith.mulf %parallel_loop3A_258, %parallel_loop3A_254 : vector<16xf32>
        %parallel_loop3A_260 = arith.constant 0 : i32
        %parallel_loop3A_261 = arith.index_cast %parallel_loop3A_260 : i32 to index
        %parallel_loop3A_262 = arith.index_cast %parallel_loop3A_200 : i32 to index
        %parallel_loop3A_263 = arith.constant 16 : index
        %parallel_loop3A_264 = tpu.vector_load %arg10[%parallel_loop3A_261, %parallel_loop3A_262, %parallel_loop3A_263] {strides = array<i32>} : memref<4x72x128xf32, #tpu.memory_space<vmem>>, vector<16xf32>,
        tpu.vector_store %arg10[%parallel_loop3A_261, %parallel_loop3A_262, %parallel_loop3A_263], %parallel_loop3A_259 {strides = array<i32>} : memref<4x72x128xf32, #tpu.memory_space<vmem>>, vector<16xf32>,
        %parallel_loop3A_265 = arith.constant 0 : i32
        %parallel_loop3A_266 = vector.broadcast %parallel_loop3A_265 : i32 to vector<16xi32>
        %parallel_loop3A_267 = arith.addi %broadcast_in_dim3A_37, %parallel_loop3A_266 : vector<16xi32>
        %parallel_loop3A_268 = tpu.vector_load_idx %arg8[%parallel_loop3A_267, %parallel_loop3A_252] : memref<8x2278xf32, #tpu.memory_space<vmem>>[vector<16xi32>, vector<16xi32>], vector<16xf32>,
        %parallel_loop3A_269 = arith.mulf %parallel_loop3A_268, %parallel_loop3A_254 : vector<16xf32>
        %parallel_loop3A_270 = arith.constant 1 : i32
        %parallel_loop3A_271 = arith.index_cast %parallel_loop3A_270 : i32 to index
        %parallel_loop3A_272 = arith.index_cast %parallel_loop3A_200 : i32 to index
        %parallel_loop3A_273 = arith.constant 16 : index
        %parallel_loop3A_274 = tpu.vector_load %arg10[%parallel_loop3A_271, %parallel_loop3A_272, %parallel_loop3A_273] {strides = array<i32>} : memref<4x72x128xf32, #tpu.memory_space<vmem>>, vector<16xf32>,
        tpu.vector_store %arg10[%parallel_loop3A_271, %parallel_loop3A_272, %parallel_loop3A_273], %parallel_loop3A_269 {strides = array<i32>} : memref<4x72x128xf32, #tpu.memory_space<vmem>>, vector<16xf32>,
        %parallel_loop3A_275 = arith.constant 0 : i32
        %parallel_loop3A_276 = vector.broadcast %parallel_loop3A_275 : i32 to vector<16xi32>
        %parallel_loop3A_277 = arith.addi %broadcast_in_dim3A_39, %parallel_loop3A_276 : vector<16xi32>
        %parallel_loop3A_278 = tpu.vector_load_idx %arg8[%parallel_loop3A_277, %parallel_loop3A_252] : memref<8x2278xf32, #tpu.memory_space<vmem>>[vector<16xi32>, vector<16xi32>], vector<16xf32>,
        %parallel_loop3A_279 = arith.mulf %parallel_loop3A_278, %parallel_loop3A_254 : vector<16xf32>
        %parallel_loop3A_280 = arith.constant 2 : i32
        %parallel_loop3A_281 = arith.index_cast %parallel_loop3A_280 : i32 to index
        %parallel_loop3A_282 = arith.index_cast %parallel_loop3A_200 : i32 to index
        %parallel_loop3A_283 = arith.constant 16 : index
        %parallel_loop3A_284 = tpu.vector_load %arg10[%parallel_loop3A_281, %parallel_loop3A_282, %parallel_loop3A_283] {strides = array<i32>} : memref<4x72x128xf32, #tpu.memory_space<vmem>>, vector<16xf32>,
        tpu.vector_store %arg10[%parallel_loop3A_281, %parallel_loop3A_282, %parallel_loop3A_283], %parallel_loop3A_279 {strides = array<i32>} : memref<4x72x128xf32, #tpu.memory_space<vmem>>, vector<16xf32>,
        %parallel_loop3A_285 = arith.constant 0 : i32
        %parallel_loop3A_286 = vector.broadcast %parallel_loop3A_285 : i32 to vector<16xi32>
        %parallel_loop3A_287 = arith.addi %broadcast_in_dim3A_41, %parallel_loop3A_286 : vector<16xi32>
        %parallel_loop3A_288 = tpu.vector_load_idx %arg8[%parallel_loop3A_287, %parallel_loop3A_252] : memref<8x2278xf32, #tpu.memory_space<vmem>>[vector<16xi32>, vector<16xi32>], vector<16xf32>,
        %parallel_loop3A_289 = arith.mulf %parallel_loop3A_288, %parallel_loop3A_254 : vector<16xf32>
        %parallel_loop3A_290 = arith.constant 3 : i32
        %parallel_loop3A_291 = arith.index_cast %parallel_loop3A_290 : i32 to index
        %parallel_loop3A_292 = arith.index_cast %parallel_loop3A_200 : i32 to index
        %parallel_loop3A_293 = arith.constant 16 : index
        %parallel_loop3A_294 = tpu.vector_load %arg10[%parallel_loop3A_291, %parallel_loop3A_292, %parallel_loop3A_293] {strides = array<i32>} : memref<4x72x128xf32, #tpu.memory_space<vmem>>, vector<16xf32>,
        tpu.vector_store %arg10[%parallel_loop3A_291, %parallel_loop3A_292, %parallel_loop3A_293], %parallel_loop3A_289 {strides = array<i32>} : memref<4x72x128xf32, #tpu.memory_space<vmem>>, vector<16xf32>,
        %parallel_loop3A_295 = arith.constant 32 : i32
        %parallel_loop3A_296 = arith.addi %parallel_loop3A_202, %parallel_loop3A_295 : i32
        %parallel_loop3A_297 = arith.index_cast %parallel_loop3A_296 : i32 to index
        %parallel_loop3A_298 = tpu.vector_load %arg6[%parallel_loop3A_297] {strides = array<i32>} : memref<5440xi32, #tpu.memory_space<vmem>>, vector<16xi32>,
        %parallel_loop3A_299 = arith.index_cast %parallel_loop3A_296 : i32 to index
        %parallel_loop3A_300 = tpu.vector_load %arg7[%parallel_loop3A_299] {strides = array<i32>} : memref<5440xf32, #tpu.memory_space<vmem>>, vector<16xf32>,
        %parallel_loop3A_301 = arith.constant 0 : i32
        %parallel_loop3A_302 = vector.broadcast %parallel_loop3A_301 : i32 to vector<16xi32>
        %parallel_loop3A_303 = arith.addi %broadcast_in_dim3A_35, %parallel_loop3A_302 : vector<16xi32>
        %parallel_loop3A_304 = tpu.vector_load_idx %arg8[%parallel_loop3A_303, %parallel_loop3A_298] : memref<8x2278xf32, #tpu.memory_space<vmem>>[vector<16xi32>, vector<16xi32>], vector<16xf32>,
        %parallel_loop3A_305 = arith.mulf %parallel_loop3A_304, %parallel_loop3A_300 : vector<16xf32>
        %parallel_loop3A_306 = arith.constant 0 : i32
        %parallel_loop3A_307 = arith.index_cast %parallel_loop3A_306 : i32 to index
        %parallel_loop3A_308 = arith.index_cast %parallel_loop3A_200 : i32 to index
        %parallel_loop3A_309 = arith.constant 32 : index
        %parallel_loop3A_310 = tpu.vector_load %arg10[%parallel_loop3A_307, %parallel_loop3A_308, %parallel_loop3A_309] {strides = array<i32>} : memref<4x72x128xf32, #tpu.memory_space<vmem>>, vector<16xf32>,
        tpu.vector_store %arg10[%parallel_loop3A_307, %parallel_loop3A_308, %parallel_loop3A_309], %parallel_loop3A_305 {strides = array<i32>} : memref<4x72x128xf32, #tpu.memory_space<vmem>>, vector<16xf32>,
        %parallel_loop3A_311 = arith.constant 0 : i32
        %parallel_loop3A_312 = vector.broadcast %parallel_loop3A_311 : i32 to vector<16xi32>
        %parallel_loop3A_313 = arith.addi %broadcast_in_dim3A_37, %parallel_loop3A_312 : vector<16xi32>
        %parallel_loop3A_314 = tpu.vector_load_idx %arg8[%parallel_loop3A_313, %parallel_loop3A_298] : memref<8x2278xf32, #tpu.memory_space<vmem>>[vector<16xi32>, vector<16xi32>], vector<16xf32>,
        %parallel_loop3A_315 = arith.mulf %parallel_loop3A_314, %parallel_loop3A_300 : vector<16xf32>
        %parallel_loop3A_316 = arith.constant 1 : i32
        %parallel_loop3A_317 = arith.index_cast %parallel_loop3A_316 : i32 to index
        %parallel_loop3A_318 = arith.index_cast %parallel_loop3A_200 : i32 to index
        %parallel_loop3A_319 = arith.constant 32 : index
        %parallel_loop3A_320 = tpu.vector_load %arg10[%parallel_loop3A_317, %parallel_loop3A_318, %parallel_loop3A_319] {strides = array<i32>} : memref<4x72x128xf32, #tpu.memory_space<vmem>>, vector<16xf32>,
        tpu.vector_store %arg10[%parallel_loop3A_317, %parallel_loop3A_318, %parallel_loop3A_319], %parallel_loop3A_315 {strides = array<i32>} : memref<4x72x128xf32, #tpu.memory_space<vmem>>, vector<16xf32>,
        %parallel_loop3A_321 = arith.constant 0 : i32
        %parallel_loop3A_322 = vector.broadcast %parallel_loop3A_321 : i32 to vector<16xi32>
        %parallel_loop3A_323 = arith.addi %broadcast_in_dim3A_39, %parallel_loop3A_322 : vector<16xi32>
        %parallel_loop3A_324 = tpu.vector_load_idx %arg8[%parallel_loop3A_323, %parallel_loop3A_298] : memref<8x2278xf32, #tpu.memory_space<vmem>>[vector<16xi32>, vector<16xi32>], vector<16xf32>,
        %parallel_loop3A_325 = arith.mulf %parallel_loop3A_324, %parallel_loop3A_300 : vector<16xf32>
        %parallel_loop3A_326 = arith.constant 2 : i32
        %parallel_loop3A_327 = arith.index_cast %parallel_loop3A_326 : i32 to index
        %parallel_loop3A_328 = arith.index_cast %parallel_loop3A_200 : i32 to index
        %parallel_loop3A_329 = arith.constant 32 : index
        %parallel_loop3A_330 = tpu.vector_load %arg10[%parallel_loop3A_327, %parallel_loop3A_328, %parallel_loop3A_329] {strides = array<i32>} : memref<4x72x128xf32, #tpu.memory_space<vmem>>, vector<16xf32>,
        tpu.vector_store %arg10[%parallel_loop3A_327, %parallel_loop3A_328, %parallel_loop3A_329], %parallel_loop3A_325 {strides = array<i32>} : memref<4x72x128xf32, #tpu.memory_space<vmem>>, vector<16xf32>,
        %parallel_loop3A_331 = arith.constant 0 : i32
        %parallel_loop3A_332 = vector.broadcast %parallel_loop3A_331 : i32 to vector<16xi32>
        %parallel_loop3A_333 = arith.addi %broadcast_in_dim3A_41, %parallel_loop3A_332 : vector<16xi32>
        %parallel_loop3A_334 = tpu.vector_load_idx %arg8[%parallel_loop3A_333, %parallel_loop3A_298] : memref<8x2278xf32, #tpu.memory_space<vmem>>[vector<16xi32>, vector<16xi32>], vector<16xf32>,
        %parallel_loop3A_335 = arith.mulf %parallel_loop3A_334, %parallel_loop3A_300 : vector<16xf32>
        %parallel_loop3A_336 = arith.constant 3 : i32
        %parallel_loop3A_337 = arith.index_cast %parallel_loop3A_336 : i32 to index
        %parallel_loop3A_338 = arith.index_cast %parallel_loop3A_200 : i32 to index
        %parallel_loop3A_339 = arith.constant 32 : index
        %parallel_loop3A_340 = tpu.vector_load %arg10[%parallel_loop3A_337, %parallel_loop3A_338, %parallel_loop3A_339] {strides = array<i32>} : memref<4x72x128xf32, #tpu.memory_space<vmem>>, vector<16xf32>,
        tpu.vector_store %arg10[%parallel_loop3A_337, %parallel_loop3A_338, %parallel_loop3A_339], %parallel_loop3A_335 {strides = array<i32>} : memref<4x72x128xf32, #tpu.memory_space<vmem>>, vector<16xf32>,
        %parallel_loop3A_341 = arith.constant 48 : i32
        %parallel_loop3A_342 = arith.addi %parallel_loop3A_202, %parallel_loop3A_341 : i32
        %parallel_loop3A_343 = arith.index_cast %parallel_loop3A_342 : i32 to index
        %parallel_loop3A_344 = tpu.vector_load %arg6[%parallel_loop3A_343] {strides = array<i32>} : memref<5440xi32, #tpu.memory_space<vmem>>, vector<16xi32>,
        %parallel_loop3A_345 = arith.index_cast %parallel_loop3A_342 : i32 to index
        %parallel_loop3A_346 = tpu.vector_load %arg7[%parallel_loop3A_345] {strides = array<i32>} : memref<5440xf32, #tpu.memory_space<vmem>>, vector<16xf32>,
        %parallel_loop3A_347 = arith.constant 0 : i32
        %parallel_loop3A_348 = vector.broadcast %parallel_loop3A_347 : i32 to vector<16xi32>
        %parallel_loop3A_349 = arith.addi %broadcast_in_dim3A_35, %parallel_loop3A_348 : vector<16xi32>
        %parallel_loop3A_350 = tpu.vector_load_idx %arg8[%parallel_loop3A_349, %parallel_loop3A_344] : memref<8x2278xf32, #tpu.memory_space<vmem>>[vector<16xi32>, vector<16xi32>], vector<16xf32>,
        %parallel_loop3A_351 = arith.mulf %parallel_loop3A_350, %parallel_loop3A_346 : vector<16xf32>
        %parallel_loop3A_352 = arith.constant 0 : i32
        %parallel_loop3A_353 = arith.index_cast %parallel_loop3A_352 : i32 to index
        %parallel_loop3A_354 = arith.index_cast %parallel_loop3A_200 : i32 to index
        %parallel_loop3A_355 = arith.constant 48 : index
        %parallel_loop3A_356 = tpu.vector_load %arg10[%parallel_loop3A_353, %parallel_loop3A_354, %parallel_loop3A_355] {strides = array<i32>} : memref<4x72x128xf32, #tpu.memory_space<vmem>>, vector<16xf32>,
        tpu.vector_store %arg10[%parallel_loop3A_353, %parallel_loop3A_354, %parallel_loop3A_355], %parallel_loop3A_351 {strides = array<i32>} : memref<4x72x128xf32, #tpu.memory_space<vmem>>, vector<16xf32>,
        %parallel_loop3A_357 = arith.constant 0 : i32
        %parallel_loop3A_358 = vector.broadcast %parallel_loop3A_357 : i32 to vector<16xi32>
        %parallel_loop3A_359 = arith.addi %broadcast_in_dim3A_37, %parallel_loop3A_358 : vector<16xi32>
        %parallel_loop3A_360 = tpu.vector_load_idx %arg8[%parallel_loop3A_359, %parallel_loop3A_344] : memref<8x2278xf32, #tpu.memory_space<vmem>>[vector<16xi32>, vector<16xi32>], vector<16xf32>,
        %parallel_loop3A_361 = arith.mulf %parallel_loop3A_360, %parallel_loop3A_346 : vector<16xf32>
        %parallel_loop3A_362 = arith.constant 1 : i32
        %parallel_loop3A_363 = arith.index_cast %parallel_loop3A_362 : i32 to index
        %parallel_loop3A_364 = arith.index_cast %parallel_loop3A_200 : i32 to index
        %parallel_loop3A_365 = arith.constant 48 : index
        %parallel_loop3A_366 = tpu.vector_load %arg10[%parallel_loop3A_363, %parallel_loop3A_364, %parallel_loop3A_365] {strides = array<i32>} : memref<4x72x128xf32, #tpu.memory_space<vmem>>, vector<16xf32>,
        tpu.vector_store %arg10[%parallel_loop3A_363, %parallel_loop3A_364, %parallel_loop3A_365], %parallel_loop3A_361 {strides = array<i32>} : memref<4x72x128xf32, #tpu.memory_space<vmem>>, vector<16xf32>,
        %parallel_loop3A_367 = arith.constant 0 : i32
        %parallel_loop3A_368 = vector.broadcast %parallel_loop3A_367 : i32 to vector<16xi32>
        %parallel_loop3A_369 = arith.addi %broadcast_in_dim3A_39, %parallel_loop3A_368 : vector<16xi32>
        %parallel_loop3A_370 = tpu.vector_load_idx %arg8[%parallel_loop3A_369, %parallel_loop3A_344] : memref<8x2278xf32, #tpu.memory_space<vmem>>[vector<16xi32>, vector<16xi32>], vector<16xf32>,
        %parallel_loop3A_371 = arith.mulf %parallel_loop3A_370, %parallel_loop3A_346 : vector<16xf32>
        %parallel_loop3A_372 = arith.constant 2 : i32
        %parallel_loop3A_373 = arith.index_cast %parallel_loop3A_372 : i32 to index
        %parallel_loop3A_374 = arith.index_cast %parallel_loop3A_200 : i32 to index
        %parallel_loop3A_375 = arith.constant 48 : index
        %parallel_loop3A_376 = tpu.vector_load %arg10[%parallel_loop3A_373, %parallel_loop3A_374, %parallel_loop3A_375] {strides = array<i32>} : memref<4x72x128xf32, #tpu.memory_space<vmem>>, vector<16xf32>,
        tpu.vector_store %arg10[%parallel_loop3A_373, %parallel_loop3A_374, %parallel_loop3A_375], %parallel_loop3A_371 {strides = array<i32>} : memref<4x72x128xf32, #tpu.memory_space<vmem>>, vector<16xf32>,
        %parallel_loop3A_377 = arith.constant 0 : i32
        %parallel_loop3A_378 = vector.broadcast %parallel_loop3A_377 : i32 to vector<16xi32>
        %parallel_loop3A_379 = arith.addi %broadcast_in_dim3A_41, %parallel_loop3A_378 : vector<16xi32>
        %parallel_loop3A_380 = tpu.vector_load_idx %arg8[%parallel_loop3A_379, %parallel_loop3A_344] : memref<8x2278xf32, #tpu.memory_space<vmem>>[vector<16xi32>, vector<16xi32>], vector<16xf32>,
        %parallel_loop3A_381 = arith.mulf %parallel_loop3A_380, %parallel_loop3A_346 : vector<16xf32>
        %parallel_loop3A_382 = arith.constant 3 : i32
        %parallel_loop3A_383 = arith.index_cast %parallel_loop3A_382 : i32 to index
        %parallel_loop3A_384 = arith.index_cast %parallel_loop3A_200 : i32 to index
        %parallel_loop3A_385 = arith.constant 48 : index
        %parallel_loop3A_386 = tpu.vector_load %arg10[%parallel_loop3A_383, %parallel_loop3A_384, %parallel_loop3A_385] {strides = array<i32>} : memref<4x72x128xf32, #tpu.memory_space<vmem>>, vector<16xf32>,
        tpu.vector_store %arg10[%parallel_loop3A_383, %parallel_loop3A_384, %parallel_loop3A_385], %parallel_loop3A_381 {strides = array<i32>} : memref<4x72x128xf32, #tpu.memory_space<vmem>>, vector<16xf32>,
        %parallel_loop3A_387 = arith.constant 64 : i32
        %parallel_loop3A_388 = arith.addi %parallel_loop3A_202, %parallel_loop3A_387 : i32
        %parallel_loop3A_389 = arith.index_cast %parallel_loop3A_388 : i32 to index
        %parallel_loop3A_390 = tpu.vector_load %arg6[%parallel_loop3A_389] {strides = array<i32>} : memref<5440xi32, #tpu.memory_space<vmem>>, vector<16xi32>,
        %parallel_loop3A_391 = arith.index_cast %parallel_loop3A_388 : i32 to index
        %parallel_loop3A_392 = tpu.vector_load %arg7[%parallel_loop3A_391] {strides = array<i32>} : memref<5440xf32, #tpu.memory_space<vmem>>, vector<16xf32>,
        %parallel_loop3A_393 = arith.constant 0 : i32
        %parallel_loop3A_394 = vector.broadcast %parallel_loop3A_393 : i32 to vector<16xi32>
        %parallel_loop3A_395 = arith.addi %broadcast_in_dim3A_35, %parallel_loop3A_394 : vector<16xi32>
        %parallel_loop3A_396 = tpu.vector_load_idx %arg8[%parallel_loop3A_395, %parallel_loop3A_390] : memref<8x2278xf32, #tpu.memory_space<vmem>>[vector<16xi32>, vector<16xi32>], vector<16xf32>,
        %parallel_loop3A_397 = arith.mulf %parallel_loop3A_396, %parallel_loop3A_392 : vector<16xf32>
        %parallel_loop3A_398 = arith.constant 0 : i32
        %parallel_loop3A_399 = arith.index_cast %parallel_loop3A_398 : i32 to index
        %parallel_loop3A_400 = arith.index_cast %parallel_loop3A_200 : i32 to index
        %parallel_loop3A_401 = arith.constant 64 : index
        %parallel_loop3A_402 = tpu.vector_load %arg10[%parallel_loop3A_399, %parallel_loop3A_400, %parallel_loop3A_401] {strides = array<i32>} : memref<4x72x128xf32, #tpu.memory_space<vmem>>, vector<16xf32>,
        tpu.vector_store %arg10[%parallel_loop3A_399, %parallel_loop3A_400, %parallel_loop3A_401], %parallel_loop3A_397 {strides = array<i32>} : memref<4x72x128xf32, #tpu.memory_space<vmem>>, vector<16xf32>,
        %parallel_loop3A_403 = arith.constant 0 : i32
        %parallel_loop3A_404 = vector.broadcast %parallel_loop3A_403 : i32 to vector<16xi32>
        %parallel_loop3A_405 = arith.addi %broadcast_in_dim3A_37, %parallel_loop3A_404 : vector<16xi32>
        %parallel_loop3A_406 = tpu.vector_load_idx %arg8[%parallel_loop3A_405, %parallel_loop3A_390] : memref<8x2278xf32, #tpu.memory_space<vmem>>[vector<16xi32>, vector<16xi32>], vector<16xf32>,
        %parallel_loop3A_407 = arith.mulf %parallel_loop3A_406, %parallel_loop3A_392 : vector<16xf32>
        %parallel_loop3A_408 = arith.constant 1 : i32
        %parallel_loop3A_409 = arith.index_cast %parallel_loop3A_408 : i32 to index
        %parallel_loop3A_410 = arith.index_cast %parallel_loop3A_200 : i32 to index
        %parallel_loop3A_411 = arith.constant 64 : index
        %parallel_loop3A_412 = tpu.vector_load %arg10[%parallel_loop3A_409, %parallel_loop3A_410, %parallel_loop3A_411] {strides = array<i32>} : memref<4x72x128xf32, #tpu.memory_space<vmem>>, vector<16xf32>,
        tpu.vector_store %arg10[%parallel_loop3A_409, %parallel_loop3A_410, %parallel_loop3A_411], %parallel_loop3A_407 {strides = array<i32>} : memref<4x72x128xf32, #tpu.memory_space<vmem>>, vector<16xf32>,
        %parallel_loop3A_413 = arith.constant 0 : i32
        %parallel_loop3A_414 = vector.broadcast %parallel_loop3A_413 : i32 to vector<16xi32>
        %parallel_loop3A_415 = arith.addi %broadcast_in_dim3A_39, %parallel_loop3A_414 : vector<16xi32>
        %parallel_loop3A_416 = tpu.vector_load_idx %arg8[%parallel_loop3A_415, %parallel_loop3A_390] : memref<8x2278xf32, #tpu.memory_space<vmem>>[vector<16xi32>, vector<16xi32>], vector<16xf32>,
        %parallel_loop3A_417 = arith.mulf %parallel_loop3A_416, %parallel_loop3A_392 : vector<16xf32>
        %parallel_loop3A_418 = arith.constant 2 : i32
        %parallel_loop3A_419 = arith.index_cast %parallel_loop3A_418 : i32 to index
        %parallel_loop3A_420 = arith.index_cast %parallel_loop3A_200 : i32 to index
        %parallel_loop3A_421 = arith.constant 64 : index
        %parallel_loop3A_422 = tpu.vector_load %arg10[%parallel_loop3A_419, %parallel_loop3A_420, %parallel_loop3A_421] {strides = array<i32>} : memref<4x72x128xf32, #tpu.memory_space<vmem>>, vector<16xf32>,
        tpu.vector_store %arg10[%parallel_loop3A_419, %parallel_loop3A_420, %parallel_loop3A_421], %parallel_loop3A_417 {strides = array<i32>} : memref<4x72x128xf32, #tpu.memory_space<vmem>>, vector<16xf32>,
        %parallel_loop3A_423 = arith.constant 0 : i32
        %parallel_loop3A_424 = vector.broadcast %parallel_loop3A_423 : i32 to vector<16xi32>
        %parallel_loop3A_425 = arith.addi %broadcast_in_dim3A_41, %parallel_loop3A_424 : vector<16xi32>
        %parallel_loop3A_426 = tpu.vector_load_idx %arg8[%parallel_loop3A_425, %parallel_loop3A_390] : memref<8x2278xf32, #tpu.memory_space<vmem>>[vector<16xi32>, vector<16xi32>], vector<16xf32>,
        %parallel_loop3A_427 = arith.mulf %parallel_loop3A_426, %parallel_loop3A_392 : vector<16xf32>
        %parallel_loop3A_428 = arith.constant 3 : i32
        %parallel_loop3A_429 = arith.index_cast %parallel_loop3A_428 : i32 to index
        %parallel_loop3A_430 = arith.index_cast %parallel_loop3A_200 : i32 to index
        %parallel_loop3A_431 = arith.constant 64 : index
        %parallel_loop3A_432 = tpu.vector_load %arg10[%parallel_loop3A_429, %parallel_loop3A_430, %parallel_loop3A_431] {strides = array<i32>} : memref<4x72x128xf32, #tpu.memory_space<vmem>>, vector<16xf32>,
        tpu.vector_store %arg10[%parallel_loop3A_429, %parallel_loop3A_430, %parallel_loop3A_431], %parallel_loop3A_427 {strides = array<i32>} : memref<4x72x128xf32, #tpu.memory_space<vmem>>, vector<16xf32>,
      } {sc.loop_unroll_factor = 4 : i64, sc.parallel_access}
      %mul3A_95 = arith.constant 8 : i32
      %mul3A_96 = arith.muli %add3A_73, %mul3A_95 : i32
      %add3A_97 = arith.addi %mul3A_2, %mul3A_96 : i32
      %add3A_98 = arith.constant 0 : i32
      %add3A_99 = arith.addi %add3A_97, %add3A_98 : i32
      %dma_start3A_100 = arith.constant 0 : i32
      %dma_start3A_101 = arith.constant 0 : i32
      %dma_start3A_102 = tpu.memref_slice %arg5[%add3A_99, %dma_start3A_100, %dma_start3A_101] : memref<16384x72x128xf32, #tpu.memory_space<hbm>> -> memref<4x72x128xf32, #tpu.memory_space<hbm>>
      %dma_start3A_103 = arith.constant 0 : i32
      %dma_start3A_104 = arith.constant 0 : i32
      %dma_start3A_105 = tpu.memref_slice %arg5[%add3A_99, %dma_start3A_103, %dma_start3A_104] : memref<16384x72x128xf32, #tpu.memory_space<hbm>> -> memref<4x72x128xf32, #tpu.memory_space<hbm>>
      tpu.enqueue_dma source(%arg10 : memref<4x72x128xf32, #tpu.memory_space<vmem>>) target(%dma_start3A_105 : memref<4x72x128xf32, #tpu.memory_space<hbm>>) target_semaphore(%arg14 : memref<!tpu.dma_semaphore, #tpu.memory_space<semaphore_mem>>)
      %mul3A_106 = arith.constant 8 : i32
      %mul3A_107 = arith.muli %add3A_73, %mul3A_106 : i32
      %add3A_108 = arith.addi %mul3A_2, %mul3A_107 : i32
      %add3A_109 = arith.constant 4 : i32
      %add3A_110 = arith.addi %add3A_108, %add3A_109 : i32
      %dma_wait3A_111 = arith.constant 0 : i32
      %dma_wait3A_112 = arith.constant 0 : i32
      %dma_wait3A_113 = tpu.memref_slice %arg5[%add3A_110, %dma_wait3A_111, %dma_wait3A_112] : memref<16384x72x128xf32, #tpu.memory_space<hbm>> -> memref<4x72x128xf32, #tpu.memory_space<hbm>>
      %dma_wait3A_114 = arith.constant 0 : i32
      %dma_wait3A_115 = arith.constant 0 : i32
      %dma_wait3A_116 = tpu.memref_slice %arg5[%add3A_110, %dma_wait3A_114, %dma_wait3A_115] : memref<16384x72x128xf32, #tpu.memory_space<hbm>> -> memref<4x72x128xf32, #tpu.memory_space<hbm>>
      tpu.wait_dma2 semaphore(%arg15 : memref<!tpu.dma_semaphore, #tpu.memory_space<semaphore_mem>>) src(%arg11 : memref<4x72x128xf32, #tpu.memory_space<vmem>>) dst(%dma_wait3A_116 : memref<4x72x128xf32, #tpu.memory_space<hbm>>)
      %parallel_loop3A_117 = arith.constant 0 : i32
      %parallel_loop3A_118 = arith.constant 68 : i32
      %parallel_loop3A_119 = arith.constant 1 : i32
      scf.for %parallel_loop3A_200 = %parallel_loop3A_117 to %parallel_loop3A_118 step %parallel_loop3A_119  : i32 {
        %parallel_loop3A_201 = arith.constant 80 : i32
        %parallel_loop3A_202 = arith.muli %parallel_loop3A_200, %parallel_loop3A_201 : i32
        %parallel_loop3A_203 = arith.constant 0 : i32
        %parallel_loop3A_204 = arith.addi %parallel_loop3A_202, %parallel_loop3A_203 : i32
        %parallel_loop3A_205 = arith.index_cast %parallel_loop3A_204 : i32 to index
        %parallel_loop3A_206 = tpu.vector_load %arg6[%parallel_loop3A_205] {strides = array<i32>} : memref<5440xi32, #tpu.memory_space<vmem>>, vector<16xi32>,
        %parallel_loop3A_207 = arith.index_cast %parallel_loop3A_204 : i32 to index
        %parallel_loop3A_208 = tpu.vector_load %arg7[%parallel_loop3A_207] {strides = array<i32>} : memref<5440xf32, #tpu.memory_space<vmem>>, vector<16xf32>,
        %parallel_loop3A_209 = arith.constant 4 : i32
        %parallel_loop3A_210 = vector.broadcast %parallel_loop3A_209 : i32 to vector<16xi32>
        %parallel_loop3A_211 = arith.addi %broadcast_in_dim3A_35, %parallel_loop3A_210 : vector<16xi32>
        %parallel_loop3A_212 = tpu.vector_load_idx %arg8[%parallel_loop3A_211, %parallel_loop3A_206] : memref<8x2278xf32, #tpu.memory_space<vmem>>[vector<16xi32>, vector<16xi32>], vector<16xf32>,
        %parallel_loop3A_213 = arith.mulf %parallel_loop3A_212, %parallel_loop3A_208 : vector<16xf32>
        %parallel_loop3A_214 = arith.constant 0 : i32
        %parallel_loop3A_215 = arith.index_cast %parallel_loop3A_214 : i32 to index
        %parallel_loop3A_216 = arith.index_cast %parallel_loop3A_200 : i32 to index
        %parallel_loop3A_217 = arith.constant 0 : index
        %parallel_loop3A_218 = tpu.vector_load %arg11[%parallel_loop3A_215, %parallel_loop3A_216, %parallel_loop3A_217] {strides = array<i32>} : memref<4x72x128xf32, #tpu.memory_space<vmem>>, vector<16xf32>,
        tpu.vector_store %arg11[%parallel_loop3A_215, %parallel_loop3A_216, %parallel_loop3A_217], %parallel_loop3A_213 {strides = array<i32>} : memref<4x72x128xf32, #tpu.memory_space<vmem>>, vector<16xf32>,
        %parallel_loop3A_219 = arith.constant 4 : i32
        %parallel_loop3A_220 = vector.broadcast %parallel_loop3A_219 : i32 to vector<16xi32>
        %parallel_loop3A_221 = arith.addi %broadcast_in_dim3A_37, %parallel_loop3A_220 : vector<16xi32>
        %parallel_loop3A_222 = tpu.vector_load_idx %arg8[%parallel_loop3A_221, %parallel_loop3A_206] : memref<8x2278xf32, #tpu.memory_space<vmem>>[vector<16xi32>, vector<16xi32>], vector<16xf32>,
        %parallel_loop3A_223 = arith.mulf %parallel_loop3A_222, %parallel_loop3A_208 : vector<16xf32>
        %parallel_loop3A_224 = arith.constant 1 : i32
        %parallel_loop3A_225 = arith.index_cast %parallel_loop3A_224 : i32 to index
        %parallel_loop3A_226 = arith.index_cast %parallel_loop3A_200 : i32 to index
        %parallel_loop3A_227 = arith.constant 0 : index
        %parallel_loop3A_228 = tpu.vector_load %arg11[%parallel_loop3A_225, %parallel_loop3A_226, %parallel_loop3A_227] {strides = array<i32>} : memref<4x72x128xf32, #tpu.memory_space<vmem>>, vector<16xf32>,
        tpu.vector_store %arg11[%parallel_loop3A_225, %parallel_loop3A_226, %parallel_loop3A_227], %parallel_loop3A_223 {strides = array<i32>} : memref<4x72x128xf32, #tpu.memory_space<vmem>>, vector<16xf32>,
        %parallel_loop3A_229 = arith.constant 4 : i32
        %parallel_loop3A_230 = vector.broadcast %parallel_loop3A_229 : i32 to vector<16xi32>
        %parallel_loop3A_231 = arith.addi %broadcast_in_dim3A_39, %parallel_loop3A_230 : vector<16xi32>
        %parallel_loop3A_232 = tpu.vector_load_idx %arg8[%parallel_loop3A_231, %parallel_loop3A_206] : memref<8x2278xf32, #tpu.memory_space<vmem>>[vector<16xi32>, vector<16xi32>], vector<16xf32>,
        %parallel_loop3A_233 = arith.mulf %parallel_loop3A_232, %parallel_loop3A_208 : vector<16xf32>
        %parallel_loop3A_234 = arith.constant 2 : i32
        %parallel_loop3A_235 = arith.index_cast %parallel_loop3A_234 : i32 to index
        %parallel_loop3A_236 = arith.index_cast %parallel_loop3A_200 : i32 to index
        %parallel_loop3A_237 = arith.constant 0 : index
        %parallel_loop3A_238 = tpu.vector_load %arg11[%parallel_loop3A_235, %parallel_loop3A_236, %parallel_loop3A_237] {strides = array<i32>} : memref<4x72x128xf32, #tpu.memory_space<vmem>>, vector<16xf32>,
        tpu.vector_store %arg11[%parallel_loop3A_235, %parallel_loop3A_236, %parallel_loop3A_237], %parallel_loop3A_233 {strides = array<i32>} : memref<4x72x128xf32, #tpu.memory_space<vmem>>, vector<16xf32>,
        %parallel_loop3A_239 = arith.constant 4 : i32
        %parallel_loop3A_240 = vector.broadcast %parallel_loop3A_239 : i32 to vector<16xi32>
        %parallel_loop3A_241 = arith.addi %broadcast_in_dim3A_41, %parallel_loop3A_240 : vector<16xi32>
        %parallel_loop3A_242 = tpu.vector_load_idx %arg8[%parallel_loop3A_241, %parallel_loop3A_206] : memref<8x2278xf32, #tpu.memory_space<vmem>>[vector<16xi32>, vector<16xi32>], vector<16xf32>,
        %parallel_loop3A_243 = arith.mulf %parallel_loop3A_242, %parallel_loop3A_208 : vector<16xf32>
        %parallel_loop3A_244 = arith.constant 3 : i32
        %parallel_loop3A_245 = arith.index_cast %parallel_loop3A_244 : i32 to index
        %parallel_loop3A_246 = arith.index_cast %parallel_loop3A_200 : i32 to index
        %parallel_loop3A_247 = arith.constant 0 : index
        %parallel_loop3A_248 = tpu.vector_load %arg11[%parallel_loop3A_245, %parallel_loop3A_246, %parallel_loop3A_247] {strides = array<i32>} : memref<4x72x128xf32, #tpu.memory_space<vmem>>, vector<16xf32>,
        tpu.vector_store %arg11[%parallel_loop3A_245, %parallel_loop3A_246, %parallel_loop3A_247], %parallel_loop3A_243 {strides = array<i32>} : memref<4x72x128xf32, #tpu.memory_space<vmem>>, vector<16xf32>,
        %parallel_loop3A_249 = arith.constant 16 : i32
        %parallel_loop3A_250 = arith.addi %parallel_loop3A_202, %parallel_loop3A_249 : i32
        %parallel_loop3A_251 = arith.index_cast %parallel_loop3A_250 : i32 to index
        %parallel_loop3A_252 = tpu.vector_load %arg6[%parallel_loop3A_251] {strides = array<i32>} : memref<5440xi32, #tpu.memory_space<vmem>>, vector<16xi32>,
        %parallel_loop3A_253 = arith.index_cast %parallel_loop3A_250 : i32 to index
        %parallel_loop3A_254 = tpu.vector_load %arg7[%parallel_loop3A_253] {strides = array<i32>} : memref<5440xf32, #tpu.memory_space<vmem>>, vector<16xf32>,
        %parallel_loop3A_255 = arith.constant 4 : i32
        %parallel_loop3A_256 = vector.broadcast %parallel_loop3A_255 : i32 to vector<16xi32>
        %parallel_loop3A_257 = arith.addi %broadcast_in_dim3A_35, %parallel_loop3A_256 : vector<16xi32>
        %parallel_loop3A_258 = tpu.vector_load_idx %arg8[%parallel_loop3A_257, %parallel_loop3A_252] : memref<8x2278xf32, #tpu.memory_space<vmem>>[vector<16xi32>, vector<16xi32>], vector<16xf32>,
        %parallel_loop3A_259 = arith.mulf %parallel_loop3A_258, %parallel_loop3A_254 : vector<16xf32>
        %parallel_loop3A_260 = arith.constant 0 : i32
        %parallel_loop3A_261 = arith.index_cast %parallel_loop3A_260 : i32 to index
        %parallel_loop3A_262 = arith.index_cast %parallel_loop3A_200 : i32 to index
        %parallel_loop3A_263 = arith.constant 16 : index
        %parallel_loop3A_264 = tpu.vector_load %arg11[%parallel_loop3A_261, %parallel_loop3A_262, %parallel_loop3A_263] {strides = array<i32>} : memref<4x72x128xf32, #tpu.memory_space<vmem>>, vector<16xf32>,
        tpu.vector_store %arg11[%parallel_loop3A_261, %parallel_loop3A_262, %parallel_loop3A_263], %parallel_loop3A_259 {strides = array<i32>} : memref<4x72x128xf32, #tpu.memory_space<vmem>>, vector<16xf32>,
        %parallel_loop3A_265 = arith.constant 4 : i32
        %parallel_loop3A_266 = vector.broadcast %parallel_loop3A_265 : i32 to vector<16xi32>
        %parallel_loop3A_267 = arith.addi %broadcast_in_dim3A_37, %parallel_loop3A_266 : vector<16xi32>
        %parallel_loop3A_268 = tpu.vector_load_idx %arg8[%parallel_loop3A_267, %parallel_loop3A_252] : memref<8x2278xf32, #tpu.memory_space<vmem>>[vector<16xi32>, vector<16xi32>], vector<16xf32>,
        %parallel_loop3A_269 = arith.mulf %parallel_loop3A_268, %parallel_loop3A_254 : vector<16xf32>
        %parallel_loop3A_270 = arith.constant 1 : i32
        %parallel_loop3A_271 = arith.index_cast %parallel_loop3A_270 : i32 to index
        %parallel_loop3A_272 = arith.index_cast %parallel_loop3A_200 : i32 to index
        %parallel_loop3A_273 = arith.constant 16 : index
        %parallel_loop3A_274 = tpu.vector_load %arg11[%parallel_loop3A_271, %parallel_loop3A_272, %parallel_loop3A_273] {strides = array<i32>} : memref<4x72x128xf32, #tpu.memory_space<vmem>>, vector<16xf32>,
        tpu.vector_store %arg11[%parallel_loop3A_271, %parallel_loop3A_272, %parallel_loop3A_273], %parallel_loop3A_269 {strides = array<i32>} : memref<4x72x128xf32, #tpu.memory_space<vmem>>, vector<16xf32>,
        %parallel_loop3A_275 = arith.constant 4 : i32
        %parallel_loop3A_276 = vector.broadcast %parallel_loop3A_275 : i32 to vector<16xi32>
        %parallel_loop3A_277 = arith.addi %broadcast_in_dim3A_39, %parallel_loop3A_276 : vector<16xi32>
        %parallel_loop3A_278 = tpu.vector_load_idx %arg8[%parallel_loop3A_277, %parallel_loop3A_252] : memref<8x2278xf32, #tpu.memory_space<vmem>>[vector<16xi32>, vector<16xi32>], vector<16xf32>,
        %parallel_loop3A_279 = arith.mulf %parallel_loop3A_278, %parallel_loop3A_254 : vector<16xf32>
        %parallel_loop3A_280 = arith.constant 2 : i32
        %parallel_loop3A_281 = arith.index_cast %parallel_loop3A_280 : i32 to index
        %parallel_loop3A_282 = arith.index_cast %parallel_loop3A_200 : i32 to index
        %parallel_loop3A_283 = arith.constant 16 : index
        %parallel_loop3A_284 = tpu.vector_load %arg11[%parallel_loop3A_281, %parallel_loop3A_282, %parallel_loop3A_283] {strides = array<i32>} : memref<4x72x128xf32, #tpu.memory_space<vmem>>, vector<16xf32>,
        tpu.vector_store %arg11[%parallel_loop3A_281, %parallel_loop3A_282, %parallel_loop3A_283], %parallel_loop3A_279 {strides = array<i32>} : memref<4x72x128xf32, #tpu.memory_space<vmem>>, vector<16xf32>,
        %parallel_loop3A_285 = arith.constant 4 : i32
        %parallel_loop3A_286 = vector.broadcast %parallel_loop3A_285 : i32 to vector<16xi32>
        %parallel_loop3A_287 = arith.addi %broadcast_in_dim3A_41, %parallel_loop3A_286 : vector<16xi32>
        %parallel_loop3A_288 = tpu.vector_load_idx %arg8[%parallel_loop3A_287, %parallel_loop3A_252] : memref<8x2278xf32, #tpu.memory_space<vmem>>[vector<16xi32>, vector<16xi32>], vector<16xf32>,
        %parallel_loop3A_289 = arith.mulf %parallel_loop3A_288, %parallel_loop3A_254 : vector<16xf32>
        %parallel_loop3A_290 = arith.constant 3 : i32
        %parallel_loop3A_291 = arith.index_cast %parallel_loop3A_290 : i32 to index
        %parallel_loop3A_292 = arith.index_cast %parallel_loop3A_200 : i32 to index
        %parallel_loop3A_293 = arith.constant 16 : index
        %parallel_loop3A_294 = tpu.vector_load %arg11[%parallel_loop3A_291, %parallel_loop3A_292, %parallel_loop3A_293] {strides = array<i32>} : memref<4x72x128xf32, #tpu.memory_space<vmem>>, vector<16xf32>,
        tpu.vector_store %arg11[%parallel_loop3A_291, %parallel_loop3A_292, %parallel_loop3A_293], %parallel_loop3A_289 {strides = array<i32>} : memref<4x72x128xf32, #tpu.memory_space<vmem>>, vector<16xf32>,
        %parallel_loop3A_295 = arith.constant 32 : i32
        %parallel_loop3A_296 = arith.addi %parallel_loop3A_202, %parallel_loop3A_295 : i32
        %parallel_loop3A_297 = arith.index_cast %parallel_loop3A_296 : i32 to index
        %parallel_loop3A_298 = tpu.vector_load %arg6[%parallel_loop3A_297] {strides = array<i32>} : memref<5440xi32, #tpu.memory_space<vmem>>, vector<16xi32>,
        %parallel_loop3A_299 = arith.index_cast %parallel_loop3A_296 : i32 to index
        %parallel_loop3A_300 = tpu.vector_load %arg7[%parallel_loop3A_299] {strides = array<i32>} : memref<5440xf32, #tpu.memory_space<vmem>>, vector<16xf32>,
        %parallel_loop3A_301 = arith.constant 4 : i32
        %parallel_loop3A_302 = vector.broadcast %parallel_loop3A_301 : i32 to vector<16xi32>
        %parallel_loop3A_303 = arith.addi %broadcast_in_dim3A_35, %parallel_loop3A_302 : vector<16xi32>
        %parallel_loop3A_304 = tpu.vector_load_idx %arg8[%parallel_loop3A_303, %parallel_loop3A_298] : memref<8x2278xf32, #tpu.memory_space<vmem>>[vector<16xi32>, vector<16xi32>], vector<16xf32>,
        %parallel_loop3A_305 = arith.mulf %parallel_loop3A_304, %parallel_loop3A_300 : vector<16xf32>
        %parallel_loop3A_306 = arith.constant 0 : i32
        %parallel_loop3A_307 = arith.index_cast %parallel_loop3A_306 : i32 to index
        %parallel_loop3A_308 = arith.index_cast %parallel_loop3A_200 : i32 to index
        %parallel_loop3A_309 = arith.constant 32 : index
        %parallel_loop3A_310 = tpu.vector_load %arg11[%parallel_loop3A_307, %parallel_loop3A_308, %parallel_loop3A_309] {strides = array<i32>} : memref<4x72x128xf32, #tpu.memory_space<vmem>>, vector<16xf32>,
        tpu.vector_store %arg11[%parallel_loop3A_307, %parallel_loop3A_308, %parallel_loop3A_309], %parallel_loop3A_305 {strides = array<i32>} : memref<4x72x128xf32, #tpu.memory_space<vmem>>, vector<16xf32>,
        %parallel_loop3A_311 = arith.constant 4 : i32
        %parallel_loop3A_312 = vector.broadcast %parallel_loop3A_311 : i32 to vector<16xi32>
        %parallel_loop3A_313 = arith.addi %broadcast_in_dim3A_37, %parallel_loop3A_312 : vector<16xi32>
        %parallel_loop3A_314 = tpu.vector_load_idx %arg8[%parallel_loop3A_313, %parallel_loop3A_298] : memref<8x2278xf32, #tpu.memory_space<vmem>>[vector<16xi32>, vector<16xi32>], vector<16xf32>,
        %parallel_loop3A_315 = arith.mulf %parallel_loop3A_314, %parallel_loop3A_300 : vector<16xf32>
        %parallel_loop3A_316 = arith.constant 1 : i32
        %parallel_loop3A_317 = arith.index_cast %parallel_loop3A_316 : i32 to index
        %parallel_loop3A_318 = arith.index_cast %parallel_loop3A_200 : i32 to index
        %parallel_loop3A_319 = arith.constant 32 : index
        %parallel_loop3A_320 = tpu.vector_load %arg11[%parallel_loop3A_317, %parallel_loop3A_318, %parallel_loop3A_319] {strides = array<i32>} : memref<4x72x128xf32, #tpu.memory_space<vmem>>, vector<16xf32>,
        tpu.vector_store %arg11[%parallel_loop3A_317, %parallel_loop3A_318, %parallel_loop3A_319], %parallel_loop3A_315 {strides = array<i32>} : memref<4x72x128xf32, #tpu.memory_space<vmem>>, vector<16xf32>,
        %parallel_loop3A_321 = arith.constant 4 : i32
        %parallel_loop3A_322 = vector.broadcast %parallel_loop3A_321 : i32 to vector<16xi32>
        %parallel_loop3A_323 = arith.addi %broadcast_in_dim3A_39, %parallel_loop3A_322 : vector<16xi32>
        %parallel_loop3A_324 = tpu.vector_load_idx %arg8[%parallel_loop3A_323, %parallel_loop3A_298] : memref<8x2278xf32, #tpu.memory_space<vmem>>[vector<16xi32>, vector<16xi32>], vector<16xf32>,
        %parallel_loop3A_325 = arith.mulf %parallel_loop3A_324, %parallel_loop3A_300 : vector<16xf32>
        %parallel_loop3A_326 = arith.constant 2 : i32
        %parallel_loop3A_327 = arith.index_cast %parallel_loop3A_326 : i32 to index
        %parallel_loop3A_328 = arith.index_cast %parallel_loop3A_200 : i32 to index
        %parallel_loop3A_329 = arith.constant 32 : index
        %parallel_loop3A_330 = tpu.vector_load %arg11[%parallel_loop3A_327, %parallel_loop3A_328, %parallel_loop3A_329] {strides = array<i32>} : memref<4x72x128xf32, #tpu.memory_space<vmem>>, vector<16xf32>,
        tpu.vector_store %arg11[%parallel_loop3A_327, %parallel_loop3A_328, %parallel_loop3A_329], %parallel_loop3A_325 {strides = array<i32>} : memref<4x72x128xf32, #tpu.memory_space<vmem>>, vector<16xf32>,
        %parallel_loop3A_331 = arith.constant 4 : i32
        %parallel_loop3A_332 = vector.broadcast %parallel_loop3A_331 : i32 to vector<16xi32>
        %parallel_loop3A_333 = arith.addi %broadcast_in_dim3A_41, %parallel_loop3A_332 : vector<16xi32>
        %parallel_loop3A_334 = tpu.vector_load_idx %arg8[%parallel_loop3A_333, %parallel_loop3A_298] : memref<8x2278xf32, #tpu.memory_space<vmem>>[vector<16xi32>, vector<16xi32>], vector<16xf32>,
        %parallel_loop3A_335 = arith.mulf %parallel_loop3A_334, %parallel_loop3A_300 : vector<16xf32>
        %parallel_loop3A_336 = arith.constant 3 : i32
        %parallel_loop3A_337 = arith.index_cast %parallel_loop3A_336 : i32 to index
        %parallel_loop3A_338 = arith.index_cast %parallel_loop3A_200 : i32 to index
        %parallel_loop3A_339 = arith.constant 32 : index
        %parallel_loop3A_340 = tpu.vector_load %arg11[%parallel_loop3A_337, %parallel_loop3A_338, %parallel_loop3A_339] {strides = array<i32>} : memref<4x72x128xf32, #tpu.memory_space<vmem>>, vector<16xf32>,
        tpu.vector_store %arg11[%parallel_loop3A_337, %parallel_loop3A_338, %parallel_loop3A_339], %parallel_loop3A_335 {strides = array<i32>} : memref<4x72x128xf32, #tpu.memory_space<vmem>>, vector<16xf32>,
        %parallel_loop3A_341 = arith.constant 48 : i32
        %parallel_loop3A_342 = arith.addi %parallel_loop3A_202, %parallel_loop3A_341 : i32
        %parallel_loop3A_343 = arith.index_cast %parallel_loop3A_342 : i32 to index
        %parallel_loop3A_344 = tpu.vector_load %arg6[%parallel_loop3A_343] {strides = array<i32>} : memref<5440xi32, #tpu.memory_space<vmem>>, vector<16xi32>,
        %parallel_loop3A_345 = arith.index_cast %parallel_loop3A_342 : i32 to index
        %parallel_loop3A_346 = tpu.vector_load %arg7[%parallel_loop3A_345] {strides = array<i32>} : memref<5440xf32, #tpu.memory_space<vmem>>, vector<16xf32>,
        %parallel_loop3A_347 = arith.constant 4 : i32
        %parallel_loop3A_348 = vector.broadcast %parallel_loop3A_347 : i32 to vector<16xi32>
        %parallel_loop3A_349 = arith.addi %broadcast_in_dim3A_35, %parallel_loop3A_348 : vector<16xi32>
        %parallel_loop3A_350 = tpu.vector_load_idx %arg8[%parallel_loop3A_349, %parallel_loop3A_344] : memref<8x2278xf32, #tpu.memory_space<vmem>>[vector<16xi32>, vector<16xi32>], vector<16xf32>,
        %parallel_loop3A_351 = arith.mulf %parallel_loop3A_350, %parallel_loop3A_346 : vector<16xf32>
        %parallel_loop3A_352 = arith.constant 0 : i32
        %parallel_loop3A_353 = arith.index_cast %parallel_loop3A_352 : i32 to index
        %parallel_loop3A_354 = arith.index_cast %parallel_loop3A_200 : i32 to index
        %parallel_loop3A_355 = arith.constant 48 : index
        %parallel_loop3A_356 = tpu.vector_load %arg11[%parallel_loop3A_353, %parallel_loop3A_354, %parallel_loop3A_355] {strides = array<i32>} : memref<4x72x128xf32, #tpu.memory_space<vmem>>, vector<16xf32>,
        tpu.vector_store %arg11[%parallel_loop3A_353, %parallel_loop3A_354, %parallel_loop3A_355], %parallel_loop3A_351 {strides = array<i32>} : memref<4x72x128xf32, #tpu.memory_space<vmem>>, vector<16xf32>,
        %parallel_loop3A_357 = arith.constant 4 : i32
        %parallel_loop3A_358 = vector.broadcast %parallel_loop3A_357 : i32 to vector<16xi32>
        %parallel_loop3A_359 = arith.addi %broadcast_in_dim3A_37, %parallel_loop3A_358 : vector<16xi32>
        %parallel_loop3A_360 = tpu.vector_load_idx %arg8[%parallel_loop3A_359, %parallel_loop3A_344] : memref<8x2278xf32, #tpu.memory_space<vmem>>[vector<16xi32>, vector<16xi32>], vector<16xf32>,
        %parallel_loop3A_361 = arith.mulf %parallel_loop3A_360, %parallel_loop3A_346 : vector<16xf32>
        %parallel_loop3A_362 = arith.constant 1 : i32
        %parallel_loop3A_363 = arith.index_cast %parallel_loop3A_362 : i32 to index
        %parallel_loop3A_364 = arith.index_cast %parallel_loop3A_200 : i32 to index
        %parallel_loop3A_365 = arith.constant 48 : index
        %parallel_loop3A_366 = tpu.vector_load %arg11[%parallel_loop3A_363, %parallel_loop3A_364, %parallel_loop3A_365] {strides = array<i32>} : memref<4x72x128xf32, #tpu.memory_space<vmem>>, vector<16xf32>,
        tpu.vector_store %arg11[%parallel_loop3A_363, %parallel_loop3A_364, %parallel_loop3A_365], %parallel_loop3A_361 {strides = array<i32>} : memref<4x72x128xf32, #tpu.memory_space<vmem>>, vector<16xf32>,
        %parallel_loop3A_367 = arith.constant 4 : i32
        %parallel_loop3A_368 = vector.broadcast %parallel_loop3A_367 : i32 to vector<16xi32>
        %parallel_loop3A_369 = arith.addi %broadcast_in_dim3A_39, %parallel_loop3A_368 : vector<16xi32>
        %parallel_loop3A_370 = tpu.vector_load_idx %arg8[%parallel_loop3A_369, %parallel_loop3A_344] : memref<8x2278xf32, #tpu.memory_space<vmem>>[vector<16xi32>, vector<16xi32>], vector<16xf32>,
        %parallel_loop3A_371 = arith.mulf %parallel_loop3A_370, %parallel_loop3A_346 : vector<16xf32>
        %parallel_loop3A_372 = arith.constant 2 : i32
        %parallel_loop3A_373 = arith.index_cast %parallel_loop3A_372 : i32 to index
        %parallel_loop3A_374 = arith.index_cast %parallel_loop3A_200 : i32 to index
        %parallel_loop3A_375 = arith.constant 48 : index
        %parallel_loop3A_376 = tpu.vector_load %arg11[%parallel_loop3A_373, %parallel_loop3A_374, %parallel_loop3A_375] {strides = array<i32>} : memref<4x72x128xf32, #tpu.memory_space<vmem>>, vector<16xf32>,
        tpu.vector_store %arg11[%parallel_loop3A_373, %parallel_loop3A_374, %parallel_loop3A_375], %parallel_loop3A_371 {strides = array<i32>} : memref<4x72x128xf32, #tpu.memory_space<vmem>>, vector<16xf32>,
        %parallel_loop3A_377 = arith.constant 4 : i32
        %parallel_loop3A_378 = vector.broadcast %parallel_loop3A_377 : i32 to vector<16xi32>
        %parallel_loop3A_379 = arith.addi %broadcast_in_dim3A_41, %parallel_loop3A_378 : vector<16xi32>
        %parallel_loop3A_380 = tpu.vector_load_idx %arg8[%parallel_loop3A_379, %parallel_loop3A_344] : memref<8x2278xf32, #tpu.memory_space<vmem>>[vector<16xi32>, vector<16xi32>], vector<16xf32>,
        %parallel_loop3A_381 = arith.mulf %parallel_loop3A_380, %parallel_loop3A_346 : vector<16xf32>
        %parallel_loop3A_382 = arith.constant 3 : i32
        %parallel_loop3A_383 = arith.index_cast %parallel_loop3A_382 : i32 to index
        %parallel_loop3A_384 = arith.index_cast %parallel_loop3A_200 : i32 to index
        %parallel_loop3A_385 = arith.constant 48 : index
        %parallel_loop3A_386 = tpu.vector_load %arg11[%parallel_loop3A_383, %parallel_loop3A_384, %parallel_loop3A_385] {strides = array<i32>} : memref<4x72x128xf32, #tpu.memory_space<vmem>>, vector<16xf32>,
        tpu.vector_store %arg11[%parallel_loop3A_383, %parallel_loop3A_384, %parallel_loop3A_385], %parallel_loop3A_381 {strides = array<i32>} : memref<4x72x128xf32, #tpu.memory_space<vmem>>, vector<16xf32>,
        %parallel_loop3A_387 = arith.constant 64 : i32
        %parallel_loop3A_388 = arith.addi %parallel_loop3A_202, %parallel_loop3A_387 : i32
        %parallel_loop3A_389 = arith.index_cast %parallel_loop3A_388 : i32 to index
        %parallel_loop3A_390 = tpu.vector_load %arg6[%parallel_loop3A_389] {strides = array<i32>} : memref<5440xi32, #tpu.memory_space<vmem>>, vector<16xi32>,
        %parallel_loop3A_391 = arith.index_cast %parallel_loop3A_388 : i32 to index
        %parallel_loop3A_392 = tpu.vector_load %arg7[%parallel_loop3A_391] {strides = array<i32>} : memref<5440xf32, #tpu.memory_space<vmem>>, vector<16xf32>,
        %parallel_loop3A_393 = arith.constant 4 : i32
        %parallel_loop3A_394 = vector.broadcast %parallel_loop3A_393 : i32 to vector<16xi32>
        %parallel_loop3A_395 = arith.addi %broadcast_in_dim3A_35, %parallel_loop3A_394 : vector<16xi32>
        %parallel_loop3A_396 = tpu.vector_load_idx %arg8[%parallel_loop3A_395, %parallel_loop3A_390] : memref<8x2278xf32, #tpu.memory_space<vmem>>[vector<16xi32>, vector<16xi32>], vector<16xf32>,
        %parallel_loop3A_397 = arith.mulf %parallel_loop3A_396, %parallel_loop3A_392 : vector<16xf32>
        %parallel_loop3A_398 = arith.constant 0 : i32
        %parallel_loop3A_399 = arith.index_cast %parallel_loop3A_398 : i32 to index
        %parallel_loop3A_400 = arith.index_cast %parallel_loop3A_200 : i32 to index
        %parallel_loop3A_401 = arith.constant 64 : index
        %parallel_loop3A_402 = tpu.vector_load %arg11[%parallel_loop3A_399, %parallel_loop3A_400, %parallel_loop3A_401] {strides = array<i32>} : memref<4x72x128xf32, #tpu.memory_space<vmem>>, vector<16xf32>,
        tpu.vector_store %arg11[%parallel_loop3A_399, %parallel_loop3A_400, %parallel_loop3A_401], %parallel_loop3A_397 {strides = array<i32>} : memref<4x72x128xf32, #tpu.memory_space<vmem>>, vector<16xf32>,
        %parallel_loop3A_403 = arith.constant 4 : i32
        %parallel_loop3A_404 = vector.broadcast %parallel_loop3A_403 : i32 to vector<16xi32>
        %parallel_loop3A_405 = arith.addi %broadcast_in_dim3A_37, %parallel_loop3A_404 : vector<16xi32>
        %parallel_loop3A_406 = tpu.vector_load_idx %arg8[%parallel_loop3A_405, %parallel_loop3A_390] : memref<8x2278xf32, #tpu.memory_space<vmem>>[vector<16xi32>, vector<16xi32>], vector<16xf32>,
        %parallel_loop3A_407 = arith.mulf %parallel_loop3A_406, %parallel_loop3A_392 : vector<16xf32>
        %parallel_loop3A_408 = arith.constant 1 : i32
        %parallel_loop3A_409 = arith.index_cast %parallel_loop3A_408 : i32 to index
        %parallel_loop3A_410 = arith.index_cast %parallel_loop3A_200 : i32 to index
        %parallel_loop3A_411 = arith.constant 64 : index
        %parallel_loop3A_412 = tpu.vector_load %arg11[%parallel_loop3A_409, %parallel_loop3A_410, %parallel_loop3A_411] {strides = array<i32>} : memref<4x72x128xf32, #tpu.memory_space<vmem>>, vector<16xf32>,
        tpu.vector_store %arg11[%parallel_loop3A_409, %parallel_loop3A_410, %parallel_loop3A_411], %parallel_loop3A_407 {strides = array<i32>} : memref<4x72x128xf32, #tpu.memory_space<vmem>>, vector<16xf32>,
        %parallel_loop3A_413 = arith.constant 4 : i32
        %parallel_loop3A_414 = vector.broadcast %parallel_loop3A_413 : i32 to vector<16xi32>
        %parallel_loop3A_415 = arith.addi %broadcast_in_dim3A_39, %parallel_loop3A_414 : vector<16xi32>
        %parallel_loop3A_416 = tpu.vector_load_idx %arg8[%parallel_loop3A_415, %parallel_loop3A_390] : memref<8x2278xf32, #tpu.memory_space<vmem>>[vector<16xi32>, vector<16xi32>], vector<16xf32>,
        %parallel_loop3A_417 = arith.mulf %parallel_loop3A_416, %parallel_loop3A_392 : vector<16xf32>
        %parallel_loop3A_418 = arith.constant 2 : i32
        %parallel_loop3A_419 = arith.index_cast %parallel_loop3A_418 : i32 to index
        %parallel_loop3A_420 = arith.index_cast %parallel_loop3A_200 : i32 to index
        %parallel_loop3A_421 = arith.constant 64 : index
        %parallel_loop3A_422 = tpu.vector_load %arg11[%parallel_loop3A_419, %parallel_loop3A_420, %parallel_loop3A_421] {strides = array<i32>} : memref<4x72x128xf32, #tpu.memory_space<vmem>>, vector<16xf32>,
        tpu.vector_store %arg11[%parallel_loop3A_419, %parallel_loop3A_420, %parallel_loop3A_421], %parallel_loop3A_417 {strides = array<i32>} : memref<4x72x128xf32, #tpu.memory_space<vmem>>, vector<16xf32>,
        %parallel_loop3A_423 = arith.constant 4 : i32
        %parallel_loop3A_424 = vector.broadcast %parallel_loop3A_423 : i32 to vector<16xi32>
        %parallel_loop3A_425 = arith.addi %broadcast_in_dim3A_41, %parallel_loop3A_424 : vector<16xi32>
        %parallel_loop3A_426 = tpu.vector_load_idx %arg8[%parallel_loop3A_425, %parallel_loop3A_390] : memref<8x2278xf32, #tpu.memory_space<vmem>>[vector<16xi32>, vector<16xi32>], vector<16xf32>,
        %parallel_loop3A_427 = arith.mulf %parallel_loop3A_426, %parallel_loop3A_392 : vector<16xf32>
        %parallel_loop3A_428 = arith.constant 3 : i32
        %parallel_loop3A_429 = arith.index_cast %parallel_loop3A_428 : i32 to index
        %parallel_loop3A_430 = arith.index_cast %parallel_loop3A_200 : i32 to index
        %parallel_loop3A_431 = arith.constant 64 : index
        %parallel_loop3A_432 = tpu.vector_load %arg11[%parallel_loop3A_429, %parallel_loop3A_430, %parallel_loop3A_431] {strides = array<i32>} : memref<4x72x128xf32, #tpu.memory_space<vmem>>, vector<16xf32>,
        tpu.vector_store %arg11[%parallel_loop3A_429, %parallel_loop3A_430, %parallel_loop3A_431], %parallel_loop3A_427 {strides = array<i32>} : memref<4x72x128xf32, #tpu.memory_space<vmem>>, vector<16xf32>,
      } {sc.loop_unroll_factor = 4 : i64, sc.parallel_access}
      %mul3A_120 = arith.constant 8 : i32
      %mul3A_121 = arith.muli %add3A_73, %mul3A_120 : i32
      %add3A_122 = arith.addi %mul3A_2, %mul3A_121 : i32
      %add3A_123 = arith.constant 4 : i32
      %add3A_124 = arith.addi %add3A_122, %add3A_123 : i32
      %dma_start3A_125 = arith.constant 0 : i32
      %dma_start3A_126 = arith.constant 0 : i32
      %dma_start3A_127 = tpu.memref_slice %arg5[%add3A_124, %dma_start3A_125, %dma_start3A_126] : memref<16384x72x128xf32, #tpu.memory_space<hbm>> -> memref<4x72x128xf32, #tpu.memory_space<hbm>>
      %dma_start3A_128 = arith.constant 0 : i32
      %dma_start3A_129 = arith.constant 0 : i32
      %dma_start3A_130 = tpu.memref_slice %arg5[%add3A_124, %dma_start3A_128, %dma_start3A_129] : memref<16384x72x128xf32, #tpu.memory_space<hbm>> -> memref<4x72x128xf32, #tpu.memory_space<hbm>>
      tpu.enqueue_dma source(%arg11 : memref<4x72x128xf32, #tpu.memory_space<vmem>>) target(%dma_start3A_130 : memref<4x72x128xf32, #tpu.memory_space<hbm>>) target_semaphore(%arg15 : memref<!tpu.dma_semaphore, #tpu.memory_space<semaphore_mem>>)
      %lt3A = arith.constant 31 : i32
      %lt3A_131 = arith.cmpi slt, %add3A_69, %lt3A : i32
      %convert_element_type3A = arith.extui %lt3A_131 : i1 to i32
      %cond3A = arith.constant 0 : i32
      %cond3A_132 = arith.cmpi ne, %convert_element_type3A, %cond3A : i32
      scf.if %cond3A_132 {
        %add3A_200 = arith.constant 2 : i32
        %add3A_201 = arith.addi %add3A_73, %add3A_200 : i32
        %mul3A_202 = arith.constant 8 : i32
        %mul3A_203 = arith.muli %add3A_201, %mul3A_202 : i32
        %add3A_204 = arith.addi %mul3A_2, %mul3A_203 : i32
        %multiple_of3A_205 = tpu.assume_multiple %add3A_204, 8 : i32
        %dma_start3A_206 = arith.constant 0 : i32
        %dma_start3A_207 = tpu.memref_slice %arg2[%multiple_of3A_205, %dma_start3A_206] : memref<16384x2278xf32, #tpu.memory_space<hbm>> -> memref<8x2278xf32, #tpu.memory_space<hbm>>
        %dma_start3A_208 = arith.constant 0 : i32
        %dma_start3A_209 = tpu.memref_slice %arg2[%multiple_of3A_205, %dma_start3A_208] : memref<16384x2278xf32, #tpu.memory_space<hbm>> -> memref<8x2278xf32, #tpu.memory_space<hbm>>
        tpu.enqueue_dma source(%dma_start3A_209 : memref<8x2278xf32, #tpu.memory_space<hbm>>) target(%arg8 : memref<8x2278xf32, #tpu.memory_space<vmem>>) target_semaphore(%arg12 : memref<!tpu.dma_semaphore, #tpu.memory_space<semaphore_mem>>)
      } else {
      }
      %mul3A_133 = arith.constant 2 : i32
      %mul3A_134 = arith.muli %mul3A_133, %add3A_69 : i32
      %add3A_135 = arith.constant 1 : i32
      %add3A_136 = arith.addi %mul3A_134, %add3A_135 : i32
      %mul3A_137 = arith.constant 8 : i32
      %mul3A_138 = arith.muli %add3A_136, %mul3A_137 : i32
      %add3A_139 = arith.addi %mul3A_2, %mul3A_138 : i32
      %multiple_of3A_140 = tpu.assume_multiple %add3A_139, 8 : i32
      %dma_wait3A_141 = arith.constant 0 : i32
      %dma_wait3A_142 = tpu.memref_slice %arg2[%multiple_of3A_140, %dma_wait3A_141] : memref<16384x2278xf32, #tpu.memory_space<hbm>> -> memref<8x2278xf32, #tpu.memory_space<hbm>>
      %dma_wait3A_143 = arith.constant 0 : i32
      %dma_wait3A_144 = tpu.memref_slice %arg2[%multiple_of3A_140, %dma_wait3A_143] : memref<16384x2278xf32, #tpu.memory_space<hbm>> -> memref<8x2278xf32, #tpu.memory_space<hbm>>
      tpu.wait_dma2 semaphore(%arg13 : memref<!tpu.dma_semaphore, #tpu.memory_space<semaphore_mem>>) src(%dma_wait3A_144 : memref<8x2278xf32, #tpu.memory_space<hbm>>) dst(%arg9 : memref<8x2278xf32, #tpu.memory_space<vmem>>)
      %mul3A_145 = arith.constant 8 : i32
      %mul3A_146 = arith.muli %add3A_136, %mul3A_145 : i32
      %add3A_147 = arith.addi %mul3A_2, %mul3A_146 : i32
      %add3A_148 = arith.constant 0 : i32
      %add3A_149 = arith.addi %add3A_147, %add3A_148 : i32
      %dma_wait3A_150 = arith.constant 0 : i32
      %dma_wait3A_151 = arith.constant 0 : i32
      %dma_wait3A_152 = tpu.memref_slice %arg5[%add3A_149, %dma_wait3A_150, %dma_wait3A_151] : memref<16384x72x128xf32, #tpu.memory_space<hbm>> -> memref<4x72x128xf32, #tpu.memory_space<hbm>>
      %dma_wait3A_153 = arith.constant 0 : i32
      %dma_wait3A_154 = arith.constant 0 : i32
      %dma_wait3A_155 = tpu.memref_slice %arg5[%add3A_149, %dma_wait3A_153, %dma_wait3A_154] : memref<16384x72x128xf32, #tpu.memory_space<hbm>> -> memref<4x72x128xf32, #tpu.memory_space<hbm>>
      tpu.wait_dma2 semaphore(%arg14 : memref<!tpu.dma_semaphore, #tpu.memory_space<semaphore_mem>>) src(%arg10 : memref<4x72x128xf32, #tpu.memory_space<vmem>>) dst(%dma_wait3A_155 : memref<4x72x128xf32, #tpu.memory_space<hbm>>)
      %parallel_loop3A_156 = arith.constant 0 : i32
      %parallel_loop3A_157 = arith.constant 68 : i32
      %parallel_loop3A_158 = arith.constant 1 : i32
      scf.for %parallel_loop3A_200 = %parallel_loop3A_156 to %parallel_loop3A_157 step %parallel_loop3A_158  : i32 {
        %parallel_loop3A_201 = arith.constant 80 : i32
        %parallel_loop3A_202 = arith.muli %parallel_loop3A_200, %parallel_loop3A_201 : i32
        %parallel_loop3A_203 = arith.constant 0 : i32
        %parallel_loop3A_204 = arith.addi %parallel_loop3A_202, %parallel_loop3A_203 : i32
        %parallel_loop3A_205 = arith.index_cast %parallel_loop3A_204 : i32 to index
        %parallel_loop3A_206 = tpu.vector_load %arg6[%parallel_loop3A_205] {strides = array<i32>} : memref<5440xi32, #tpu.memory_space<vmem>>, vector<16xi32>,
        %parallel_loop3A_207 = arith.index_cast %parallel_loop3A_204 : i32 to index
        %parallel_loop3A_208 = tpu.vector_load %arg7[%parallel_loop3A_207] {strides = array<i32>} : memref<5440xf32, #tpu.memory_space<vmem>>, vector<16xf32>,
        %parallel_loop3A_209 = arith.constant 0 : i32
        %parallel_loop3A_210 = vector.broadcast %parallel_loop3A_209 : i32 to vector<16xi32>
        %parallel_loop3A_211 = arith.addi %broadcast_in_dim3A_35, %parallel_loop3A_210 : vector<16xi32>
        %parallel_loop3A_212 = tpu.vector_load_idx %arg9[%parallel_loop3A_211, %parallel_loop3A_206] : memref<8x2278xf32, #tpu.memory_space<vmem>>[vector<16xi32>, vector<16xi32>], vector<16xf32>,
        %parallel_loop3A_213 = arith.mulf %parallel_loop3A_212, %parallel_loop3A_208 : vector<16xf32>
        %parallel_loop3A_214 = arith.constant 0 : i32
        %parallel_loop3A_215 = arith.index_cast %parallel_loop3A_214 : i32 to index
        %parallel_loop3A_216 = arith.index_cast %parallel_loop3A_200 : i32 to index
        %parallel_loop3A_217 = arith.constant 0 : index
        %parallel_loop3A_218 = tpu.vector_load %arg10[%parallel_loop3A_215, %parallel_loop3A_216, %parallel_loop3A_217] {strides = array<i32>} : memref<4x72x128xf32, #tpu.memory_space<vmem>>, vector<16xf32>,
        tpu.vector_store %arg10[%parallel_loop3A_215, %parallel_loop3A_216, %parallel_loop3A_217], %parallel_loop3A_213 {strides = array<i32>} : memref<4x72x128xf32, #tpu.memory_space<vmem>>, vector<16xf32>,
        %parallel_loop3A_219 = arith.constant 0 : i32
        %parallel_loop3A_220 = vector.broadcast %parallel_loop3A_219 : i32 to vector<16xi32>
        %parallel_loop3A_221 = arith.addi %broadcast_in_dim3A_37, %parallel_loop3A_220 : vector<16xi32>
        %parallel_loop3A_222 = tpu.vector_load_idx %arg9[%parallel_loop3A_221, %parallel_loop3A_206] : memref<8x2278xf32, #tpu.memory_space<vmem>>[vector<16xi32>, vector<16xi32>], vector<16xf32>,
        %parallel_loop3A_223 = arith.mulf %parallel_loop3A_222, %parallel_loop3A_208 : vector<16xf32>
        %parallel_loop3A_224 = arith.constant 1 : i32
        %parallel_loop3A_225 = arith.index_cast %parallel_loop3A_224 : i32 to index
        %parallel_loop3A_226 = arith.index_cast %parallel_loop3A_200 : i32 to index
        %parallel_loop3A_227 = arith.constant 0 : index
        %parallel_loop3A_228 = tpu.vector_load %arg10[%parallel_loop3A_225, %parallel_loop3A_226, %parallel_loop3A_227] {strides = array<i32>} : memref<4x72x128xf32, #tpu.memory_space<vmem>>, vector<16xf32>,
        tpu.vector_store %arg10[%parallel_loop3A_225, %parallel_loop3A_226, %parallel_loop3A_227], %parallel_loop3A_223 {strides = array<i32>} : memref<4x72x128xf32, #tpu.memory_space<vmem>>, vector<16xf32>,
        %parallel_loop3A_229 = arith.constant 0 : i32
        %parallel_loop3A_230 = vector.broadcast %parallel_loop3A_229 : i32 to vector<16xi32>
        %parallel_loop3A_231 = arith.addi %broadcast_in_dim3A_39, %parallel_loop3A_230 : vector<16xi32>
        %parallel_loop3A_232 = tpu.vector_load_idx %arg9[%parallel_loop3A_231, %parallel_loop3A_206] : memref<8x2278xf32, #tpu.memory_space<vmem>>[vector<16xi32>, vector<16xi32>], vector<16xf32>,
        %parallel_loop3A_233 = arith.mulf %parallel_loop3A_232, %parallel_loop3A_208 : vector<16xf32>
        %parallel_loop3A_234 = arith.constant 2 : i32
        %parallel_loop3A_235 = arith.index_cast %parallel_loop3A_234 : i32 to index
        %parallel_loop3A_236 = arith.index_cast %parallel_loop3A_200 : i32 to index
        %parallel_loop3A_237 = arith.constant 0 : index
        %parallel_loop3A_238 = tpu.vector_load %arg10[%parallel_loop3A_235, %parallel_loop3A_236, %parallel_loop3A_237] {strides = array<i32>} : memref<4x72x128xf32, #tpu.memory_space<vmem>>, vector<16xf32>,
        tpu.vector_store %arg10[%parallel_loop3A_235, %parallel_loop3A_236, %parallel_loop3A_237], %parallel_loop3A_233 {strides = array<i32>} : memref<4x72x128xf32, #tpu.memory_space<vmem>>, vector<16xf32>,
        %parallel_loop3A_239 = arith.constant 0 : i32
        %parallel_loop3A_240 = vector.broadcast %parallel_loop3A_239 : i32 to vector<16xi32>
        %parallel_loop3A_241 = arith.addi %broadcast_in_dim3A_41, %parallel_loop3A_240 : vector<16xi32>
        %parallel_loop3A_242 = tpu.vector_load_idx %arg9[%parallel_loop3A_241, %parallel_loop3A_206] : memref<8x2278xf32, #tpu.memory_space<vmem>>[vector<16xi32>, vector<16xi32>], vector<16xf32>,
        %parallel_loop3A_243 = arith.mulf %parallel_loop3A_242, %parallel_loop3A_208 : vector<16xf32>
        %parallel_loop3A_244 = arith.constant 3 : i32
        %parallel_loop3A_245 = arith.index_cast %parallel_loop3A_244 : i32 to index
        %parallel_loop3A_246 = arith.index_cast %parallel_loop3A_200 : i32 to index
        %parallel_loop3A_247 = arith.constant 0 : index
        %parallel_loop3A_248 = tpu.vector_load %arg10[%parallel_loop3A_245, %parallel_loop3A_246, %parallel_loop3A_247] {strides = array<i32>} : memref<4x72x128xf32, #tpu.memory_space<vmem>>, vector<16xf32>,
        tpu.vector_store %arg10[%parallel_loop3A_245, %parallel_loop3A_246, %parallel_loop3A_247], %parallel_loop3A_243 {strides = array<i32>} : memref<4x72x128xf32, #tpu.memory_space<vmem>>, vector<16xf32>,
        %parallel_loop3A_249 = arith.constant 16 : i32
        %parallel_loop3A_250 = arith.addi %parallel_loop3A_202, %parallel_loop3A_249 : i32
        %parallel_loop3A_251 = arith.index_cast %parallel_loop3A_250 : i32 to index
        %parallel_loop3A_252 = tpu.vector_load %arg6[%parallel_loop3A_251] {strides = array<i32>} : memref<5440xi32, #tpu.memory_space<vmem>>, vector<16xi32>,
        %parallel_loop3A_253 = arith.index_cast %parallel_loop3A_250 : i32 to index
        %parallel_loop3A_254 = tpu.vector_load %arg7[%parallel_loop3A_253] {strides = array<i32>} : memref<5440xf32, #tpu.memory_space<vmem>>, vector<16xf32>,
        %parallel_loop3A_255 = arith.constant 0 : i32
        %parallel_loop3A_256 = vector.broadcast %parallel_loop3A_255 : i32 to vector<16xi32>
        %parallel_loop3A_257 = arith.addi %broadcast_in_dim3A_35, %parallel_loop3A_256 : vector<16xi32>
        %parallel_loop3A_258 = tpu.vector_load_idx %arg9[%parallel_loop3A_257, %parallel_loop3A_252] : memref<8x2278xf32, #tpu.memory_space<vmem>>[vector<16xi32>, vector<16xi32>], vector<16xf32>,
        %parallel_loop3A_259 = arith.mulf %parallel_loop3A_258, %parallel_loop3A_254 : vector<16xf32>
        %parallel_loop3A_260 = arith.constant 0 : i32
        %parallel_loop3A_261 = arith.index_cast %parallel_loop3A_260 : i32 to index
        %parallel_loop3A_262 = arith.index_cast %parallel_loop3A_200 : i32 to index
        %parallel_loop3A_263 = arith.constant 16 : index
        %parallel_loop3A_264 = tpu.vector_load %arg10[%parallel_loop3A_261, %parallel_loop3A_262, %parallel_loop3A_263] {strides = array<i32>} : memref<4x72x128xf32, #tpu.memory_space<vmem>>, vector<16xf32>,
        tpu.vector_store %arg10[%parallel_loop3A_261, %parallel_loop3A_262, %parallel_loop3A_263], %parallel_loop3A_259 {strides = array<i32>} : memref<4x72x128xf32, #tpu.memory_space<vmem>>, vector<16xf32>,
        %parallel_loop3A_265 = arith.constant 0 : i32
        %parallel_loop3A_266 = vector.broadcast %parallel_loop3A_265 : i32 to vector<16xi32>
        %parallel_loop3A_267 = arith.addi %broadcast_in_dim3A_37, %parallel_loop3A_266 : vector<16xi32>
        %parallel_loop3A_268 = tpu.vector_load_idx %arg9[%parallel_loop3A_267, %parallel_loop3A_252] : memref<8x2278xf32, #tpu.memory_space<vmem>>[vector<16xi32>, vector<16xi32>], vector<16xf32>,
        %parallel_loop3A_269 = arith.mulf %parallel_loop3A_268, %parallel_loop3A_254 : vector<16xf32>
        %parallel_loop3A_270 = arith.constant 1 : i32
        %parallel_loop3A_271 = arith.index_cast %parallel_loop3A_270 : i32 to index
        %parallel_loop3A_272 = arith.index_cast %parallel_loop3A_200 : i32 to index
        %parallel_loop3A_273 = arith.constant 16 : index
        %parallel_loop3A_274 = tpu.vector_load %arg10[%parallel_loop3A_271, %parallel_loop3A_272, %parallel_loop3A_273] {strides = array<i32>} : memref<4x72x128xf32, #tpu.memory_space<vmem>>, vector<16xf32>,
        tpu.vector_store %arg10[%parallel_loop3A_271, %parallel_loop3A_272, %parallel_loop3A_273], %parallel_loop3A_269 {strides = array<i32>} : memref<4x72x128xf32, #tpu.memory_space<vmem>>, vector<16xf32>,
        %parallel_loop3A_275 = arith.constant 0 : i32
        %parallel_loop3A_276 = vector.broadcast %parallel_loop3A_275 : i32 to vector<16xi32>
        %parallel_loop3A_277 = arith.addi %broadcast_in_dim3A_39, %parallel_loop3A_276 : vector<16xi32>
        %parallel_loop3A_278 = tpu.vector_load_idx %arg9[%parallel_loop3A_277, %parallel_loop3A_252] : memref<8x2278xf32, #tpu.memory_space<vmem>>[vector<16xi32>, vector<16xi32>], vector<16xf32>,
        %parallel_loop3A_279 = arith.mulf %parallel_loop3A_278, %parallel_loop3A_254 : vector<16xf32>
        %parallel_loop3A_280 = arith.constant 2 : i32
        %parallel_loop3A_281 = arith.index_cast %parallel_loop3A_280 : i32 to index
        %parallel_loop3A_282 = arith.index_cast %parallel_loop3A_200 : i32 to index
        %parallel_loop3A_283 = arith.constant 16 : index
        %parallel_loop3A_284 = tpu.vector_load %arg10[%parallel_loop3A_281, %parallel_loop3A_282, %parallel_loop3A_283] {strides = array<i32>} : memref<4x72x128xf32, #tpu.memory_space<vmem>>, vector<16xf32>,
        tpu.vector_store %arg10[%parallel_loop3A_281, %parallel_loop3A_282, %parallel_loop3A_283], %parallel_loop3A_279 {strides = array<i32>} : memref<4x72x128xf32, #tpu.memory_space<vmem>>, vector<16xf32>,
        %parallel_loop3A_285 = arith.constant 0 : i32
        %parallel_loop3A_286 = vector.broadcast %parallel_loop3A_285 : i32 to vector<16xi32>
        %parallel_loop3A_287 = arith.addi %broadcast_in_dim3A_41, %parallel_loop3A_286 : vector<16xi32>
        %parallel_loop3A_288 = tpu.vector_load_idx %arg9[%parallel_loop3A_287, %parallel_loop3A_252] : memref<8x2278xf32, #tpu.memory_space<vmem>>[vector<16xi32>, vector<16xi32>], vector<16xf32>,
        %parallel_loop3A_289 = arith.mulf %parallel_loop3A_288, %parallel_loop3A_254 : vector<16xf32>
        %parallel_loop3A_290 = arith.constant 3 : i32
        %parallel_loop3A_291 = arith.index_cast %parallel_loop3A_290 : i32 to index
        %parallel_loop3A_292 = arith.index_cast %parallel_loop3A_200 : i32 to index
        %parallel_loop3A_293 = arith.constant 16 : index
        %parallel_loop3A_294 = tpu.vector_load %arg10[%parallel_loop3A_291, %parallel_loop3A_292, %parallel_loop3A_293] {strides = array<i32>} : memref<4x72x128xf32, #tpu.memory_space<vmem>>, vector<16xf32>,
        tpu.vector_store %arg10[%parallel_loop3A_291, %parallel_loop3A_292, %parallel_loop3A_293], %parallel_loop3A_289 {strides = array<i32>} : memref<4x72x128xf32, #tpu.memory_space<vmem>>, vector<16xf32>,
        %parallel_loop3A_295 = arith.constant 32 : i32
        %parallel_loop3A_296 = arith.addi %parallel_loop3A_202, %parallel_loop3A_295 : i32
        %parallel_loop3A_297 = arith.index_cast %parallel_loop3A_296 : i32 to index
        %parallel_loop3A_298 = tpu.vector_load %arg6[%parallel_loop3A_297] {strides = array<i32>} : memref<5440xi32, #tpu.memory_space<vmem>>, vector<16xi32>,
        %parallel_loop3A_299 = arith.index_cast %parallel_loop3A_296 : i32 to index
        %parallel_loop3A_300 = tpu.vector_load %arg7[%parallel_loop3A_299] {strides = array<i32>} : memref<5440xf32, #tpu.memory_space<vmem>>, vector<16xf32>,
        %parallel_loop3A_301 = arith.constant 0 : i32
        %parallel_loop3A_302 = vector.broadcast %parallel_loop3A_301 : i32 to vector<16xi32>
        %parallel_loop3A_303 = arith.addi %broadcast_in_dim3A_35, %parallel_loop3A_302 : vector<16xi32>
        %parallel_loop3A_304 = tpu.vector_load_idx %arg9[%parallel_loop3A_303, %parallel_loop3A_298] : memref<8x2278xf32, #tpu.memory_space<vmem>>[vector<16xi32>, vector<16xi32>], vector<16xf32>,
        %parallel_loop3A_305 = arith.mulf %parallel_loop3A_304, %parallel_loop3A_300 : vector<16xf32>
        %parallel_loop3A_306 = arith.constant 0 : i32
        %parallel_loop3A_307 = arith.index_cast %parallel_loop3A_306 : i32 to index
        %parallel_loop3A_308 = arith.index_cast %parallel_loop3A_200 : i32 to index
        %parallel_loop3A_309 = arith.constant 32 : index
        %parallel_loop3A_310 = tpu.vector_load %arg10[%parallel_loop3A_307, %parallel_loop3A_308, %parallel_loop3A_309] {strides = array<i32>} : memref<4x72x128xf32, #tpu.memory_space<vmem>>, vector<16xf32>,
        tpu.vector_store %arg10[%parallel_loop3A_307, %parallel_loop3A_308, %parallel_loop3A_309], %parallel_loop3A_305 {strides = array<i32>} : memref<4x72x128xf32, #tpu.memory_space<vmem>>, vector<16xf32>,
        %parallel_loop3A_311 = arith.constant 0 : i32
        %parallel_loop3A_312 = vector.broadcast %parallel_loop3A_311 : i32 to vector<16xi32>
        %parallel_loop3A_313 = arith.addi %broadcast_in_dim3A_37, %parallel_loop3A_312 : vector<16xi32>
        %parallel_loop3A_314 = tpu.vector_load_idx %arg9[%parallel_loop3A_313, %parallel_loop3A_298] : memref<8x2278xf32, #tpu.memory_space<vmem>>[vector<16xi32>, vector<16xi32>], vector<16xf32>,
        %parallel_loop3A_315 = arith.mulf %parallel_loop3A_314, %parallel_loop3A_300 : vector<16xf32>
        %parallel_loop3A_316 = arith.constant 1 : i32
        %parallel_loop3A_317 = arith.index_cast %parallel_loop3A_316 : i32 to index
        %parallel_loop3A_318 = arith.index_cast %parallel_loop3A_200 : i32 to index
        %parallel_loop3A_319 = arith.constant 32 : index
        %parallel_loop3A_320 = tpu.vector_load %arg10[%parallel_loop3A_317, %parallel_loop3A_318, %parallel_loop3A_319] {strides = array<i32>} : memref<4x72x128xf32, #tpu.memory_space<vmem>>, vector<16xf32>,
        tpu.vector_store %arg10[%parallel_loop3A_317, %parallel_loop3A_318, %parallel_loop3A_319], %parallel_loop3A_315 {strides = array<i32>} : memref<4x72x128xf32, #tpu.memory_space<vmem>>, vector<16xf32>,
        %parallel_loop3A_321 = arith.constant 0 : i32
        %parallel_loop3A_322 = vector.broadcast %parallel_loop3A_321 : i32 to vector<16xi32>
        %parallel_loop3A_323 = arith.addi %broadcast_in_dim3A_39, %parallel_loop3A_322 : vector<16xi32>
        %parallel_loop3A_324 = tpu.vector_load_idx %arg9[%parallel_loop3A_323, %parallel_loop3A_298] : memref<8x2278xf32, #tpu.memory_space<vmem>>[vector<16xi32>, vector<16xi32>], vector<16xf32>,
        %parallel_loop3A_325 = arith.mulf %parallel_loop3A_324, %parallel_loop3A_300 : vector<16xf32>
        %parallel_loop3A_326 = arith.constant 2 : i32
        %parallel_loop3A_327 = arith.index_cast %parallel_loop3A_326 : i32 to index
        %parallel_loop3A_328 = arith.index_cast %parallel_loop3A_200 : i32 to index
        %parallel_loop3A_329 = arith.constant 32 : index
        %parallel_loop3A_330 = tpu.vector_load %arg10[%parallel_loop3A_327, %parallel_loop3A_328, %parallel_loop3A_329] {strides = array<i32>} : memref<4x72x128xf32, #tpu.memory_space<vmem>>, vector<16xf32>,
        tpu.vector_store %arg10[%parallel_loop3A_327, %parallel_loop3A_328, %parallel_loop3A_329], %parallel_loop3A_325 {strides = array<i32>} : memref<4x72x128xf32, #tpu.memory_space<vmem>>, vector<16xf32>,
        %parallel_loop3A_331 = arith.constant 0 : i32
        %parallel_loop3A_332 = vector.broadcast %parallel_loop3A_331 : i32 to vector<16xi32>
        %parallel_loop3A_333 = arith.addi %broadcast_in_dim3A_41, %parallel_loop3A_332 : vector<16xi32>
        %parallel_loop3A_334 = tpu.vector_load_idx %arg9[%parallel_loop3A_333, %parallel_loop3A_298] : memref<8x2278xf32, #tpu.memory_space<vmem>>[vector<16xi32>, vector<16xi32>], vector<16xf32>,
        %parallel_loop3A_335 = arith.mulf %parallel_loop3A_334, %parallel_loop3A_300 : vector<16xf32>
        %parallel_loop3A_336 = arith.constant 3 : i32
        %parallel_loop3A_337 = arith.index_cast %parallel_loop3A_336 : i32 to index
        %parallel_loop3A_338 = arith.index_cast %parallel_loop3A_200 : i32 to index
        %parallel_loop3A_339 = arith.constant 32 : index
        %parallel_loop3A_340 = tpu.vector_load %arg10[%parallel_loop3A_337, %parallel_loop3A_338, %parallel_loop3A_339] {strides = array<i32>} : memref<4x72x128xf32, #tpu.memory_space<vmem>>, vector<16xf32>,
        tpu.vector_store %arg10[%parallel_loop3A_337, %parallel_loop3A_338, %parallel_loop3A_339], %parallel_loop3A_335 {strides = array<i32>} : memref<4x72x128xf32, #tpu.memory_space<vmem>>, vector<16xf32>,
        %parallel_loop3A_341 = arith.constant 48 : i32
        %parallel_loop3A_342 = arith.addi %parallel_loop3A_202, %parallel_loop3A_341 : i32
        %parallel_loop3A_343 = arith.index_cast %parallel_loop3A_342 : i32 to index
        %parallel_loop3A_344 = tpu.vector_load %arg6[%parallel_loop3A_343] {strides = array<i32>} : memref<5440xi32, #tpu.memory_space<vmem>>, vector<16xi32>,
        %parallel_loop3A_345 = arith.index_cast %parallel_loop3A_342 : i32 to index
        %parallel_loop3A_346 = tpu.vector_load %arg7[%parallel_loop3A_345] {strides = array<i32>} : memref<5440xf32, #tpu.memory_space<vmem>>, vector<16xf32>,
        %parallel_loop3A_347 = arith.constant 0 : i32
        %parallel_loop3A_348 = vector.broadcast %parallel_loop3A_347 : i32 to vector<16xi32>
        %parallel_loop3A_349 = arith.addi %broadcast_in_dim3A_35, %parallel_loop3A_348 : vector<16xi32>
        %parallel_loop3A_350 = tpu.vector_load_idx %arg9[%parallel_loop3A_349, %parallel_loop3A_344] : memref<8x2278xf32, #tpu.memory_space<vmem>>[vector<16xi32>, vector<16xi32>], vector<16xf32>,
        %parallel_loop3A_351 = arith.mulf %parallel_loop3A_350, %parallel_loop3A_346 : vector<16xf32>
        %parallel_loop3A_352 = arith.constant 0 : i32
        %parallel_loop3A_353 = arith.index_cast %parallel_loop3A_352 : i32 to index
        %parallel_loop3A_354 = arith.index_cast %parallel_loop3A_200 : i32 to index
        %parallel_loop3A_355 = arith.constant 48 : index
        %parallel_loop3A_356 = tpu.vector_load %arg10[%parallel_loop3A_353, %parallel_loop3A_354, %parallel_loop3A_355] {strides = array<i32>} : memref<4x72x128xf32, #tpu.memory_space<vmem>>, vector<16xf32>,
        tpu.vector_store %arg10[%parallel_loop3A_353, %parallel_loop3A_354, %parallel_loop3A_355], %parallel_loop3A_351 {strides = array<i32>} : memref<4x72x128xf32, #tpu.memory_space<vmem>>, vector<16xf32>,
        %parallel_loop3A_357 = arith.constant 0 : i32
        %parallel_loop3A_358 = vector.broadcast %parallel_loop3A_357 : i32 to vector<16xi32>
        %parallel_loop3A_359 = arith.addi %broadcast_in_dim3A_37, %parallel_loop3A_358 : vector<16xi32>
        %parallel_loop3A_360 = tpu.vector_load_idx %arg9[%parallel_loop3A_359, %parallel_loop3A_344] : memref<8x2278xf32, #tpu.memory_space<vmem>>[vector<16xi32>, vector<16xi32>], vector<16xf32>,
        %parallel_loop3A_361 = arith.mulf %parallel_loop3A_360, %parallel_loop3A_346 : vector<16xf32>
        %parallel_loop3A_362 = arith.constant 1 : i32
        %parallel_loop3A_363 = arith.index_cast %parallel_loop3A_362 : i32 to index
        %parallel_loop3A_364 = arith.index_cast %parallel_loop3A_200 : i32 to index
        %parallel_loop3A_365 = arith.constant 48 : index
        %parallel_loop3A_366 = tpu.vector_load %arg10[%parallel_loop3A_363, %parallel_loop3A_364, %parallel_loop3A_365] {strides = array<i32>} : memref<4x72x128xf32, #tpu.memory_space<vmem>>, vector<16xf32>,
        tpu.vector_store %arg10[%parallel_loop3A_363, %parallel_loop3A_364, %parallel_loop3A_365], %parallel_loop3A_361 {strides = array<i32>} : memref<4x72x128xf32, #tpu.memory_space<vmem>>, vector<16xf32>,
        %parallel_loop3A_367 = arith.constant 0 : i32
        %parallel_loop3A_368 = vector.broadcast %parallel_loop3A_367 : i32 to vector<16xi32>
        %parallel_loop3A_369 = arith.addi %broadcast_in_dim3A_39, %parallel_loop3A_368 : vector<16xi32>
        %parallel_loop3A_370 = tpu.vector_load_idx %arg9[%parallel_loop3A_369, %parallel_loop3A_344] : memref<8x2278xf32, #tpu.memory_space<vmem>>[vector<16xi32>, vector<16xi32>], vector<16xf32>,
        %parallel_loop3A_371 = arith.mulf %parallel_loop3A_370, %parallel_loop3A_346 : vector<16xf32>
        %parallel_loop3A_372 = arith.constant 2 : i32
        %parallel_loop3A_373 = arith.index_cast %parallel_loop3A_372 : i32 to index
        %parallel_loop3A_374 = arith.index_cast %parallel_loop3A_200 : i32 to index
        %parallel_loop3A_375 = arith.constant 48 : index
        %parallel_loop3A_376 = tpu.vector_load %arg10[%parallel_loop3A_373, %parallel_loop3A_374, %parallel_loop3A_375] {strides = array<i32>} : memref<4x72x128xf32, #tpu.memory_space<vmem>>, vector<16xf32>,
        tpu.vector_store %arg10[%parallel_loop3A_373, %parallel_loop3A_374, %parallel_loop3A_375], %parallel_loop3A_371 {strides = array<i32>} : memref<4x72x128xf32, #tpu.memory_space<vmem>>, vector<16xf32>,
        %parallel_loop3A_377 = arith.constant 0 : i32
        %parallel_loop3A_378 = vector.broadcast %parallel_loop3A_377 : i32 to vector<16xi32>
        %parallel_loop3A_379 = arith.addi %broadcast_in_dim3A_41, %parallel_loop3A_378 : vector<16xi32>
        %parallel_loop3A_380 = tpu.vector_load_idx %arg9[%parallel_loop3A_379, %parallel_loop3A_344] : memref<8x2278xf32, #tpu.memory_space<vmem>>[vector<16xi32>, vector<16xi32>], vector<16xf32>,
        %parallel_loop3A_381 = arith.mulf %parallel_loop3A_380, %parallel_loop3A_346 : vector<16xf32>
        %parallel_loop3A_382 = arith.constant 3 : i32
        %parallel_loop3A_383 = arith.index_cast %parallel_loop3A_382 : i32 to index
        %parallel_loop3A_384 = arith.index_cast %parallel_loop3A_200 : i32 to index
        %parallel_loop3A_385 = arith.constant 48 : index
        %parallel_loop3A_386 = tpu.vector_load %arg10[%parallel_loop3A_383, %parallel_loop3A_384, %parallel_loop3A_385] {strides = array<i32>} : memref<4x72x128xf32, #tpu.memory_space<vmem>>, vector<16xf32>,
        tpu.vector_store %arg10[%parallel_loop3A_383, %parallel_loop3A_384, %parallel_loop3A_385], %parallel_loop3A_381 {strides = array<i32>} : memref<4x72x128xf32, #tpu.memory_space<vmem>>, vector<16xf32>,
        %parallel_loop3A_387 = arith.constant 64 : i32
        %parallel_loop3A_388 = arith.addi %parallel_loop3A_202, %parallel_loop3A_387 : i32
        %parallel_loop3A_389 = arith.index_cast %parallel_loop3A_388 : i32 to index
        %parallel_loop3A_390 = tpu.vector_load %arg6[%parallel_loop3A_389] {strides = array<i32>} : memref<5440xi32, #tpu.memory_space<vmem>>, vector<16xi32>,
        %parallel_loop3A_391 = arith.index_cast %parallel_loop3A_388 : i32 to index
        %parallel_loop3A_392 = tpu.vector_load %arg7[%parallel_loop3A_391] {strides = array<i32>} : memref<5440xf32, #tpu.memory_space<vmem>>, vector<16xf32>,
        %parallel_loop3A_393 = arith.constant 0 : i32
        %parallel_loop3A_394 = vector.broadcast %parallel_loop3A_393 : i32 to vector<16xi32>
        %parallel_loop3A_395 = arith.addi %broadcast_in_dim3A_35, %parallel_loop3A_394 : vector<16xi32>
        %parallel_loop3A_396 = tpu.vector_load_idx %arg9[%parallel_loop3A_395, %parallel_loop3A_390] : memref<8x2278xf32, #tpu.memory_space<vmem>>[vector<16xi32>, vector<16xi32>], vector<16xf32>,
        %parallel_loop3A_397 = arith.mulf %parallel_loop3A_396, %parallel_loop3A_392 : vector<16xf32>
        %parallel_loop3A_398 = arith.constant 0 : i32
        %parallel_loop3A_399 = arith.index_cast %parallel_loop3A_398 : i32 to index
        %parallel_loop3A_400 = arith.index_cast %parallel_loop3A_200 : i32 to index
        %parallel_loop3A_401 = arith.constant 64 : index
        %parallel_loop3A_402 = tpu.vector_load %arg10[%parallel_loop3A_399, %parallel_loop3A_400, %parallel_loop3A_401] {strides = array<i32>} : memref<4x72x128xf32, #tpu.memory_space<vmem>>, vector<16xf32>,
        tpu.vector_store %arg10[%parallel_loop3A_399, %parallel_loop3A_400, %parallel_loop3A_401], %parallel_loop3A_397 {strides = array<i32>} : memref<4x72x128xf32, #tpu.memory_space<vmem>>, vector<16xf32>,
        %parallel_loop3A_403 = arith.constant 0 : i32
        %parallel_loop3A_404 = vector.broadcast %parallel_loop3A_403 : i32 to vector<16xi32>
        %parallel_loop3A_405 = arith.addi %broadcast_in_dim3A_37, %parallel_loop3A_404 : vector<16xi32>
        %parallel_loop3A_406 = tpu.vector_load_idx %arg9[%parallel_loop3A_405, %parallel_loop3A_390] : memref<8x2278xf32, #tpu.memory_space<vmem>>[vector<16xi32>, vector<16xi32>], vector<16xf32>,
        %parallel_loop3A_407 = arith.mulf %parallel_loop3A_406, %parallel_loop3A_392 : vector<16xf32>
        %parallel_loop3A_408 = arith.constant 1 : i32
        %parallel_loop3A_409 = arith.index_cast %parallel_loop3A_408 : i32 to index
        %parallel_loop3A_410 = arith.index_cast %parallel_loop3A_200 : i32 to index
        %parallel_loop3A_411 = arith.constant 64 : index
        %parallel_loop3A_412 = tpu.vector_load %arg10[%parallel_loop3A_409, %parallel_loop3A_410, %parallel_loop3A_411] {strides = array<i32>} : memref<4x72x128xf32, #tpu.memory_space<vmem>>, vector<16xf32>,
        tpu.vector_store %arg10[%parallel_loop3A_409, %parallel_loop3A_410, %parallel_loop3A_411], %parallel_loop3A_407 {strides = array<i32>} : memref<4x72x128xf32, #tpu.memory_space<vmem>>, vector<16xf32>,
        %parallel_loop3A_413 = arith.constant 0 : i32
        %parallel_loop3A_414 = vector.broadcast %parallel_loop3A_413 : i32 to vector<16xi32>
        %parallel_loop3A_415 = arith.addi %broadcast_in_dim3A_39, %parallel_loop3A_414 : vector<16xi32>
        %parallel_loop3A_416 = tpu.vector_load_idx %arg9[%parallel_loop3A_415, %parallel_loop3A_390] : memref<8x2278xf32, #tpu.memory_space<vmem>>[vector<16xi32>, vector<16xi32>], vector<16xf32>,
        %parallel_loop3A_417 = arith.mulf %parallel_loop3A_416, %parallel_loop3A_392 : vector<16xf32>
        %parallel_loop3A_418 = arith.constant 2 : i32
        %parallel_loop3A_419 = arith.index_cast %parallel_loop3A_418 : i32 to index
        %parallel_loop3A_420 = arith.index_cast %parallel_loop3A_200 : i32 to index
        %parallel_loop3A_421 = arith.constant 64 : index
        %parallel_loop3A_422 = tpu.vector_load %arg10[%parallel_loop3A_419, %parallel_loop3A_420, %parallel_loop3A_421] {strides = array<i32>} : memref<4x72x128xf32, #tpu.memory_space<vmem>>, vector<16xf32>,
        tpu.vector_store %arg10[%parallel_loop3A_419, %parallel_loop3A_420, %parallel_loop3A_421], %parallel_loop3A_417 {strides = array<i32>} : memref<4x72x128xf32, #tpu.memory_space<vmem>>, vector<16xf32>,
        %parallel_loop3A_423 = arith.constant 0 : i32
        %parallel_loop3A_424 = vector.broadcast %parallel_loop3A_423 : i32 to vector<16xi32>
        %parallel_loop3A_425 = arith.addi %broadcast_in_dim3A_41, %parallel_loop3A_424 : vector<16xi32>
        %parallel_loop3A_426 = tpu.vector_load_idx %arg9[%parallel_loop3A_425, %parallel_loop3A_390] : memref<8x2278xf32, #tpu.memory_space<vmem>>[vector<16xi32>, vector<16xi32>], vector<16xf32>,
        %parallel_loop3A_427 = arith.mulf %parallel_loop3A_426, %parallel_loop3A_392 : vector<16xf32>
        %parallel_loop3A_428 = arith.constant 3 : i32
        %parallel_loop3A_429 = arith.index_cast %parallel_loop3A_428 : i32 to index
        %parallel_loop3A_430 = arith.index_cast %parallel_loop3A_200 : i32 to index
        %parallel_loop3A_431 = arith.constant 64 : index
        %parallel_loop3A_432 = tpu.vector_load %arg10[%parallel_loop3A_429, %parallel_loop3A_430, %parallel_loop3A_431] {strides = array<i32>} : memref<4x72x128xf32, #tpu.memory_space<vmem>>, vector<16xf32>,
        tpu.vector_store %arg10[%parallel_loop3A_429, %parallel_loop3A_430, %parallel_loop3A_431], %parallel_loop3A_427 {strides = array<i32>} : memref<4x72x128xf32, #tpu.memory_space<vmem>>, vector<16xf32>,
      } {sc.loop_unroll_factor = 4 : i64, sc.parallel_access}
      %mul3A_159 = arith.constant 8 : i32
      %mul3A_160 = arith.muli %add3A_136, %mul3A_159 : i32
      %add3A_161 = arith.addi %mul3A_2, %mul3A_160 : i32
      %add3A_162 = arith.constant 0 : i32
      %add3A_163 = arith.addi %add3A_161, %add3A_162 : i32
      %dma_start3A_164 = arith.constant 0 : i32
      %dma_start3A_165 = arith.constant 0 : i32
      %dma_start3A_166 = tpu.memref_slice %arg5[%add3A_163, %dma_start3A_164, %dma_start3A_165] : memref<16384x72x128xf32, #tpu.memory_space<hbm>> -> memref<4x72x128xf32, #tpu.memory_space<hbm>>
      %dma_start3A_167 = arith.constant 0 : i32
      %dma_start3A_168 = arith.constant 0 : i32
      %dma_start3A_169 = tpu.memref_slice %arg5[%add3A_163, %dma_start3A_167, %dma_start3A_168] : memref<16384x72x128xf32, #tpu.memory_space<hbm>> -> memref<4x72x128xf32, #tpu.memory_space<hbm>>
      tpu.enqueue_dma source(%arg10 : memref<4x72x128xf32, #tpu.memory_space<vmem>>) target(%dma_start3A_169 : memref<4x72x128xf32, #tpu.memory_space<hbm>>) target_semaphore(%arg14 : memref<!tpu.dma_semaphore, #tpu.memory_space<semaphore_mem>>)
      %mul3A_170 = arith.constant 8 : i32
      %mul3A_171 = arith.muli %add3A_136, %mul3A_170 : i32
      %add3A_172 = arith.addi %mul3A_2, %mul3A_171 : i32
      %add3A_173 = arith.constant 4 : i32
      %add3A_174 = arith.addi %add3A_172, %add3A_173 : i32
      %dma_wait3A_175 = arith.constant 0 : i32
      %dma_wait3A_176 = arith.constant 0 : i32
      %dma_wait3A_177 = tpu.memref_slice %arg5[%add3A_174, %dma_wait3A_175, %dma_wait3A_176] : memref<16384x72x128xf32, #tpu.memory_space<hbm>> -> memref<4x72x128xf32, #tpu.memory_space<hbm>>
      %dma_wait3A_178 = arith.constant 0 : i32
      %dma_wait3A_179 = arith.constant 0 : i32
      %dma_wait3A_180 = tpu.memref_slice %arg5[%add3A_174, %dma_wait3A_178, %dma_wait3A_179] : memref<16384x72x128xf32, #tpu.memory_space<hbm>> -> memref<4x72x128xf32, #tpu.memory_space<hbm>>
      tpu.wait_dma2 semaphore(%arg15 : memref<!tpu.dma_semaphore, #tpu.memory_space<semaphore_mem>>) src(%arg11 : memref<4x72x128xf32, #tpu.memory_space<vmem>>) dst(%dma_wait3A_180 : memref<4x72x128xf32, #tpu.memory_space<hbm>>)
      %parallel_loop3A_181 = arith.constant 0 : i32
      %parallel_loop3A_182 = arith.constant 68 : i32
      %parallel_loop3A_183 = arith.constant 1 : i32
      scf.for %parallel_loop3A_200 = %parallel_loop3A_181 to %parallel_loop3A_182 step %parallel_loop3A_183  : i32 {
        %parallel_loop3A_201 = arith.constant 80 : i32
        %parallel_loop3A_202 = arith.muli %parallel_loop3A_200, %parallel_loop3A_201 : i32
        %parallel_loop3A_203 = arith.constant 0 : i32
        %parallel_loop3A_204 = arith.addi %parallel_loop3A_202, %parallel_loop3A_203 : i32
        %parallel_loop3A_205 = arith.index_cast %parallel_loop3A_204 : i32 to index
        %parallel_loop3A_206 = tpu.vector_load %arg6[%parallel_loop3A_205] {strides = array<i32>} : memref<5440xi32, #tpu.memory_space<vmem>>, vector<16xi32>,
        %parallel_loop3A_207 = arith.index_cast %parallel_loop3A_204 : i32 to index
        %parallel_loop3A_208 = tpu.vector_load %arg7[%parallel_loop3A_207] {strides = array<i32>} : memref<5440xf32, #tpu.memory_space<vmem>>, vector<16xf32>,
        %parallel_loop3A_209 = arith.constant 4 : i32
        %parallel_loop3A_210 = vector.broadcast %parallel_loop3A_209 : i32 to vector<16xi32>
        %parallel_loop3A_211 = arith.addi %broadcast_in_dim3A_35, %parallel_loop3A_210 : vector<16xi32>
        %parallel_loop3A_212 = tpu.vector_load_idx %arg9[%parallel_loop3A_211, %parallel_loop3A_206] : memref<8x2278xf32, #tpu.memory_space<vmem>>[vector<16xi32>, vector<16xi32>], vector<16xf32>,
        %parallel_loop3A_213 = arith.mulf %parallel_loop3A_212, %parallel_loop3A_208 : vector<16xf32>
        %parallel_loop3A_214 = arith.constant 0 : i32
        %parallel_loop3A_215 = arith.index_cast %parallel_loop3A_214 : i32 to index
        %parallel_loop3A_216 = arith.index_cast %parallel_loop3A_200 : i32 to index
        %parallel_loop3A_217 = arith.constant 0 : index
        %parallel_loop3A_218 = tpu.vector_load %arg11[%parallel_loop3A_215, %parallel_loop3A_216, %parallel_loop3A_217] {strides = array<i32>} : memref<4x72x128xf32, #tpu.memory_space<vmem>>, vector<16xf32>,
        tpu.vector_store %arg11[%parallel_loop3A_215, %parallel_loop3A_216, %parallel_loop3A_217], %parallel_loop3A_213 {strides = array<i32>} : memref<4x72x128xf32, #tpu.memory_space<vmem>>, vector<16xf32>,
        %parallel_loop3A_219 = arith.constant 4 : i32
        %parallel_loop3A_220 = vector.broadcast %parallel_loop3A_219 : i32 to vector<16xi32>
        %parallel_loop3A_221 = arith.addi %broadcast_in_dim3A_37, %parallel_loop3A_220 : vector<16xi32>
        %parallel_loop3A_222 = tpu.vector_load_idx %arg9[%parallel_loop3A_221, %parallel_loop3A_206] : memref<8x2278xf32, #tpu.memory_space<vmem>>[vector<16xi32>, vector<16xi32>], vector<16xf32>,
        %parallel_loop3A_223 = arith.mulf %parallel_loop3A_222, %parallel_loop3A_208 : vector<16xf32>
        %parallel_loop3A_224 = arith.constant 1 : i32
        %parallel_loop3A_225 = arith.index_cast %parallel_loop3A_224 : i32 to index
        %parallel_loop3A_226 = arith.index_cast %parallel_loop3A_200 : i32 to index
        %parallel_loop3A_227 = arith.constant 0 : index
        %parallel_loop3A_228 = tpu.vector_load %arg11[%parallel_loop3A_225, %parallel_loop3A_226, %parallel_loop3A_227] {strides = array<i32>} : memref<4x72x128xf32, #tpu.memory_space<vmem>>, vector<16xf32>,
        tpu.vector_store %arg11[%parallel_loop3A_225, %parallel_loop3A_226, %parallel_loop3A_227], %parallel_loop3A_223 {strides = array<i32>} : memref<4x72x128xf32, #tpu.memory_space<vmem>>, vector<16xf32>,
        %parallel_loop3A_229 = arith.constant 4 : i32
        %parallel_loop3A_230 = vector.broadcast %parallel_loop3A_229 : i32 to vector<16xi32>
        %parallel_loop3A_231 = arith.addi %broadcast_in_dim3A_39, %parallel_loop3A_230 : vector<16xi32>
        %parallel_loop3A_232 = tpu.vector_load_idx %arg9[%parallel_loop3A_231, %parallel_loop3A_206] : memref<8x2278xf32, #tpu.memory_space<vmem>>[vector<16xi32>, vector<16xi32>], vector<16xf32>,
        %parallel_loop3A_233 = arith.mulf %parallel_loop3A_232, %parallel_loop3A_208 : vector<16xf32>
        %parallel_loop3A_234 = arith.constant 2 : i32
        %parallel_loop3A_235 = arith.index_cast %parallel_loop3A_234 : i32 to index
        %parallel_loop3A_236 = arith.index_cast %parallel_loop3A_200 : i32 to index
        %parallel_loop3A_237 = arith.constant 0 : index
        %parallel_loop3A_238 = tpu.vector_load %arg11[%parallel_loop3A_235, %parallel_loop3A_236, %parallel_loop3A_237] {strides = array<i32>} : memref<4x72x128xf32, #tpu.memory_space<vmem>>, vector<16xf32>,
        tpu.vector_store %arg11[%parallel_loop3A_235, %parallel_loop3A_236, %parallel_loop3A_237], %parallel_loop3A_233 {strides = array<i32>} : memref<4x72x128xf32, #tpu.memory_space<vmem>>, vector<16xf32>,
        %parallel_loop3A_239 = arith.constant 4 : i32
        %parallel_loop3A_240 = vector.broadcast %parallel_loop3A_239 : i32 to vector<16xi32>
        %parallel_loop3A_241 = arith.addi %broadcast_in_dim3A_41, %parallel_loop3A_240 : vector<16xi32>
        %parallel_loop3A_242 = tpu.vector_load_idx %arg9[%parallel_loop3A_241, %parallel_loop3A_206] : memref<8x2278xf32, #tpu.memory_space<vmem>>[vector<16xi32>, vector<16xi32>], vector<16xf32>,
        %parallel_loop3A_243 = arith.mulf %parallel_loop3A_242, %parallel_loop3A_208 : vector<16xf32>
        %parallel_loop3A_244 = arith.constant 3 : i32
        %parallel_loop3A_245 = arith.index_cast %parallel_loop3A_244 : i32 to index
        %parallel_loop3A_246 = arith.index_cast %parallel_loop3A_200 : i32 to index
        %parallel_loop3A_247 = arith.constant 0 : index
        %parallel_loop3A_248 = tpu.vector_load %arg11[%parallel_loop3A_245, %parallel_loop3A_246, %parallel_loop3A_247] {strides = array<i32>} : memref<4x72x128xf32, #tpu.memory_space<vmem>>, vector<16xf32>,
        tpu.vector_store %arg11[%parallel_loop3A_245, %parallel_loop3A_246, %parallel_loop3A_247], %parallel_loop3A_243 {strides = array<i32>} : memref<4x72x128xf32, #tpu.memory_space<vmem>>, vector<16xf32>,
        %parallel_loop3A_249 = arith.constant 16 : i32
        %parallel_loop3A_250 = arith.addi %parallel_loop3A_202, %parallel_loop3A_249 : i32
        %parallel_loop3A_251 = arith.index_cast %parallel_loop3A_250 : i32 to index
        %parallel_loop3A_252 = tpu.vector_load %arg6[%parallel_loop3A_251] {strides = array<i32>} : memref<5440xi32, #tpu.memory_space<vmem>>, vector<16xi32>,
        %parallel_loop3A_253 = arith.index_cast %parallel_loop3A_250 : i32 to index
        %parallel_loop3A_254 = tpu.vector_load %arg7[%parallel_loop3A_253] {strides = array<i32>} : memref<5440xf32, #tpu.memory_space<vmem>>, vector<16xf32>,
        %parallel_loop3A_255 = arith.constant 4 : i32
        %parallel_loop3A_256 = vector.broadcast %parallel_loop3A_255 : i32 to vector<16xi32>
        %parallel_loop3A_257 = arith.addi %broadcast_in_dim3A_35, %parallel_loop3A_256 : vector<16xi32>
        %parallel_loop3A_258 = tpu.vector_load_idx %arg9[%parallel_loop3A_257, %parallel_loop3A_252] : memref<8x2278xf32, #tpu.memory_space<vmem>>[vector<16xi32>, vector<16xi32>], vector<16xf32>,
        %parallel_loop3A_259 = arith.mulf %parallel_loop3A_258, %parallel_loop3A_254 : vector<16xf32>
        %parallel_loop3A_260 = arith.constant 0 : i32
        %parallel_loop3A_261 = arith.index_cast %parallel_loop3A_260 : i32 to index
        %parallel_loop3A_262 = arith.index_cast %parallel_loop3A_200 : i32 to index
        %parallel_loop3A_263 = arith.constant 16 : index
        %parallel_loop3A_264 = tpu.vector_load %arg11[%parallel_loop3A_261, %parallel_loop3A_262, %parallel_loop3A_263] {strides = array<i32>} : memref<4x72x128xf32, #tpu.memory_space<vmem>>, vector<16xf32>,
        tpu.vector_store %arg11[%parallel_loop3A_261, %parallel_loop3A_262, %parallel_loop3A_263], %parallel_loop3A_259 {strides = array<i32>} : memref<4x72x128xf32, #tpu.memory_space<vmem>>, vector<16xf32>,
        %parallel_loop3A_265 = arith.constant 4 : i32
        %parallel_loop3A_266 = vector.broadcast %parallel_loop3A_265 : i32 to vector<16xi32>
        %parallel_loop3A_267 = arith.addi %broadcast_in_dim3A_37, %parallel_loop3A_266 : vector<16xi32>
        %parallel_loop3A_268 = tpu.vector_load_idx %arg9[%parallel_loop3A_267, %parallel_loop3A_252] : memref<8x2278xf32, #tpu.memory_space<vmem>>[vector<16xi32>, vector<16xi32>], vector<16xf32>,
        %parallel_loop3A_269 = arith.mulf %parallel_loop3A_268, %parallel_loop3A_254 : vector<16xf32>
        %parallel_loop3A_270 = arith.constant 1 : i32
        %parallel_loop3A_271 = arith.index_cast %parallel_loop3A_270 : i32 to index
        %parallel_loop3A_272 = arith.index_cast %parallel_loop3A_200 : i32 to index
        %parallel_loop3A_273 = arith.constant 16 : index
        %parallel_loop3A_274 = tpu.vector_load %arg11[%parallel_loop3A_271, %parallel_loop3A_272, %parallel_loop3A_273] {strides = array<i32>} : memref<4x72x128xf32, #tpu.memory_space<vmem>>, vector<16xf32>,
        tpu.vector_store %arg11[%parallel_loop3A_271, %parallel_loop3A_272, %parallel_loop3A_273], %parallel_loop3A_269 {strides = array<i32>} : memref<4x72x128xf32, #tpu.memory_space<vmem>>, vector<16xf32>,
        %parallel_loop3A_275 = arith.constant 4 : i32
        %parallel_loop3A_276 = vector.broadcast %parallel_loop3A_275 : i32 to vector<16xi32>
        %parallel_loop3A_277 = arith.addi %broadcast_in_dim3A_39, %parallel_loop3A_276 : vector<16xi32>
        %parallel_loop3A_278 = tpu.vector_load_idx %arg9[%parallel_loop3A_277, %parallel_loop3A_252] : memref<8x2278xf32, #tpu.memory_space<vmem>>[vector<16xi32>, vector<16xi32>], vector<16xf32>,
        %parallel_loop3A_279 = arith.mulf %parallel_loop3A_278, %parallel_loop3A_254 : vector<16xf32>
        %parallel_loop3A_280 = arith.constant 2 : i32
        %parallel_loop3A_281 = arith.index_cast %parallel_loop3A_280 : i32 to index
        %parallel_loop3A_282 = arith.index_cast %parallel_loop3A_200 : i32 to index
        %parallel_loop3A_283 = arith.constant 16 : index
        %parallel_loop3A_284 = tpu.vector_load %arg11[%parallel_loop3A_281, %parallel_loop3A_282, %parallel_loop3A_283] {strides = array<i32>} : memref<4x72x128xf32, #tpu.memory_space<vmem>>, vector<16xf32>,
        tpu.vector_store %arg11[%parallel_loop3A_281, %parallel_loop3A_282, %parallel_loop3A_283], %parallel_loop3A_279 {strides = array<i32>} : memref<4x72x128xf32, #tpu.memory_space<vmem>>, vector<16xf32>,
        %parallel_loop3A_285 = arith.constant 4 : i32
        %parallel_loop3A_286 = vector.broadcast %parallel_loop3A_285 : i32 to vector<16xi32>
        %parallel_loop3A_287 = arith.addi %broadcast_in_dim3A_41, %parallel_loop3A_286 : vector<16xi32>
        %parallel_loop3A_288 = tpu.vector_load_idx %arg9[%parallel_loop3A_287, %parallel_loop3A_252] : memref<8x2278xf32, #tpu.memory_space<vmem>>[vector<16xi32>, vector<16xi32>], vector<16xf32>,
        %parallel_loop3A_289 = arith.mulf %parallel_loop3A_288, %parallel_loop3A_254 : vector<16xf32>
        %parallel_loop3A_290 = arith.constant 3 : i32
        %parallel_loop3A_291 = arith.index_cast %parallel_loop3A_290 : i32 to index
        %parallel_loop3A_292 = arith.index_cast %parallel_loop3A_200 : i32 to index
        %parallel_loop3A_293 = arith.constant 16 : index
        %parallel_loop3A_294 = tpu.vector_load %arg11[%parallel_loop3A_291, %parallel_loop3A_292, %parallel_loop3A_293] {strides = array<i32>} : memref<4x72x128xf32, #tpu.memory_space<vmem>>, vector<16xf32>,
        tpu.vector_store %arg11[%parallel_loop3A_291, %parallel_loop3A_292, %parallel_loop3A_293], %parallel_loop3A_289 {strides = array<i32>} : memref<4x72x128xf32, #tpu.memory_space<vmem>>, vector<16xf32>,
        %parallel_loop3A_295 = arith.constant 32 : i32
        %parallel_loop3A_296 = arith.addi %parallel_loop3A_202, %parallel_loop3A_295 : i32
        %parallel_loop3A_297 = arith.index_cast %parallel_loop3A_296 : i32 to index
        %parallel_loop3A_298 = tpu.vector_load %arg6[%parallel_loop3A_297] {strides = array<i32>} : memref<5440xi32, #tpu.memory_space<vmem>>, vector<16xi32>,
        %parallel_loop3A_299 = arith.index_cast %parallel_loop3A_296 : i32 to index
        %parallel_loop3A_300 = tpu.vector_load %arg7[%parallel_loop3A_299] {strides = array<i32>} : memref<5440xf32, #tpu.memory_space<vmem>>, vector<16xf32>,
        %parallel_loop3A_301 = arith.constant 4 : i32
        %parallel_loop3A_302 = vector.broadcast %parallel_loop3A_301 : i32 to vector<16xi32>
        %parallel_loop3A_303 = arith.addi %broadcast_in_dim3A_35, %parallel_loop3A_302 : vector<16xi32>
        %parallel_loop3A_304 = tpu.vector_load_idx %arg9[%parallel_loop3A_303, %parallel_loop3A_298] : memref<8x2278xf32, #tpu.memory_space<vmem>>[vector<16xi32>, vector<16xi32>], vector<16xf32>,
        %parallel_loop3A_305 = arith.mulf %parallel_loop3A_304, %parallel_loop3A_300 : vector<16xf32>
        %parallel_loop3A_306 = arith.constant 0 : i32
        %parallel_loop3A_307 = arith.index_cast %parallel_loop3A_306 : i32 to index
        %parallel_loop3A_308 = arith.index_cast %parallel_loop3A_200 : i32 to index
        %parallel_loop3A_309 = arith.constant 32 : index
        %parallel_loop3A_310 = tpu.vector_load %arg11[%parallel_loop3A_307, %parallel_loop3A_308, %parallel_loop3A_309] {strides = array<i32>} : memref<4x72x128xf32, #tpu.memory_space<vmem>>, vector<16xf32>,
        tpu.vector_store %arg11[%parallel_loop3A_307, %parallel_loop3A_308, %parallel_loop3A_309], %parallel_loop3A_305 {strides = array<i32>} : memref<4x72x128xf32, #tpu.memory_space<vmem>>, vector<16xf32>,
        %parallel_loop3A_311 = arith.constant 4 : i32
        %parallel_loop3A_312 = vector.broadcast %parallel_loop3A_311 : i32 to vector<16xi32>
        %parallel_loop3A_313 = arith.addi %broadcast_in_dim3A_37, %parallel_loop3A_312 : vector<16xi32>
        %parallel_loop3A_314 = tpu.vector_load_idx %arg9[%parallel_loop3A_313, %parallel_loop3A_298] : memref<8x2278xf32, #tpu.memory_space<vmem>>[vector<16xi32>, vector<16xi32>], vector<16xf32>,
        %parallel_loop3A_315 = arith.mulf %parallel_loop3A_314, %parallel_loop3A_300 : vector<16xf32>
        %parallel_loop3A_316 = arith.constant 1 : i32
        %parallel_loop3A_317 = arith.index_cast %parallel_loop3A_316 : i32 to index
        %parallel_loop3A_318 = arith.index_cast %parallel_loop3A_200 : i32 to index
        %parallel_loop3A_319 = arith.constant 32 : index
        %parallel_loop3A_320 = tpu.vector_load %arg11[%parallel_loop3A_317, %parallel_loop3A_318, %parallel_loop3A_319] {strides = array<i32>} : memref<4x72x128xf32, #tpu.memory_space<vmem>>, vector<16xf32>,
        tpu.vector_store %arg11[%parallel_loop3A_317, %parallel_loop3A_318, %parallel_loop3A_319], %parallel_loop3A_315 {strides = array<i32>} : memref<4x72x128xf32, #tpu.memory_space<vmem>>, vector<16xf32>,
        %parallel_loop3A_321 = arith.constant 4 : i32
        %parallel_loop3A_322 = vector.broadcast %parallel_loop3A_321 : i32 to vector<16xi32>
        %parallel_loop3A_323 = arith.addi %broadcast_in_dim3A_39, %parallel_loop3A_322 : vector<16xi32>
        %parallel_loop3A_324 = tpu.vector_load_idx %arg9[%parallel_loop3A_323, %parallel_loop3A_298] : memref<8x2278xf32, #tpu.memory_space<vmem>>[vector<16xi32>, vector<16xi32>], vector<16xf32>,
        %parallel_loop3A_325 = arith.mulf %parallel_loop3A_324, %parallel_loop3A_300 : vector<16xf32>
        %parallel_loop3A_326 = arith.constant 2 : i32
        %parallel_loop3A_327 = arith.index_cast %parallel_loop3A_326 : i32 to index
        %parallel_loop3A_328 = arith.index_cast %parallel_loop3A_200 : i32 to index
        %parallel_loop3A_329 = arith.constant 32 : index
        %parallel_loop3A_330 = tpu.vector_load %arg11[%parallel_loop3A_327, %parallel_loop3A_328, %parallel_loop3A_329] {strides = array<i32>} : memref<4x72x128xf32, #tpu.memory_space<vmem>>, vector<16xf32>,
        tpu.vector_store %arg11[%parallel_loop3A_327, %parallel_loop3A_328, %parallel_loop3A_329], %parallel_loop3A_325 {strides = array<i32>} : memref<4x72x128xf32, #tpu.memory_space<vmem>>, vector<16xf32>,
        %parallel_loop3A_331 = arith.constant 4 : i32
        %parallel_loop3A_332 = vector.broadcast %parallel_loop3A_331 : i32 to vector<16xi32>
        %parallel_loop3A_333 = arith.addi %broadcast_in_dim3A_41, %parallel_loop3A_332 : vector<16xi32>
        %parallel_loop3A_334 = tpu.vector_load_idx %arg9[%parallel_loop3A_333, %parallel_loop3A_298] : memref<8x2278xf32, #tpu.memory_space<vmem>>[vector<16xi32>, vector<16xi32>], vector<16xf32>,
        %parallel_loop3A_335 = arith.mulf %parallel_loop3A_334, %parallel_loop3A_300 : vector<16xf32>
        %parallel_loop3A_336 = arith.constant 3 : i32
        %parallel_loop3A_337 = arith.index_cast %parallel_loop3A_336 : i32 to index
        %parallel_loop3A_338 = arith.index_cast %parallel_loop3A_200 : i32 to index
        %parallel_loop3A_339 = arith.constant 32 : index
        %parallel_loop3A_340 = tpu.vector_load %arg11[%parallel_loop3A_337, %parallel_loop3A_338, %parallel_loop3A_339] {strides = array<i32>} : memref<4x72x128xf32, #tpu.memory_space<vmem>>, vector<16xf32>,
        tpu.vector_store %arg11[%parallel_loop3A_337, %parallel_loop3A_338, %parallel_loop3A_339], %parallel_loop3A_335 {strides = array<i32>} : memref<4x72x128xf32, #tpu.memory_space<vmem>>, vector<16xf32>,
        %parallel_loop3A_341 = arith.constant 48 : i32
        %parallel_loop3A_342 = arith.addi %parallel_loop3A_202, %parallel_loop3A_341 : i32
        %parallel_loop3A_343 = arith.index_cast %parallel_loop3A_342 : i32 to index
        %parallel_loop3A_344 = tpu.vector_load %arg6[%parallel_loop3A_343] {strides = array<i32>} : memref<5440xi32, #tpu.memory_space<vmem>>, vector<16xi32>,
        %parallel_loop3A_345 = arith.index_cast %parallel_loop3A_342 : i32 to index
        %parallel_loop3A_346 = tpu.vector_load %arg7[%parallel_loop3A_345] {strides = array<i32>} : memref<5440xf32, #tpu.memory_space<vmem>>, vector<16xf32>,
        %parallel_loop3A_347 = arith.constant 4 : i32
        %parallel_loop3A_348 = vector.broadcast %parallel_loop3A_347 : i32 to vector<16xi32>
        %parallel_loop3A_349 = arith.addi %broadcast_in_dim3A_35, %parallel_loop3A_348 : vector<16xi32>
        %parallel_loop3A_350 = tpu.vector_load_idx %arg9[%parallel_loop3A_349, %parallel_loop3A_344] : memref<8x2278xf32, #tpu.memory_space<vmem>>[vector<16xi32>, vector<16xi32>], vector<16xf32>,
        %parallel_loop3A_351 = arith.mulf %parallel_loop3A_350, %parallel_loop3A_346 : vector<16xf32>
        %parallel_loop3A_352 = arith.constant 0 : i32
        %parallel_loop3A_353 = arith.index_cast %parallel_loop3A_352 : i32 to index
        %parallel_loop3A_354 = arith.index_cast %parallel_loop3A_200 : i32 to index
        %parallel_loop3A_355 = arith.constant 48 : index
        %parallel_loop3A_356 = tpu.vector_load %arg11[%parallel_loop3A_353, %parallel_loop3A_354, %parallel_loop3A_355] {strides = array<i32>} : memref<4x72x128xf32, #tpu.memory_space<vmem>>, vector<16xf32>,
        tpu.vector_store %arg11[%parallel_loop3A_353, %parallel_loop3A_354, %parallel_loop3A_355], %parallel_loop3A_351 {strides = array<i32>} : memref<4x72x128xf32, #tpu.memory_space<vmem>>, vector<16xf32>,
        %parallel_loop3A_357 = arith.constant 4 : i32
        %parallel_loop3A_358 = vector.broadcast %parallel_loop3A_357 : i32 to vector<16xi32>
        %parallel_loop3A_359 = arith.addi %broadcast_in_dim3A_37, %parallel_loop3A_358 : vector<16xi32>
        %parallel_loop3A_360 = tpu.vector_load_idx %arg9[%parallel_loop3A_359, %parallel_loop3A_344] : memref<8x2278xf32, #tpu.memory_space<vmem>>[vector<16xi32>, vector<16xi32>], vector<16xf32>,
        %parallel_loop3A_361 = arith.mulf %parallel_loop3A_360, %parallel_loop3A_346 : vector<16xf32>
        %parallel_loop3A_362 = arith.constant 1 : i32
        %parallel_loop3A_363 = arith.index_cast %parallel_loop3A_362 : i32 to index
        %parallel_loop3A_364 = arith.index_cast %parallel_loop3A_200 : i32 to index
        %parallel_loop3A_365 = arith.constant 48 : index
        %parallel_loop3A_366 = tpu.vector_load %arg11[%parallel_loop3A_363, %parallel_loop3A_364, %parallel_loop3A_365] {strides = array<i32>} : memref<4x72x128xf32, #tpu.memory_space<vmem>>, vector<16xf32>,
        tpu.vector_store %arg11[%parallel_loop3A_363, %parallel_loop3A_364, %parallel_loop3A_365], %parallel_loop3A_361 {strides = array<i32>} : memref<4x72x128xf32, #tpu.memory_space<vmem>>, vector<16xf32>,
        %parallel_loop3A_367 = arith.constant 4 : i32
        %parallel_loop3A_368 = vector.broadcast %parallel_loop3A_367 : i32 to vector<16xi32>
        %parallel_loop3A_369 = arith.addi %broadcast_in_dim3A_39, %parallel_loop3A_368 : vector<16xi32>
        %parallel_loop3A_370 = tpu.vector_load_idx %arg9[%parallel_loop3A_369, %parallel_loop3A_344] : memref<8x2278xf32, #tpu.memory_space<vmem>>[vector<16xi32>, vector<16xi32>], vector<16xf32>,
        %parallel_loop3A_371 = arith.mulf %parallel_loop3A_370, %parallel_loop3A_346 : vector<16xf32>
        %parallel_loop3A_372 = arith.constant 2 : i32
        %parallel_loop3A_373 = arith.index_cast %parallel_loop3A_372 : i32 to index
        %parallel_loop3A_374 = arith.index_cast %parallel_loop3A_200 : i32 to index
        %parallel_loop3A_375 = arith.constant 48 : index
        %parallel_loop3A_376 = tpu.vector_load %arg11[%parallel_loop3A_373, %parallel_loop3A_374, %parallel_loop3A_375] {strides = array<i32>} : memref<4x72x128xf32, #tpu.memory_space<vmem>>, vector<16xf32>,
        tpu.vector_store %arg11[%parallel_loop3A_373, %parallel_loop3A_374, %parallel_loop3A_375], %parallel_loop3A_371 {strides = array<i32>} : memref<4x72x128xf32, #tpu.memory_space<vmem>>, vector<16xf32>,
        %parallel_loop3A_377 = arith.constant 4 : i32
        %parallel_loop3A_378 = vector.broadcast %parallel_loop3A_377 : i32 to vector<16xi32>
        %parallel_loop3A_379 = arith.addi %broadcast_in_dim3A_41, %parallel_loop3A_378 : vector<16xi32>
        %parallel_loop3A_380 = tpu.vector_load_idx %arg9[%parallel_loop3A_379, %parallel_loop3A_344] : memref<8x2278xf32, #tpu.memory_space<vmem>>[vector<16xi32>, vector<16xi32>], vector<16xf32>,
        %parallel_loop3A_381 = arith.mulf %parallel_loop3A_380, %parallel_loop3A_346 : vector<16xf32>
        %parallel_loop3A_382 = arith.constant 3 : i32
        %parallel_loop3A_383 = arith.index_cast %parallel_loop3A_382 : i32 to index
        %parallel_loop3A_384 = arith.index_cast %parallel_loop3A_200 : i32 to index
        %parallel_loop3A_385 = arith.constant 48 : index
        %parallel_loop3A_386 = tpu.vector_load %arg11[%parallel_loop3A_383, %parallel_loop3A_384, %parallel_loop3A_385] {strides = array<i32>} : memref<4x72x128xf32, #tpu.memory_space<vmem>>, vector<16xf32>,
        tpu.vector_store %arg11[%parallel_loop3A_383, %parallel_loop3A_384, %parallel_loop3A_385], %parallel_loop3A_381 {strides = array<i32>} : memref<4x72x128xf32, #tpu.memory_space<vmem>>, vector<16xf32>,
        %parallel_loop3A_387 = arith.constant 64 : i32
        %parallel_loop3A_388 = arith.addi %parallel_loop3A_202, %parallel_loop3A_387 : i32
        %parallel_loop3A_389 = arith.index_cast %parallel_loop3A_388 : i32 to index
        %parallel_loop3A_390 = tpu.vector_load %arg6[%parallel_loop3A_389] {strides = array<i32>} : memref<5440xi32, #tpu.memory_space<vmem>>, vector<16xi32>,
        %parallel_loop3A_391 = arith.index_cast %parallel_loop3A_388 : i32 to index
        %parallel_loop3A_392 = tpu.vector_load %arg7[%parallel_loop3A_391] {strides = array<i32>} : memref<5440xf32, #tpu.memory_space<vmem>>, vector<16xf32>,
        %parallel_loop3A_393 = arith.constant 4 : i32
        %parallel_loop3A_394 = vector.broadcast %parallel_loop3A_393 : i32 to vector<16xi32>
        %parallel_loop3A_395 = arith.addi %broadcast_in_dim3A_35, %parallel_loop3A_394 : vector<16xi32>
        %parallel_loop3A_396 = tpu.vector_load_idx %arg9[%parallel_loop3A_395, %parallel_loop3A_390] : memref<8x2278xf32, #tpu.memory_space<vmem>>[vector<16xi32>, vector<16xi32>], vector<16xf32>,
        %parallel_loop3A_397 = arith.mulf %parallel_loop3A_396, %parallel_loop3A_392 : vector<16xf32>
        %parallel_loop3A_398 = arith.constant 0 : i32
        %parallel_loop3A_399 = arith.index_cast %parallel_loop3A_398 : i32 to index
        %parallel_loop3A_400 = arith.index_cast %parallel_loop3A_200 : i32 to index
        %parallel_loop3A_401 = arith.constant 64 : index
        %parallel_loop3A_402 = tpu.vector_load %arg11[%parallel_loop3A_399, %parallel_loop3A_400, %parallel_loop3A_401] {strides = array<i32>} : memref<4x72x128xf32, #tpu.memory_space<vmem>>, vector<16xf32>,
        tpu.vector_store %arg11[%parallel_loop3A_399, %parallel_loop3A_400, %parallel_loop3A_401], %parallel_loop3A_397 {strides = array<i32>} : memref<4x72x128xf32, #tpu.memory_space<vmem>>, vector<16xf32>,
        %parallel_loop3A_403 = arith.constant 4 : i32
        %parallel_loop3A_404 = vector.broadcast %parallel_loop3A_403 : i32 to vector<16xi32>
        %parallel_loop3A_405 = arith.addi %broadcast_in_dim3A_37, %parallel_loop3A_404 : vector<16xi32>
        %parallel_loop3A_406 = tpu.vector_load_idx %arg9[%parallel_loop3A_405, %parallel_loop3A_390] : memref<8x2278xf32, #tpu.memory_space<vmem>>[vector<16xi32>, vector<16xi32>], vector<16xf32>,
        %parallel_loop3A_407 = arith.mulf %parallel_loop3A_406, %parallel_loop3A_392 : vector<16xf32>
        %parallel_loop3A_408 = arith.constant 1 : i32
        %parallel_loop3A_409 = arith.index_cast %parallel_loop3A_408 : i32 to index
        %parallel_loop3A_410 = arith.index_cast %parallel_loop3A_200 : i32 to index
        %parallel_loop3A_411 = arith.constant 64 : index
        %parallel_loop3A_412 = tpu.vector_load %arg11[%parallel_loop3A_409, %parallel_loop3A_410, %parallel_loop3A_411] {strides = array<i32>} : memref<4x72x128xf32, #tpu.memory_space<vmem>>, vector<16xf32>,
        tpu.vector_store %arg11[%parallel_loop3A_409, %parallel_loop3A_410, %parallel_loop3A_411], %parallel_loop3A_407 {strides = array<i32>} : memref<4x72x128xf32, #tpu.memory_space<vmem>>, vector<16xf32>,
        %parallel_loop3A_413 = arith.constant 4 : i32
        %parallel_loop3A_414 = vector.broadcast %parallel_loop3A_413 : i32 to vector<16xi32>
        %parallel_loop3A_415 = arith.addi %broadcast_in_dim3A_39, %parallel_loop3A_414 : vector<16xi32>
        %parallel_loop3A_416 = tpu.vector_load_idx %arg9[%parallel_loop3A_415, %parallel_loop3A_390] : memref<8x2278xf32, #tpu.memory_space<vmem>>[vector<16xi32>, vector<16xi32>], vector<16xf32>,
        %parallel_loop3A_417 = arith.mulf %parallel_loop3A_416, %parallel_loop3A_392 : vector<16xf32>
        %parallel_loop3A_418 = arith.constant 2 : i32
        %parallel_loop3A_419 = arith.index_cast %parallel_loop3A_418 : i32 to index
        %parallel_loop3A_420 = arith.index_cast %parallel_loop3A_200 : i32 to index
        %parallel_loop3A_421 = arith.constant 64 : index
        %parallel_loop3A_422 = tpu.vector_load %arg11[%parallel_loop3A_419, %parallel_loop3A_420, %parallel_loop3A_421] {strides = array<i32>} : memref<4x72x128xf32, #tpu.memory_space<vmem>>, vector<16xf32>,
        tpu.vector_store %arg11[%parallel_loop3A_419, %parallel_loop3A_420, %parallel_loop3A_421], %parallel_loop3A_417 {strides = array<i32>} : memref<4x72x128xf32, #tpu.memory_space<vmem>>, vector<16xf32>,
        %parallel_loop3A_423 = arith.constant 4 : i32
        %parallel_loop3A_424 = vector.broadcast %parallel_loop3A_423 : i32 to vector<16xi32>
        %parallel_loop3A_425 = arith.addi %broadcast_in_dim3A_41, %parallel_loop3A_424 : vector<16xi32>
        %parallel_loop3A_426 = tpu.vector_load_idx %arg9[%parallel_loop3A_425, %parallel_loop3A_390] : memref<8x2278xf32, #tpu.memory_space<vmem>>[vector<16xi32>, vector<16xi32>], vector<16xf32>,
        %parallel_loop3A_427 = arith.mulf %parallel_loop3A_426, %parallel_loop3A_392 : vector<16xf32>
        %parallel_loop3A_428 = arith.constant 3 : i32
        %parallel_loop3A_429 = arith.index_cast %parallel_loop3A_428 : i32 to index
        %parallel_loop3A_430 = arith.index_cast %parallel_loop3A_200 : i32 to index
        %parallel_loop3A_431 = arith.constant 64 : index
        %parallel_loop3A_432 = tpu.vector_load %arg11[%parallel_loop3A_429, %parallel_loop3A_430, %parallel_loop3A_431] {strides = array<i32>} : memref<4x72x128xf32, #tpu.memory_space<vmem>>, vector<16xf32>,
        tpu.vector_store %arg11[%parallel_loop3A_429, %parallel_loop3A_430, %parallel_loop3A_431], %parallel_loop3A_427 {strides = array<i32>} : memref<4x72x128xf32, #tpu.memory_space<vmem>>, vector<16xf32>,
      } {sc.loop_unroll_factor = 4 : i64, sc.parallel_access}
      %mul3A_184 = arith.constant 8 : i32
      %mul3A_185 = arith.muli %add3A_136, %mul3A_184 : i32
      %add3A_186 = arith.addi %mul3A_2, %mul3A_185 : i32
      %add3A_187 = arith.constant 4 : i32
      %add3A_188 = arith.addi %add3A_186, %add3A_187 : i32
      %dma_start3A_189 = arith.constant 0 : i32
      %dma_start3A_190 = arith.constant 0 : i32
      %dma_start3A_191 = tpu.memref_slice %arg5[%add3A_188, %dma_start3A_189, %dma_start3A_190] : memref<16384x72x128xf32, #tpu.memory_space<hbm>> -> memref<4x72x128xf32, #tpu.memory_space<hbm>>
      %dma_start3A_192 = arith.constant 0 : i32
      %dma_start3A_193 = arith.constant 0 : i32
      %dma_start3A_194 = tpu.memref_slice %arg5[%add3A_188, %dma_start3A_192, %dma_start3A_193] : memref<16384x72x128xf32, #tpu.memory_space<hbm>> -> memref<4x72x128xf32, #tpu.memory_space<hbm>>
      tpu.enqueue_dma source(%arg11 : memref<4x72x128xf32, #tpu.memory_space<vmem>>) target(%dma_start3A_194 : memref<4x72x128xf32, #tpu.memory_space<hbm>>) target_semaphore(%arg15 : memref<!tpu.dma_semaphore, #tpu.memory_space<semaphore_mem>>)
      %lt3A_195 = arith.constant 31 : i32
      %lt3A_196 = arith.cmpi slt, %add3A_69, %lt3A_195 : i32
      %convert_element_type3A_197 = arith.extui %lt3A_196 : i1 to i32
      %cond3A_198 = arith.constant 0 : i32
      %cond3A_199 = arith.cmpi ne, %convert_element_type3A_197, %cond3A_198 : i32
      scf.if %cond3A_199 {
        %add3A_200 = arith.constant 2 : i32
        %add3A_201 = arith.addi %add3A_136, %add3A_200 : i32
        %mul3A_202 = arith.constant 8 : i32
        %mul3A_203 = arith.muli %add3A_201, %mul3A_202 : i32
        %add3A_204 = arith.addi %mul3A_2, %mul3A_203 : i32
        %multiple_of3A_205 = tpu.assume_multiple %add3A_204, 8 : i32
        %dma_start3A_206 = arith.constant 0 : i32
        %dma_start3A_207 = tpu.memref_slice %arg2[%multiple_of3A_205, %dma_start3A_206] : memref<16384x2278xf32, #tpu.memory_space<hbm>> -> memref<8x2278xf32, #tpu.memory_space<hbm>>
        %dma_start3A_208 = arith.constant 0 : i32
        %dma_start3A_209 = tpu.memref_slice %arg2[%multiple_of3A_205, %dma_start3A_208] : memref<16384x2278xf32, #tpu.memory_space<hbm>> -> memref<8x2278xf32, #tpu.memory_space<hbm>>
        tpu.enqueue_dma source(%dma_start3A_209 : memref<8x2278xf32, #tpu.memory_space<hbm>>) target(%arg9 : memref<8x2278xf32, #tpu.memory_space<vmem>>) target_semaphore(%arg13 : memref<!tpu.dma_semaphore, #tpu.memory_space<semaphore_mem>>)
      } else {
      }
    }
    %scan3A_45 = arith.constant 32 : i32
    %add3A_46 = arith.constant 504 : i32
    %add3A_47 = arith.addi %mul3A_2, %add3A_46 : i32
    %add3A_48 = arith.constant 0 : i32
    %add3A_49 = arith.addi %add3A_47, %add3A_48 : i32
    %dma_wait3A = arith.constant 0 : i32
    %dma_wait3A_50 = arith.constant 0 : i32
    %dma_wait3A_51 = tpu.memref_slice %arg5[%add3A_49, %dma_wait3A, %dma_wait3A_50] : memref<16384x72x128xf32, #tpu.memory_space<hbm>> -> memref<4x72x128xf32, #tpu.memory_space<hbm>>
    %dma_wait3A_52 = arith.constant 0 : i32
    %dma_wait3A_53 = arith.constant 0 : i32
    %dma_wait3A_54 = tpu.memref_slice %arg5[%add3A_49, %dma_wait3A_52, %dma_wait3A_53] : memref<16384x72x128xf32, #tpu.memory_space<hbm>> -> memref<4x72x128xf32, #tpu.memory_space<hbm>>
    tpu.wait_dma2 semaphore(%arg14 : memref<!tpu.dma_semaphore, #tpu.memory_space<semaphore_mem>>) src(%arg10 : memref<4x72x128xf32, #tpu.memory_space<vmem>>) dst(%dma_wait3A_54 : memref<4x72x128xf32, #tpu.memory_space<hbm>>)
    %add3A_55 = arith.constant 504 : i32
    %add3A_56 = arith.addi %mul3A_2, %add3A_55 : i32
    %add3A_57 = arith.constant 4 : i32
    %add3A_58 = arith.addi %add3A_56, %add3A_57 : i32
    %dma_wait3A_59 = arith.constant 0 : i32
    %dma_wait3A_60 = arith.constant 0 : i32
    %dma_wait3A_61 = tpu.memref_slice %arg5[%add3A_58, %dma_wait3A_59, %dma_wait3A_60] : memref<16384x72x128xf32, #tpu.memory_space<hbm>> -> memref<4x72x128xf32, #tpu.memory_space<hbm>>
    %dma_wait3A_62 = arith.constant 0 : i32
    %dma_wait3A_63 = arith.constant 0 : i32
    %dma_wait3A_64 = tpu.memref_slice %arg5[%add3A_58, %dma_wait3A_62, %dma_wait3A_63] : memref<16384x72x128xf32, #tpu.memory_space<hbm>> -> memref<4x72x128xf32, #tpu.memory_space<hbm>>
    tpu.wait_dma2 semaphore(%arg15 : memref<!tpu.dma_semaphore, #tpu.memory_space<semaphore_mem>>) src(%arg11 : memref<4x72x128xf32, #tpu.memory_space<vmem>>) dst(%dma_wait3A_64 : memref<4x72x128xf32, #tpu.memory_space<hbm>>)
    return
  }
}

</mosaic_0001>

<sc_bundles>
// kernel: kernel.3.cloned.1.call-start
scs
__scs_entry_jumppad:
0x0: {  	(pc) =	sbr.rel $0x88, $3  }
0x1: {  	(tag) =	ssettag $0x0;
	lr =	simm.s32 $0x1  }
0x2: {  	[smem:$0x3FA0] =	sst lr;
	_ =	strace $0xD0000000  }
0x3: {  	_ = 	snop  }
0x4: {  	_ = 	snop  }
0x5: {  	_ = 	snop  }
0x6: {  	_ = 	snop  }
0x7: {  	_ = 	snop  }
__scs_overlays_trampoline_lowered:
0x8: {  	[smem:$0x3FAF] =	sst s0  }
0x9: {  	[smem:$0x3FB0] =	sst s1  }
0xa: {  	[smem:$0x3FB1] =	sst s2  }
0xb: {  	[smem:$0x3FB2] =	sst s3  }
0xc: {  	[smem:$0x3FB3] =	sst s4  }
0xd: {  	[smem:$0x3FB4] =	sst s5  }
0xe: {  	[smem:$0x3FB5] =	sst s6  }
0xf: {  	[smem:$0x3FB6] =	sst s7  }
0x10: {  	[smem:$0x3FB7] =	sst s8  }
0x11: {  	[smem:$0x3FB8] =	sst s9;
	s0 =	simm.s32 @!p0 $0x0  }
0x12: {  	s1 =	sld [smem:$0x3F9E];
	s0 =	simm.s32 @p0 $0x1  }
0x13: {  	[smem:$0x3FB9] =	sst s0;
	s0 =	simm.s32 @!p1 $0x0  }
0x14: {  	s2 =	sld [smem:$0x3F9D];
	s0 =	simm.s32 @p1 $0x1  }
0x15: {  	[smem:$0x3FBA] =	sst s0;
	s0 =	simm.s32 @!p2 $0x0  }
0x16: {  	s3 =	sld [smem:$0x3FDB];
	s0 =	simm.s32 @p2 $0x1  }
0x17: {  	s4 =	simm.s32 $0x1BF5;
	[smem:$0x3FBC] =	sst s0  }
0x18: {  	s0 =	sld [smem:$0x3F9F];
	_ =	swait.ge [sflag:s4], $0x0  }
0x19: {  	s7 =	sld [smem:$0x3FA0]  }
0x1a: {  	s8 =	sadd.s32 $0xFFFFE003, lr  }
0x1b: {  	s9 =	sadd.s32 $0xFFFFFEF7, lr;
	s5 =	simm.s32 $0xFFFFFFFF;
	p2 =	slt.u32 s8, $0xFFFFF086  }
0x1c: {  	p1 =	slt.u32 s9, $0xF7A;
	s5 =	simm.s32 @!p2 $0x0  }
0x1d: {  	s5 =	simm.s32 @p1 $0x1;
	p0 =	seq.s32 s7, s2  }
0x1e: {  	s7 =	smul.u32 @!p0 $0xF7A, s2;
	p2 =	seq.s32 @!p0 s5, $0x0  }
0x1f: {  	s9 =	smul.u32 $0xF7A, s1;
	s8 =	simm.s32 @!p0 $0x1BF5;
	p2 =	por !p2, p0  }
0x20: {  	[sflag:s8] =	ssyncset.s32 @!p0 $0xFFFFF086;
	s6 =	sadd.s32 @!p0 s3, s7;
	s7 =	simm.s32 @!p0 $0x108  }
0x21: {  	s3 =	sadd.s32 s3, s9;
	s6 =	sadd.s32 @!p0 $0x88, s6;
	s7 =	simm.s32 @p2 $0x1082  }
0x22: {  	[simem:s7], [sflag:s8] =	dma.local @!p0 [hbm:s6], $0xF7A  }
0x23: {  	s9 =	sor.u32 $0xD0000000, s2;
	s6 =	simm.s32 $0x108;
	_ =	swait.ge @!p0 [sflag:s8], $0x0  }
0x24: {  	s3 =	sadd.s32 $0x88, s3;
	s6 =	simm.s32 @!p1 $0x1082;
	[sflag:s4] =	ssyncset.s32 $0xFFFFF086  }
0x25: {  	[simem:s6], [sflag:s4] =	dma.local [hbm:s3], $0xF7A  }
0x26: {  	[smem:$0x3FA0] =	sst s1;
	(tag) =	ssettag s2;
	_ =	strace s9  }
0x27: {  	s1 =	sld [smem:$0x3FB0]  }
0x28: {  	s2 =	sld [smem:$0x3FB1]  }
0x29: {  	s4 =	sld [smem:$0x3FB3]  }
0x2a: {  	p0 =	seq.s32 s5, $0x0;
	s5 =	sld [smem:$0x3FB4]  }
0x2b: {  	s6 =	sld [smem:$0x3FB5]  }
0x2c: {  	s7 =	sld [smem:$0x3FB6]  }
0x2d: {  	s3 =	simm.s32 $0x108;
	s8 =	sld [smem:$0x3FB7]  }
0x2e: {  	s3 =	simm.s32 @!p0 $0x1082;
	s9 =	sld [smem:$0x3FB8]  }
0x2f: {  	lr =	sadd.s32 s0, s3;
	s0 =	sld [smem:$0x3FAF]  }
0x30: {  	s3 =	sld [smem:$0x3FB2]  }
0x31: {  	[smem:$0x3FBB] =	sst s10  }
0x32: {  	s10 =	sld [smem:$0x3FB9];
	_ =	sdelay $0x3  }
0x33: {  	p0 =	seq.s32 s10, $0x1;
	s10 =	sld [smem:$0x3FBB];
	_ =	sdelay $0x3  }
0x34: {  	[smem:$0x3FBB] =	sst s10  }
0x35: {  	s10 =	sld [smem:$0x3FBA];
	_ =	sdelay $0x3  }
0x36: {  	p1 =	seq.s32 s10, $0x1;
	s10 =	sld [smem:$0x3FBB];
	_ =	sdelay $0x3  }
0x37: {  	[smem:$0x3FBB] =	sst s10  }
0x38: {  	s10 =	sld [smem:$0x3FBC]  }
0x39: {  	_ = 	snop;
	(pc) =	sbr.ind lr, $3  }
0x3a: {  	_ = 	snop  }
0x3b: {  	_ = 	snop  }
0x3c: {  	p2 =	seq.s32 s10, $0x1;
	s10 =	sld [smem:$0x3FBB]  }
0x3d: {  	_ =	shalt  }
0x3e: {  	_ =	shalt  }
0x3f: {  	_ =	shalt  }
0x40: {  	_ =	shalt  }
0x41: {  	_ =	shalt  }
0x42: {  	_ =	shalt  }
0x43: {  	_ =	shalt  }
0x44: {  	_ =	shalt  }
0x45: {  	_ =	shalt  }
0x46: {  	_ =	shalt  }
0x47: {  	_ =	shalt  }
0x48: {  	_ =	shalt  }
0x49: {  	_ =	shalt  }
0x4a: {  	_ =	shalt  }
0x4b: {  	_ =	shalt  }
0x4c: {  	_ =	shalt  }
0x4d: {  	_ =	shalt  }
0x4e: {  	_ =	shalt  }
0x4f: {  	_ =	shalt  }
0x50: {  	_ =	shalt  }
0x51: {  	_ =	shalt  }
0x52: {  	_ =	shalt  }
0x53: {  	_ =	shalt  }
0x54: {  	_ =	shalt  }
0x55: {  	_ =	shalt  }
0x56: {  	_ =	shalt  }
0x57: {  	_ =	shalt  }
0x58: {  	_ =	shalt  }
0x59: {  	_ =	shalt  }
0x5a: {  	_ =	shalt  }
0x5b: {  	_ =	shalt  }
0x5c: {  	_ =	shalt  }
0x5d: {  	_ =	shalt  }
0x5e: {  	_ =	shalt  }
0x5f: {  	_ =	shalt  }
0x60: {  	_ =	shalt  }
0x61: {  	_ =	shalt  }
0x62: {  	_ =	shalt  }
0x63: {  	_ =	shalt  }
0x64: {  	_ =	shalt  }
0x65: {  	_ =	shalt  }
0x66: {  	_ =	shalt  }
0x67: {  	_ =	shalt  }
0x68: {  	_ =	shalt  }
0x69: {  	_ =	shalt  }
0x6a: {  	_ =	shalt  }
0x6b: {  	_ =	shalt  }
0x6c: {  	_ =	shalt  }
0x6d: {  	_ =	shalt  }
0x6e: {  	_ =	shalt  }
0x6f: {  	_ =	shalt  }
0x70: {  	_ =	shalt  }
0x71: {  	_ =	shalt  }
0x72: {  	_ =	shalt  }
0x73: {  	_ =	shalt  }
0x74: {  	_ =	shalt  }
0x75: {  	_ =	shalt  }
0x76: {  	_ =	shalt  }
0x77: {  	_ =	shalt  }
0x78: {  	_ =	shalt  }
0x79: {  	_ =	shalt  }
0x7a: {  	_ =	shalt  }
0x7b: {  	_ =	shalt  }
0x7c: {  	_ =	shalt  }
0x7d: {  	_ =	shalt  }
0x7e: {  	_ =	shalt  }
0x7f: {  	_ =	shalt  }
0x80: {  	_ =	shalt  }
0x81: {  	_ =	shalt  }
0x82: {  	_ =	shalt  }
0x83: {  	_ =	shalt  }
0x84: {  	_ =	shalt  }
0x85: {  	_ =	shalt  }
0x86: {  	_ =	shalt  }
0x87: {  	_ =	shalt  }
.Lfunc_end0:
.L_simem_size_0:
called_computation.1_lowered:
.L_overlay_start_0:
0x88: {  	s2 =	sld [smem:$0x3FD9]  }
0x89: {  	s3 =	sld [smem:$0x3FFE];
	_ =	sdelay $0x1  }
0x8a: {  	s1 =	srdreg.scid  }
0x8b: {  	s0 =	sand.u32 $0x1, s1  }
0x8c: {  	s17 =	sshll.u32 s0, $0xA;
	s2 =	sadd.s32 s3, s2  }
0x8d: {  	s2 =	sadd.s32 s2, s17  }
0x8e: {  	[smem:$0x3FC7] =	sst s2  }
0x8f: {  	_ = 	snop  }
0x90: {  	s2 =	sld [smem:$0x3FD0];
	(tm) =	ssettm $0x1  }
0x91: {  	s18 =	sld [smem:$0x3FFB];
	_ =	sdelay $0x3  }
0x92: {  	_ =	strace s18  }
0x93: {  	s3 =	sld [smem:$0x3FFC];
	_ =	sdelay $0x3  }
0x94: {  	_ =	strace s3  }
0x95: {  	s3 =	sld [smem:$0x3FFD];
	_ =	sdelay $0x3  }
0x96: {  	_ =	strace s3  }
0x97: {  	_ =	strace $0x8FFFFFFF  }
0x98: {  	s19 =	sld [smem:$0x3FDB];
	_ =	sdelay $0x1  }
0x99: {  	s4 =	simm.s32 $_scs_section_size  }
0x9a: {  	s5 =	simm.s32 $_size__tile_overlayer_lowered;
	s6 =	simm.s32 $_tile_overlayer_lowered  }
0x9b: {  	s22 =	simm.s32 $0x1BFF;
	s21 =	sshll.u32 s6, $0x1;
	s3 =	sadd.s32 s4, s19  }
0x9c: {  	s7 =	simm.s32 $0x0;
	s20 =	sshll.u32 s5, $0x1;
	s5 =	sadd.s32 s21, s3  }
0x9d: {  	[timem:s7], [sflag:s22] =	dma.local [hbm:s5], s20  }
0x9e: {  	_ =	swait.ge [sflag:s22], s20  }
0x9f: {  	s4 =	ssub.s32 $0x0, s20;
	[sflag:s22] =	ssyncset.done $0x0  }
0xa0: {  	[sflag:s22] =	ssyncadd.s32 s4;
	_ =	sdelay $0x1  }
0xa1: {  	s23 =	simm.s32 $0x1B8B  }
0xa2: {  	_ =	swait.ge [sflag:s23], $0x1  }
0xa3: {  	[sflag:s23] =	ssyncset.done $0x0  }
0xa4: {  	s25 =	simm.s32 $0x1B8E;
	s24 =	sld [smem:$0x3FFE];
	[sflag:s23] =	ssyncadd.s32 $0xFFFFFFFF  }
0xa5: {  	s26 =	simm.s32 $execute0_lowered;
	[smem:$0x3FD2] =	sst s25  }
0xa6: {  	s5 =	sshll.u32 s26, $0x1;
	_ =	strace $0x80000046;
	[dreg:$0x1] =	wrdreg $0xFFFFFFFF  }
0xa7: {  	s28 =	simm.s32 $_size_execute0_lowered;
	s3 =	sadd.s32 s3, s5;
	[dreg:$0x0] =	wrdreg $0x0  }
0xa8: {  	s5 =	sshll.u32 s28, $0x1;
	[dreg:$0x2] =	wrdreg s3  }
0xa9: {  	[dreg:$0x3] =	wrdreg s5  }
0xaa: {  	[dreg:$0x4] =	wrdreg $0xC0  }
0xab: {  	_ =	task [dreg:s7], $0x5FFFF  }
0xac: {  	[dreg:$0x1] =	wrdreg $0xFFFFFFFF  }
0xad: {  	[dreg:$0x0] =	wrdreg $0x60  }
0xae: {  	[dreg:$0x2] =	wrdreg s2  }
0xaf: {  	[dreg:$0x3] =	wrdreg s24  }
0xb0: {  	[dreg:$0x4] =	wrdreg $0x9  }
0xb1: {  	_ =	task.clear_ibuf [dreg:s7], $0x5FFFF;
	_ =	strace $0x90000046  }
0xb2: {  	s29 =	simm.s32 $0x9;
	_ =	strace $0x80000048  }
0xb3: {  	_ =	swait.ge [sflag:s29], $0x1  }
0xb4: {  	[sflag:s29] =	ssyncadd.s32 $0xFFFFFFFF  }
0xb5: {  	_ =	strace $0x90000048  }
0xb6: {  	_ =	sfence  }
0xb7: {  	s30 =	sld [smem:$0x0];
	_ =	sdelay $0x2  }
0xb8: {  	s31 =	sshll.u32 s1, $0xD;
	s1 =	sshrl.u32 s1, $0x2  }
0xb9: {  	s3 =	sand.u32 $0x4000, s31;
	s1 =	sadd.s32 s1, s30  }
0xba: {  	s0 =	sor.u32 s3, s0;
	s1 =	sshll.u32 s1, $0x11  }
0xbb: {  	s0 =	sor.u32 s1, s0  }
0xbc: {  	s0 =	sadd.s32 $0x8F2B, s0  }
0xbd: {  	[sflag:s0] =	ssyncadd.remote.s32 $0x1  }
0xbe: {  	_ =	sfence.sel $0xFFFF  }
0xbf: {  	[dreg:$0x0] =	wrdreg $0xFFFFFFFF;
	(pc) =	sbr.abs _section_cstart, $3  }
0xc0: {  	[dreg:$0x1] =	wrdreg $0xFFFFFFFF  }
0xc1: {  	_ =	task.clear_ibuf [dreg:s7], $0x2FFFF;
	_ =	strace $0x9FFFFFFF  }
0xc2: {  	(tm) =	ssettm $0x7FFFFFFF  }
0xc3: {  	_ =	shalt  }
tec
execute0_lowered:
.L_overlay_start_1:
0x0: {  	(tag) =	ssettag $0x1  }
0x1: {  	s0 =	srdreg.scid  }
0x2: {  	s2 =	rddreg [dreg:$0x0];
	s3 =	stileid.u32  }
0x3: {  	s1 =	rddreg [dreg:$0x1];
	s15 =	simm.s32 $0x5;
	s17 =	simm.s32 $0x2B00  }
0x4: {  	s18 =	simm.s32 $0x7300;
	s19 =	simm.s32 $0xBB00;
	s20 =	simm.s32 $0x14B00  }
0x5: {  	s21 =	simm.s32 $0x1;
	s22 =	simm.s32 $0x3;
	s23 =	simm.s32 $0x4  }
0x6: {  	s24 =	simm.s32 $0x2;
	s25 =	simm.s32 $0x0;
	s0 =	sand.u32 $0x1, s0  }
0x7: {  	s4 =	sshll.u32 s3, $0xA;
	s3 =	simm.s32 $0x0;
	s5 =	sshll.u32 s0, $0x9  }
0x8: {  	s6 =	sadd.s32 $0xC00, s1;
	s26 =	sadd.s32 $0x800, s1;
	s4 =	sor.u32 s5, s4  }
0x9: {  	s7 =	sadd.s32 $0x1000, s1;
	s5 =	sshrl.u32 s4, $0x3;
	s28 =	smul.u32 $0x480, s4  }
0xa: {  	[smem:$0x7FF] =	sst s3;
	s0 =	ssub.s32 $0x2, s0;
	s5 =	smul.u32 $0x900, s5  }
.Ltmp0:
0xb: {  	_ =	strace $0x80000047;
	[dreg:$0x3] =	wrdreg s6;
	(pc) =	sbr.rel .LBB2_1-.Ltmp0, $4  }
0xc: {  	[dreg:$0x4] =	wrdreg s26;
	s29 =	sshrl.u32 s0, $0x1;
	s10 =	sadd.s32 s7, s28  }
0xd: {  	s0 =	ssub.s32 s0, s29;
	s8 =	sadd.s32 s2, s5;
	s31 =	sadd.s32 $0x1200, s10  }
0xe: {  	s12 =	sor.u32 $0x10, s4;
	s30 =	sadd.s32 $0x900, s8;
	[dreg:$0x6] =	wrdreg s31  }
0xf: {  	s13 =	sor.u32 $0x18, s4;
	s14 =	smax.u32 s0, $0x1;
	[dreg:$0x5] =	wrdreg s30  }
.LBB2_12:
0x10: {  	s25 =	sadd.s32 $0x1, s25  }
0x11: {  	_ =	swait.ge [sflag:s22], $0x9000;
	p0 =	sne.s32 s25, s14  }
.Ltmp1:
0x12: {  	[sflag:s22] =	ssyncset.done $0x0;
	(pc) =	sbr.rel @!p0 .LBB2_13-.Ltmp1, $4  }
0x13: {  	[sflag:s22] =	ssyncadd.s32 $0xFFFF7000  }
0x14: {  	_ =	swait.ge [sflag:s23], $0x9000  }
0x15: {  	[sflag:s23] =	ssyncset.done $0x0  }
0x16: {  	[sflag:s23] =	ssyncadd.s32 $0xFFFF7000  }
.LBB2_1:
0x17: {  	s0 =	rddreg [dreg:$0x3]  }
0x18: {  	[tilespmem:s3], [sflag:$0x5] =	stream.linear.gather [hbm4b:s0+s3], $0x1580, $0x38;
	[tilespmem:$0x1DB00] =	vst v63  }
0x19: {  	_ =	swait.ge [sflag:s15], $0x1580  }
0x1a: {  	[sflag:s15] =	ssyncset.done $0x0  }
0x1b: {  	s1 =	simm.s32 $0x1580;
	s29 =	rddreg [dreg:$0x4];
	[sflag:s15] =	ssyncadd.s32 $0xFFFFEA80  }
0x1c: {  	[tilespmem:s1], [sflag:$0x5] =	stream.linear.gather [hbm4b:s29+s3], $0x1580, $0x38;
	[tilespmem:$0x1DB00] =	vst v63  }
0x1d: {  	_ =	swait.ge [sflag:s15], $0x1580  }
0x1e: {  	[sflag:s15] =	ssyncset.done $0x0  }
0x1f: {  	[sflag:s15] =	ssyncadd.s32 $0xFFFFEA80  }
0x20: {  	[tilespmem:s17], [sflag:$0x1] =	stream.linear.gather [hbm4b:s8+s3], $0x4800, $0x38;
	[tilespmem:$0x1DB00] =	vst v63  }
0x21: {  	s30 =	rddreg [dreg:$0x5]  }
0x22: {  	[tilespmem:s18], [sflag:$0x2] =	stream.linear.gather [hbm4b:s30+s3], $0x4800, $0x38;
	[tilespmem:$0x1DB00] =	vst v63  }
0x23: {  	_ = 	snop  }
0x24: {  	[hbm4b:s10+s3] =	stream.linear.scatter [tilespmem:s19], [sflag:$0x3], $0x9000, $0x38;
	[tilespmem:$0x1DB00] =	vst v63  }
0x25: {  	s26 =	simm.s32 $0x0;
	s31 =	rddreg [dreg:$0x6]  }
0x26: {  	[hbm4b:s31+s3] =	stream.linear.scatter [tilespmem:s20], [sflag:$0x4], $0x9000, $0x38;
	[tilespmem:$0x1DB00] =	vst v63  }
.LBB2_2:
0x27: {  	_ =	swait.ge [sflag:s21], $0x4800  }
0x28: {  	[sflag:s21] =	ssyncset.done $0x0  }
0x29: {  	[sflag:s21] =	ssyncadd.s32 $0xFFFFB800  }
0x2a: {  	_ =	swait.ge [sflag:s22], $0x9000  }
0x2b: {  	[sflag:s22] =	ssyncset.done $0x0  }
0x2c: {  	s0 =	simm.s32 $0xA0;
	[sflag:s22] =	ssyncadd.s32 $0xFFFF7000  }
0x2d: {  	v0 =	vld [tilespmem:s0+$0x50];
	_ =	sdelay $0x3  }
0x2e: {  	v2 =	vld [tilespmem:s0+$0xFFFFFF60]  }
0x2f: {  	v1 =	vshll.u32 v0, $0x3  }
0x30: {  	v0 =	vand.u32 $0x7F, v0;
	v1 =	vand.u32 $0xFFFFFC00, v1  }
0x31: {  	v3 =	vld [tilespmem:s0+$0xFFFFFFB0];
	v0 =	vor.u32 v0, v1;
	_ =	sdelay $0x1  }
0x32: {  	v4 =	vshll.u32 v2, $0x3  }
0x33: {  	s1 =	simm.s32 $0x1620;
	v2 =	vand.u32 $0x7F, v2;
	v4 =	vand.u32 $0xFFFFFC00, v4;
	v1 =	vld [tilespmem:s0+$0x0]  }
0x34: {  	v2 =	vor.u32 v2, v4;
	v4 =	vld [tilespmem:s1+$0x50]  }
0x35: {  	v5 =	vshll.u32 v3, $0x3;
	v6 =	vld.idx.msk [tilespmem:v0+s17+$0x0], $0xffff  }
0x36: {  	v3 =	vand.u32 $0x7F, v3;
	v5 =	vand.u32 $0xFFFFFC00, v5  }
0x37: {  	v3 =	vor.u32 v3, v5  }
0x38: {  	v7 =	vor.u32 $0x80, v0  }
0x39: {  	v8 =	vld [tilespmem:s1+$0xFFFFFF60];
	v5 =	vshll.u32 v1, $0x3  }
0x3a: {  	v10 =	vld [tilespmem:s1+$0xFFFFFFB0];
	v1 =	vand.u32 $0x7F, v1;
	v5 =	vand.u32 $0xFFFFFC00, v5;
	v6 =	vmul.f32 v6, v4  }
0x3b: {  	s28 =	simm.s32 $0x128C0;
	v1 =	vor.u32 v1, v5;
	v5 =	vld.idx.msk [tilespmem:v2+s17+$0x0], $0xffff  }
0x3c: {  	v9 =	vld.idx.msk [tilespmem:v3+s17+$0x0], $0xffff;
	[tilespmem:s28+$0xFFFF93C0] =	vst v6  }
0x3d: {  	v6 =	vld.idx.msk [tilespmem:v7+s17+$0x0], $0xffff  }
0x3e: {  	v7 =	vor.u32 $0x80, v2  }
0x3f: {  	v13 =	vld [tilespmem:s1+$0x0];
	v11 =	vor.u32 $0x80, v3  }
0x40: {  	v14 =	vor.u32 $0x100, v0;
	v12 =	vld.idx.msk [tilespmem:v1+s17+$0x0], $0xffff;
	v5 =	vmul.f32 v5, v8  }
0x41: {  	v9 =	vmul.f32 v9, v10  }
0x42: {  	[tilespmem:s28+$0xFFFF9240] =	vst v5;
	v5 =	vmul.f32 v6, v4  }
0x43: {  	[tilespmem:s28+$0xFFFF92C0] =	vst v9;
	v6 =	vor.u32 $0x80, v1;
	v7 =	vld.idx.msk [tilespmem:v7+s17+$0x0], $0xffff  }
0x44: {  	v9 =	vld.idx.msk [tilespmem:v11+s17+$0x0], $0xffff;
	[tilespmem:s28+$0xFFFFB7C0] =	vst v5  }
0x45: {  	v5 =	vmul.f32 v12, v13;
	v11 =	vld.idx.msk [tilespmem:v14+s17+$0x0], $0xffff  }
0x46: {  	v12 =	vor.u32 $0x100, v2  }
0x47: {  	v14 =	vor.u32 $0x100, v3;
	[tilespmem:s28+$0xFFFF9340] =	vst v5  }
0x48: {  	v0 =	vor.u32 $0x180, v0;
	v5 =	vld.idx.msk [tilespmem:v6+s17+$0x0], $0xffff;
	v6 =	vmul.f32 v7, v8  }
0x49: {  	v7 =	vmul.f32 v9, v10  }
0x4a: {  	[tilespmem:s28+$0xFFFFB640] =	vst v6;
	v6 =	vmul.f32 v11, v4  }
0x4b: {  	v9 =	vor.u32 $0x100, v1;
	[tilespmem:s28+$0xFFFFB6C0] =	vst v7;
	v11 =	vld.idx.msk [tilespmem:v12+s17+$0x0], $0xffff  }
0x4c: {  	v7 =	vld.idx.msk [tilespmem:v14+s17+$0x0], $0xffff;
	[tilespmem:s28+$0xFFFFDBC0] =	vst v6  }
0x4d: {  	v5 =	vmul.f32 v5, v13;
	v0 =	vld.idx.msk [tilespmem:v0+s17+$0x0], $0xffff  }
0x4e: {  	v2 =	vor.u32 $0x180, v2  }
0x4f: {  	v3 =	vor.u32 $0x180, v3;
	[tilespmem:s28+$0xFFFFB740] =	vst v5  }
0x50: {  	v5 =	vmul.f32 v11, v8;
	v6 =	vld.idx.msk [tilespmem:v9+s17+$0x0], $0xffff  }
0x51: {  	v7 =	vmul.f32 v7, v10  }
0x52: {  	[tilespmem:s28+$0xFFFFDA40] =	vst v5;
	v0 =	vmul.f32 v0, v4  }
0x53: {  	v1 =	vor.u32 $0x180, v1;
	[tilespmem:s28+$0xFFFFDAC0] =	vst v7;
	v2 =	vld.idx.msk [tilespmem:v2+s17+$0x0], $0xffff  }
0x54: {  	v3 =	vld.idx.msk [tilespmem:v3+s17+$0x0], $0xffff;
	[tilespmem:s28+$0xFFFFFFC0] =	vst v0  }
0x55: {  	v0 =	vmul.f32 v6, v13;
	v4 =	vld [tilespmem:s0+$0x60];
	_ =	sdelay $0x1  }
0x56: {  	[tilespmem:s28+$0xFFFFDB40] =	vst v0  }
0x57: {  	v0 =	vld.idx.msk [tilespmem:v1+s17+$0x0], $0xffff;
	v1 =	vmul.f32 v2, v8  }
0x58: {  	v2 =	vmul.f32 v3, v10  }
0x59: {  	[tilespmem:s28+$0xFFFFFE40] =	vst v1;
	v3 =	vshll.u32 v4, $0x3  }
0x5a: {  	[tilespmem:s28+$0xFFFFFEC0] =	vst v2;
	v1 =	vand.u32 $0x7F, v4;
	v4 =	vld [tilespmem:s0+$0xFFFFFF70];
	v3 =	vand.u32 $0xFFFFFC00, v3  }
0x5b: {  	v2 =	vld [tilespmem:s0+$0xFFFFFFC0];
	v1 =	vor.u32 v1, v3  }
0x5c: {  	v0 =	vmul.f32 v0, v13;
	_ =	sdelay $0x1  }
0x5d: {  	v7 =	vld [tilespmem:s1+$0x60];
	[tilespmem:s28+$0xFFFFFF40] =	vst v0  }
0x5e: {  	v0 =	vld [tilespmem:s0+$0x10];
	v3 =	vshll.u32 v4, $0x3  }
0x5f: {  	v4 =	vand.u32 $0x7F, v4;
	v6 =	vshll.u32 v2, $0x3;
	v3 =	vand.u32 $0xFFFFFC00, v3;
	v5 =	vld.idx.msk [tilespmem:v1+s17+$0x0], $0xffff  }
0x60: {  	v2 =	vand.u32 $0x7F, v2;
	v3 =	vor.u32 v4, v3;
	v4 =	vand.u32 $0xFFFFFC00, v6  }
0x61: {  	v2 =	vor.u32 v2, v4  }
0x62: {  	v4 =	vor.u32 $0x80, v1  }
0x63: {  	v9 =	vld [tilespmem:s1+$0xFFFFFFC0]  }
0x64: {  	v6 =	vld [tilespmem:s1+$0xFFFFFF70];
	v8 =	vshll.u32 v0, $0x3;
	v5 =	vmul.f32 v5, v7  }
0x65: {  	v0 =	vand.u32 $0x7F, v0;
	v8 =	vand.u32 $0xFFFFFC00, v8;
	v10 =	vld.idx.msk [tilespmem:v3+s17+$0x0], $0xffff  }
0x66: {  	v0 =	vor.u32 v0, v8;
	v8 =	vld.idx.msk [tilespmem:v2+s17+$0x0], $0xffff;
	[tilespmem:s28+$0xFFFF93D0] =	vst v5  }
0x67: {  	v4 =	vld.idx.msk [tilespmem:v4+s17+$0x0], $0xffff  }
0x68: {  	v5 =	vor.u32 $0x80, v3  }
0x69: {  	v12 =	vor.u32 $0x80, v2  }
0x6a: {  	v14 =	vor.u32 $0x100, v1;
	v11 =	vld [tilespmem:s1+$0x10];
	v10 =	vmul.f32 v10, v6  }
0x6b: {  	v13 =	vld.idx.msk [tilespmem:v0+s17+$0x0], $0xffff;
	v8 =	vmul.f32 v8, v9  }
0x6c: {  	[tilespmem:s28+$0xFFFF9250] =	vst v10;
	v4 =	vmul.f32 v4, v7  }
0x6d: {  	v5 =	vld.idx.msk [tilespmem:v5+s17+$0x0], $0xffff;
	[tilespmem:s28+$0xFFFF92D0] =	vst v8  }
0x6e: {  	v8 =	vld.idx.msk [tilespmem:v12+s17+$0x0], $0xffff;
	[tilespmem:s28+$0xFFFFB7D0] =	vst v4  }
0x6f: {  	v10 =	vor.u32 $0x80, v0;
	v12 =	vld.idx.msk [tilespmem:v14+s17+$0x0], $0xffff  }
0x70: {  	v4 =	vmul.f32 v13, v11  }
0x71: {  	v13 =	vor.u32 $0x100, v3  }
0x72: {  	v1 =	vor.u32 $0x180, v1;
	[tilespmem:s28+$0xFFFF9350] =	vst v4;
	v4 =	vmul.f32 v5, v6;
	_ =	sdelay $0x1  }
0x73: {  	v5 =	vld.idx.msk [tilespmem:v10+s17+$0x0], $0xffff;
	[tilespmem:s28+$0xFFFFB650] =	vst v4;
	v4 =	vmul.f32 v12, v7  }
0x74: {  	v14 =	vor.u32 $0x100, v2  }
0x75: {  	v12 =	vld.idx.msk [tilespmem:v13+s17+$0x0], $0xffff;
	[tilespmem:s28+$0xFFFFDBD0] =	vst v4  }
0x76: {  	v10 =	vor.u32 $0x100, v0;
	v8 =	vmul.f32 v8, v9;
	v1 =	vld.idx.msk [tilespmem:v1+s17+$0x0], $0xffff;
	_ =	sdelay $0x1  }
0x77: {  	v3 =	vor.u32 $0x180, v3;
	[tilespmem:s28+$0xFFFFB6D0] =	vst v8;
	v4 =	vmul.f32 v5, v11  }
0x78: {  	v8 =	vld.idx.msk [tilespmem:v14+s17+$0x0], $0xffff  }
0x79: {  	[tilespmem:s28+$0xFFFFB750] =	vst v4;
	v4 =	vmul.f32 v12, v6  }
0x7a: {  	v5 =	vld.idx.msk [tilespmem:v10+s17+$0x0], $0xffff;
	v1 =	vmul.f32 v1, v7  }
0x7b: {  	v2 =	vor.u32 $0x180, v2;
	[tilespmem:s28+$0xFFFFDA50] =	vst v4  }
0x7c: {  	v3 =	vld.idx.msk [tilespmem:v3+s17+$0x0], $0xffff;
	[tilespmem:s28+$0xFFFFFFD0] =	vst v1  }
0x7d: {  	v0 =	vor.u32 $0x180, v0;
	v8 =	vmul.f32 v8, v9;
	v4 =	vld [tilespmem:s0+$0x70];
	_ =	sdelay $0x1  }
0x7e: {  	[tilespmem:s28+$0xFFFFDAD0] =	vst v8;
	v1 =	vmul.f32 v5, v11  }
0x7f: {  	v2 =	vld.idx.msk [tilespmem:v2+s17+$0x0], $0xffff  }
0x80: {  	[tilespmem:s28+$0xFFFFDB50] =	vst v1;
	v1 =	vmul.f32 v3, v6  }
0x81: {  	v0 =	vld.idx.msk [tilespmem:v0+s17+$0x0], $0xffff;
	v3 =	vshll.u32 v4, $0x3  }
0x82: {  	[tilespmem:s28+$0xFFFFFE50] =	vst v1;
	v1 =	vand.u32 $0x7F, v4;
	v3 =	vand.u32 $0xFFFFFC00, v3  }
0x83: {  	v3 =	vor.u32 v1, v3  }
0x84: {  	v2 =	vmul.f32 v2, v9  }
0x85: {  	v4 =	vld [tilespmem:s0+$0xFFFFFF80]  }
0x86: {  	v7 =	vld [tilespmem:s1+$0x70];
	[tilespmem:s28+$0xFFFFFED0] =	vst v2;
	v0 =	vmul.f32 v0, v11  }
0x87: {  	v1 =	vld [tilespmem:s0+$0xFFFFFFD0]  }
0x88: {  	[tilespmem:s28+$0xFFFFFF50] =	vst v0;
	v5 =	vld.idx.msk [tilespmem:v3+s17+$0x0], $0xffff  }
0x89: {  	v0 =	vld [tilespmem:s0+$0x20]  }
0x8a: {  	v2 =	vshll.u32 v4, $0x3  }
0x8b: {  	s6 =	simm.s32 $0x1E0;
	v9 =	vor.u32 $0x80, v3;
	v4 =	vand.u32 $0x7F, v4;
	v2 =	vand.u32 $0xFFFFFC00, v2  }
0x8c: {  	v15 =	vld [tilespmem:s6+$0x0];
	v6 =	vshll.u32 v1, $0x3;
	v4 =	vor.u32 v4, v2  }
0x8d: {  	v13 =	vld [tilespmem:s6+$0xFFFFFFB0];
	v1 =	vand.u32 $0x7F, v1;
	v2 =	vand.u32 $0xFFFFFC00, v6;
	v5 =	vmul.f32 v5, v7  }
0x8e: {  	v6 =	vor.u32 v1, v2;
	v2 =	vld [tilespmem:s1+$0xFFFFFF80];
	v8 =	vshll.u32 v0, $0x3  }
0x8f: {  	v1 =	vld [tilespmem:s1+$0xFFFFFFD0];
	v10 =	vand.u32 $0x7F, v0;
	v8 =	vand.u32 $0xFFFFFC00, v8;
	[tilespmem:s28+$0xFFFF93E0] =	vst v5  }
0x90: {  	v8 =	vor.u32 v10, v8;
	v5 =	vld.idx.msk [tilespmem:v9+s17+$0x0], $0xffff  }
0x91: {  	v9 =	vld [tilespmem:s6+$0x50]  }
0x92: {  	v10 =	vld.idx.msk [tilespmem:v4+s17+$0x0], $0xffff  }
0x93: {  	v14 =	vor.u32 $0x100, v3;
	v11 =	vld.idx.msk [tilespmem:v6+s17+$0x0], $0xffff  }
0x94: {  	v0 =	vld [tilespmem:s1+$0x20]  }
0x95: {  	v12 =	vld.idx.msk [tilespmem:v8+s17+$0x0], $0xffff;
	v5 =	vmul.f32 v5, v7  }
0x96: {  	v17 =	vld [tilespmem:s6+$0xFFFFFF60];
	v3 =	vor.u32 $0x180, v3;
	v16 =	vor.u32 $0x80, v4;
	v20 =	vshll.u32 v9, $0x3  }
0x97: {  	v10 =	vmul.f32 v10, v2;
	[tilespmem:s28+$0xFFFFB7E0] =	vst v5;
	v5 =	vand.u32 $0x7F, v9;
	v9 =	vand.u32 $0xFFFFFC00, v20  }
0x98: {  	s5 =	simm.s32 $0x1760;
	v18 =	vor.u32 $0x80, v6;
	v11 =	vmul.f32 v11, v1;
	v14 =	vld.idx.msk [tilespmem:v14+s17+$0x0], $0xffff;
	v5 =	vor.u32 v5, v9  }
0x99: {  	v24 =	vld [tilespmem:s5+$0xFFFFFFB0];
	v19 =	vor.u32 $0x80, v8;
	[tilespmem:s28+$0xFFFF9260] =	vst v10;
	v10 =	vshll.u32 v13, $0x3;
	v13 =	vand.u32 $0x7F, v13  }
0x9a: {  	v26 =	vld [tilespmem:s5+$0x0];
	v10 =	vand.u32 $0xFFFFFC00, v10;
	[tilespmem:s28+$0xFFFF92E0] =	vst v11;
	v11 =	vshll.u32 v15, $0x3;
	v9 =	vmul.f32 v12, v0  }
0x9b: {  	v15 =	vand.u32 $0x7F, v15;
	v11 =	vand.u32 $0xFFFFFC00, v11;
	v12 =	vld.idx.msk [tilespmem:v16+s17+$0x0], $0xffff;
	v16 =	vshll.u32 v17, $0x3  }
0x9c: {  	v11 =	vor.u32 v15, v11;
	v15 =	vld [tilespmem:s5+$0x50];
	v16 =	vand.u32 $0xFFFFFC00, v16;
	[tilespmem:s28+$0xFFFF9360] =	vst v9;
	v9 =	vand.u32 $0x7F, v17  }
0x9d: {  	v10 =	vor.u32 v13, v10;
	v9 =	vor.u32 v9, v16;
	v13 =	vld.idx.msk [tilespmem:v5+s17+$0x0], $0xffff;
	v14 =	vmul.f32 v14, v7  }
0x9e: {  	v18 =	vld.idx.msk [tilespmem:v18+s17+$0x0], $0xffff  }
0x9f: {  	v17 =	vld.idx.msk [tilespmem:v19+s17+$0x0], $0xffff;
	[tilespmem:s28+$0xFFFFDBE0] =	vst v14  }
0xa0: {  	v20 =	vor.u32 $0x100, v4;
	v3 =	vld.idx.msk [tilespmem:v3+s17+$0x0], $0xffff  }
0xa1: {  	v16 =	vld [tilespmem:s5+$0xFFFFFF60];
	v19 =	vor.u32 $0x80, v5;
	v12 =	vmul.f32 v12, v2  }
0xa2: {  	v23 =	vor.u32 $0x100, v6;
	v14 =	vld.idx.msk [tilespmem:v9+s17+$0x0], $0xffff;
	v13 =	vmul.f32 v13, v15  }
0xa3: {  	s29 =	simm.s32 $0x12AC0;
	v21 =	vld.idx.msk [tilespmem:v10+s17+$0x0], $0xffff;
	[tilespmem:s28+$0xFFFFB660] =	vst v12  }
0xa4: {  	v22 =	vld.idx.msk [tilespmem:v11+s17+$0x0], $0xffff;
	[tilespmem:s29+$0xFFFF93C0] =	vst v13;
	v13 =	vmul.f32 v18, v1  }
0xa5: {  	v25 =	vor.u32 $0x80, v9;
	v18 =	vld.idx.msk [tilespmem:v20+s17+$0x0], $0xffff;
	v3 =	vmul.f32 v3, v7  }
0xa6: {  	v7 =	vor.u32 $0x100, v8;
	v12 =	vld.idx.msk [tilespmem:v19+s17+$0x0], $0xffff;
	[tilespmem:s28+$0xFFFFB6E0] =	vst v13  }
0xa7: {  	v14 =	vmul.f32 v14, v16;
	v19 =	vor.u32 $0x80, v11;
	[tilespmem:s28+$0xFFFFFFE0] =	vst v3;
	v20 =	vld.idx.msk [tilespmem:v23+s17+$0x0], $0xffff  }
0xa8: {  	s16 =	simm.s32 $0x18A0;
	v17 =	vmul.f32 v17, v0;
	v3 =	vor.u32 $0x80, v10;
	v13 =	vld [tilespmem:s0+$0x80]  }
0xa9: {  	v35 =	vld [tilespmem:s16+$0xFFFFFFB0];
	v22 =	vmul.f32 v22, v26;
	[tilespmem:s29+$0xFFFF9240] =	vst v14;
	v14 =	vmul.f32 v21, v24;
	v21 =	vor.u32 $0x100, v5  }
0xaa: {  	v4 =	vor.u32 $0x180, v4;
	[tilespmem:s28+$0xFFFFB760] =	vst v17;
	v17 =	vld.idx.msk [tilespmem:v25+s17+$0x0], $0xffff  }
0xab: {  	v6 =	vor.u32 $0x180, v6;
	[tilespmem:s29+$0xFFFF9340] =	vst v22;
	v7 =	vld.idx.msk [tilespmem:v7+s17+$0x0], $0xffff;
	v12 =	vmul.f32 v12, v15  }
0xac: {  	[tilespmem:s29+$0xFFFF92C0] =	vst v14;
	v18 =	vmul.f32 v18, v2;
	v19 =	vld.idx.msk [tilespmem:v19+s17+$0x0], $0xffff  }
0xad: {  	v14 =	vor.u32 $0x100, v9;
	v3 =	vld.idx.msk [tilespmem:v3+s17+$0x0], $0xffff;
	[tilespmem:s29+$0xFFFFB7C0] =	vst v12;
	v12 =	vmul.f32 v20, v1;
	v22 =	vshll.u32 v13, $0x3  }
0xae: {  	v8 =	vor.u32 $0x180, v8;
	[tilespmem:s28+$0xFFFFDA60] =	vst v18;
	v13 =	vand.u32 $0x7F, v13;
	v21 =	vld.idx.msk [tilespmem:v21+s17+$0x0], $0xffff;
	v20 =	vand.u32 $0xFFFFFC00, v22  }
0xaf: {  	v4 =	vld.idx.msk [tilespmem:v4+s17+$0x0], $0xffff;
	v17 =	vmul.f32 v17, v16;
	[tilespmem:s28+$0xFFFFDAE0] =	vst v12;
	v13 =	vor.u32 v13, v20  }
0xb0: {  	v12 =	vor.u32 $0x100, v10;
	v7 =	vmul.f32 v7, v0;
	v6 =	vld.idx.msk [tilespmem:v6+s17+$0x0], $0xffff  }
0xb1: {  	v5 =	vor.u32 $0x180, v5;
	[tilespmem:s29+$0xFFFFB640] =	vst v17;
	v20 =	vld [tilespmem:s1+$0x80]  }
0xb2: {  	v14 =	vld.idx.msk [tilespmem:v14+s17+$0x0], $0xffff;
	[tilespmem:s28+$0xFFFFDB60] =	vst v7;
	v7 =	vor.u32 $0x100, v11;
	v3 =	vmul.f32 v3, v24  }
0xb3: {  	v8 =	vld.idx.msk [tilespmem:v8+s17+$0x0], $0xffff;
	v17 =	vmul.f32 v21, v15  }
0xb4: {  	v19 =	vmul.f32 v19, v26;
	[tilespmem:s29+$0xFFFFB6C0] =	vst v3;
	v18 =	vld.idx.msk [tilespmem:v13+s17+$0x0], $0xffff  }
0xb5: {  	v2 =	vmul.f32 v4, v2;
	v3 =	vor.u32 $0x180, v9;
	v4 =	vld.idx.msk [tilespmem:v12+s17+$0x0], $0xffff;
	[tilespmem:s29+$0xFFFFDBC0] =	vst v17  }
0xb6: {  	[tilespmem:s29+$0xFFFFB740] =	vst v19;
	v1 =	vmul.f32 v6, v1;
	v5 =	vld.idx.msk [tilespmem:v5+s17+$0x0], $0xffff  }
0xb7: {  	[tilespmem:s28+$0xFFFFFE60] =	vst v2;
	v2 =	vmul.f32 v14, v16;
	v6 =	vld.idx.msk [tilespmem:v7+s17+$0x0], $0xffff;
	v7 =	vor.u32 $0x80, v13  }
0xb8: {  	v9 =	vor.u32 $0x180, v10;
	[tilespmem:s28+$0xFFFFFEE0] =	vst v1;
	v1 =	vld [tilespmem:s0+$0xFFFFFF90];
	v0 =	vmul.f32 v8, v0  }
0xb9: {  	[tilespmem:s29+$0xFFFFDA40] =	vst v2;
	v8 =	vld [tilespmem:s0+$0xFFFFFFE0];
	v2 =	vmul.f32 v18, v20  }
0xba: {  	v3 =	vld.idx.msk [tilespmem:v3+s17+$0x0], $0xffff;
	[tilespmem:s28+$0xFFFFFF60] =	vst v0;
	v0 =	vmul.f32 v4, v24  }
0xbb: {  	v4 =	vor.u32 $0x180, v11;
	v10 =	vld [tilespmem:s0+$0x30];
	[tilespmem:s28+$0xFFFF93F0] =	vst v2  }
0xbc: {  	v2 =	vmul.f32 v5, v15;
	[tilespmem:s29+$0xFFFFDAC0] =	vst v0;
	v5 =	vld.idx.msk [tilespmem:v7+s17+$0x0], $0xffff  }
0xbd: {  	v0 =	vmul.f32 v6, v26;
	v6 =	vld.idx.msk [tilespmem:v9+s17+$0x0], $0xffff  }
0xbe: {  	[tilespmem:s29+$0xFFFFFFC0] =	vst v2;
	v2 =	vld [tilespmem:s1+$0xFFFFFF90]  }
0xbf: {  	[tilespmem:s29+$0xFFFFDB40] =	vst v0;
	v7 =	vld [tilespmem:s6+$0x60]  }
0xc0: {  	v12 =	vor.u32 $0x100, v13;
	v9 =	vmul.f32 v3, v16;
	v11 =	vld.idx.msk [tilespmem:v4+s17+$0x0], $0xffff  }
0xc1: {  	v3 =	vld [tilespmem:s1+$0xFFFFFFE0]  }
0xc2: {  	v0 =	vshll.u32 v1, $0x3;
	v18 =	vld [tilespmem:s5+$0x60];
	[tilespmem:s29+$0xFFFFFE40] =	vst v9;
	v5 =	vmul.f32 v5, v20  }
0xc3: {  	v1 =	vand.u32 $0x7F, v1;
	v0 =	vand.u32 $0xFFFFFC00, v0;
	v9 =	vld [tilespmem:s6+$0xFFFFFF70];
	v6 =	vmul.f32 v6, v24  }
0xc4: {  	v1 =	vor.u32 v1, v0;
	v0 =	vld [tilespmem:s1+$0x30];
	v14 =	vshll.u32 v7, $0x3;
	[tilespmem:s28+$0xFFFFB7F0] =	vst v5  }
0xc5: {  	v5 =	vand.u32 $0x7F, v7;
	[tilespmem:s29+$0xFFFFFEC0] =	vst v6;
	v6 =	vmul.f32 v11, v26;
	v7 =	vand.u32 $0xFFFFFC00, v14;
	v12 =	vld.idx.msk [tilespmem:v12+s17+$0x0], $0xffff  }
0xc6: {  	v13 =	vor.u32 $0x180, v13;
	v11 =	vld [tilespmem:s6+$0xFFFFFFC0];
	v7 =	vor.u32 v5, v7  }
0xc7: {  	v4 =	vld [tilespmem:s5+$0xFFFFFF70];
	v14 =	vshll.u32 v10, $0x3;
	v10 =	vand.u32 $0x7F, v10;
	v5 =	vshll.u32 v8, $0x3;
	[tilespmem:s29+$0xFFFFFF40] =	vst v6  }
0xc8: {  	v8 =	vand.u32 $0x7F, v8;
	v6 =	vshll.u32 v9, $0x3;
	v5 =	vand.u32 $0xFFFFFC00, v5;
	v16 =	vld [tilespmem:s6+$0x10]  }
0xc9: {  	v15 =	vld.idx.msk [tilespmem:v1+s17+$0x0], $0xffff;
	v9 =	vand.u32 $0x7F, v9;
	v6 =	vand.u32 $0xFFFFFC00, v6;
	v8 =	vor.u32 v8, v5  }
0xca: {  	v14 =	vand.u32 $0xFFFFFC00, v14;
	v5 =	vld [tilespmem:s5+$0xFFFFFFC0];
	v9 =	vor.u32 v9, v6;
	v12 =	vmul.f32 v12, v20  }
0xcb: {  	v10 =	vor.u32 v10, v14;
	v14 =	vshll.u32 v11, $0x3;
	v17 =	vld.idx.msk [tilespmem:v7+s17+$0x0], $0xffff  }
0xcc: {  	v19 =	vor.u32 $0x80, v1;
	v6 =	vld [tilespmem:s5+$0x10];
	v11 =	vand.u32 $0x7F, v11;
	v14 =	vand.u32 $0xFFFFFC00, v14;
	[tilespmem:s28+$0xFFFFDBF0] =	vst v12  }
0xcd: {  	v21 =	vor.u32 $0x80, v7;
	v11 =	vor.u32 v11, v14;
	v14 =	vshll.u32 v16, $0x3;
	v13 =	vld.idx.msk [tilespmem:v13+s17+$0x0], $0xffff  }
0xce: {  	v12 =	vmul.f32 v15, v2;
	v16 =	vand.u32 $0x7F, v16;
	v15 =	vld.idx.msk [tilespmem:v8+s17+$0x0], $0xffff;
	v14 =	vand.u32 $0xFFFFFC00, v14  }
0xcf: {  	v22 =	vld.idx.msk [tilespmem:v9+s17+$0x0], $0xffff;
	v14 =	vor.u32 v16, v14  }
0xd0: {  	[tilespmem:s28+$0xFFFF9270] =	vst v12;
	v12 =	vld.idx.msk [tilespmem:v10+s17+$0x0], $0xffff;
	v16 =	vmul.f32 v17, v18  }
0xd1: {  	v19 =	vld.idx.msk [tilespmem:v19+s17+$0x0], $0xffff;
	v17 =	vor.u32 $0x80, v8  }
0xd2: {  	v23 =	vor.u32 $0x80, v9;
	v24 =	vld.idx.msk [tilespmem:v11+s17+$0x0], $0xffff;
	[tilespmem:s29+$0xFFFF93D0] =	vst v16;
	v13 =	vmul.f32 v13, v20  }
0xd3: {  	v15 =	vmul.f32 v15, v3;
	v20 =	vld.idx.msk [tilespmem:v21+s17+$0x0], $0xffff  }
0xd4: {  	v16 =	vor.u32 $0x80, v10;
	v21 =	vmul.f32 v22, v4;
	v22 =	vld.idx.msk [tilespmem:v14+s17+$0x0], $0xffff;
	[tilespmem:s28+$0xFFFFFFF0] =	vst v13  }
0xd5: {  	v13 =	vor.u32 $0x100, v1;
	[tilespmem:s28+$0xFFFF92F0] =	vst v15;
	v15 =	vld [tilespmem:s0+$0x90]  }
0xd6: {  	v25 =	vor.u32 $0x80, v11;
	v12 =	vmul.f32 v12, v0;
	v17 =	vld.idx.msk [tilespmem:v17+s17+$0x0], $0xffff;
	[tilespmem:s29+$0xFFFF9250] =	vst v21  }
0xd7: {  	v19 =	vmul.f32 v19, v2;
	v21 =	vld.idx.msk [tilespmem:v23+s17+$0x0], $0xffff;
	v23 =	vor.u32 $0x100, v7  }
0xd8: {  	v37 =	vld [tilespmem:s16+$0x0];
	[tilespmem:s28+$0xFFFF9370] =	vst v12;
	v12 =	vor.u32 $0x80, v14;
	v24 =	vmul.f32 v24, v5  }
0xd9: {  	[tilespmem:s28+$0xFFFFB670] =	vst v19;
	v16 =	vld.idx.msk [tilespmem:v16+s17+$0x0], $0xffff;
	v19 =	vmul.f32 v20, v18  }
0xda: {  	v26 =	vor.u32 $0x100, v8;
	[tilespmem:s29+$0xFFFF92D0] =	vst v24;
	v22 =	vmul.f32 v22, v6;
	v13 =	vld.idx.msk [tilespmem:v13+s17+$0x0], $0xffff  }
0xdb: {  	v27 =	vor.u32 $0x100, v10;
	v20 =	vor.u32 $0x100, v9;
	v25 =	vld.idx.msk [tilespmem:v25+s17+$0x0], $0xffff;
	v24 =	vshll.u32 v15, $0x3;
	[tilespmem:s29+$0xFFFFB7D0] =	vst v19  }
0xdc: {  	v17 =	vmul.f32 v17, v3;
	v15 =	vand.u32 $0x7F, v15;
	[tilespmem:s29+$0xFFFF9350] =	vst v22;
	v19 =	vand.u32 $0xFFFFFC00, v24;
	v22 =	vld.idx.msk [tilespmem:v23+s17+$0x0], $0xffff  }
0xdd: {  	v21 =	vmul.f32 v21, v4;
	v12 =	vld.idx.msk [tilespmem:v12+s17+$0x0], $0xffff;
	v15 =	vor.u32 v15, v19  }
0xde: {  	v24 =	vor.u32 $0x180, v1;
	v1 =	vld [tilespmem:s1+$0x90];
	[tilespmem:s28+$0xFFFFB6F0] =	vst v17;
	v16 =	vmul.f32 v16, v0;
	v17 =	vor.u32 $0x100, v11  }
0xdf: {  	v7 =	vor.u32 $0x180, v7;
	v19 =	vld.idx.msk [tilespmem:v26+s17+$0x0], $0xffff;
	[tilespmem:s29+$0xFFFFB650] =	vst v21  }
0xe0: {  	v20 =	vld.idx.msk [tilespmem:v20+s17+$0x0], $0xffff;
	[tilespmem:s28+$0xFFFFB770] =	vst v16;
	v16 =	vor.u32 $0x100, v14;
	v21 =	vmul.f32 v25, v5  }
0xe1: {  	v23 =	vld.idx.msk [tilespmem:v27+s17+$0x0], $0xffff;
	v22 =	vmul.f32 v22, v18  }
0xe2: {  	v8 =	vor.u32 $0x180, v8;
	[tilespmem:s29+$0xFFFFB6D0] =	vst v21;
	v12 =	vmul.f32 v12, v6;
	v25 =	vld.idx.msk [tilespmem:v15+s17+$0x0], $0xffff  }
0xe3: {  	v9 =	vor.u32 $0x180, v9;
	v13 =	vmul.f32 v13, v2;
	v17 =	vld.idx.msk [tilespmem:v17+s17+$0x0], $0xffff;
	[tilespmem:s29+$0xFFFFDBD0] =	vst v22  }
0xe4: {  	v10 =	vor.u32 $0x180, v10;
	v19 =	vmul.f32 v19, v3;
	[tilespmem:s29+$0xFFFFB750] =	vst v12;
	v7 =	vld.idx.msk [tilespmem:v7+s17+$0x0], $0xffff  }
0xe5: {  	[tilespmem:s28+$0xFFFFDA70] =	vst v13;
	v12 =	vmul.f32 v20, v4;
	v13 =	vld.idx.msk [tilespmem:v16+s17+$0x0], $0xffff;
	v16 =	vor.u32 $0x80, v15  }
0xe6: {  	v11 =	vor.u32 $0x180, v11;
	[tilespmem:s28+$0xFFFFDAF0] =	vst v19;
	v19 =	vld.idx.msk [tilespmem:v24+s17+$0x0], $0xffff;
	v20 =	vmul.f32 v23, v0  }
0xe7: {  	[tilespmem:s29+$0xFFFFDA50] =	vst v12;
	v8 =	vld.idx.msk [tilespmem:v8+s17+$0x0], $0xffff;
	v12 =	vmul.f32 v25, v1  }
0xe8: {  	v14 =	vor.u32 $0x180, v14;
	v9 =	vld.idx.msk [tilespmem:v9+s17+$0x0], $0xffff;
	[tilespmem:s28+$0xFFFFDB70] =	vst v20;
	v17 =	vmul.f32 v17, v5  }
0xe9: {  	v10 =	vld.idx.msk [tilespmem:v10+s17+$0x0], $0xffff;
	[tilespmem:s28+$0xFFFF9400] =	vst v12;
	v7 =	vmul.f32 v7, v18  }
0xea: {  	[tilespmem:s29+$0xFFFFDAD0] =	vst v17;
	v13 =	vmul.f32 v13, v6;
	v12 =	vld.idx.msk [tilespmem:v16+s17+$0x0], $0xffff  }
0xeb: {  	v11 =	vld.idx.msk [tilespmem:v11+s17+$0x0], $0xffff;
	v2 =	vmul.f32 v19, v2;
	[tilespmem:s29+$0xFFFFFFD0] =	vst v7  }
0xec: {  	[tilespmem:s29+$0xFFFFDB50] =	vst v13;
	v3 =	vmul.f32 v8, v3;
	v7 =	vld [tilespmem:s6+$0x70]  }
0xed: {  	v4 =	vmul.f32 v9, v4;
	v9 =	vld.idx.msk [tilespmem:v14+s17+$0x0], $0xffff;
	[tilespmem:s28+$0xFFFFFE70] =	vst v2  }
0xee: {  	v2 =	vor.u32 $0x100, v15;
	v13 =	vld [tilespmem:s0+$0xFFFFFFA0];
	[tilespmem:s28+$0xFFFFFEF0] =	vst v3;
	v0 =	vmul.f32 v10, v0  }
0xef: {  	[tilespmem:s29+$0xFFFFFE50] =	vst v4;
	v3 =	vld [tilespmem:s0+$0xFFFFFFF0];
	v4 =	vmul.f32 v12, v1  }
0xf0: {  	v10 =	vld [tilespmem:s6+$0xFFFFFF80];
	v5 =	vmul.f32 v11, v5;
	[tilespmem:s28+$0xFFFFFF70] =	vst v0  }
0xf1: {  	v8 =	vld [tilespmem:s5+$0xFFFFFF80];
	[tilespmem:s28+$0xFFFFB800] =	vst v4  }
0xf2: {  	v11 =	vshll.u32 v7, $0x3;
	[tilespmem:s29+$0xFFFFFED0] =	vst v5;
	v5 =	vmul.f32 v9, v6;
	v6 =	vld [tilespmem:s0+$0x40]  }
0xf3: {  	v0 =	vand.u32 $0x7F, v7;
	v4 =	vand.u32 $0xFFFFFC00, v11;
	v2 =	vld.idx.msk [tilespmem:v2+s17+$0x0], $0xffff  }
0xf4: {  	v11 =	vor.u32 v0, v4;
	v4 =	vld [tilespmem:s6+$0xFFFFFFD0]  }
0xf5: {  	v7 =	vand.u32 $0x7F, v13;
	v9 =	vld [tilespmem:s5+$0xFFFFFFD0];
	v0 =	vshll.u32 v13, $0x3;
	[tilespmem:s29+$0xFFFFFF50] =	vst v5;
	v13 =	vshll.u32 v10, $0x3  }
0xf6: {  	s0 =	simm.s32 $0x320;
	v12 =	vshll.u32 v3, $0x3;
	v5 =	vand.u32 $0x7F, v10;
	v10 =	vand.u32 $0xFFFFFC00, v13;
	v13 =	vld [tilespmem:s6+$0x20]  }
0xf7: {  	v14 =	vor.u32 $0x180, v15;
	v23 =	vld [tilespmem:s0+$0x50];
	v3 =	vand.u32 $0x7F, v3;
	v12 =	vand.u32 $0xFFFFFC00, v12  }
0xf8: {  	v0 =	vand.u32 $0xFFFFFC00, v0;
	v15 =	vor.u32 v5, v10;
	v5 =	vor.u32 v3, v12;
	v12 =	vld [tilespmem:s5+$0x70]  }
0xf9: {  	v7 =	vor.u32 v7, v0;
	v16 =	vmul.f32 v2, v1;
	v0 =	vld.idx.msk [tilespmem:v11+s17+$0x0], $0xffff;
	v2 =	vshll.u32 v4, $0x3  }
0xfa: {  	v26 =	vld [tilespmem:s0+$0xFFFFFFB0];
	v3 =	vand.u32 $0x7F, v4;
	v4 =	vand.u32 $0xFFFFFC00, v2  }
0xfb: {  	v10 =	vld [tilespmem:s5+$0x20];
	[tilespmem:s28+$0xFFFFDC00] =	vst v16;
	v16 =	vor.u32 v3, v4;
	v3 =	vshll.u32 v13, $0x3  }
0xfc: {  	v17 =	vor.u32 $0x80, v11;
	v2 =	vld [tilespmem:s1+$0xFFFFFFA0];
	v13 =	vand.u32 $0x7F, v13;
	v3 =	vand.u32 $0xFFFFFC00, v3  }
0xfd: {  	v4 =	vld.idx.msk [tilespmem:v14+s17+$0x0], $0xffff;
	v13 =	vor.u32 v13, v3  }
0xfe: {  	v14 =	vld.idx.msk [tilespmem:v15+s17+$0x0], $0xffff;
	v0 =	vmul.f32 v0, v12  }
0xff: {  	v18 =	vld.idx.msk [tilespmem:v7+s17+$0x0], $0xffff  }
0x100: {  	v20 =	vld.idx.msk [tilespmem:v16+s17+$0x0], $0xffff;
	[tilespmem:s29+$0xFFFF93E0] =	vst v0  }
0x101: {  	v24 =	vand.u32 $0x7F, v6;
	v6 =	vshll.u32 v6, $0x3;
	v17 =	vld.idx.msk [tilespmem:v17+s17+$0x0], $0xffff  }
0x102: {  	v6 =	vand.u32 $0xFFFFFC00, v6;
	v21 =	vld.idx.msk [tilespmem:v13+s17+$0x0], $0xffff  }
0x103: {  	v6 =	vor.u32 v24, v6;
	v24 =	vor.u32 $0x80, v7;
	v19 =	vld.idx.msk [tilespmem:v5+s17+$0x0], $0xffff;
	v14 =	vmul.f32 v14, v8  }
0x104: {  	v27 =	vor.u32 $0x100, v11;
	v3 =	vld [tilespmem:s1+$0xFFFFFFF0];
	v18 =	vmul.f32 v18, v2  }
0x105: {  	v22 =	vor.u32 $0x80, v15;
	[tilespmem:s29+$0xFFFF9260] =	vst v14;
	v14 =	vld [tilespmem:s0+$0xFFFFFF60];
	v20 =	vmul.f32 v20, v9  }
0x106: {  	v29 =	vld [tilespmem:s0+$0x0];
	v25 =	vor.u32 $0x80, v16;
	[tilespmem:s28+$0xFFFF9280] =	vst v18;
	v17 =	vmul.f32 v17, v12  }
0x107: {  	v28 =	vor.u32 $0x80, v13;
	v0 =	vld [tilespmem:s1+$0x40];
	[tilespmem:s29+$0xFFFF92E0] =	vst v20;
	v20 =	vmul.f32 v21, v10;
	v21 =	vshll.u32 v23, $0x3  }
0x108: {  	v30 =	vor.u32 $0x80, v5;
	v24 =	vld.idx.msk [tilespmem:v24+s17+$0x0], $0xffff;
	[tilespmem:s29+$0xFFFFB7E0] =	vst v17;
	v17 =	vand.u32 $0x7F, v23;
	v21 =	vand.u32 $0xFFFFFC00, v21  }
0x109: {  	v19 =	vmul.f32 v19, v3;
	[tilespmem:s29+$0xFFFF9360] =	vst v20;
	v20 =	vld.idx.msk [tilespmem:v27+s17+$0x0], $0xffff;
	v17 =	vor.u32 v17, v21;
	v21 =	vshll.u32 v26, $0x3  }
0x10a: {  	v22 =	vld.idx.msk [tilespmem:v22+s17+$0x0], $0xffff;
	v27 =	vshll.u32 v14, $0x3;
	v14 =	vand.u32 $0x7F, v14;
	v18 =	vand.u32 $0xFFFFFC00, v21  }
0x10b: {  	[tilespmem:s28+$0xFFFF9300] =	vst v19;
	v25 =	vld.idx.msk [tilespmem:v25+s17+$0x0], $0xffff;
	v21 =	vshll.u32 v29, $0x3;
	v19 =	vand.u32 $0xFFFFFC00, v27;
	v27 =	vor.u32 $0x180, v11  }
0x10c: {  	v23 =	vld.idx.msk [tilespmem:v28+s17+$0x0], $0xffff;
	v21 =	vand.u32 $0xFFFFFC00, v21;
	v14 =	vor.u32 v14, v19;
	v19 =	vand.u32 $0x7F, v29  }
0x10d: {  	v26 =	vand.u32 $0x7F, v26;
	v19 =	vor.u32 v19, v21;
	v21 =	vld [tilespmem:s16+$0x50]  }
0x10e: {  	v18 =	vor.u32 v26, v18;
	v26 =	vld.idx.msk [tilespmem:v17+s17+$0x0], $0xffff;
	v20 =	vmul.f32 v20, v12  }
0x10f: {  	v11 =	vld.idx.msk [tilespmem:v30+s17+$0x0], $0xffff  }
0x110: {  	v29 =	vld [tilespmem:s16+$0xFFFFFF60];
	[tilespmem:s29+$0xFFFFDBE0] =	vst v20  }
0x111: {  	v30 =	vor.u32 $0x80, v17;
	v20 =	vld.idx.msk [tilespmem:v27+s17+$0x0], $0xffff  }
0x112: {  	v31 =	vor.u32 $0x100, v15;
	v27 =	vld.idx.msk [tilespmem:v14+s17+$0x0], $0xffff  }
0x113: {  	v33 =	vor.u32 $0x100, v16;
	v28 =	vld.idx.msk [tilespmem:v6+s17+$0x0], $0xffff;
	v26 =	vmul.f32 v26, v21  }
0x114: {  	s1 =	simm.s32 $0x12CC0;
	v22 =	vmul.f32 v22, v8;
	v32 =	vld.idx.msk [tilespmem:v18+s17+$0x0], $0xffff  }
0x115: {  	v36 =	vor.u32 $0x80, v14;
	v25 =	vmul.f32 v25, v9;
	v34 =	vld.idx.msk [tilespmem:v19+s17+$0x0], $0xffff;
	[tilespmem:s1+$0xFFFF93C0] =	vst v26  }
0x116: {  	[tilespmem:s29+$0xFFFFB660] =	vst v22;
	v26 =	vor.u32 $0x100, v13;
	v22 =	vld.idx.msk [tilespmem:v30+s17+$0x0], $0xffff;
	v12 =	vmul.f32 v20, v12  }
0x117: {  	[tilespmem:s29+$0xFFFFB6E0] =	vst v25;
	v20 =	vor.u32 $0x80, v18;
	v25 =	vmul.f32 v27, v29;
	v27 =	vld.idx.msk [tilespmem:v31+s17+$0x0], $0xffff  }
0x118: {  	v23 =	vmul.f32 v23, v10;
	v30 =	vor.u32 $0x80, v19;
	v31 =	vld.idx.msk [tilespmem:v33+s17+$0x0], $0xffff;
	[tilespmem:s29+$0xFFFFFFE0] =	vst v12  }
0x119: {  	v12 =	vor.u32 $0x80, v6;
	[tilespmem:s1+$0xFFFF9240] =	vst v25;
	v25 =	vmul.f32 v32, v35;
	v61 =	vld [tilespmem:s6+$0x80]  }
0x11a: {  	v63 =	vor.u32 $0x100, v17;
	[tilespmem:s29+$0xFFFFB760] =	vst v23;
	v62 =	vmul.f32 v34, v37;
	v23 =	vld.idx.msk [tilespmem:v36+s17+$0x0], $0xffff  }
0x11b: {  	v40 =	vor.u32 $0x180, v15;
	v15 =	vmul.f32 v28, v0;
	[tilespmem:s1+$0xFFFF92C0] =	vst v25;
	v25 =	vld.idx.msk [tilespmem:v26+s17+$0x0], $0xffff  }
0x11c: {  	v16 =	vor.u32 $0x180, v16;
	[tilespmem:s1+$0xFFFF9340] =	vst v62;
	v20 =	vld.idx.msk [tilespmem:v20+s17+$0x0], $0xffff;
	v22 =	vmul.f32 v22, v21  }
0x11d: {  	[tilespmem:s28+$0xFFFF9380] =	vst v15;
	v26 =	vor.u32 $0x100, v7;
	v28 =	vld.idx.msk [tilespmem:v30+s17+$0x0], $0xffff;
	v27 =	vmul.f32 v27, v8  }
0x11e: {  	v30 =	vor.u32 $0x100, v14;
	[tilespmem:s1+$0xFFFFB7C0] =	vst v22;
	v22 =	vmul.f32 v31, v9;
	v15 =	vld.idx.msk [tilespmem:v12+s17+$0x0], $0xffff  }
0x11f: {  	v13 =	vor.u32 $0x180, v13;
	v12 =	vmul.f32 v24, v2;
	[tilespmem:s29+$0xFFFFDA60] =	vst v27;
	v31 =	vshll.u32 v61, $0x3;
	v24 =	vld.idx.msk [tilespmem:v63+s17+$0x0], $0xffff  }
0x120: {  	v27 =	vand.u32 $0x7F, v61;
	v23 =	vmul.f32 v23, v29;
	v41 =	vld.idx.msk [tilespmem:v40+s17+$0x0], $0xffff;
	v31 =	vand.u32 $0xFFFFFC00, v31;
	[tilespmem:s29+$0xFFFFDAE0] =	vst v22  }
0x121: {  	[tilespmem:s28+$0xFFFFB680] =	vst v12;
	v25 =	vmul.f32 v25, v10;
	v22 =	vor.u32 v27, v31;
	v12 =	vld.idx.msk [tilespmem:v16+s17+$0x0], $0xffff  }
0x122: {  	v27 =	vor.u32 $0x100, v18;
	[tilespmem:s1+$0xFFFFB640] =	vst v23;
	v16 =	vld.idx.msk [tilespmem:v26+s17+$0x0], $0xffff  }
0x123: {  	v17 =	vor.u32 $0x180, v17;
	v20 =	vmul.f32 v20, v35;
	v23 =	vld.idx.msk [tilespmem:v30+s17+$0x0], $0xffff;
	[tilespmem:s29+$0xFFFFDB60] =	vst v25  }
0x124: {  	v25 =	vor.u32 $0x100, v19;
	v13 =	vld.idx.msk [tilespmem:v13+s17+$0x0], $0xffff  }
0x125: {  	[tilespmem:s1+$0xFFFFB6C0] =	vst v20;
	v20 =	vld [tilespmem:s5+$0x80];
	v24 =	vmul.f32 v24, v21  }
0x126: {  	v28 =	vmul.f32 v28, v37;
	v26 =	vld.idx.msk [tilespmem:v22+s17+$0x0], $0xffff  }
0x127: {  	v7 =	vor.u32 $0x180, v7;
	v8 =	vmul.f32 v41, v8;
	v27 =	vld.idx.msk [tilespmem:v27+s17+$0x0], $0xffff;
	[tilespmem:s1+$0xFFFFDBC0] =	vst v24  }
0x128: {  	v14 =	vor.u32 $0x180, v14;
	[tilespmem:s1+$0xFFFFB740] =	vst v28;
	v9 =	vmul.f32 v12, v9;
	v12 =	vld.idx.msk [tilespmem:v17+s17+$0x0], $0xffff  }
0x129: {  	[tilespmem:s29+$0xFFFFFE60] =	vst v8;
	v16 =	vmul.f32 v16, v2;
	v17 =	vld.idx.msk [tilespmem:v25+s17+$0x0], $0xffff  }
0x12a: {  	v8 =	vmul.f32 v23, v29;
	v23 =	vor.u32 $0x80, v22;
	v24 =	vld [tilespmem:s6+$0xFFFFFF90];
	[tilespmem:s29+$0xFFFFFEE0] =	vst v9  }
0x12b: {  	v9 =	vmul.f32 v13, v10;
	v10 =	vor.u32 $0x180, v18;
	[tilespmem:s28+$0xFFFFDA80] =	vst v16;
	v13 =	vld [tilespmem:s6+$0xFFFFFFE0]  }
0x12c: {  	v18 =	vor.u32 $0x180, v19;
	[tilespmem:s1+$0xFFFFDA40] =	vst v8;
	v7 =	vld.idx.msk [tilespmem:v7+s17+$0x0], $0xffff;
	v8 =	vmul.f32 v26, v20  }
0x12d: {  	v14 =	vld.idx.msk [tilespmem:v14+s17+$0x0], $0xffff;
	[tilespmem:s29+$0xFFFFFF60] =	vst v9;
	v9 =	vmul.f32 v27, v35  }
0x12e: {  	v19 =	vld [tilespmem:s6+$0x30];
	v17 =	vmul.f32 v17, v37;
	[tilespmem:s29+$0xFFFF93F0] =	vst v8  }
0x12f: {  	v8 =	vmul.f32 v12, v21;
	[tilespmem:s1+$0xFFFFDAC0] =	vst v9;
	v12 =	vld.idx.msk [tilespmem:v23+s17+$0x0], $0xffff  }
0x130: {  	v21 =	vld.idx.msk [tilespmem:v10+s17+$0x0], $0xffff;
	[tilespmem:s1+$0xFFFFDB40] =	vst v17  }
0x131: {  	[tilespmem:s1+$0xFFFFFFC0] =	vst v8;
	v18 =	vld.idx.msk [tilespmem:v18+s17+$0x0], $0xffff  }
0x132: {  	v10 =	vshll.u32 v24, $0x3;
	v23 =	vor.u32 $0x100, v22;
	v17 =	vld [tilespmem:s0+$0x60]  }
0x133: {  	v9 =	vld [tilespmem:s5+$0xFFFFFF90];
	v8 =	vand.u32 $0x7F, v24;
	v10 =	vand.u32 $0xFFFFFC00, v10;
	v14 =	vmul.f32 v14, v29  }
0x134: {  	v24 =	vor.u32 v8, v10;
	v10 =	vld [tilespmem:s5+$0xFFFFFFE0]  }
0x135: {  	v8 =	vld [tilespmem:s5+$0x30];
	[tilespmem:s1+$0xFFFFFE40] =	vst v14;
	v14 =	vmul.f32 v12, v20  }
0x136: {  	v25 =	vld [tilespmem:s0+$0xFFFFFF70];
	v21 =	vmul.f32 v21, v35  }
0x137: {  	v42 =	vld [tilespmem:s16+$0x60];
	v18 =	vmul.f32 v18, v37;
	v26 =	vshll.u32 v17, $0x3;
	[tilespmem:s29+$0xFFFFB7F0] =	vst v14  }
0x138: {  	v14 =	vand.u32 $0x7F, v17;
	[tilespmem:s1+$0xFFFFFEC0] =	vst v21;
	v17 =	vand.u32 $0xFFFFFC00, v26;
	v23 =	vld.idx.msk [tilespmem:v23+s17+$0x0], $0xffff;
	v26 =	vshll.u32 v13, $0x3  }
0x139: {  	v17 =	vor.u32 v14, v17;
	v14 =	vand.u32 $0xFFFFFC00, v26;
	v26 =	vld [tilespmem:s0+$0xFFFFFFC0]  }
0x13a: {  	v11 =	vmul.f32 v11, v3;
	v21 =	vld.idx.msk [tilespmem:v24+s17+$0x0], $0xffff;
	v13 =	vand.u32 $0x7F, v13;
	[tilespmem:s1+$0xFFFFFF40] =	vst v18  }
0x13b: {  	v18 =	vand.u32 $0x7F, v25;
	v28 =	vor.u32 v13, v14;
	v14 =	vshll.u32 v25, $0x3;
	v25 =	vld [tilespmem:s0+$0x10]  }
0x13c: {  	v22 =	vor.u32 $0x180, v22;
	v27 =	vshll.u32 v19, $0x3;
	v12 =	vld [tilespmem:s16+$0xFFFFFF70];
	v14 =	vand.u32 $0xFFFFFC00, v14  }
0x13d: {  	v19 =	vand.u32 $0x7F, v19;
	v27 =	vand.u32 $0xFFFFFC00, v27;
	v13 =	vld [tilespmem:s16+$0xFFFFFFC0];
	v18 =	vor.u32 v18, v14  }
0x13e: {  	v19 =	vor.u32 v19, v27;
	v23 =	vmul.f32 v23, v20;
	v27 =	vld.idx.msk [tilespmem:v17+s17+$0x0], $0xffff;
	v31 =	vshll.u32 v26, $0x3  }
0x13f: {  	v30 =	vor.u32 $0x80, v24;
	v14 =	vld [tilespmem:s16+$0x10];
	v26 =	vand.u32 $0x7F, v26;
	v31 =	vand.u32 $0xFFFFFC00, v31  }
0x140: {  	v21 =	vmul.f32 v21, v9;
	v43 =	vld.idx.msk [tilespmem:v28+s17+$0x0], $0xffff;
	[tilespmem:s29+$0xFFFFDBF0] =	vst v23;
	v23 =	vor.u32 v26, v31;
	v26 =	vshll.u32 v25, $0x3  }
0x141: {  	v44 =	vor.u32 $0x80, v17;
	v22 =	vld.idx.msk [tilespmem:v22+s17+$0x0], $0xffff;
	v25 =	vand.u32 $0x7F, v25;
	v26 =	vand.u32 $0xFFFFFC00, v26  }
0x142: {  	[tilespmem:s29+$0xFFFF9270] =	vst v21;
	v31 =	vld.idx.msk [tilespmem:v18+s17+$0x0], $0xffff;
	v21 =	vor.u32 v25, v26  }
0x143: {  	[tilespmem:s28+$0xFFFFB700] =	vst v11;
	v11 =	vor.u32 $0x80, v28;
	v25 =	vld.idx.msk [tilespmem:v19+s17+$0x0], $0xffff;
	v26 =	vmul.f32 v27, v42  }
0x144: {  	v27 =	vld.idx.msk [tilespmem:v30+s17+$0x0], $0xffff  }
0x145: {  	v29 =	vor.u32 $0x100, v5;
	v45 =	vld.idx.msk [tilespmem:v23+s17+$0x0], $0xffff;
	[tilespmem:s1+$0xFFFF93D0] =	vst v26;
	v26 =	vmul.f32 v43, v10  }
0x146: {  	v30 =	vor.u32 $0x80, v18;
	v20 =	vmul.f32 v22, v20;
	v34 =	vld.idx.msk [tilespmem:v44+s17+$0x0], $0xffff  }
0x147: {  	v46 =	vor.u32 $0x80, v19;
	v31 =	vmul.f32 v31, v12;
	v47 =	vld.idx.msk [tilespmem:v21+s17+$0x0], $0xffff;
	[tilespmem:s29+$0xFFFF92F0] =	vst v26  }
0x148: {  	v15 =	vmul.f32 v15, v0;
	v22 =	vor.u32 $0x100, v24;
	[tilespmem:s29+$0xFFFFFFF0] =	vst v20;
	v11 =	vld.idx.msk [tilespmem:v11+s17+$0x0], $0xffff  }
0x149: {  	v25 =	vmul.f32 v25, v8;
	v20 =	vor.u32 $0x80, v23;
	[tilespmem:s1+$0xFFFF9250] =	vst v31;
	v31 =	vld [tilespmem:s6+$0x90]  }
0x14a: {  	[tilespmem:s28+$0xFFFFB780] =	vst v15;
	v29 =	vld.idx.msk [tilespmem:v29+s17+$0x0], $0xffff;
	v48 =	vor.u32 $0x100, v17;
	v27 =	vmul.f32 v27, v9  }
0x14b: {  	v30 =	vld.idx.msk [tilespmem:v30+s17+$0x0], $0xffff;
	[tilespmem:s29+$0xFFFF9370] =	vst v25;
	v25 =	vor.u32 $0x80, v21;
	v35 =	vmul.f32 v45, v13  }
0x14c: {  	v15 =	vor.u32 $0x100, v28;
	[tilespmem:s29+$0xFFFFB670] =	vst v27;
	v27 =	vld.idx.msk [tilespmem:v46+s17+$0x0], $0xffff;
	v49 =	vmul.f32 v34, v42  }
0x14d: {  	v26 =	vor.u32 $0x100, v6;
	v22 =	vld.idx.msk [tilespmem:v22+s17+$0x0], $0xffff;
	[tilespmem:s1+$0xFFFF92D0] =	vst v35;
	v50 =	vmul.f32 v47, v14  }
0x14e: {  	v51 =	vor.u32 $0x100, v18;
	v20 =	vld.idx.msk [tilespmem:v20+s17+$0x0], $0xffff;
	[tilespmem:s1+$0xFFFFB7D0] =	vst v49;
	v11 =	vmul.f32 v11, v10;
	v52 =	vshll.u32 v31, $0x3  }
0x14f: {  	v53 =	vor.u32 $0x100, v19;
	v31 =	vand.u32 $0x7F, v31;
	[tilespmem:s1+$0xFFFF9350] =	vst v50;
	v54 =	vld.idx.msk [tilespmem:v48+s17+$0x0], $0xffff;
	v33 =	vand.u32 $0xFFFFFC00, v52  }
0x150: {  	v30 =	vmul.f32 v30, v12;
	v25 =	vld.idx.msk [tilespmem:v25+s17+$0x0], $0xffff;
	[tilespmem:s29+$0xFFFFB6F0] =	vst v11;
	v11 =	vor.u32 v31, v33  }
0x151: {  	v16 =	vld.idx.msk [tilespmem:v15+s17+$0x0], $0xffff;
	v15 =	vmul.f32 v27, v8  }
0x152: {  	v26 =	vld.idx.msk [tilespmem:v26+s17+$0x0], $0xffff;
	v27 =	vor.u32 $0x100, v23;
	[tilespmem:s1+$0xFFFFB650] =	vst v30  }
0x153: {  	v17 =	vor.u32 $0x180, v17;
	v30 =	vld.idx.msk [tilespmem:v51+s17+$0x0], $0xffff;
	[tilespmem:s29+$0xFFFFB770] =	vst v15  }
0x154: {  	v31 =	vor.u32 $0x100, v21;
	v15 =	vmul.f32 v20, v13;
	v20 =	vld.idx.msk [tilespmem:v53+s17+$0x0], $0xffff  }
0x155: {  	v24 =	vor.u32 $0x180, v24;
	v55 =	vmul.f32 v54, v42;
	v56 =	vld.idx.msk [tilespmem:v11+s17+$0x0], $0xffff  }
0x156: {  	v28 =	vor.u32 $0x180, v28;
	[tilespmem:s1+$0xFFFFB6D0] =	vst v15;
	v25 =	vmul.f32 v25, v14;
	v15 =	vld [tilespmem:s5+$0x90]  }
0x157: {  	v18 =	vor.u32 $0x180, v18;
	v22 =	vmul.f32 v22, v9;
	v27 =	vld.idx.msk [tilespmem:v27+s17+$0x0], $0xffff;
	[tilespmem:s1+$0xFFFFDBD0] =	vst v55  }
0x158: {  	v19 =	vor.u32 $0x180, v19;
	v16 =	vmul.f32 v16, v10;
	[tilespmem:s1+$0xFFFFB750] =	vst v25;
	v17 =	vld.idx.msk [tilespmem:v17+s17+$0x0], $0xffff  }
0x159: {  	v5 =	vor.u32 $0x180, v5;
	[tilespmem:s29+$0xFFFFDA70] =	vst v22;
	v22 =	vmul.f32 v30, v12;
	v25 =	vld.idx.msk [tilespmem:v31+s17+$0x0], $0xffff  }
0x15a: {  	v30 =	vor.u32 $0x80, v11;
	[tilespmem:s29+$0xFFFFDAF0] =	vst v16;
	v16 =	vld.idx.msk [tilespmem:v24+s17+$0x0], $0xffff;
	v20 =	vmul.f32 v20, v8  }
0x15b: {  	v23 =	vor.u32 $0x180, v23;
	[tilespmem:s1+$0xFFFFDA50] =	vst v22;
	v22 =	vld.idx.msk [tilespmem:v28+s17+$0x0], $0xffff;
	v28 =	vmul.f32 v29, v3  }
0x15c: {  	v24 =	vmul.f32 v56, v15;
	v18 =	vld.idx.msk [tilespmem:v18+s17+$0x0], $0xffff;
	[tilespmem:s29+$0xFFFFDB70] =	vst v20  }
0x15d: {  	v20 =	vor.u32 $0x180, v21;
	v21 =	vmul.f32 v27, v13;
	[tilespmem:s28+$0xFFFFDB00] =	vst v28;
	v19 =	vld.idx.msk [tilespmem:v19+s17+$0x0], $0xffff  }
0x15e: {  	[tilespmem:s29+$0xFFFF9400] =	vst v24;
	v17 =	vmul.f32 v17, v42;
	v5 =	vld.idx.msk [tilespmem:v5+s17+$0x0], $0xffff  }
0x15f: {  	v24 =	vld.idx.msk [tilespmem:v30+s17+$0x0], $0xffff;
	[tilespmem:s1+$0xFFFFDAD0] =	vst v21;
	v21 =	vmul.f32 v25, v14  }
0x160: {  	v9 =	vmul.f32 v16, v9;
	v23 =	vld.idx.msk [tilespmem:v23+s17+$0x0], $0xffff;
	[tilespmem:s1+$0xFFFFFFD0] =	vst v17  }
0x161: {  	v10 =	vmul.f32 v22, v10;
	[tilespmem:s1+$0xFFFFDB50] =	vst v21;
	v16 =	vld [tilespmem:s0+$0x70]  }
0x162: {  	v12 =	vmul.f32 v18, v12;
	[tilespmem:s29+$0xFFFFFE70] =	vst v9;
	v17 =	vld.idx.msk [tilespmem:v20+s17+$0x0], $0xffff  }
0x163: {  	v4 =	vmul.f32 v4, v1;
	v9 =	vor.u32 $0x100, v11;
	v18 =	vld [tilespmem:s6+$0xFFFFFFA0];
	[tilespmem:s29+$0xFFFFFEF0] =	vst v10  }
0x164: {  	v1 =	vor.u32 $0x180, v6;
	v7 =	vmul.f32 v7, v2;
	v6 =	vmul.f32 v26, v0;
	[tilespmem:s1+$0xFFFFFE50] =	vst v12;
	v12 =	vld [tilespmem:s6+$0xFFFFFFF0]  }
0x165: {  	v19 =	vmul.f32 v19, v8;
	v10 =	vmul.f32 v24, v15;
	v20 =	vld [tilespmem:s0+$0xFFFFFF80]  }
0x166: {  	v21 =	vld [tilespmem:s16+$0x70];
	v5 =	vmul.f32 v5, v3;
	v2 =	vmul.f32 v23, v13  }
0x167: {  	v8 =	vld [tilespmem:s16+$0xFFFFFF80];
	v23 =	vor.u32 $0x180, v11;
	v13 =	vshll.u32 v16, $0x3;
	[tilespmem:s29+$0xFFFFB800] =	vst v10;
	v3 =	vand.u32 $0x7F, v16  }
0x168: {  	v10 =	vand.u32 $0xFFFFFC00, v13;
	v9 =	vld.idx.msk [tilespmem:v9+s17+$0x0], $0xffff;
	[tilespmem:s1+$0xFFFFFED0] =	vst v2;
	v2 =	vmul.f32 v17, v14;
	v14 =	vand.u32 $0x7F, v18  }
0x169: {  	[tilespmem:s29+$0xFFFFFF70] =	vst v19;
	v22 =	vor.u32 v3, v10;
	v3 =	vshll.u32 v18, $0x3;
	v16 =	vld [tilespmem:s0+$0xFFFFFFD0];
	v17 =	vshll.u32 v12, $0x3  }
0x16a: {  	v13 =	vld [tilespmem:s6+$0x40];
	v12 =	vand.u32 $0x7F, v12;
	v3 =	vand.u32 $0xFFFFFC00, v3;
	v18 =	vand.u32 $0x7F, v20  }
0x16b: {  	v10 =	vld [tilespmem:s16+$0xFFFFFFD0];
	v19 =	vshll.u32 v20, $0x3;
	[tilespmem:s1+$0xFFFFFF50] =	vst v2;
	v2 =	vand.u32 $0xFFFFFC00, v17;
	v61 =	vor.u32 $0x80, v22  }
0x16c: {  	v17 =	vand.u32 $0xFFFFFC00, v19;
	v19 =	vld [tilespmem:s0+$0x20];
	v27 =	vor.u32 v14, v3;
	v57 =	vor.u32 v12, v2  }
0x16d: {  	[tilespmem:s28+$0xFFFFFE80] =	vst v7;
	v11 =	vld [tilespmem:s16+$0x20];
	v17 =	vor.u32 v18, v17;
	v7 =	vor.u32 $0x100, v57;
	v9 =	vmul.f32 v9, v15  }
0x16e: {  	[tilespmem:s28+$0xFFFFFF00] =	vst v5;
	v5 =	vor.u32 $0x180, v27;
	v28 =	vor.u32 $0x80, v17;
	v2 =	vld.idx.msk [tilespmem:v22+s17+$0x0], $0xffff;
	v3 =	vshll.u32 v16, $0x3  }
0x16f: {  	v20 =	vor.u32 $0x100, v17;
	v12 =	vand.u32 $0x7F, v16;
	v16 =	vand.u32 $0xFFFFFC00, v3;
	v3 =	vld [tilespmem:s5+$0xFFFFFFA0];
	[tilespmem:s29+$0xFFFFDC00] =	vst v9  }
0x170: {  	v14 =	vor.u32 $0x180, v17;
	v58 =	vand.u32 $0x7F, v13;
	v13 =	vshll.u32 v13, $0x3;
	v59 =	vld.idx.msk [tilespmem:v23+s17+$0x0], $0xffff  }
0x171: {  	[tilespmem:s28+$0xFFFFDB80] =	vst v6;
	v6 =	vand.u32 $0xFFFFFC00, v13;
	v9 =	vor.u32 v12, v16;
	v16 =	vshll.u32 v19, $0x3;
	v38 =	vld.idx.msk [tilespmem:v27+s17+$0x0], $0xffff  }
0x172: {  	v12 =	vand.u32 $0x7F, v19;
	v23 =	vor.u32 v58, v6;
	v60 =	vld.idx.msk [tilespmem:v17+s17+$0x0], $0xffff;
	v16 =	vand.u32 $0xFFFFFC00, v16  }
0x173: {  	v24 =	vld.idx.msk [tilespmem:v57+s17+$0x0], $0xffff;
	v29 =	vor.u32 $0x80, v9;
	v26 =	vor.u32 $0x100, v9;
	v62 =	vor.u32 v12, v16  }
0x174: {  	[tilespmem:s28+$0x0] =	vst v4;
	v18 =	vor.u32 $0x180, v9;
	v17 =	vor.u32 $0x80, v57;
	v4 =	vmul.f32 v2, v21;
	v2 =	vld [tilespmem:s5+$0xFFFFFFF0]  }
0x175: {  	v13 =	vld [tilespmem:s5+$0x40];
	v6 =	vor.u32 $0x100, v23;
	v16 =	vor.u32 $0x80, v27;
	v12 =	vor.u32 $0x80, v23  }
0x176: {  	v30 =	vor.u32 $0x80, v62;
	v25 =	vor.u32 $0x100, v62;
	v31 =	vld.idx.msk [tilespmem:v9+s17+$0x0], $0xffff;
	[tilespmem:s1+$0xFFFF93E0] =	vst v4;
	v63 =	vmul.f32 v59, v15  }
0x177: {  	s9 =	simm.s32 $0x8;
	v19 =	vor.u32 $0x180, v62;
	v9 =	vor.u32 $0x100, v27;
	v32 =	vld.idx.msk [tilespmem:v61+s17+$0x0], $0xffff;
	v34 =	vmul.f32 v60, v8  }
0x178: {  	s11 =	simm.s32 $0x460;
	s6 =	simm.s32 $0x18A0;
	s5 =	simm.s32 $0x12CC0;
	v27 =	vmul.f32 v38, v3;
	v4 =	vor.u32 $0x180, v57;
	v15 =	vor.u32 $0x180, v23;
	v33 =	vld.idx.msk [tilespmem:v62+s17+$0x0], $0xffff;
	[tilespmem:s29+$0x0] =	vst v63  }
.LBB2_3:
0x179: {  	v35 =	vld [tilespmem:s11+$0x50];
	s9 =	sadd.s32 $0x4, s9;
	[tilespmem:s1+$0xFFFF9260] =	vst v34;
	v24 =	vmul.f32 v24, v2  }
0x17a: {  	v36 =	vor.u32 $0x100, v22;
	v34 =	vld [tilespmem:s11+$0xFFFFFFB0];
	p0 =	slt.u32 s9, $0x40;
	[tilespmem:s29+$0xFFFF9280] =	vst v27  }
0x17b: {  	v31 =	vmul.f32 v31, v10;
	v27 =	vld [tilespmem:s11+$0x0];
	[tilespmem:s29+$0xFFFF9300] =	vst v24  }
0x17c: {  	v32 =	vmul.f32 v32, v21;
	v24 =	vld [tilespmem:s11+$0xFFFFFF60]  }
0x17d: {  	v28 =	vld.idx.msk [tilespmem:v28+s17+$0x0], $0xffff;
	[tilespmem:s1+$0xFFFF92E0] =	vst v31;
	v31 =	vmul.f32 v33, v11  }
0x17e: {  	v33 =	vshll.u32 v35, $0x3;
	v29 =	vld.idx.msk [tilespmem:v29+s17+$0x0], $0xffff;
	[tilespmem:s1+$0xFFFFB7E0] =	vst v32  }
0x17f: {  	v35 =	vand.u32 $0x7F, v35;
	v32 =	vshll.u32 v34, $0x3;
	v33 =	vand.u32 $0xFFFFFC00, v33;
	[tilespmem:s1+$0xFFFF9360] =	vst v31;
	v31 =	vld.idx.msk [tilespmem:v36+s17+$0x0], $0xffff  }
0x180: {  	v32 =	vand.u32 $0xFFFFFC00, v32;
	v36 =	vshll.u32 v27, $0x3;
	v33 =	vor.u32 v35, v33;
	v30 =	vld.idx.msk [tilespmem:v30+s17+$0x0], $0xffff  }
0x181: {  	v35 =	vand.u32 $0x7F, v24;
	v24 =	vshll.u32 v24, $0x3;
	v36 =	vand.u32 $0xFFFFFC00, v36;
	v37 =	vld.idx.msk [tilespmem:v23+s17+$0x0], $0xffff  }
0x182: {  	v27 =	vand.u32 $0x7F, v27;
	v23 =	vand.u32 $0xFFFFFC00, v24;
	v24 =	vand.u32 $0x7F, v34;
	v34 =	vld.idx.msk [tilespmem:v16+s17+$0x0], $0xffff  }
0x183: {  	v38 =	vor.u32 $0x180, v22;
	v35 =	vor.u32 v35, v23;
	v32 =	vor.u32 v24, v32;
	v17 =	vld.idx.msk [tilespmem:v17+s17+$0x0], $0xffff  }
0x184: {  	v27 =	vor.u32 v27, v36;
	v39 =	vor.u32 $0x80, v35;
	v40 =	vor.u32 $0x80, v32;
	v36 =	vld.idx.msk [tilespmem:v1+s17+$0x0], $0xffff;
	v1 =	vmovc v15  }
0x185: {  	s16 =	sadd.s32 $0x140, s16;
	v42 =	vor.u32 $0x80, v27;
	v41 =	vor.u32 $0x100, v35;
	v31 =	vmul.f32 v31, v21;
	v43 =	vld.idx.msk [tilespmem:v33+s17+$0x0], $0xffff  }
0x186: {  	v45 =	vor.u32 $0x100, v27;
	v24 =	vor.u32 $0x180, v35;
	v44 =	vor.u32 $0x100, v32;
	v23 =	vld [tilespmem:s16+$0x50]  }
0x187: {  	v28 =	vmul.f32 v28, v8;
	v16 =	vor.u32 $0x180, v27;
	v22 =	vor.u32 $0x180, v32;
	v15 =	vld [tilespmem:s16+$0xFFFFFF60];
	[tilespmem:s1+$0xFFFFDBE0] =	vst v31  }
0x188: {  	v29 =	vmul.f32 v29, v10;
	v30 =	vmul.f32 v30, v11;
	v31 =	vld.idx.msk [tilespmem:v38+s17+$0x0], $0xffff  }
0x189: {  	v38 =	vor.u32 $0x80, v33;
	v35 =	vld.idx.msk [tilespmem:v35+s17+$0x0], $0xffff;
	[tilespmem:s1+$0xFFFFB660] =	vst v28;
	v28 =	vmul.f32 v34, v3;
	v34 =	vmul.f32 v37, v13  }
0x18a: {  	v36 =	vmul.f32 v36, v0;
	v0 =	vmov v13;
	v32 =	vld.idx.msk [tilespmem:v32+s17+$0x0], $0xffff;
	[tilespmem:s1+$0xFFFFB6E0] =	vst v29;
	v29 =	vmul.f32 v17, v2  }
0x18b: {  	v27 =	vld.idx.msk [tilespmem:v27+s17+$0x0], $0xffff;
	v37 =	vmul.f32 v43, v23;
	[tilespmem:s1+$0xFFFFB760] =	vst v30  }
0x18c: {  	s1 =	sadd.s32 $0x200, s1;
	v17 =	vld [tilespmem:s16+$0xFFFFFFB0];
	[tilespmem:s29+$0xFFFF9380] =	vst v34  }
0x18d: {  	v13 =	vld [tilespmem:s16+$0x0];
	[tilespmem:s1+$0xFFFF93C0] =	vst v37  }
0x18e: {  	v21 =	vmul.f32 v31, v21;
	v30 =	vld.idx.msk [tilespmem:v38+s17+$0x0], $0xffff;
	[tilespmem:s29+$0xFFFFB680] =	vst v28  }
0x18f: {  	v28 =	vmul.f32 v35, v15;
	v20 =	vld.idx.msk [tilespmem:v20+s17+$0x0], $0xffff;
	[tilespmem:s29+$0xFFFFB700] =	vst v29  }
0x190: {  	v26 =	vld.idx.msk [tilespmem:v26+s17+$0x0], $0xffff;
	[tilespmem:s5+$0xFFFFFFE0] =	vst v21  }
0x191: {  	[tilespmem:s1+$0xFFFF9240] =	vst v28;
	v21 =	vmul.f32 v32, v17;
	v28 =	vld [tilespmem:s0+$0x80]  }
0x192: {  	v31 =	vor.u32 $0x100, v33;
	v29 =	vld.idx.msk [tilespmem:v39+s17+$0x0], $0xffff;
	v27 =	vmul.f32 v27, v13;
	[tilespmem:s28+$0xFFFFFF80] =	vst v36;
	s28 =	smov.u32 s29;
	s29 =	smov.u32 s5;
	s5 =	smov.u32 s1  }
0x193: {  	[tilespmem:s1+$0xFFFF92C0] =	vst v21;
	v21 =	vld.idx.msk [tilespmem:v25+s17+$0x0], $0xffff  }
0x194: {  	v25 =	vld.idx.msk [tilespmem:v40+s17+$0x0], $0xffff;
	[tilespmem:s1+$0xFFFF9340] =	vst v27;
	v27 =	vmul.f32 v30, v23  }
0x195: {  	v20 =	vmul.f32 v20, v8;
	v30 =	vld.idx.msk [tilespmem:v42+s17+$0x0], $0xffff  }
0x196: {  	v26 =	vmul.f32 v26, v10;
	[tilespmem:s1+$0xFFFFB7C0] =	vst v27;
	v27 =	vshll.u32 v28, $0x3;
	v12 =	vld.idx.msk [tilespmem:v12+s17+$0x0], $0xffff  }
0x197: {  	v31 =	vld.idx.msk [tilespmem:v31+s17+$0x0], $0xffff;
	[tilespmem:s29+$0xFFFFDA60] =	vst v20;
	v20 =	vand.u32 $0x7F, v28;
	v27 =	vand.u32 $0xFFFFFC00, v27  }
0x198: {  	v28 =	vmul.f32 v29, v15;
	v14 =	vld.idx.msk [tilespmem:v14+s17+$0x0], $0xffff;
	[tilespmem:s29+$0xFFFFDAE0] =	vst v26;
	v26 =	vor.u32 v20, v27  }
0x199: {  	v20 =	vld.idx.msk [tilespmem:v18+s17+$0x0], $0xffff;
	v18 =	vmul.f32 v21, v11  }
0x19a: {  	v21 =	vmul.f32 v25, v17;
	[tilespmem:s1+$0xFFFFB640] =	vst v28;
	v9 =	vld.idx.msk [tilespmem:v9+s17+$0x0], $0xffff  }
0x19b: {  	v27 =	vmul.f32 v30, v13;
	v28 =	vor.u32 $0x180, v33;
	v25 =	vld.idx.msk [tilespmem:v41+s17+$0x0], $0xffff;
	[tilespmem:s29+$0xFFFFDB60] =	vst v18  }
0x19c: {  	v12 =	vmul.f32 v12, v0;
	[tilespmem:s1+$0xFFFFB6C0] =	vst v21;
	v19 =	vld.idx.msk [tilespmem:v19+s17+$0x0], $0xffff  }
0x19d: {  	v21 =	vmul.f32 v31, v23;
	[tilespmem:s1+$0xFFFFB740] =	vst v27;
	v27 =	vld.idx.msk [tilespmem:v26+s17+$0x0], $0xffff  }
0x19e: {  	v8 =	vmul.f32 v14, v8;
	v18 =	vld [tilespmem:s6+$0x80];
	[tilespmem:s28+$0xFFFFB780] =	vst v12  }
0x19f: {  	v10 =	vmul.f32 v20, v10;
	v12 =	vld.idx.msk [tilespmem:v44+s17+$0x0], $0xffff;
	[tilespmem:s1+$0xFFFFDBC0] =	vst v21  }
0x1a0: {  	v14 =	vld.idx.msk [tilespmem:v28+s17+$0x0], $0xffff;
	[tilespmem:s29+$0xFFFFFE60] =	vst v8;
	v8 =	vmul.f32 v9, v3  }
0x1a1: {  	v9 =	vmul.f32 v25, v15;
	v20 =	vld.idx.msk [tilespmem:v45+s17+$0x0], $0xffff;
	[tilespmem:s29+$0xFFFFFEE0] =	vst v10;
	v10 =	vor.u32 $0x80, v26  }
0x1a2: {  	v11 =	vmul.f32 v19, v11;
	v21 =	vld [tilespmem:s0+$0xFFFFFF90];
	[tilespmem:s28+$0xFFFFDA80] =	vst v8  }
0x1a3: {  	[tilespmem:s1+$0xFFFFDA40] =	vst v9;
	v9 =	vld [tilespmem:s0+$0xFFFFFFE0];
	v8 =	vmul.f32 v27, v18  }
0x1a4: {  	v19 =	vld.idx.msk [tilespmem:v24+s17+$0x0], $0xffff;
	[tilespmem:s29+$0xFFFFFF60] =	vst v11  }
0x1a5: {  	v11 =	vmul.f32 v12, v17;
	v12 =	vld [tilespmem:s0+$0x30];
	[tilespmem:s29+$0xFFFF93F0] =	vst v8  }
0x1a6: {  	v14 =	vmul.f32 v14, v23;
	v23 =	vld.idx.msk [tilespmem:v10+s17+$0x0], $0xffff  }
0x1a7: {  	v10 =	vmul.f32 v20, v13;
	[tilespmem:s1+$0xFFFFDAC0] =	vst v11;
	v8 =	vld [tilespmem:s6+$0xFFFFFF90];
	v11 =	vand.u32 $0x7F, v21;
	v20 =	vshll.u32 v21, $0x3  }
0x1a8: {  	v21 =	vld.idx.msk [tilespmem:v22+s17+$0x0], $0xffff;
	[tilespmem:s1+$0xFFFFFFC0] =	vst v14;
	v14 =	vand.u32 $0xFFFFFC00, v20;
	v20 =	vand.u32 $0x7F, v9;
	v9 =	vshll.u32 v9, $0x3  }
0x1a9: {  	[tilespmem:s1+$0xFFFFDB40] =	vst v10;
	v22 =	vld [tilespmem:s11+$0x60];
	v14 =	vor.u32 v11, v14;
	v9 =	vand.u32 $0xFFFFFC00, v9  }
0x1aa: {  	v11 =	vmul.f32 v19, v15;
	v19 =	vor.u32 $0x100, v26;
	v15 =	vld.idx.msk [tilespmem:v16+s17+$0x0], $0xffff;
	v16 =	vshll.u32 v12, $0x3  }
0x1ab: {  	v24 =	vor.u32 v20, v9;
	v12 =	vand.u32 $0x7F, v12;
	v10 =	vld [tilespmem:s6+$0xFFFFFFE0];
	v16 =	vand.u32 $0xFFFFFC00, v16  }
0x1ac: {  	v25 =	vor.u32 $0x80, v14;
	[tilespmem:s1+$0xFFFFFE40] =	vst v11;
	v9 =	vld [tilespmem:s6+$0x30];
	v27 =	vor.u32 v12, v16;
	v12 =	vmul.f32 v23, v18  }
0x1ad: {  	v28 =	vor.u32 $0x100, v14;
	v29 =	vor.u32 $0x80, v24;
	v23 =	vld [tilespmem:s11+$0xFFFFFF70];
	v30 =	vor.u32 $0x80, v27  }
0x1ae: {  	v16 =	vmul.f32 v21, v17;
	v21 =	vor.u32 $0x100, v24;
	v11 =	vld [tilespmem:s16+$0xFFFFFF70];
	v17 =	vshll.u32 v22, $0x3;
	[tilespmem:s29+$0xFFFFB7F0] =	vst v12  }
0x1af: {  	v20 =	vor.u32 $0x100, v27;
	v12 =	vand.u32 $0x7F, v22;
	v17 =	vand.u32 $0xFFFFFC00, v17;
	v19 =	vld.idx.msk [tilespmem:v19+s17+$0x0], $0xffff  }
0x1b0: {  	v22 =	vmul.f32 v15, v13;
	[tilespmem:s1+$0xFFFFFEC0] =	vst v16;
	v31 =	vor.u32 v12, v17;
	v32 =	vld.idx.msk [tilespmem:v14+s17+$0x0], $0xffff;
	v16 =	vor.u32 $0x180, v14  }
0x1b1: {  	v15 =	vor.u32 $0x180, v24;
	v14 =	vor.u32 $0x180, v27;
	v17 =	vld [tilespmem:s11+$0xFFFFFFC0]  }
0x1b2: {  	v12 =	vand.u32 $0x7F, v23;
	v23 =	vshll.u32 v23, $0x3;
	v13 =	vld [tilespmem:s16+$0xFFFFFFC0];
	[tilespmem:s1+$0xFFFFFF40] =	vst v22  }
0x1b3: {  	v26 =	vor.u32 $0x180, v26;
	v22 =	vand.u32 $0xFFFFFC00, v23;
	v23 =	vld [tilespmem:s11+$0x10]  }
0x1b4: {  	v22 =	vor.u32 v12, v22;
	v12 =	vld [tilespmem:s16+$0x10]  }
0x1b5: {  	v36 =	vmul.f32 v19, v18;
	v33 =	vor.u32 $0x80, v22;
	v34 =	vor.u32 $0x100, v22;
	v35 =	vld.idx.msk [tilespmem:v31+s17+$0x0], $0xffff  }
0x1b6: {  	v19 =	vor.u32 $0x180, v22;
	v37 =	vand.u32 $0x7F, v17;
	v38 =	vshll.u32 v17, $0x3;
	v17 =	vld [tilespmem:s16+$0x60]  }
0x1b7: {  	v32 =	vmul.f32 v32, v8;
	v38 =	vand.u32 $0xFFFFFC00, v38;
	v24 =	vld.idx.msk [tilespmem:v24+s17+$0x0], $0xffff;
	[tilespmem:s29+$0xFFFFDBF0] =	vst v36  }
0x1b8: {  	v36 =	vor.u32 v37, v38;
	v37 =	vand.u32 $0x7F, v23;
	v23 =	vshll.u32 v23, $0x3;
	v26 =	vld.idx.msk [tilespmem:v26+s17+$0x0], $0xffff  }
0x1b9: {  	v39 =	vor.u32 $0x80, v31;
	v22 =	vld.idx.msk [tilespmem:v22+s17+$0x0], $0xffff;
	v38 =	vor.u32 $0x80, v36;
	v23 =	vand.u32 $0xFFFFFC00, v23;
	[tilespmem:s29+$0xFFFF9270] =	vst v32  }
0x1ba: {  	v32 =	vor.u32 $0x100, v36;
	v40 =	vor.u32 $0x180, v36;
	v23 =	vor.u32 v37, v23;
	v27 =	vld.idx.msk [tilespmem:v27+s17+$0x0], $0xffff  }
0x1bb: {  	v37 =	vor.u32 $0x80, v23;
	v41 =	vor.u32 $0x100, v23;
	v35 =	vmul.f32 v35, v17;
	v25 =	vld.idx.msk [tilespmem:v25+s17+$0x0], $0xffff  }
0x1bc: {  	v42 =	vor.u32 $0x180, v23;
	v7 =	vld.idx.msk [tilespmem:v7+s17+$0x0], $0xffff  }
0x1bd: {  	v24 =	vmul.f32 v24, v10;
	v36 =	vld.idx.msk [tilespmem:v36+s17+$0x0], $0xffff;
	[tilespmem:s1+$0xFFFF93D0] =	vst v35  }
0x1be: {  	v18 =	vmul.f32 v26, v18;
	v35 =	vld.idx.msk [tilespmem:v39+s17+$0x0], $0xffff  }
0x1bf: {  	v22 =	vmul.f32 v22, v11;
	v23 =	vld.idx.msk [tilespmem:v23+s17+$0x0], $0xffff;
	[tilespmem:s29+$0xFFFF92F0] =	vst v24  }
0x1c0: {  	v26 =	vmul.f32 v27, v9;
	v24 =	vld.idx.msk [tilespmem:v29+s17+$0x0], $0xffff;
	[tilespmem:s29+$0xFFFFFFF0] =	vst v18  }
0x1c1: {  	v18 =	vmul.f32 v25, v8;
	[tilespmem:s1+$0xFFFF9250] =	vst v22;
	v22 =	vld [tilespmem:s0+$0x90]  }
0x1c2: {  	v27 =	vor.u32 $0x100, v31;
	v7 =	vmul.f32 v7, v2;
	v25 =	vld.idx.msk [tilespmem:v33+s17+$0x0], $0xffff;
	[tilespmem:s29+$0xFFFF9370] =	vst v26  }
0x1c3: {  	v26 =	vmul.f32 v36, v13;
	[tilespmem:s29+$0xFFFFB670] =	vst v18;
	v18 =	vld.idx.msk [tilespmem:v30+s17+$0x0], $0xffff  }
0x1c4: {  	v29 =	vmul.f32 v35, v17;
	v28 =	vld.idx.msk [tilespmem:v28+s17+$0x0], $0xffff;
	[tilespmem:s28+$0xFFFFDB00] =	vst v7  }
0x1c5: {  	v7 =	vmul.f32 v23, v12;
	[tilespmem:s1+$0xFFFF92D0] =	vst v26;
	v6 =	vld.idx.msk [tilespmem:v6+s17+$0x0], $0xffff  }
0x1c6: {  	v24 =	vmul.f32 v24, v10;
	v23 =	vld.idx.msk [tilespmem:v38+s17+$0x0], $0xffff;
	[tilespmem:s1+$0xFFFFB7D0] =	vst v29;
	v26 =	vshll.u32 v22, $0x3  }
0x1c7: {  	v22 =	vand.u32 $0x7F, v22;
	[tilespmem:s1+$0xFFFF9350] =	vst v7;
	v7 =	vld.idx.msk [tilespmem:v27+s17+$0x0], $0xffff;
	v26 =	vand.u32 $0xFFFFFC00, v26  }
0x1c8: {  	v25 =	vmul.f32 v25, v11;
	v27 =	vld.idx.msk [tilespmem:v37+s17+$0x0], $0xffff;
	[tilespmem:s29+$0xFFFFB6F0] =	vst v24;
	v24 =	vor.u32 v22, v26  }
0x1c9: {  	v18 =	vmul.f32 v18, v9;
	v21 =	vld.idx.msk [tilespmem:v21+s17+$0x0], $0xffff  }
0x1ca: {  	v22 =	vmul.f32 v28, v8;
	[tilespmem:s1+$0xFFFFB650] =	vst v25;
	v25 =	vld.idx.msk [tilespmem:v5+s17+$0x0], $0xffff  }
0x1cb: {  	v28 =	vor.u32 $0x180, v31;
	v5 =	vmul.f32 v6, v0;
	v26 =	vld.idx.msk [tilespmem:v34+s17+$0x0], $0xffff;
	[tilespmem:s29+$0xFFFFB770] =	vst v18  }
0x1cc: {  	v6 =	vmul.f32 v23, v13;
	[tilespmem:s29+$0xFFFFDA70] =	vst v22;
	v18 =	vld.idx.msk [tilespmem:v20+s17+$0x0], $0xffff  }
0x1cd: {  	v7 =	vmul.f32 v7, v17;
	v20 =	vld.idx.msk [tilespmem:v24+s17+$0x0], $0xffff;
	[tilespmem:s28+$0xFFFFDB80] =	vst v5  }
0x1ce: {  	[tilespmem:s1+$0xFFFFB6D0] =	vst v6;
	v6 =	vmul.f32 v27, v12;
	v5 =	vld [tilespmem:s6+$0x90]  }
0x1cf: {  	v22 =	vld.idx.msk [tilespmem:v32+s17+$0x0], $0xffff;
	[tilespmem:s1+$0xFFFFDBD0] =	vst v7;
	v7 =	vmul.f32 v21, v10  }
0x1d0: {  	v3 =	vmul.f32 v25, v3;
	[tilespmem:s1+$0xFFFFB750] =	vst v6;
	v6 =	vld.idx.msk [tilespmem:v28+s17+$0x0], $0xffff  }
0x1d1: {  	v21 =	vmul.f32 v26, v11;
	v23 =	vld.idx.msk [tilespmem:v41+s17+$0x0], $0xffff;
	[tilespmem:s29+$0xFFFFDAF0] =	vst v7;
	v7 =	vor.u32 $0x80, v24  }
0x1d2: {  	v18 =	vmul.f32 v18, v9;
	v16 =	vld.idx.msk [tilespmem:v16+s17+$0x0], $0xffff;
	[tilespmem:s28+$0xFFFFFE80] =	vst v3  }
0x1d3: {  	[tilespmem:s1+$0xFFFFDA50] =	vst v21;
	v3 =	vld.idx.msk [tilespmem:v15+s17+$0x0], $0xffff;
	v15 =	vmul.f32 v20, v5  }
0x1d4: {  	v19 =	vld.idx.msk [tilespmem:v19+s17+$0x0], $0xffff;
	[tilespmem:s29+$0xFFFFDB70] =	vst v18  }
0x1d5: {  	v18 =	vmul.f32 v22, v13;
	v14 =	vld.idx.msk [tilespmem:v14+s17+$0x0], $0xffff;
	[tilespmem:s29+$0xFFFF9400] =	vst v15  }
0x1d6: {  	v6 =	vmul.f32 v6, v17;
	v7 =	vld.idx.msk [tilespmem:v7+s17+$0x0], $0xffff  }
0x1d7: {  	v15 =	vmul.f32 v23, v12;
	[tilespmem:s1+$0xFFFFDAD0] =	vst v18;
	v4 =	vld.idx.msk [tilespmem:v4+s17+$0x0], $0xffff  }
0x1d8: {  	v17 =	vld.idx.msk [tilespmem:v40+s17+$0x0], $0xffff;
	[tilespmem:s1+$0xFFFFFFD0] =	vst v6;
	v6 =	vmul.f32 v16, v8  }
0x1d9: {  	v3 =	vmul.f32 v3, v10;
	[tilespmem:s1+$0xFFFFDB50] =	vst v15;
	v15 =	vld [tilespmem:s11+$0x70]  }
0x1da: {  	v8 =	vmul.f32 v19, v11;
	v10 =	vld.idx.msk [tilespmem:v42+s17+$0x0], $0xffff;
	[tilespmem:s29+$0xFFFFFE70] =	vst v6;
	v6 =	vor.u32 $0x100, v24  }
0x1db: {  	v11 =	vld [tilespmem:s0+$0xFFFFFFA0];
	[tilespmem:s29+$0xFFFFFEF0] =	vst v3;
	v3 =	vmul.f32 v14, v9  }
0x1dc: {  	v7 =	vmul.f32 v7, v5;
	[tilespmem:s1+$0xFFFFFE50] =	vst v8;
	v9 =	vld [tilespmem:s0+$0xFFFFFFF0]  }
0x1dd: {  	v2 =	vmul.f32 v4, v2;
	v14 =	vld [tilespmem:s11+$0xFFFFFF80];
	[tilespmem:s29+$0xFFFFFF70] =	vst v3  }
0x1de: {  	v3 =	vmul.f32 v17, v13;
	v8 =	vld [tilespmem:s16+$0xFFFFFF80];
	v4 =	vshll.u32 v15, $0x3;
	[tilespmem:s29+$0xFFFFB800] =	vst v7  }
0x1df: {  	v7 =	vand.u32 $0x7F, v15;
	v4 =	vand.u32 $0xFFFFFC00, v4;
	v6 =	vld.idx.msk [tilespmem:v6+s17+$0x0], $0xffff;
	[tilespmem:s28+$0xFFFFFF00] =	vst v2  }
0x1e0: {  	v2 =	vmul.f32 v10, v12;
	[tilespmem:s1+$0xFFFFFED0] =	vst v3;
	v22 =	vor.u32 v7, v4;
	v3 =	vshll.u32 v11, $0x3;
	v4 =	vld [tilespmem:s0+$0x40];
	s0 =	smov.u32 s11  }
0x1e1: {  	v12 =	vand.u32 $0x7F, v11;
	v7 =	vld [tilespmem:s11+$0xFFFFFFD0];
	v3 =	vand.u32 $0xFFFFFC00, v3;
	v11 =	vshll.u32 v9, $0x3  }
0x1e2: {  	v13 =	vand.u32 $0x7F, v14;
	v14 =	vshll.u32 v14, $0x3;
	v10 =	vld [tilespmem:s16+$0xFFFFFFD0];
	[tilespmem:s1+$0xFFFFFF50] =	vst v2;
	v2 =	vand.u32 $0xFFFFFC00, v11  }
0x1e3: {  	v16 =	vor.u32 $0x180, v24;
	v9 =	vand.u32 $0x7F, v9;
	v11 =	vand.u32 $0xFFFFFC00, v14;
	v15 =	vld [tilespmem:s11+$0x20]  }
0x1e4: {  	v27 =	vor.u32 v12, v3;
	v35 =	vor.u32 v9, v2;
	v13 =	vor.u32 v13, v11;
	v11 =	vld [tilespmem:s16+$0x20]  }
0x1e5: {  	v6 =	vmul.f32 v6, v5;
	v28 =	vor.u32 $0x80, v13;
	v20 =	vor.u32 $0x100, v13;
	v2 =	vld.idx.msk [tilespmem:v22+s17+$0x0], $0xffff  }
0x1e6: {  	v14 =	vor.u32 $0x180, v13;
	v9 =	vand.u32 $0x7F, v7;
	v3 =	vshll.u32 v7, $0x3;
	v21 =	vld [tilespmem:s16+$0x70]  }
0x1e7: {  	v12 =	vand.u32 $0x7F, v4;
	v4 =	vshll.u32 v4, $0x3;
	v7 =	vand.u32 $0xFFFFFC00, v3;
	v3 =	vld [tilespmem:s6+$0xFFFFFFA0];
	[tilespmem:s29+$0xFFFFDC00] =	vst v6  }
0x1e8: {  	v6 =	vor.u32 v9, v7;
	v7 =	vand.u32 $0x7F, v15;
	v9 =	vshll.u32 v15, $0x3;
	v15 =	vld.idx.msk [tilespmem:v16+s17+$0x0], $0xffff  }
0x1e9: {  	v32 =	vor.u32 $0x80, v22;
	v13 =	vld.idx.msk [tilespmem:v13+s17+$0x0], $0xffff;
	v29 =	vor.u32 $0x80, v6;
	v9 =	vand.u32 $0xFFFFFC00, v9  }
0x1ea: {  	v26 =	vor.u32 $0x100, v6;
	v18 =	vor.u32 $0x180, v6;
	v33 =	vor.u32 v7, v9;
	v36 =	vld.idx.msk [tilespmem:v27+s17+$0x0], $0xffff  }
0x1eb: {  	v30 =	vor.u32 $0x80, v33;
	v25 =	vor.u32 $0x100, v33;
	v7 =	vmul.f32 v2, v21;
	v24 =	vld.idx.msk [tilespmem:v35+s17+$0x0], $0xffff  }
.Ltmp2:
0x1ec: {  	v4 =	vand.u32 $0xFFFFFC00, v4;
	v16 =	vor.u32 $0x80, v27;
	v19 =	vor.u32 $0x180, v33;
	v2 =	vld [tilespmem:s6+$0xFFFFFFF0];
	(pc) =	sbr.rel @p0 .LBB2_3-.Ltmp2, $4  }
0x1ed: {  	v17 =	vor.u32 $0x80, v35;
	v23 =	vor.u32 v12, v4;
	v9 =	vor.u32 $0x100, v27;
	v31 =	vld.idx.msk [tilespmem:v6+s17+$0x0], $0xffff;
	[tilespmem:s1+$0xFFFF93E0] =	vst v7  }
0x1ee: {  	v12 =	vor.u32 $0x80, v23;
	v7 =	vor.u32 $0x100, v35;
	v37 =	vmul.f32 v15, v5;
	v32 =	vld.idx.msk [tilespmem:v32+s17+$0x0], $0xffff  }
0x1ef: {  	v5 =	vor.u32 $0x180, v27;
	v6 =	vor.u32 $0x100, v23;
	v34 =	vmul.f32 v13, v8;
	v33 =	vld.idx.msk [tilespmem:v33+s17+$0x0], $0xffff  }
0x1f0: {  	s11 =	sadd.s32 $0x140, s11;
	v4 =	vor.u32 $0x180, v35;
	v15 =	vor.u32 $0x180, v23;
	v27 =	vmul.f32 v36, v3;
	v13 =	vld [tilespmem:s6+$0x40];
	[tilespmem:s29+$0x0] =	vst v37;
	s6 =	smov.u32 s16  }
0x1f1: {  	_ = 	snop  }
0x1f2: {  	v35 =	vor.u32 $0x100, v22  }
0x1f3: {  	v31 =	vmul.f32 v31, v10  }
0x1f4: {  	[tilespmem:s1+$0xFFFF9260] =	vst v34;
	v32 =	vmul.f32 v32, v21  }
0x1f5: {  	v28 =	vld.idx.msk [tilespmem:v28+s17+$0x0], $0xffff;
	[tilespmem:s1+$0xFFFF92E0] =	vst v31;
	v58 =	vmul.f32 v33, v11  }
0x1f6: {  	v29 =	vld.idx.msk [tilespmem:v29+s17+$0x0], $0xffff;
	[tilespmem:s1+$0xFFFFB7E0] =	vst v32  }
0x1f7: {  	[tilespmem:s1+$0xFFFF9360] =	vst v58;
	v59 =	vld.idx.msk [tilespmem:v35+s17+$0x0], $0xffff  }
0x1f8: {  	v30 =	vld.idx.msk [tilespmem:v30+s17+$0x0], $0xffff;
	_ =	sdelay $0x1  }
0x1f9: {  	v22 =	vor.u32 $0x180, v22;
	v28 =	vmul.f32 v28, v8  }
0x1fa: {  	v29 =	vmul.f32 v29, v10  }
0x1fb: {  	[tilespmem:s1+$0xFFFFB660] =	vst v28;
	v28 =	vmul.f32 v59, v21  }
0x1fc: {  	v20 =	vld.idx.msk [tilespmem:v20+s17+$0x0], $0xffff;
	[tilespmem:s1+$0xFFFFB6E0] =	vst v29;
	v29 =	vmul.f32 v30, v11  }
0x1fd: {  	v26 =	vld.idx.msk [tilespmem:v26+s17+$0x0], $0xffff;
	[tilespmem:s1+$0xFFFFDBE0] =	vst v28  }
0x1fe: {  	v22 =	vld.idx.msk [tilespmem:v22+s17+$0x0], $0xffff;
	[tilespmem:s1+$0xFFFFB760] =	vst v29  }
0x1ff: {  	v25 =	vld.idx.msk [tilespmem:v25+s17+$0x0], $0xffff;
	_ =	sdelay $0x1  }
0x200: {  	v20 =	vmul.f32 v20, v8  }
0x201: {  	v26 =	vmul.f32 v26, v10  }
0x202: {  	[tilespmem:s5+$0xFFFFDA60] =	vst v20;
	v20 =	vmul.f32 v22, v21  }
0x203: {  	v14 =	vld.idx.msk [tilespmem:v14+s17+$0x0], $0xffff;
	[tilespmem:s5+$0xFFFFDAE0] =	vst v26;
	v21 =	vmul.f32 v25, v11  }
0x204: {  	v18 =	vld.idx.msk [tilespmem:v18+s17+$0x0], $0xffff;
	[tilespmem:s5+$0xFFFFFFE0] =	vst v20  }
0x205: {  	v20 =	vld [tilespmem:s0+$0x80];
	[tilespmem:s5+$0xFFFFDB60] =	vst v21  }
0x206: {  	v19 =	vld.idx.msk [tilespmem:v19+s17+$0x0], $0xffff;
	_ =	sdelay $0x1  }
0x207: {  	v8 =	vmul.f32 v14, v8  }
0x208: {  	v10 =	vmul.f32 v18, v10  }
0x209: {  	[tilespmem:s5+$0xFFFFFE60] =	vst v8  }
0x20a: {  	v8 =	vld [tilespmem:s0+$0xFFFFFF90];
	[tilespmem:s5+$0xFFFFFEE0] =	vst v10;
	v10 =	vshll.u32 v20, $0x3;
	v11 =	vmul.f32 v19, v11  }
0x20b: {  	v18 =	vand.u32 $0x7F, v20;
	v14 =	vld [tilespmem:s0+$0xFFFFFFE0];
	v10 =	vand.u32 $0xFFFFFC00, v10  }
0x20c: {  	v10 =	vor.u32 v18, v10;
	[tilespmem:s5+$0xFFFFFF60] =	vst v11  }
0x20d: {  	v11 =	vld [tilespmem:s0+$0x30];
	_ =	sdelay $0x1  }
0x20e: {  	v18 =	vshll.u32 v8, $0x3  }
0x20f: {  	v8 =	vand.u32 $0x7F, v8;
	v18 =	vand.u32 $0xFFFFFC00, v18;
	v19 =	vshll.u32 v14, $0x3  }
0x210: {  	v8 =	vor.u32 v8, v18;
	v14 =	vand.u32 $0x7F, v14;
	v18 =	vand.u32 $0xFFFFFC00, v19;
	v19 =	vld.idx.msk [tilespmem:v10+s17+$0x0], $0xffff  }
0x211: {  	v14 =	vor.u32 v14, v18;
	v18 =	vld [tilespmem:s6+$0x80];
	v20 =	vshll.u32 v11, $0x3  }
0x212: {  	v11 =	vand.u32 $0x7F, v11;
	v20 =	vand.u32 $0xFFFFFC00, v20  }
0x213: {  	v21 =	vld [tilespmem:s6+$0xFFFFFF90];
	v11 =	vor.u32 v11, v20  }
0x214: {  	v22 =	vld [tilespmem:s6+$0xFFFFFFE0];
	v20 =	vor.u32 $0x80, v10  }
0x215: {  	v25 =	vld.idx.msk [tilespmem:v8+s17+$0x0], $0xffff  }
0x216: {  	v26 =	vld.idx.msk [tilespmem:v14+s17+$0x0], $0xffff;
	v19 =	vmul.f32 v19, v18  }
0x217: {  	v29 =	vld [tilespmem:s6+$0x30]  }
0x218: {  	v28 =	vor.u32 $0x80, v8;
	[tilespmem:s5+$0xFFFF93F0] =	vst v19;
	v60 =	vld.idx.msk [tilespmem:v11+s17+$0x0], $0xffff  }
0x219: {  	v19 =	vor.u32 $0x80, v14;
	v20 =	vld.idx.msk [tilespmem:v20+s17+$0x0], $0xffff  }
0x21a: {  	v25 =	vmul.f32 v25, v21  }
0x21b: {  	v61 =	vor.u32 $0x80, v11;
	v26 =	vmul.f32 v26, v22  }
0x21c: {  	[tilespmem:s5+$0xFFFF9270] =	vst v25;
	v25 =	vor.u32 $0x100, v10  }
0x21d: {  	v28 =	vld.idx.msk [tilespmem:v28+s17+$0x0], $0xffff;
	[tilespmem:s5+$0xFFFF92F0] =	vst v26;
	v26 =	vmul.f32 v60, v29  }
0x21e: {  	v19 =	vld.idx.msk [tilespmem:v19+s17+$0x0], $0xffff;
	v20 =	vmul.f32 v20, v18  }
0x21f: {  	[tilespmem:s5+$0xFFFF9370] =	vst v26  }
0x220: {  	v62 =	vor.u32 $0x100, v8;
	[tilespmem:s5+$0xFFFFB7F0] =	vst v20;
	v20 =	vld.idx.msk [tilespmem:v61+s17+$0x0], $0xffff  }
0x221: {  	v26 =	vor.u32 $0x100, v14;
	v25 =	vld.idx.msk [tilespmem:v25+s17+$0x0], $0xffff  }
0x222: {  	v28 =	vmul.f32 v28, v21  }
0x223: {  	v63 =	vor.u32 $0x100, v11;
	v19 =	vmul.f32 v19, v22  }
0x224: {  	v10 =	vor.u32 $0x180, v10;
	[tilespmem:s5+$0xFFFFB670] =	vst v28  }
0x225: {  	v28 =	vld.idx.msk [tilespmem:v62+s17+$0x0], $0xffff;
	[tilespmem:s5+$0xFFFFB6F0] =	vst v19;
	v20 =	vmul.f32 v20, v29  }
0x226: {  	v19 =	vld.idx.msk [tilespmem:v26+s17+$0x0], $0xffff;
	v25 =	vmul.f32 v25, v18  }
0x227: {  	[tilespmem:s5+$0xFFFFB770] =	vst v20  }
0x228: {  	v8 =	vor.u32 $0x180, v8;
	[tilespmem:s5+$0xFFFFDBF0] =	vst v25;
	v20 =	vld.idx.msk [tilespmem:v63+s17+$0x0], $0xffff  }
0x229: {  	v10 =	vld.idx.msk [tilespmem:v10+s17+$0x0], $0xffff  }
0x22a: {  	v14 =	vor.u32 $0x180, v14;
	v25 =	vmul.f32 v28, v21  }
0x22b: {  	v11 =	vor.u32 $0x180, v11;
	v19 =	vmul.f32 v19, v22  }
0x22c: {  	[tilespmem:s5+$0xFFFFDA70] =	vst v25  }
0x22d: {  	v8 =	vld.idx.msk [tilespmem:v8+s17+$0x0], $0xffff;
	[tilespmem:s5+$0xFFFFDAF0] =	vst v19;
	v19 =	vmul.f32 v20, v29  }
0x22e: {  	v10 =	vmul.f32 v10, v18  }
0x22f: {  	v14 =	vld.idx.msk [tilespmem:v14+s17+$0x0], $0xffff;
	[tilespmem:s5+$0xFFFFDB70] =	vst v19  }
0x230: {  	[tilespmem:s5+$0xFFFFFFF0] =	vst v10;
	v10 =	vld.idx.msk [tilespmem:v11+s17+$0x0], $0xffff  }
0x231: {  	v11 =	vld [tilespmem:s0+$0x90]  }
0x232: {  	v8 =	vmul.f32 v8, v21;
	_ =	sdelay $0x1  }
0x233: {  	[tilespmem:s5+$0xFFFFFE70] =	vst v8;
	v14 =	vmul.f32 v14, v22  }
0x234: {  	v8 =	vld [tilespmem:s0+$0xFFFFFFA0];
	v10 =	vmul.f32 v10, v29  }
0x235: {  	[tilespmem:s5+$0xFFFFFEF0] =	vst v14;
	v18 =	vshll.u32 v11, $0x3  }
0x236: {  	v14 =	vld [tilespmem:s0+$0xFFFFFFF0];
	v11 =	vand.u32 $0x7F, v11;
	v18 =	vand.u32 $0xFFFFFC00, v18;
	[tilespmem:s5+$0xFFFFFF70] =	vst v10  }
0x237: {  	v10 =	vor.u32 v11, v18;
	v11 =	vld [tilespmem:s0+$0x40];
	_ =	sdelay $0x1  }
0x238: {  	v18 =	vshll.u32 v8, $0x3  }
0x239: {  	v8 =	vand.u32 $0x7F, v8;
	v18 =	vand.u32 $0xFFFFFC00, v18  }
0x23a: {  	v21 =	vld [tilespmem:s6+$0x90];
	v8 =	vor.u32 v8, v18;
	v19 =	vshll.u32 v14, $0x3  }
0x23b: {  	v22 =	vld [tilespmem:s6+$0xFFFFFFA0];
	v14 =	vand.u32 $0x7F, v14;
	v19 =	vand.u32 $0xFFFFFC00, v19;
	v20 =	vshll.u32 v11, $0x3  }
0x23c: {  	v25 =	vld [tilespmem:s6+$0xFFFFFFF0];
	v14 =	vor.u32 v14, v19;
	v11 =	vand.u32 $0x7F, v11;
	v20 =	vand.u32 $0xFFFFFC00, v20  }
0x23d: {  	v18 =	vld.idx.msk [tilespmem:v23+s17+$0x0], $0xffff;
	v11 =	vor.u32 v11, v20  }
0x23e: {  	v19 =	vld.idx.msk [tilespmem:v10+s17+$0x0], $0xffff  }
0x23f: {  	v28 =	vld [tilespmem:s6+$0x40]  }
0x240: {  	v20 =	vld.idx.msk [tilespmem:v8+s17+$0x0], $0xffff  }
0x241: {  	v24 =	vmul.f32 v24, v2;
	v26 =	vor.u32 $0x80, v10;
	v23 =	vld.idx.msk [tilespmem:v14+s17+$0x0], $0xffff  }
0x242: {  	[tilespmem:s29+$0xFFFF9280] =	vst v27;
	v18 =	vmul.f32 v18, v13;
	v29 =	vld.idx.msk [tilespmem:v11+s17+$0x0], $0xffff  }
0x243: {  	[tilespmem:s29+$0xFFFF9300] =	vst v24;
	v16 =	vld.idx.msk [tilespmem:v16+s17+$0x0], $0xffff;
	v27 =	vor.u32 $0x80, v8;
	v19 =	vmul.f32 v19, v21  }
0x244: {  	v17 =	vld.idx.msk [tilespmem:v17+s17+$0x0], $0xffff;
	v24 =	vor.u32 $0x80, v14;
	[tilespmem:s29+$0xFFFF9380] =	vst v18  }
0x245: {  	v12 =	vld.idx.msk [tilespmem:v12+s17+$0x0], $0xffff;
	[tilespmem:s5+$0xFFFF9400] =	vst v19;
	v19 =	vor.u32 $0x80, v11;
	v20 =	vmul.f32 v20, v22  }
0x246: {  	v18 =	vld.idx.msk [tilespmem:v26+s17+$0x0], $0xffff;
	v23 =	vmul.f32 v23, v25  }
0x247: {  	[tilespmem:s5+$0xFFFF9280] =	vst v20;
	v20 =	vmul.f32 v29, v28  }
0x248: {  	v16 =	vmul.f32 v16, v3;
	[tilespmem:s5+$0xFFFF9300] =	vst v23;
	v23 =	vld.idx.msk [tilespmem:v27+s17+$0x0], $0xffff  }
0x249: {  	v17 =	vmul.f32 v17, v2;
	v26 =	vor.u32 $0x100, v10;
	v24 =	vld.idx.msk [tilespmem:v24+s17+$0x0], $0xffff;
	[tilespmem:s5+$0xFFFF9380] =	vst v20  }
0x24a: {  	[tilespmem:s29+$0xFFFFB680] =	vst v16;
	v12 =	vmul.f32 v12, v13;
	v19 =	vld.idx.msk [tilespmem:v19+s17+$0x0], $0xffff  }
0x24b: {  	[tilespmem:s29+$0xFFFFB700] =	vst v17;
	v9 =	vld.idx.msk [tilespmem:v9+s17+$0x0], $0xffff;
	v16 =	vmul.f32 v18, v21;
	v18 =	vor.u32 $0x100, v8  }
0x24c: {  	v7 =	vld.idx.msk [tilespmem:v7+s17+$0x0], $0xffff;
	v17 =	vor.u32 $0x100, v14;
	[tilespmem:s29+$0xFFFFB780] =	vst v12  }
0x24d: {  	v6 =	vld.idx.msk [tilespmem:v6+s17+$0x0], $0xffff;
	[tilespmem:s5+$0xFFFFB800] =	vst v16;
	v16 =	vor.u32 $0x100, v11;
	v20 =	vmul.f32 v23, v22  }
0x24e: {  	v12 =	vld.idx.msk [tilespmem:v26+s17+$0x0], $0xffff;
	v23 =	vmul.f32 v24, v25  }
0x24f: {  	v1 =	vld.idx.msk [tilespmem:v1+s17+$0x0], $0xffff;
	[tilespmem:s5+$0xFFFFB680] =	vst v20;
	v19 =	vmul.f32 v19, v28  }
0x250: {  	v9 =	vmul.f32 v9, v3;
	[tilespmem:s5+$0xFFFFB700] =	vst v23;
	v18 =	vld.idx.msk [tilespmem:v18+s17+$0x0], $0xffff  }
0x251: {  	v7 =	vmul.f32 v7, v2;
	v10 =	vor.u32 $0x180, v10;
	v17 =	vld.idx.msk [tilespmem:v17+s17+$0x0], $0xffff;
	[tilespmem:s5+$0xFFFFB780] =	vst v19  }
0x252: {  	[tilespmem:s29+$0xFFFFDA80] =	vst v9;
	v6 =	vmul.f32 v6, v13;
	v16 =	vld.idx.msk [tilespmem:v16+s17+$0x0], $0xffff  }
0x253: {  	[tilespmem:s29+$0xFFFFDB00] =	vst v7;
	v5 =	vld.idx.msk [tilespmem:v5+s17+$0x0], $0xffff;
	v8 =	vor.u32 $0x180, v8;
	v9 =	vmul.f32 v12, v21  }
0x254: {  	v0 =	vmul.f32 v1, v0;
	v4 =	vld.idx.msk [tilespmem:v4+s17+$0x0], $0xffff;
	v7 =	vor.u32 $0x180, v14;
	[tilespmem:s29+$0xFFFFDB80] =	vst v6  }
0x255: {  	v12 =	vld.idx.msk [tilespmem:v15+s17+$0x0], $0xffff;
	[tilespmem:s5+$0xFFFFDC00] =	vst v9;
	v9 =	vor.u32 $0x180, v11;
	v11 =	vmul.f32 v18, v22  }
0x256: {  	[tilespmem:s28+$0xFFFFFF80] =	vst v0;
	v6 =	vld.idx.msk [tilespmem:v10+s17+$0x0], $0xffff;
	v10 =	vmul.f32 v17, v25  }
0x257: {  	[tilespmem:s5+$0xFFFFDA80] =	vst v11;
	v11 =	vmul.f32 v16, v28  }
0x258: {  	[tilespmem:s5+$0xFFFFDB00] =	vst v10;
	v1 =	vld.idx.msk [tilespmem:v8+s17+$0x0], $0xffff  }
0x259: {  	v3 =	vmul.f32 v5, v3;
	v0 =	vmul.f32 v4, v2;
	v5 =	vld.idx.msk [tilespmem:v7+s17+$0x0], $0xffff;
	[tilespmem:s5+$0xFFFFDB80] =	vst v11  }
0x25a: {  	v2 =	vld.idx.msk [tilespmem:v9+s17+$0x0], $0xffff  }
0x25b: {  	[tilespmem:s29+$0xFFFFFF00] =	vst v0;
	v0 =	vmul.f32 v12, v13  }
0x25c: {  	[tilespmem:s29+$0xFFFFFE80] =	vst v3;
	v3 =	vmul.f32 v6, v21  }
0x25d: {  	s28 =	sshll.u32 s26, $0x4;
	[tilespmem:s29+$0xFFFFFF80] =	vst v0;
	v1 =	vmul.f32 v1, v22  }
0x25e: {  	s29 =	sor.u32 s4, s28;
	[tilespmem:s5+$0x0] =	vst v3;
	v0 =	vmul.f32 v5, v25  }
0x25f: {  	s16 =	smul.u32 $0x480, s29;
	[tilespmem:s5+$0xFFFFFE80] =	vst v1;
	v1 =	vmul.f32 v2, v28  }
0x260: {  	[tilespmem:s5+$0xFFFFFF00] =	vst v0  }
0x261: {  	s0 =	sadd.s32 s7, s16;
	[tilespmem:s5+$0xFFFFFF80] =	vst v1  }
0x262: {  	[hbm4b:s0+s3] =	stream.linear.scatter [tilespmem:s19], [sflag:$0x3], $0x9000, $0x38;
	[tilespmem:$0x1DB00] =	vst v63  }
0x263: {  	_ =	swait.ge [sflag:s23], $0x9000  }
0x264: {  	[sflag:s23] =	ssyncset.done $0x0  }
0x265: {  	s31 =	simm.s32 $0xA0;
	[sflag:s23] =	ssyncadd.s32 $0xFFFF7000  }
0x266: {  	v0 =	vld [tilespmem:s31+$0x50];
	_ =	sdelay $0x4  }
0x267: {  	v1 =	vshll.u32 v0, $0x3  }
0x268: {  	v0 =	vand.u32 $0x7F, v0;
	v1 =	vand.u32 $0xFFFFFC00, v1  }
0x269: {  	v0 =	vor.u32 v0, v1  }
0x26a: {  	v1 =	vor.u32 $0x200, v0;
	_ =	sdelay $0x2  }
0x26b: {  	s1 =	simm.s32 $0x1620  }
0x26c: {  	v2 =	vld [tilespmem:s1+$0x50]  }
0x26d: {  	v1 =	vld.idx.msk [tilespmem:v1+s17+$0x0], $0xffff;
	_ =	sdelay $0x1  }
0x26e: {  	v3 =	vld [tilespmem:s31+$0xFFFFFF60]  }
0x26f: {  	v6 =	vld [tilespmem:s31+$0x0];
	v5 =	vor.u32 $0x280, v0  }
0x270: {  	v4 =	vld [tilespmem:s31+$0xFFFFFFB0]  }
0x271: {  	v1 =	vmul.f32 v1, v2  }
0x272: {  	s30 =	simm.s32 $0x1B8C0  }
0x273: {  	v7 =	vshll.u32 v3, $0x3;
	[tilespmem:s30+$0xFFFF93C0] =	vst v1  }
0x274: {  	v3 =	vand.u32 $0x7F, v3;
	v8 =	vshll.u32 v6, $0x3;
	v7 =	vand.u32 $0xFFFFFC00, v7;
	v5 =	vld.idx.msk [tilespmem:v5+s17+$0x0], $0xffff  }
0x275: {  	v3 =	vor.u32 v3, v7;
	v7 =	vand.u32 $0xFFFFFC00, v8;
	v1 =	vshll.u32 v4, $0x3  }
0x276: {  	v8 =	vor.u32 $0x200, v3;
	v4 =	vand.u32 $0x7F, v4;
	v1 =	vand.u32 $0xFFFFFC00, v1  }
0x277: {  	v6 =	vand.u32 $0x7F, v6;
	v1 =	vor.u32 v4, v1;
	v4 =	vor.u32 $0x300, v0  }
0x278: {  	v6 =	vor.u32 v6, v7;
	v7 =	vor.u32 $0x200, v1  }
0x279: {  	v10 =	vld [tilespmem:s1+$0xFFFFFF60];
	v5 =	vmul.f32 v5, v2  }
0x27a: {  	v11 =	vld [tilespmem:s1+$0xFFFFFFB0];
	v9 =	vor.u32 $0x200, v6  }
0x27b: {  	v8 =	vld.idx.msk [tilespmem:v8+s17+$0x0], $0xffff;
	[tilespmem:s30+$0xFFFFB7C0] =	vst v5  }
0x27c: {  	v4 =	vld.idx.msk [tilespmem:v4+s17+$0x0], $0xffff  }
0x27d: {  	v5 =	vld.idx.msk [tilespmem:v7+s17+$0x0], $0xffff  }
0x27e: {  	v12 =	vld [tilespmem:s1+$0x0];
	v7 =	vor.u32 $0x280, v3  }
0x27f: {  	v9 =	vld.idx.msk [tilespmem:v9+s17+$0x0], $0xffff;
	v0 =	vor.u32 $0x380, v0  }
0x280: {  	v8 =	vmul.f32 v8, v10;
	v13 =	vor.u32 $0x280, v1  }
0x281: {  	v4 =	vmul.f32 v4, v2  }
0x282: {  	v14 =	vor.u32 $0x280, v6;
	[tilespmem:s30+$0xFFFF9240] =	vst v8;
	v5 =	vmul.f32 v5, v11  }
0x283: {  	v7 =	vld.idx.msk [tilespmem:v7+s17+$0x0], $0xffff;
	[tilespmem:s30+$0xFFFFDBC0] =	vst v4  }
0x284: {  	[tilespmem:s30+$0xFFFF92C0] =	vst v5;
	v4 =	vmul.f32 v9, v12;
	v0 =	vld.idx.msk [tilespmem:v0+s17+$0x0], $0xffff  }
0x285: {  	v5 =	vld.idx.msk [tilespmem:v13+s17+$0x0], $0xffff  }
0x286: {  	v8 =	vor.u32 $0x300, v3;
	[tilespmem:s30+$0xFFFF9340] =	vst v4  }
0x287: {  	v4 =	vld.idx.msk [tilespmem:v14+s17+$0x0], $0xffff  }
0x288: {  	v9 =	vor.u32 $0x300, v1;
	v7 =	vmul.f32 v7, v10  }
0x289: {  	v0 =	vmul.f32 v0, v2  }
0x28a: {  	[tilespmem:s30+$0xFFFFB640] =	vst v7;
	v5 =	vmul.f32 v5, v11;
	v2 =	vor.u32 $0x300, v6  }
0x28b: {  	v7 =	vld.idx.msk [tilespmem:v8+s17+$0x0], $0xffff;
	[tilespmem:s30+$0xFFFFFFC0] =	vst v0  }
0x28c: {  	[tilespmem:s30+$0xFFFFB6C0] =	vst v5;
	v0 =	vmul.f32 v4, v12;
	v4 =	vld [tilespmem:s31+$0x60]  }
0x28d: {  	v5 =	vld.idx.msk [tilespmem:v9+s17+$0x0], $0xffff  }
0x28e: {  	[tilespmem:s30+$0xFFFFB740] =	vst v0  }
0x28f: {  	v0 =	vor.u32 $0x380, v3;
	v2 =	vld.idx.msk [tilespmem:v2+s17+$0x0], $0xffff  }
0x290: {  	v1 =	vor.u32 $0x380, v1  }
0x291: {  	v3 =	vor.u32 $0x380, v6;
	v6 =	vmul.f32 v7, v10;
	v7 =	vshll.u32 v4, $0x3  }
0x292: {  	v5 =	vmul.f32 v5, v11;
	v4 =	vand.u32 $0x7F, v4;
	v7 =	vand.u32 $0xFFFFFC00, v7  }
0x293: {  	[tilespmem:s30+$0xFFFFDA40] =	vst v6;
	v4 =	vor.u32 v4, v7  }
0x294: {  	v0 =	vld.idx.msk [tilespmem:v0+s17+$0x0], $0xffff;
	[tilespmem:s30+$0xFFFFDAC0] =	vst v5;
	v2 =	vmul.f32 v2, v12;
	v5 =	vor.u32 $0x200, v4  }
0x295: {  	v1 =	vld.idx.msk [tilespmem:v1+s17+$0x0], $0xffff  }
0x296: {  	[tilespmem:s30+$0xFFFFDB40] =	vst v2  }
0x297: {  	v2 =	vld.idx.msk [tilespmem:v3+s17+$0x0], $0xffff;
	_ =	sdelay $0x1  }
0x298: {  	v0 =	vmul.f32 v0, v10;
	v3 =	vld.idx.msk [tilespmem:v5+s17+$0x0], $0xffff  }
0x299: {  	v1 =	vmul.f32 v1, v11;
	v5 =	vld [tilespmem:s1+$0x60]  }
0x29a: {  	[tilespmem:s30+$0xFFFFFE40] =	vst v0  }
0x29b: {  	v0 =	vld [tilespmem:s31+$0xFFFFFF70];
	[tilespmem:s30+$0xFFFFFEC0] =	vst v1;
	v1 =	vmul.f32 v2, v12  }
0x29c: {  	v6 =	vor.u32 $0x280, v4;
	v2 =	vld [tilespmem:s31+$0xFFFFFFC0]  }
0x29d: {  	[tilespmem:s30+$0xFFFFFF40] =	vst v1  }
0x29e: {  	v1 =	vld [tilespmem:s31+$0x10];
	v3 =	vmul.f32 v3, v5;
	_ =	sdelay $0x1  }
0x29f: {  	v7 =	vshll.u32 v0, $0x3;
	[tilespmem:s30+$0xFFFF93D0] =	vst v3  }
0x2a0: {  	v0 =	vand.u32 $0x7F, v0;
	v3 =	vand.u32 $0xFFFFFC00, v7;
	v7 =	vshll.u32 v2, $0x3;
	v6 =	vld.idx.msk [tilespmem:v6+s17+$0x0], $0xffff  }
0x2a1: {  	v2 =	vand.u32 $0x7F, v2;
	v0 =	vor.u32 v0, v3;
	v3 =	vand.u32 $0xFFFFFC00, v7  }
0x2a2: {  	v2 =	vor.u32 v2, v3;
	v7 =	vor.u32 $0x200, v0;
	v3 =	vshll.u32 v1, $0x3  }
0x2a3: {  	v8 =	vor.u32 $0x300, v4;
	v1 =	vand.u32 $0x7F, v1;
	v3 =	vand.u32 $0xFFFFFC00, v3  }
0x2a4: {  	v9 =	vld [tilespmem:s1+$0xFFFFFF70];
	v10 =	vor.u32 $0x200, v2;
	v1 =	vor.u32 v1, v3  }
0x2a5: {  	v12 =	vld [tilespmem:s1+$0x10];
	v11 =	vor.u32 $0x200, v1;
	v6 =	vmul.f32 v6, v5  }
0x2a6: {  	v3 =	vld [tilespmem:s1+$0xFFFFFFC0]  }
0x2a7: {  	v7 =	vld.idx.msk [tilespmem:v7+s17+$0x0], $0xffff;
	[tilespmem:s30+$0xFFFFB7D0] =	vst v6  }
0x2a8: {  	v6 =	vld.idx.msk [tilespmem:v8+s17+$0x0], $0xffff  }
0x2a9: {  	v8 =	vld.idx.msk [tilespmem:v10+s17+$0x0], $0xffff  }
0x2aa: {  	v10 =	vor.u32 $0x280, v0;
	v11 =	vld.idx.msk [tilespmem:v11+s17+$0x0], $0xffff  }
0x2ab: {  	v4 =	vor.u32 $0x380, v4  }
0x2ac: {  	v13 =	vor.u32 $0x280, v2;
	v7 =	vmul.f32 v7, v9  }
0x2ad: {  	v14 =	vor.u32 $0x280, v1;
	v6 =	vmul.f32 v6, v5  }
0x2ae: {  	[tilespmem:s30+$0xFFFF9250] =	vst v7;
	v7 =	vmul.f32 v8, v3  }
0x2af: {  	v8 =	vld.idx.msk [tilespmem:v10+s17+$0x0], $0xffff;
	v10 =	vmul.f32 v11, v12;
	[tilespmem:s30+$0xFFFFDBD0] =	vst v6  }
0x2b0: {  	[tilespmem:s30+$0xFFFF92D0] =	vst v7;
	v4 =	vld.idx.msk [tilespmem:v4+s17+$0x0], $0xffff  }
0x2b1: {  	v6 =	vld.idx.msk [tilespmem:v13+s17+$0x0], $0xffff;
	[tilespmem:s30+$0xFFFF9350] =	vst v10  }
0x2b2: {  	v7 =	vor.u32 $0x300, v0;
	v10 =	vld.idx.msk [tilespmem:v14+s17+$0x0], $0xffff;
	_ =	sdelay $0x1  }
0x2b3: {  	v11 =	vor.u32 $0x300, v2;
	v8 =	vmul.f32 v8, v9  }
0x2b4: {  	v13 =	vor.u32 $0x300, v1;
	v4 =	vmul.f32 v4, v5  }
0x2b5: {  	[tilespmem:s30+$0xFFFFB650] =	vst v8;
	v5 =	vmul.f32 v6, v3  }
0x2b6: {  	v6 =	vld.idx.msk [tilespmem:v7+s17+$0x0], $0xffff;
	v7 =	vmul.f32 v10, v12;
	[tilespmem:s30+$0xFFFFFFD0] =	vst v4  }
0x2b7: {  	[tilespmem:s30+$0xFFFFB6D0] =	vst v5;
	v4 =	vld [tilespmem:s31+$0x70]  }
0x2b8: {  	v5 =	vld.idx.msk [tilespmem:v11+s17+$0x0], $0xffff;
	[tilespmem:s30+$0xFFFFB750] =	vst v7  }
0x2b9: {  	v0 =	vor.u32 $0x380, v0;
	v7 =	vld.idx.msk [tilespmem:v13+s17+$0x0], $0xffff;
	_ =	sdelay $0x1  }
0x2ba: {  	v2 =	vor.u32 $0x380, v2;
	v6 =	vmul.f32 v6, v9  }
0x2bb: {  	v1 =	vor.u32 $0x380, v1;
	v8 =	vshll.u32 v4, $0x3  }
0x2bc: {  	[tilespmem:s30+$0xFFFFDA50] =	vst v6;
	v5 =	vmul.f32 v5, v3;
	v4 =	vand.u32 $0x7F, v4;
	v6 =	vand.u32 $0xFFFFFC00, v8  }
0x2bd: {  	v0 =	vld.idx.msk [tilespmem:v0+s17+$0x0], $0xffff;
	v7 =	vmul.f32 v7, v12;
	v4 =	vor.u32 v4, v6  }
0x2be: {  	[tilespmem:s30+$0xFFFFDAD0] =	vst v5;
	v5 =	vor.u32 $0x200, v4  }
0x2bf: {  	v2 =	vld.idx.msk [tilespmem:v2+s17+$0x0], $0xffff;
	[tilespmem:s30+$0xFFFFDB50] =	vst v7  }
0x2c0: {  	s0 =	simm.s32 $0x1E0;
	v1 =	vld.idx.msk [tilespmem:v1+s17+$0x0], $0xffff  }
0x2c1: {  	v15 =	vld [tilespmem:s0+$0x0]  }
0x2c2: {  	v10 =	vld [tilespmem:s0+$0xFFFFFF60];
	v0 =	vmul.f32 v0, v9  }
0x2c3: {  	v5 =	vld.idx.msk [tilespmem:v5+s17+$0x0], $0xffff  }
0x2c4: {  	[tilespmem:s30+$0xFFFFFE50] =	vst v0;
	v0 =	vmul.f32 v2, v3;
	v3 =	vld [tilespmem:s1+$0x70]  }
0x2c5: {  	v1 =	vmul.f32 v1, v12  }
0x2c6: {  	v8 =	vld [tilespmem:s0+$0x50]  }
0x2c7: {  	[tilespmem:s30+$0xFFFFFF50] =	vst v1;
	v1 =	vor.u32 $0x280, v4  }
0x2c8: {  	v2 =	vld [tilespmem:s31+$0xFFFFFF80]  }
0x2c9: {  	v19 =	vshll.u32 v15, $0x3;
	v18 =	vshll.u32 v10, $0x3;
	[tilespmem:s30+$0xFFFFFED0] =	vst v0;
	v5 =	vmul.f32 v5, v3  }
0x2ca: {  	v15 =	vand.u32 $0x7F, v15;
	v10 =	vand.u32 $0x7F, v10;
	v18 =	vand.u32 $0xFFFFFC00, v18;
	v0 =	vld [tilespmem:s31+$0xFFFFFFD0]  }
0x2cb: {  	v10 =	vor.u32 v10, v18;
	v18 =	vand.u32 $0xFFFFFC00, v19;
	v13 =	vshll.u32 v8, $0x3;
	v6 =	vld [tilespmem:s31+$0x20];
	[tilespmem:s30+$0xFFFF93E0] =	vst v5  }
0x2cc: {  	v15 =	vor.u32 v15, v18;
	v8 =	vand.u32 $0x7F, v8;
	v13 =	vand.u32 $0xFFFFFC00, v13;
	v1 =	vld.idx.msk [tilespmem:v1+s17+$0x0], $0xffff  }
0x2cd: {  	s16 =	simm.s32 $0x1760;
	v14 =	vor.u32 $0x300, v4;
	v8 =	vor.u32 v8, v13;
	v7 =	vshll.u32 v2, $0x3  }
0x2ce: {  	v21 =	vld [tilespmem:s16+$0xFFFFFF60];
	v17 =	vor.u32 $0x200, v8;
	v2 =	vand.u32 $0x7F, v2;
	v7 =	vand.u32 $0xFFFFFC00, v7  }
0x2cf: {  	v12 =	vld [tilespmem:s0+$0xFFFFFFB0];
	v5 =	vor.u32 v2, v7;
	v2 =	vand.u32 $0x7F, v0;
	v7 =	vshll.u32 v0, $0x3  }
0x2d0: {  	v22 =	vld [tilespmem:s16+$0xFFFFFFB0];
	v7 =	vand.u32 $0xFFFFFC00, v7;
	v9 =	vand.u32 $0x7F, v6;
	v6 =	vshll.u32 v6, $0x3  }
0x2d1: {  	v18 =	vld [tilespmem:s16+$0x50];
	v7 =	vor.u32 v2, v7;
	v2 =	vand.u32 $0xFFFFFC00, v6;
	v13 =	vmul.f32 v1, v3  }
0x2d2: {  	v0 =	vld [tilespmem:s1+$0xFFFFFF80];
	v6 =	vor.u32 $0x200, v5;
	v9 =	vor.u32 v9, v2  }
0x2d3: {  	v2 =	vld [tilespmem:s1+$0xFFFFFFD0];
	v16 =	vor.u32 $0x200, v9;
	[tilespmem:s30+$0xFFFFB7E0] =	vst v13  }
0x2d4: {  	v11 =	vor.u32 $0x200, v7;
	v13 =	vshll.u32 v12, $0x3;
	v14 =	vld.idx.msk [tilespmem:v14+s17+$0x0], $0xffff  }
0x2d5: {  	v1 =	vld [tilespmem:s1+$0x20];
	v12 =	vand.u32 $0x7F, v12;
	v13 =	vand.u32 $0xFFFFFC00, v13  }
0x2d6: {  	v19 =	vor.u32 $0x200, v10;
	v12 =	vor.u32 v12, v13;
	v13 =	vld.idx.msk [tilespmem:v17+s17+$0x0], $0xffff  }
0x2d7: {  	v4 =	vor.u32 $0x380, v4;
	v6 =	vld.idx.msk [tilespmem:v6+s17+$0x0], $0xffff  }
0x2d8: {  	v16 =	vld.idx.msk [tilespmem:v16+s17+$0x0], $0xffff;
	v17 =	vor.u32 $0x200, v12  }
0x2d9: {  	v20 =	vor.u32 $0x200, v15;
	v11 =	vld.idx.msk [tilespmem:v11+s17+$0x0], $0xffff;
	v14 =	vmul.f32 v14, v3  }
0x2da: {  	v26 =	vld [tilespmem:s16+$0x0];
	v23 =	vor.u32 $0x280, v8  }
0x2db: {  	v19 =	vld.idx.msk [tilespmem:v19+s17+$0x0], $0xffff;
	v25 =	vor.u32 $0x280, v9;
	v13 =	vmul.f32 v13, v18;
	[tilespmem:s30+$0xFFFFDBE0] =	vst v14  }
0x2dc: {  	s5 =	simm.s32 $0x1BAC0;
	v6 =	vmul.f32 v6, v0;
	v14 =	vor.u32 $0x280, v5;
	v4 =	vld.idx.msk [tilespmem:v4+s17+$0x0], $0xffff  }
0x2dd: {  	v24 =	vor.u32 $0x280, v7;
	v17 =	vld.idx.msk [tilespmem:v17+s17+$0x0], $0xffff;
	[tilespmem:s5+$0xFFFF93C0] =	vst v13;
	v13 =	vmul.f32 v16, v1  }
0x2de: {  	v20 =	vld.idx.msk [tilespmem:v20+s17+$0x0], $0xffff;
	v11 =	vmul.f32 v11, v2;
	[tilespmem:s30+$0xFFFF9260] =	vst v6;
	v6 =	vor.u32 $0x280, v10  }
0x2df: {  	v16 =	vld.idx.msk [tilespmem:v23+s17+$0x0], $0xffff;
	[tilespmem:s30+$0xFFFF9360] =	vst v13  }
0x2e0: {  	[tilespmem:s30+$0xFFFF92E0] =	vst v11;
	v11 =	vor.u32 $0x280, v12;
	v13 =	vmul.f32 v19, v21;
	v19 =	vld.idx.msk [tilespmem:v25+s17+$0x0], $0xffff  }
0x2e1: {  	v23 =	vor.u32 $0x280, v15;
	v14 =	vld.idx.msk [tilespmem:v14+s17+$0x0], $0xffff;
	v3 =	vmul.f32 v4, v3  }
0x2e2: {  	v17 =	vmul.f32 v17, v22;
	[tilespmem:s5+$0xFFFF9240] =	vst v13;
	v4 =	vld.idx.msk [tilespmem:v24+s17+$0x0], $0xffff;
	v24 =	vor.u32 $0x300, v8  }
0x2e3: {  	v6 =	vld.idx.msk [tilespmem:v6+s17+$0x0], $0xffff;
	[tilespmem:s30+$0xFFFFFFE0] =	vst v3;
	v3 =	vmul.f32 v20, v26  }
0x2e4: {  	[tilespmem:s5+$0xFFFF92C0] =	vst v17;
	v16 =	vmul.f32 v16, v18;
	v20 =	vor.u32 $0x300, v5;
	v13 =	vld [tilespmem:s31+$0x80]  }
0x2e5: {  	v17 =	vor.u32 $0x300, v7;
	v11 =	vld.idx.msk [tilespmem:v11+s17+$0x0], $0xffff;
	[tilespmem:s5+$0xFFFF9340] =	vst v3  }
0x2e6: {  	[tilespmem:s5+$0xFFFFB7C0] =	vst v16;
	v16 =	vor.u32 $0x300, v10;
	v14 =	vmul.f32 v14, v0;
	v23 =	vld.idx.msk [tilespmem:v23+s17+$0x0], $0xffff  }
0x2e7: {  	v3 =	vor.u32 $0x300, v9;
	v4 =	vmul.f32 v4, v2;
	v24 =	vld.idx.msk [tilespmem:v24+s17+$0x0], $0xffff  }
0x2e8: {  	v27 =	vor.u32 $0x300, v15;
	v25 =	vor.u32 $0x300, v12;
	v6 =	vmul.f32 v6, v21;
	[tilespmem:s30+$0xFFFFB660] =	vst v14  }
0x2e9: {  	v8 =	vor.u32 $0x380, v8;
	v14 =	vmul.f32 v19, v1;
	[tilespmem:s30+$0xFFFFB6E0] =	vst v4;
	v4 =	vld.idx.msk [tilespmem:v20+s17+$0x0], $0xffff;
	v19 =	vshll.u32 v13, $0x3  }
0x2ea: {  	v11 =	vmul.f32 v11, v22;
	[tilespmem:s5+$0xFFFFB640] =	vst v6;
	v13 =	vand.u32 $0x7F, v13;
	v17 =	vld.idx.msk [tilespmem:v17+s17+$0x0], $0xffff;
	v19 =	vand.u32 $0xFFFFFC00, v19  }
0x2eb: {  	[tilespmem:s30+$0xFFFFB760] =	vst v14;
	v16 =	vld.idx.msk [tilespmem:v16+s17+$0x0], $0xffff;
	v13 =	vor.u32 v13, v19;
	v6 =	vmul.f32 v23, v26  }
0x2ec: {  	v3 =	vld.idx.msk [tilespmem:v3+s17+$0x0], $0xffff;
	[tilespmem:s5+$0xFFFFB6C0] =	vst v11;
	v11 =	vmul.f32 v24, v18;
	v14 =	vor.u32 $0x200, v13  }
0x2ed: {  	v5 =	vor.u32 $0x380, v5;
	v19 =	vld.idx.msk [tilespmem:v25+s17+$0x0], $0xffff;
	[tilespmem:s5+$0xFFFFB740] =	vst v6  }
0x2ee: {  	v6 =	vor.u32 $0x380, v7;
	[tilespmem:s5+$0xFFFFDBC0] =	vst v11;
	v4 =	vmul.f32 v4, v0;
	v7 =	vld.idx.msk [tilespmem:v27+s17+$0x0], $0xffff  }
0x2ef: {  	v10 =	vor.u32 $0x380, v10;
	v8 =	vld.idx.msk [tilespmem:v8+s17+$0x0], $0xffff  }
0x2f0: {  	v11 =	vor.u32 $0x380, v12;
	v12 =	vmul.f32 v17, v2;
	[tilespmem:s30+$0xFFFFDA60] =	vst v4;
	v4 =	vmul.f32 v16, v21;
	v16 =	vld [tilespmem:s1+$0x80]  }
0x2f1: {  	v15 =	vor.u32 $0x380, v15;
	v14 =	vld.idx.msk [tilespmem:v14+s17+$0x0], $0xffff  }
0x2f2: {  	v5 =	vld.idx.msk [tilespmem:v5+s17+$0x0], $0xffff;
	[tilespmem:s30+$0xFFFFDAE0] =	vst v12;
	v12 =	vmul.f32 v19, v22  }
0x2f3: {  	v9 =	vor.u32 $0x380, v9;
	[tilespmem:s5+$0xFFFFDA40] =	vst v4;
	v6 =	vld.idx.msk [tilespmem:v6+s17+$0x0], $0xffff;
	v4 =	vmul.f32 v7, v26  }
0x2f4: {  	[tilespmem:s5+$0xFFFFDAC0] =	vst v12;
	v7 =	vld.idx.msk [tilespmem:v10+s17+$0x0], $0xffff;
	v10 =	vor.u32 $0x280, v13;
	v8 =	vmul.f32 v8, v18  }
0x2f5: {  	v3 =	vmul.f32 v3, v1;
	v11 =	vld.idx.msk [tilespmem:v11+s17+$0x0], $0xffff;
	[tilespmem:s5+$0xFFFFDB40] =	vst v4  }
0x2f6: {  	[tilespmem:s5+$0xFFFFFFC0] =	vst v8;
	v4 =	vld.idx.msk [tilespmem:v15+s17+$0x0], $0xffff;
	v12 =	vmul.f32 v14, v16  }
0x2f7: {  	[tilespmem:s30+$0xFFFFDB60] =	vst v3;
	v0 =	vmul.f32 v5, v0;
	v3 =	vld [tilespmem:s0+$0x60]  }
0x2f8: {  	v5 =	vld.idx.msk [tilespmem:v9+s17+$0x0], $0xffff;
	v2 =	vmul.f32 v6, v2;
	[tilespmem:s30+$0xFFFF93F0] =	vst v12  }
0x2f9: {  	[tilespmem:s30+$0xFFFFFE60] =	vst v0;
	v0 =	vmul.f32 v7, v21;
	v6 =	vld.idx.msk [tilespmem:v10+s17+$0x0], $0xffff  }
0x2fa: {  	v7 =	vmul.f32 v11, v22;
	[tilespmem:s30+$0xFFFFFEE0] =	vst v2;
	v2 =	vld [tilespmem:s31+$0xFFFFFF90]  }
0x2fb: {  	v8 =	vld [tilespmem:s31+$0xFFFFFFE0];
	[tilespmem:s5+$0xFFFFFE40] =	vst v0  }
0x2fc: {  	[tilespmem:s5+$0xFFFFFEC0] =	vst v7;
	v7 =	vor.u32 $0x300, v13;
	v9 =	vld [tilespmem:s0+$0xFFFFFF70];
	v4 =	vmul.f32 v4, v26;
	v0 =	vshll.u32 v3, $0x3  }
0x2fd: {  	v1 =	vmul.f32 v5, v1;
	v5 =	vld [tilespmem:s0+$0xFFFFFFC0];
	v3 =	vand.u32 $0x7F, v3;
	v10 =	vand.u32 $0xFFFFFC00, v0  }
0x2fe: {  	v18 =	vld [tilespmem:s16+$0x60];
	[tilespmem:s5+$0xFFFFFF40] =	vst v4;
	v10 =	vor.u32 v3, v10;
	v3 =	vmul.f32 v6, v16  }
0x2ff: {  	v13 =	vor.u32 $0x380, v13;
	[tilespmem:s30+$0xFFFFFF60] =	vst v1;
	v1 =	vld [tilespmem:s0+$0x10]  }
0x300: {  	v0 =	vld [tilespmem:s1+$0xFFFFFF90];
	v4 =	vshll.u32 v2, $0x3;
	v6 =	vor.u32 $0x200, v10;
	v2 =	vand.u32 $0x7F, v2;
	[tilespmem:s30+$0xFFFFB7F0] =	vst v3  }
0x301: {  	v11 =	vand.u32 $0xFFFFFC00, v4;
	v14 =	vand.u32 $0x7F, v8;
	v3 =	vshll.u32 v9, $0x3;
	v7 =	vld.idx.msk [tilespmem:v7+s17+$0x0], $0xffff  }
0x302: {  	v12 =	vld [tilespmem:s31+$0x30];
	v9 =	vand.u32 $0x7F, v9;
	v17 =	vshll.u32 v5, $0x3;
	v15 =	vand.u32 $0xFFFFFC00, v3  }
0x303: {  	v19 =	vld [tilespmem:s16+$0x10];
	v5 =	vand.u32 $0x7F, v5;
	v9 =	vor.u32 v9, v15;
	v15 =	vand.u32 $0xFFFFFC00, v17  }
0x304: {  	v8 =	vshll.u32 v8, $0x3;
	v4 =	vld [tilespmem:s16+$0xFFFFFF70];
	v5 =	vor.u32 v5, v15;
	v15 =	vshll.u32 v1, $0x3  }
0x305: {  	v6 =	vld.idx.msk [tilespmem:v6+s17+$0x0], $0xffff;
	v1 =	vand.u32 $0x7F, v1;
	v17 =	vor.u32 $0x200, v9;
	v15 =	vand.u32 $0xFFFFFC00, v15  }
0x306: {  	v3 =	vld [tilespmem:s16+$0xFFFFFFC0];
	v20 =	vor.u32 $0x200, v5;
	v15 =	vor.u32 v1, v15;
	v21 =	vmul.f32 v7, v16  }
0x307: {  	v1 =	vld [tilespmem:s1+$0xFFFFFFE0];
	v7 =	vand.u32 $0xFFFFFC00, v8;
	v8 =	vor.u32 v2, v11;
	v2 =	vor.u32 $0x200, v15  }
0x308: {  	v22 =	vor.u32 $0x280, v10;
	v11 =	vor.u32 v14, v7;
	v14 =	vshll.u32 v12, $0x3;
	v7 =	vld [tilespmem:s1+$0x30];
	[tilespmem:s30+$0xFFFFDBF0] =	vst v21  }
0x309: {  	v12 =	vand.u32 $0x7F, v12;
	v14 =	vand.u32 $0xFFFFFC00, v14;
	v21 =	vor.u32 $0x200, v8;
	v13 =	vld.idx.msk [tilespmem:v13+s17+$0x0], $0xffff  }
0x30a: {  	v6 =	vmul.f32 v6, v18;
	v12 =	vor.u32 v12, v14;
	v14 =	vld.idx.msk [tilespmem:v17+s17+$0x0], $0xffff;
	v17 =	vor.u32 $0x200, v11  }
0x30b: {  	v20 =	vld.idx.msk [tilespmem:v20+s17+$0x0], $0xffff;
	v23 =	vor.u32 $0x200, v12  }
0x30c: {  	[tilespmem:s5+$0xFFFF93D0] =	vst v6;
	v2 =	vld.idx.msk [tilespmem:v2+s17+$0x0], $0xffff  }
0x30d: {  	v6 =	vor.u32 $0x280, v9;
	v22 =	vld.idx.msk [tilespmem:v22+s17+$0x0], $0xffff  }
0x30e: {  	v24 =	vor.u32 $0x280, v5;
	v21 =	vld.idx.msk [tilespmem:v21+s17+$0x0], $0xffff;
	v13 =	vmul.f32 v13, v16  }
0x30f: {  	v16 =	vor.u32 $0x280, v15;
	v14 =	vmul.f32 v14, v4;
	v17 =	vld.idx.msk [tilespmem:v17+s17+$0x0], $0xffff  }
0x310: {  	v25 =	vor.u32 $0x300, v10;
	v20 =	vmul.f32 v20, v3;
	v23 =	vld.idx.msk [tilespmem:v23+s17+$0x0], $0xffff;
	[tilespmem:s30+$0xFFFFFFF0] =	vst v13  }
0x311: {  	[tilespmem:s5+$0xFFFF9250] =	vst v14;
	v2 =	vmul.f32 v2, v19;
	v13 =	vld [tilespmem:s31+$0x90]  }
0x312: {  	v14 =	vor.u32 $0x280, v8;
	[tilespmem:s5+$0xFFFF92D0] =	vst v20;
	v20 =	vmul.f32 v22, v18;
	v6 =	vld.idx.msk [tilespmem:v6+s17+$0x0], $0xffff  }
0x313: {  	v22 =	vor.u32 $0x280, v11;
	v24 =	vld.idx.msk [tilespmem:v24+s17+$0x0], $0xffff;
	[tilespmem:s5+$0xFFFF9350] =	vst v2  }
0x314: {  	v2 =	vor.u32 $0x280, v12;
	v21 =	vmul.f32 v21, v0;
	[tilespmem:s5+$0xFFFFB7D0] =	vst v20;
	v16 =	vld.idx.msk [tilespmem:v16+s17+$0x0], $0xffff  }
0x315: {  	v20 =	vor.u32 $0x300, v9;
	v17 =	vmul.f32 v17, v1;
	v25 =	vld.idx.msk [tilespmem:v25+s17+$0x0], $0xffff  }
0x316: {  	v10 =	vor.u32 $0x380, v10;
	v26 =	vor.u32 $0x300, v5;
	[tilespmem:s30+$0xFFFF9270] =	vst v21;
	v21 =	vmul.f32 v23, v7  }
0x317: {  	v27 =	vor.u32 $0x300, v15;
	v14 =	vld.idx.msk [tilespmem:v14+s17+$0x0], $0xffff;
	[tilespmem:s30+$0xFFFF92F0] =	vst v17;
	v23 =	vshll.u32 v13, $0x3;
	v6 =	vmul.f32 v6, v4  }
0x318: {  	v13 =	vand.u32 $0x7F, v13;
	v22 =	vld.idx.msk [tilespmem:v22+s17+$0x0], $0xffff;
	[tilespmem:s30+$0xFFFF9370] =	vst v21;
	v21 =	vmul.f32 v24, v3;
	v17 =	vand.u32 $0xFFFFFC00, v23  }
0x319: {  	v13 =	vor.u32 v13, v17;
	v17 =	vld.idx.msk [tilespmem:v2+s17+$0x0], $0xffff;
	[tilespmem:s5+$0xFFFFB650] =	vst v6;
	v2 =	vmul.f32 v16, v19  }
0x31a: {  	[tilespmem:s5+$0xFFFFB6D0] =	vst v21;
	v6 =	vor.u32 $0x200, v13;
	v16 =	vld.idx.msk [tilespmem:v20+s17+$0x0], $0xffff;
	v20 =	vmul.f32 v25, v18  }
0x31b: {  	v21 =	vor.u32 $0x300, v8;
	v23 =	vld.idx.msk [tilespmem:v26+s17+$0x0], $0xffff;
	[tilespmem:s5+$0xFFFFB750] =	vst v2  }
0x31c: {  	v24 =	vor.u32 $0x300, v11;
	v2 =	vmul.f32 v14, v0;
	v25 =	vld.idx.msk [tilespmem:v27+s17+$0x0], $0xffff;
	[tilespmem:s5+$0xFFFFDBD0] =	vst v20  }
0x31d: {  	v9 =	vor.u32 $0x380, v9;
	v10 =	vld.idx.msk [tilespmem:v10+s17+$0x0], $0xffff  }
0x31e: {  	v14 =	vor.u32 $0x300, v12;
	v20 =	vmul.f32 v22, v1;
	[tilespmem:s30+$0xFFFFB670] =	vst v2;
	v2 =	vld [tilespmem:s1+$0x90]  }
0x31f: {  	v5 =	vor.u32 $0x380, v5;
	v6 =	vld.idx.msk [tilespmem:v6+s17+$0x0], $0xffff;
	v16 =	vmul.f32 v16, v4  }
0x320: {  	v15 =	vor.u32 $0x380, v15;
	v17 =	vmul.f32 v17, v7;
	[tilespmem:s30+$0xFFFFB6F0] =	vst v20;
	v20 =	vld.idx.msk [tilespmem:v21+s17+$0x0], $0xffff  }
0x321: {  	v21 =	vld.idx.msk [tilespmem:v24+s17+$0x0], $0xffff;
	[tilespmem:s5+$0xFFFFDA50] =	vst v16;
	v16 =	vmul.f32 v23, v3  }
0x322: {  	v22 =	vor.u32 $0x280, v13;
	[tilespmem:s30+$0xFFFFB770] =	vst v17;
	v17 =	vmul.f32 v25, v19;
	v9 =	vld.idx.msk [tilespmem:v9+s17+$0x0], $0xffff  }
0x323: {  	v8 =	vor.u32 $0x380, v8;
	v14 =	vld.idx.msk [tilespmem:v14+s17+$0x0], $0xffff;
	v10 =	vmul.f32 v10, v18;
	[tilespmem:s5+$0xFFFFDAD0] =	vst v16  }
0x324: {  	v11 =	vor.u32 $0x380, v11;
	[tilespmem:s5+$0xFFFFDB50] =	vst v17;
	v5 =	vld.idx.msk [tilespmem:v5+s17+$0x0], $0xffff;
	v6 =	vmul.f32 v6, v2  }
0x325: {  	v15 =	vld.idx.msk [tilespmem:v15+s17+$0x0], $0xffff;
	[tilespmem:s5+$0xFFFFFFD0] =	vst v10;
	v10 =	vmul.f32 v20, v0  }
0x326: {  	v16 =	vld [tilespmem:s0+$0x70];
	[tilespmem:s30+$0xFFFF9400] =	vst v6;
	v6 =	vmul.f32 v21, v1  }
0x327: {  	[tilespmem:s30+$0xFFFFDA70] =	vst v10;
	v17 =	vld.idx.msk [tilespmem:v22+s17+$0x0], $0xffff;
	v4 =	vmul.f32 v9, v4  }
0x328: {  	v9 =	vld.idx.msk [tilespmem:v8+s17+$0x0], $0xffff;
	[tilespmem:s30+$0xFFFFDAF0] =	vst v6  }
0x329: {  	[tilespmem:s5+$0xFFFFFE50] =	vst v4;
	v3 =	vmul.f32 v5, v3;
	v5 =	vld.idx.msk [tilespmem:v11+s17+$0x0], $0xffff  }
0x32a: {  	v6 =	vmul.f32 v15, v19;
	v10 =	vld [tilespmem:s0+$0xFFFFFF80]  }
0x32b: {  	v11 =	vor.u32 $0x300, v13;
	v19 =	vld [tilespmem:s16+$0x70];
	[tilespmem:s5+$0xFFFFFED0] =	vst v3  }
0x32c: {  	v12 =	vor.u32 $0x380, v12;
	v3 =	vshll.u32 v16, $0x3;
	[tilespmem:s5+$0xFFFFFF50] =	vst v6;
	v15 =	vld [tilespmem:s0+$0xFFFFFFD0]  }
0x32d: {  	v6 =	vand.u32 $0x7F, v16;
	v3 =	vand.u32 $0xFFFFFC00, v3;
	v16 =	vmul.f32 v17, v2;
	v17 =	vld [tilespmem:s0+$0x20]  }
0x32e: {  	v4 =	vld [tilespmem:s16+$0xFFFFFF80];
	v8 =	vor.u32 v6, v3;
	v3 =	vmul.f32 v14, v7  }
0x32f: {  	v0 =	vmul.f32 v9, v0;
	v6 =	vld [tilespmem:s16+$0xFFFFFFD0];
	v14 =	vor.u32 $0x200, v8;
	[tilespmem:s30+$0xFFFFB800] =	vst v16;
	v9 =	vshll.u32 v10, $0x3  }
0x330: {  	v27 =	vor.u32 $0x380, v13;
	v11 =	vld.idx.msk [tilespmem:v11+s17+$0x0], $0xffff;
	[tilespmem:s30+$0xFFFFDB70] =	vst v3;
	v3 =	vand.u32 $0x7F, v10;
	v9 =	vand.u32 $0xFFFFFC00, v9  }
0x331: {  	v1 =	vmul.f32 v5, v1;
	v5 =	vld [tilespmem:s16+$0x20];
	v26 =	vor.u32 $0x280, v8;
	v3 =	vor.u32 v3, v9  }
0x332: {  	[tilespmem:s30+$0xFFFFFE70] =	vst v0;
	v10 =	vld.idx.msk [tilespmem:v12+s17+$0x0], $0xffff;
	v0 =	vand.u32 $0x7F, v15;
	v9 =	vshll.u32 v15, $0x3;
	v12 =	vand.u32 $0x7F, v17  }
0x333: {  	v22 =	vld [tilespmem:s31+$0xFFFFFFA0];
	v15 =	vshll.u32 v17, $0x3;
	v9 =	vand.u32 $0xFFFFFC00, v9;
	v28 =	vor.u32 $0x200, v3  }
0x334: {  	[tilespmem:s30+$0xFFFFFEF0] =	vst v1;
	v16 =	vor.u32 $0x280, v3;
	v17 =	vor.u32 $0x300, v3;
	v24 =	vor.u32 v0, v9;
	v25 =	vld.idx.msk [tilespmem:v14+s17+$0x0], $0xffff  }
0x335: {  	v0 =	vand.u32 $0xFFFFFC00, v15;
	v9 =	vld [tilespmem:s31+$0xFFFFFFF0];
	v29 =	vor.u32 $0x200, v24;
	v11 =	vmul.f32 v11, v2  }
0x336: {  	v1 =	vld [tilespmem:s1+$0xFFFFFFF0];
	v15 =	vor.u32 $0x380, v3;
	v12 =	vor.u32 v12, v0;
	v21 =	vor.u32 $0x280, v24  }
0x337: {  	v0 =	vld [tilespmem:s1+$0xFFFFFFA0];
	v18 =	vor.u32 $0x300, v24;
	v13 =	vor.u32 $0x380, v24;
	v23 =	vor.u32 $0x200, v12;
	[tilespmem:s30+$0xFFFFDC00] =	vst v11  }
0x338: {  	v20 =	vor.u32 $0x280, v12;
	v14 =	vor.u32 $0x300, v12;
	v7 =	vmul.f32 v10, v7;
	v3 =	vld.idx.msk [tilespmem:v27+s17+$0x0], $0xffff  }
0x339: {  	v11 =	vor.u32 $0x380, v12;
	v24 =	vld.idx.msk [tilespmem:v28+s17+$0x0], $0xffff;
	v28 =	vshll.u32 v22, $0x3;
	v27 =	vmul.f32 v25, v19  }
0x33a: {  	s9 =	simm.s32 $0x4;
	s11 =	simm.s32 $0x320;
	s6 =	simm.s32 $0x1BAC0;
	v12 =	vand.u32 $0x7F, v22;
	v22 =	vand.u32 $0xFFFFFC00, v28;
	v10 =	vshll.u32 v9, $0x3;
	v25 =	vld.idx.msk [tilespmem:v29+s17+$0x0], $0xffff  }
.LBB2_5:
0x33b: {  	v28 =	vld [tilespmem:s11+$0x50];
	[tilespmem:s5+$0xFFFF93E0] =	vst v27;
	v27 =	vor.u32 v12, v22;
	v9 =	vand.u32 $0x7F, v9;
	v10 =	vand.u32 $0xFFFFFC00, v10  }
0x33c: {  	s9 =	sadd.s32 $0x4, s9;
	v29 =	vld.idx.msk [tilespmem:v26+s17+$0x0], $0xffff;
	v30 =	vor.u32 $0x200, v27;
	v12 =	vor.u32 $0x280, v27;
	v26 =	vor.u32 v9, v10;
	[tilespmem:s30+$0xFFFFFF70] =	vst v7  }
0x33d: {  	p0 =	slt.u32 s9, $0x40;
	v9 =	vor.u32 $0x300, v27;
	v31 =	vld [tilespmem:s11+$0xFFFFFFB0];
	v32 =	vor.u32 $0x200, v26;
	v22 =	vor.u32 $0x280, v26  }
0x33e: {  	v7 =	vor.u32 $0x380, v27;
	v10 =	vor.u32 $0x300, v26;
	v3 =	vmul.f32 v3, v2;
	v33 =	vld [tilespmem:s11+$0x0]  }
0x33f: {  	v2 =	vor.u32 $0x380, v26;
	v24 =	vmul.f32 v24, v4;
	v27 =	vld [tilespmem:s11+$0xFFFFFF60]  }
0x340: {  	v25 =	vmul.f32 v25, v6;
	v26 =	vshll.u32 v28, $0x3;
	v34 =	vld.idx.msk [tilespmem:v23+s17+$0x0], $0xffff;
	v23 =	vor.u32 $0x300, v8;
	[tilespmem:s30+$0x0] =	vst v3  }
0x341: {  	v3 =	vand.u32 $0x7F, v28;
	v26 =	vand.u32 $0xFFFFFC00, v26;
	[tilespmem:s5+$0xFFFF9260] =	vst v24;
	v35 =	vld [tilespmem:s31+$0x40];
	s31 =	smov.u32 s0;
	s0 =	smov.u32 s11  }
0x342: {  	v24 =	vshll.u32 v31, $0x3;
	v26 =	vor.u32 v3, v26;
	v16 =	vld.idx.msk [tilespmem:v16+s17+$0x0], $0xffff;
	[tilespmem:s5+$0xFFFF92E0] =	vst v25;
	v3 =	vmul.f32 v29, v19  }
0x343: {  	v24 =	vand.u32 $0xFFFFFC00, v24;
	v25 =	vshll.u32 v33, $0x3;
	v28 =	vor.u32 $0x200, v26;
	v21 =	vld.idx.msk [tilespmem:v21+s17+$0x0], $0xffff  }
0x344: {  	v29 =	vand.u32 $0x7F, v27;
	v27 =	vshll.u32 v27, $0x3;
	v25 =	vand.u32 $0xFFFFFC00, v25;
	[tilespmem:s5+$0xFFFFB7E0] =	vst v3;
	v30 =	vld.idx.msk [tilespmem:v30+s17+$0x0], $0xffff  }
0x345: {  	v3 =	vand.u32 $0xFFFFFC00, v27;
	v27 =	vand.u32 $0x7F, v31;
	v31 =	vand.u32 $0x7F, v33;
	v33 =	vld.idx.msk [tilespmem:v23+s17+$0x0], $0xffff  }
0x346: {  	v29 =	vor.u32 v29, v3;
	v24 =	vor.u32 v27, v24;
	v27 =	vor.u32 v31, v25;
	v31 =	vld.idx.msk [tilespmem:v32+s17+$0x0], $0xffff  }
0x347: {  	v32 =	vor.u32 $0x200, v29;
	v36 =	vor.u32 $0x200, v24;
	v37 =	vor.u32 $0x200, v27;
	v3 =	vld [tilespmem:s1+$0x40];
	s1 =	smov.u32 s16  }
0x348: {  	v38 =	vor.u32 $0x280, v29;
	v39 =	vor.u32 $0x280, v24;
	v40 =	vor.u32 $0x280, v27;
	s16 =	sadd.s32 $0x140, s16;
	v41 =	vld.idx.msk [tilespmem:v28+s17+$0x0], $0xffff  }
0x349: {  	v8 =	vor.u32 $0x380, v8;
	v42 =	vor.u32 $0x300, v29;
	v43 =	vor.u32 $0x300, v24;
	v25 =	vld [tilespmem:s16+$0x50]  }
0x34a: {  	v44 =	vor.u32 $0x380, v29;
	v29 =	vor.u32 $0x380, v24;
	v45 =	vor.u32 $0x300, v27;
	v23 =	vld [tilespmem:s16+$0xFFFFFF60]  }
0x34b: {  	v28 =	vor.u32 $0x380, v27;
	v27 =	vmul.f32 v34, v5;
	v33 =	vmul.f32 v33, v19;
	v24 =	vld [tilespmem:s16+$0xFFFFFFB0]  }
0x34c: {  	v16 =	vmul.f32 v16, v4;
	v34 =	vor.u32 $0x280, v26;
	v46 =	vmul.f32 v21, v6;
	v32 =	vld.idx.msk [tilespmem:v32+s17+$0x0], $0xffff  }
0x34d: {  	v21 =	vand.u32 $0x7F, v35;
	v30 =	vmul.f32 v30, v0;
	v36 =	vld.idx.msk [tilespmem:v36+s17+$0x0], $0xffff;
	[tilespmem:s5+$0xFFFFDBE0] =	vst v33;
	v33 =	vshll.u32 v35, $0x3  }
0x34e: {  	v31 =	vmul.f32 v31, v1;
	v35 =	vmul.f32 v41, v25;
	[tilespmem:s5+$0xFFFF9360] =	vst v27;
	v41 =	vld.idx.msk [tilespmem:v8+s17+$0x0], $0xffff;
	v8 =	vand.u32 $0xFFFFFC00, v33  }
0x34f: {  	s5 =	sadd.s32 $0x200, s5;
	v33 =	vld.idx.msk [tilespmem:v37+s17+$0x0], $0xffff;
	[tilespmem:s6+$0xFFFFB660] =	vst v16;
	v8 =	vor.u32 v21, v8  }
0x350: {  	v27 =	vld [tilespmem:s16+$0x0];
	[tilespmem:s5+$0xFFFF93C0] =	vst v35;
	v35 =	vor.u32 $0x200, v8;
	v21 =	vor.u32 $0x280, v8;
	v16 =	vor.u32 $0x300, v8  }
0x351: {  	v8 =	vor.u32 $0x380, v8;
	v34 =	vld.idx.msk [tilespmem:v34+s17+$0x0], $0xffff;
	[tilespmem:s6+$0xFFFFB6E0] =	vst v46  }
0x352: {  	v32 =	vmul.f32 v32, v23;
	v20 =	vld.idx.msk [tilespmem:v20+s17+$0x0], $0xffff;
	[tilespmem:s30+$0xFFFF9280] =	vst v30  }
0x353: {  	v30 =	vmul.f32 v36, v24;
	v17 =	vld.idx.msk [tilespmem:v17+s17+$0x0], $0xffff;
	[tilespmem:s30+$0xFFFF9300] =	vst v31  }
0x354: {  	v19 =	vmul.f32 v41, v19;
	[tilespmem:s5+$0xFFFF9240] =	vst v32;
	v18 =	vld.idx.msk [tilespmem:v18+s17+$0x0], $0xffff  }
0x355: {  	v32 =	vor.u32 $0x300, v26;
	v31 =	vld.idx.msk [tilespmem:v38+s17+$0x0], $0xffff;
	[tilespmem:s5+$0xFFFF92C0] =	vst v30;
	v30 =	vmul.f32 v33, v27  }
0x356: {  	v33 =	vld.idx.msk [tilespmem:v39+s17+$0x0], $0xffff;
	[tilespmem:s6+$0xFFFFFFE0] =	vst v19  }
0x357: {  	v19 =	vmul.f32 v34, v25;
	[tilespmem:s5+$0xFFFF9340] =	vst v30;
	v30 =	vld [tilespmem:s31+$0x80]  }
0x358: {  	v20 =	vmul.f32 v20, v5;
	v34 =	vld.idx.msk [tilespmem:v40+s17+$0x0], $0xffff  }
0x359: {  	v17 =	vmul.f32 v17, v4;
	[tilespmem:s5+$0xFFFFB7C0] =	vst v19;
	v19 =	vld.idx.msk [tilespmem:v35+s17+$0x0], $0xffff  }
0x35a: {  	v18 =	vmul.f32 v18, v6;
	v32 =	vld.idx.msk [tilespmem:v32+s17+$0x0], $0xffff;
	[tilespmem:s6+$0xFFFFB760] =	vst v20  }
0x35b: {  	v20 =	vmul.f32 v31, v23;
	[tilespmem:s6+$0xFFFFDA60] =	vst v17;
	v14 =	vld.idx.msk [tilespmem:v14+s17+$0x0], $0xffff  }
0x35c: {  	v17 =	vmul.f32 v33, v24;
	v15 =	vld.idx.msk [tilespmem:v15+s17+$0x0], $0xffff;
	[tilespmem:s6+$0xFFFFDAE0] =	vst v18;
	v18 =	vshll.u32 v30, $0x3  }
0x35d: {  	[tilespmem:s5+$0xFFFFB640] =	vst v20;
	v13 =	vld.idx.msk [tilespmem:v13+s17+$0x0], $0xffff;
	v20 =	vand.u32 $0x7F, v30;
	v18 =	vand.u32 $0xFFFFFC00, v18  }
0x35e: {  	v26 =	vor.u32 $0x380, v26;
	v30 =	vld.idx.msk [tilespmem:v42+s17+$0x0], $0xffff;
	[tilespmem:s5+$0xFFFFB6C0] =	vst v17;
	v17 =	vmul.f32 v34, v27;
	v18 =	vor.u32 v20, v18  }
0x35f: {  	v19 =	vmul.f32 v19, v3;
	v20 =	vld.idx.msk [tilespmem:v43+s17+$0x0], $0xffff;
	v31 =	vor.u32 $0x200, v18  }
0x360: {  	[tilespmem:s5+$0xFFFFB740] =	vst v17;
	v17 =	vmul.f32 v32, v25;
	v12 =	vld.idx.msk [tilespmem:v12+s17+$0x0], $0xffff  }
0x361: {  	v14 =	vmul.f32 v14, v5;
	v32 =	vld.idx.msk [tilespmem:v45+s17+$0x0], $0xffff;
	[tilespmem:s30+$0xFFFF9380] =	vst v19  }
0x362: {  	v4 =	vmul.f32 v15, v4;
	[tilespmem:s5+$0xFFFFDBC0] =	vst v17;
	v15 =	vld.idx.msk [tilespmem:v22+s17+$0x0], $0xffff  }
0x363: {  	v6 =	vmul.f32 v13, v6;
	v17 =	vld.idx.msk [tilespmem:v26+s17+$0x0], $0xffff;
	[tilespmem:s6+$0xFFFFDB60] =	vst v14  }
0x364: {  	v13 =	vmul.f32 v30, v23;
	[tilespmem:s6+$0xFFFFFE60] =	vst v4;
	v4 =	vld.idx.msk [tilespmem:v31+s17+$0x0], $0xffff  }
0x365: {  	v19 =	vmul.f32 v20, v24;
	[tilespmem:s6+$0xFFFFFEE0] =	vst v6;
	v14 =	vld [tilespmem:s1+$0x80]  }
0x366: {  	[tilespmem:s5+$0xFFFFDA40] =	vst v13;
	v6 =	vld.idx.msk [tilespmem:v11+s17+$0x0], $0xffff;
	v11 =	vmul.f32 v12, v0  }
0x367: {  	v13 =	vmul.f32 v32, v27;
	v12 =	vld.idx.msk [tilespmem:v44+s17+$0x0], $0xffff;
	[tilespmem:s5+$0xFFFFDAC0] =	vst v19  }
0x368: {  	v20 =	vor.u32 $0x280, v18;
	v19 =	vld.idx.msk [tilespmem:v29+s17+$0x0], $0xffff;
	[tilespmem:s30+$0xFFFFB680] =	vst v11;
	v11 =	vmul.f32 v15, v1  }
0x369: {  	[tilespmem:s5+$0xFFFFDB40] =	vst v13;
	v13 =	vmul.f32 v17, v25;
	v15 =	vld [tilespmem:s31+$0xFFFFFF90]  }
0x36a: {  	v17 =	vld.idx.msk [tilespmem:v28+s17+$0x0], $0xffff;
	v4 =	vmul.f32 v4, v14;
	[tilespmem:s30+$0xFFFFB700] =	vst v11  }
0x36b: {  	[tilespmem:s5+$0xFFFFFFC0] =	vst v13;
	v11 =	vld [tilespmem:s31+$0xFFFFFFE0]  }
0x36c: {  	v6 =	vmul.f32 v6, v5;
	v13 =	vld [tilespmem:s11+$0x60];
	[tilespmem:s6+$0xFFFF93F0] =	vst v4  }
0x36d: {  	v4 =	vmul.f32 v12, v23;
	v12 =	vld.idx.msk [tilespmem:v20+s17+$0x0], $0xffff  }
0x36e: {  	v19 =	vmul.f32 v19, v24;
	v5 =	vld [tilespmem:s1+$0xFFFFFF90];
	v20 =	vand.u32 $0x7F, v15;
	v15 =	vshll.u32 v15, $0x3;
	[tilespmem:s6+$0xFFFFFF60] =	vst v6  }
0x36f: {  	[tilespmem:s5+$0xFFFFFE40] =	vst v4;
	v6 =	vand.u32 $0xFFFFFC00, v15;
	v15 =	vld [tilespmem:s31+$0x30]  }
0x370: {  	v17 =	vmul.f32 v17, v27;
	v22 =	vld [tilespmem:s11+$0xFFFFFF70];
	[tilespmem:s5+$0xFFFFFEC0] =	vst v19;
	v19 =	vand.u32 $0x7F, v11;
	v4 =	vshll.u32 v11, $0x3  }
0x371: {  	v25 =	vor.u32 $0x300, v18;
	v11 =	vld [tilespmem:s11+$0xFFFFFFC0];
	v23 =	vshll.u32 v13, $0x3;
	v24 =	vand.u32 $0xFFFFFC00, v4  }
0x372: {  	v20 =	vor.u32 v20, v6;
	v13 =	vand.u32 $0x7F, v13;
	v4 =	vld [tilespmem:s16+$0xFFFFFF70];
	[tilespmem:s5+$0xFFFFFF40] =	vst v17;
	v17 =	vand.u32 $0xFFFFFC00, v23  }
0x373: {  	v24 =	vor.u32 v19, v24;
	v12 =	vmul.f32 v12, v14;
	v23 =	vld [tilespmem:s11+$0x10];
	v17 =	vor.u32 v13, v17  }
0x374: {  	v6 =	vld [tilespmem:s16+$0xFFFFFFC0];
	v19 =	vor.u32 $0x200, v17;
	v26 =	vand.u32 $0x7F, v15;
	v15 =	vshll.u32 v15, $0x3  }
0x375: {  	v27 =	vand.u32 $0x7F, v22;
	v22 =	vshll.u32 v22, $0x3;
	v13 =	vld [tilespmem:s16+$0x10];
	v15 =	vand.u32 $0xFFFFFC00, v15;
	[tilespmem:s6+$0xFFFFB7F0] =	vst v12  }
0x376: {  	v12 =	vand.u32 $0xFFFFFC00, v22;
	v22 =	vand.u32 $0x7F, v11;
	v11 =	vshll.u32 v11, $0x3;
	v25 =	vld.idx.msk [tilespmem:v25+s17+$0x0], $0xffff  }
0x377: {  	v26 =	vor.u32 v26, v15;
	v27 =	vor.u32 v27, v12;
	v12 =	vand.u32 $0xFFFFFC00, v11;
	v11 =	vld [tilespmem:s1+$0xFFFFFFE0]  }
0x378: {  	v22 =	vor.u32 v22, v12;
	v15 =	vand.u32 $0x7F, v23;
	v23 =	vshll.u32 v23, $0x3;
	v12 =	vld [tilespmem:s1+$0x30]  }
0x379: {  	v28 =	vor.u32 $0x200, v27;
	v29 =	vor.u32 $0x200, v22;
	v23 =	vand.u32 $0xFFFFFC00, v23;
	v30 =	vld.idx.msk [tilespmem:v19+s17+$0x0], $0xffff  }
0x37a: {  	v18 =	vor.u32 $0x380, v18;
	v31 =	vor.u32 $0x280, v27;
	v23 =	vor.u32 v15, v23;
	v15 =	vld [tilespmem:s16+$0x60]  }
0x37b: {  	v32 =	vor.u32 $0x280, v22;
	v33 =	vor.u32 $0x200, v23;
	v34 =	vor.u32 $0x280, v23;
	v21 =	vld.idx.msk [tilespmem:v21+s17+$0x0], $0xffff  }
0x37c: {  	v35 =	vor.u32 $0x300, v27;
	v36 =	vor.u32 $0x300, v22;
	v25 =	vmul.f32 v25, v14;
	v37 =	vld.idx.msk [tilespmem:v9+s17+$0x0], $0xffff  }
0x37d: {  	v27 =	vor.u32 $0x380, v27;
	v38 =	vor.u32 $0x300, v23;
	v9 =	vor.u32 $0x280, v17;
	v39 =	vld.idx.msk [tilespmem:v10+s17+$0x0], $0xffff  }
0x37e: {  	v19 =	vor.u32 $0x380, v22;
	v22 =	vor.u32 $0x200, v20;
	v10 =	vor.u32 $0x380, v23;
	v28 =	vld.idx.msk [tilespmem:v28+s17+$0x0], $0xffff;
	[tilespmem:s6+$0xFFFFDBF0] =	vst v25  }
0x37f: {  	v25 =	vor.u32 $0x200, v24;
	v23 =	vmul.f32 v30, v15;
	v30 =	vor.u32 $0x200, v26;
	v40 =	vld.idx.msk [tilespmem:v18+s17+$0x0], $0xffff  }
0x380: {  	v41 =	vor.u32 $0x280, v20;
	v42 =	vor.u32 $0x280, v24;
	v43 =	vor.u32 $0x280, v26;
	v29 =	vld.idx.msk [tilespmem:v29+s17+$0x0], $0xffff  }
0x381: {  	v44 =	vor.u32 $0x300, v24;
	v45 =	vor.u32 $0x300, v26;
	v33 =	vld.idx.msk [tilespmem:v33+s17+$0x0], $0xffff;
	[tilespmem:s5+$0xFFFF93D0] =	vst v23;
	v23 =	vor.u32 $0x300, v20  }
0x382: {  	v18 =	vor.u32 $0x380, v24;
	v20 =	vor.u32 $0x380, v20;
	v46 =	vld.idx.msk [tilespmem:v9+s17+$0x0], $0xffff;
	v9 =	vor.u32 $0x380, v26  }
0x383: {  	v21 =	vmul.f32 v21, v3;
	v24 =	vmul.f32 v37, v0;
	v22 =	vld.idx.msk [tilespmem:v22+s17+$0x0], $0xffff  }
0x384: {  	v26 =	vmul.f32 v28, v4;
	v28 =	vmul.f32 v39, v1;
	v25 =	vld.idx.msk [tilespmem:v25+s17+$0x0], $0xffff  }
0x385: {  	v14 =	vmul.f32 v40, v14;
	v30 =	vld.idx.msk [tilespmem:v30+s17+$0x0], $0xffff;
	[tilespmem:s30+$0xFFFFB780] =	vst v21  }
0x386: {  	v21 =	vmul.f32 v29, v6;
	[tilespmem:s5+$0xFFFF9250] =	vst v26;
	v26 =	vor.u32 $0x300, v17;
	v16 =	vld.idx.msk [tilespmem:v16+s17+$0x0], $0xffff  }
0x387: {  	v29 =	vld.idx.msk [tilespmem:v31+s17+$0x0], $0xffff;
	v31 =	vmul.f32 v33, v13;
	[tilespmem:s6+$0xFFFFFFF0] =	vst v14  }
0x388: {  	v14 =	vmul.f32 v46, v15;
	[tilespmem:s5+$0xFFFF92D0] =	vst v21;
	v21 =	vld [tilespmem:s31+$0x90]  }
0x389: {  	v22 =	vmul.f32 v22, v5;
	v32 =	vld.idx.msk [tilespmem:v32+s17+$0x0], $0xffff;
	[tilespmem:s5+$0xFFFF9350] =	vst v31  }
0x38a: {  	v31 =	vld.idx.msk [tilespmem:v34+s17+$0x0], $0xffff;
	[tilespmem:s5+$0xFFFFB7D0] =	vst v14;
	v14 =	vmul.f32 v25, v11  }
0x38b: {  	v25 =	vld.idx.msk [tilespmem:v26+s17+$0x0], $0xffff;
	[tilespmem:s6+$0xFFFF9270] =	vst v22;
	v22 =	vmul.f32 v30, v12  }
0x38c: {  	v26 =	vld.idx.msk [tilespmem:v41+s17+$0x0], $0xffff;
	[tilespmem:s6+$0xFFFF92F0] =	vst v14;
	v14 =	vmul.f32 v16, v3  }
0x38d: {  	v16 =	vmul.f32 v29, v4;
	v29 =	vld.idx.msk [tilespmem:v42+s17+$0x0], $0xffff;
	[tilespmem:s6+$0xFFFF9370] =	vst v22;
	v22 =	vshll.u32 v21, $0x3  }
0x38e: {  	v21 =	vand.u32 $0x7F, v21;
	v30 =	vld.idx.msk [tilespmem:v43+s17+$0x0], $0xffff;
	v22 =	vand.u32 $0xFFFFFC00, v22;
	[tilespmem:s30+$0xFFFFDA80] =	vst v24  }
0x38f: {  	v17 =	vor.u32 $0x380, v17;
	[tilespmem:s5+$0xFFFFB650] =	vst v16;
	v16 =	vmul.f32 v32, v6;
	v21 =	vor.u32 v21, v22;
	v7 =	vld.idx.msk [tilespmem:v7+s17+$0x0], $0xffff  }
0x390: {  	v24 =	vmul.f32 v31, v13;
	v22 =	vld.idx.msk [tilespmem:v35+s17+$0x0], $0xffff;
	v31 =	vor.u32 $0x200, v21;
	[tilespmem:s30+$0xFFFFDB00] =	vst v28  }
0x391: {  	[tilespmem:s5+$0xFFFFB6D0] =	vst v16;
	v16 =	vmul.f32 v25, v15;
	v25 =	vld.idx.msk [tilespmem:v2+s17+$0x0], $0xffff  }
0x392: {  	v2 =	vmul.f32 v26, v5;
	v28 =	vld.idx.msk [tilespmem:v36+s17+$0x0], $0xffff;
	[tilespmem:s5+$0xFFFFB750] =	vst v24  }
0x393: {  	v24 =	vld.idx.msk [tilespmem:v38+s17+$0x0], $0xffff;
	[tilespmem:s5+$0xFFFFDBD0] =	vst v16;
	v16 =	vmul.f32 v29, v11  }
0x394: {  	v17 =	vld.idx.msk [tilespmem:v17+s17+$0x0], $0xffff;
	[tilespmem:s6+$0xFFFFB670] =	vst v2;
	v2 =	vmul.f32 v30, v12  }
0x395: {  	v0 =	vmul.f32 v7, v0;
	[tilespmem:s6+$0xFFFFB6F0] =	vst v16;
	v16 =	vld.idx.msk [tilespmem:v31+s17+$0x0], $0xffff  }
0x396: {  	v7 =	vmul.f32 v22, v4;
	[tilespmem:s6+$0xFFFFB770] =	vst v2;
	v2 =	vld [tilespmem:s1+$0x90]  }
0x397: {  	v1 =	vmul.f32 v25, v1;
	v22 =	vld.idx.msk [tilespmem:v23+s17+$0x0], $0xffff;
	[tilespmem:s30+$0xFFFFDB80] =	vst v14  }
0x398: {  	[tilespmem:s5+$0xFFFFDA50] =	vst v7;
	v7 =	vmul.f32 v28, v6;
	v14 =	vld.idx.msk [tilespmem:v44+s17+$0x0], $0xffff  }
0x399: {  	v25 =	vor.u32 $0x280, v21;
	v24 =	vmul.f32 v24, v13;
	v23 =	vld.idx.msk [tilespmem:v27+s17+$0x0], $0xffff;
	[tilespmem:s30+$0xFFFFFE80] =	vst v0  }
0x39a: {  	v0 =	vmul.f32 v17, v15;
	[tilespmem:s5+$0xFFFFDAD0] =	vst v7;
	v7 =	vld.idx.msk [tilespmem:v45+s17+$0x0], $0xffff  }
0x39b: {  	v15 =	vld.idx.msk [tilespmem:v19+s17+$0x0], $0xffff;
	[tilespmem:s5+$0xFFFFDB50] =	vst v24;
	v16 =	vmul.f32 v16, v2  }
0x39c: {  	v10 =	vld.idx.msk [tilespmem:v10+s17+$0x0], $0xffff;
	[tilespmem:s5+$0xFFFFFFD0] =	vst v0  }
0x39d: {  	v17 =	vmul.f32 v22, v5;
	v0 =	vld [tilespmem:s11+$0x70];
	[tilespmem:s6+$0xFFFF9400] =	vst v16  }
0x39e: {  	v14 =	vmul.f32 v14, v11;
	v16 =	vld.idx.msk [tilespmem:v25+s17+$0x0], $0xffff;
	[tilespmem:s30+$0xFFFFFF00] =	vst v1  }
0x39f: {  	v1 =	vmul.f32 v23, v4;
	[tilespmem:s6+$0xFFFFDA70] =	vst v17;
	v17 =	vld.idx.msk [tilespmem:v8+s17+$0x0], $0xffff  }
0x3a0: {  	v4 =	vmul.f32 v7, v12;
	v19 =	vld.idx.msk [tilespmem:v20+s17+$0x0], $0xffff;
	[tilespmem:s6+$0xFFFFDAF0] =	vst v14  }
0x3a1: {  	[tilespmem:s5+$0xFFFFFE50] =	vst v1;
	v1 =	vmul.f32 v15, v6;
	v7 =	vld.idx.msk [tilespmem:v18+s17+$0x0], $0xffff  }
0x3a2: {  	v6 =	vmul.f32 v10, v13;
	v10 =	vor.u32 $0x300, v21;
	v14 =	vld [tilespmem:s11+$0xFFFFFF80];
	[tilespmem:s6+$0xFFFFDB70] =	vst v4  }
0x3a3: {  	v4 =	vld [tilespmem:s16+$0xFFFFFF80];
	[tilespmem:s5+$0xFFFFFED0] =	vst v1;
	v1 =	vshll.u32 v0, $0x3  }
0x3a4: {  	v0 =	vand.u32 $0x7F, v0;
	v15 =	vmul.f32 v16, v2;
	v13 =	vld [tilespmem:s11+$0xFFFFFFD0];
	[tilespmem:s5+$0xFFFFFF50] =	vst v6;
	v1 =	vand.u32 $0xFFFFFC00, v1  }
0x3a5: {  	v16 =	vld [tilespmem:s11+$0x20];
	v8 =	vor.u32 v0, v1;
	v0 =	vmul.f32 v17, v3  }
0x3a6: {  	v3 =	vmul.f32 v19, v5;
	v6 =	vld [tilespmem:s16+$0xFFFFFFD0];
	v1 =	vor.u32 $0x200, v8;
	[tilespmem:s6+$0xFFFFB800] =	vst v15  }
0x3a7: {  	v7 =	vmul.f32 v7, v11;
	v15 =	vand.u32 $0x7F, v14;
	v5 =	vshll.u32 v14, $0x3;
	v10 =	vld.idx.msk [tilespmem:v10+s17+$0x0], $0xffff;
	[tilespmem:s30+$0xFFFFFF80] =	vst v0;
	s30 =	smov.u32 s6;
	s6 =	smov.u32 s5  }
0x3a8: {  	v0 =	vand.u32 $0xFFFFFC00, v5;
	v5 =	vld [tilespmem:s16+$0x20];
	[tilespmem:s30+$0xFFFFFE70] =	vst v3  }
0x3a9: {  	v3 =	vor.u32 v15, v0;
	v0 =	vand.u32 $0x7F, v13;
	v11 =	vshll.u32 v13, $0x3;
	[tilespmem:s30+$0xFFFFFEF0] =	vst v7;
	v7 =	vld.idx.msk [tilespmem:v9+s17+$0x0], $0xffff  }
0x3aa: {  	v9 =	vand.u32 $0xFFFFFC00, v11;
	v11 =	vand.u32 $0x7F, v16;
	v13 =	vshll.u32 v16, $0x3;
	v22 =	vld [tilespmem:s31+$0xFFFFFFA0]  }
0x3ab: {  	v27 =	vor.u32 $0x380, v21;
	v24 =	vor.u32 v0, v9;
	v0 =	vand.u32 $0xFFFFFC00, v13;
	v25 =	vld.idx.msk [tilespmem:v1+s17+$0x0], $0xffff  }
0x3ac: {  	v28 =	vor.u32 $0x200, v3;
	v29 =	vor.u32 $0x200, v24;
	v11 =	vor.u32 v11, v0;
	v19 =	vld [tilespmem:s16+$0x70]  }
0x3ad: {  	v16 =	vor.u32 $0x280, v3;
	v10 =	vmul.f32 v10, v2;
	v23 =	vor.u32 $0x200, v11;
	v9 =	vld [tilespmem:s31+$0xFFFFFFF0]  }
.Ltmp3:
0x3ae: {  	v17 =	vor.u32 $0x300, v3;
	v21 =	vor.u32 $0x280, v24;
	v20 =	vor.u32 $0x280, v11;
	v0 =	vld [tilespmem:s1+$0xFFFFFFA0];
	(pc) =	sbr.rel @p0 .LBB2_5-.Ltmp3, $4  }
0x3af: {  	v26 =	vor.u32 $0x280, v8;
	v18 =	vor.u32 $0x300, v24;
	v14 =	vor.u32 $0x300, v11;
	v1 =	vld [tilespmem:s1+$0xFFFFFFF0];
	[tilespmem:s30+$0xFFFFDC00] =	vst v10  }
0x3b0: {  	v15 =	vor.u32 $0x380, v3;
	v13 =	vor.u32 $0x380, v24;
	v11 =	vor.u32 $0x380, v11;
	v3 =	vld.idx.msk [tilespmem:v27+s17+$0x0], $0xffff  }
0x3b1: {  	v7 =	vmul.f32 v7, v12;
	v10 =	vshll.u32 v22, $0x3;
	v24 =	vld.idx.msk [tilespmem:v28+s17+$0x0], $0xffff;
	v27 =	vmul.f32 v25, v19  }
0x3b2: {  	s11 =	sadd.s32 $0x140, s11;
	v12 =	vand.u32 $0x7F, v22;
	v22 =	vand.u32 $0xFFFFFC00, v10;
	v25 =	vld.idx.msk [tilespmem:v29+s17+$0x0], $0xffff;
	v10 =	vshll.u32 v9, $0x3  }
0x3b3: {  	_ =	sdelay $0x2  }
0x3b4: {  	[tilespmem:s5+$0xFFFF93E0] =	vst v27  }
0x3b5: {  	v26 =	vld.idx.msk [tilespmem:v26+s17+$0x0], $0xffff;
	_ =	sdelay $0x2  }
0x3b6: {  	v27 =	vor.u32 $0x300, v8;
	_ =	sdelay $0x1  }
0x3b7: {  	v26 =	vmul.f32 v26, v19;
	_ =	sdelay $0x1  }
0x3b8: {  	[tilespmem:s5+$0xFFFFB7E0] =	vst v26  }
0x3b9: {  	v26 =	vld.idx.msk [tilespmem:v27+s17+$0x0], $0xffff;
	_ =	sdelay $0x2  }
0x3ba: {  	v8 =	vor.u32 $0x380, v8;
	_ =	sdelay $0x1  }
0x3bb: {  	v26 =	vmul.f32 v26, v19;
	_ =	sdelay $0x1  }
0x3bc: {  	[tilespmem:s5+$0xFFFFDBE0] =	vst v26  }
0x3bd: {  	v8 =	vld.idx.msk [tilespmem:v8+s17+$0x0], $0xffff;
	_ =	sdelay $0x4  }
0x3be: {  	v8 =	vmul.f32 v8, v19;
	_ =	sdelay $0x1  }
0x3bf: {  	[tilespmem:s6+$0xFFFFFFE0] =	vst v8  }
0x3c0: {  	v8 =	vld [tilespmem:s0+$0x80];
	_ =	sdelay $0x2  }
0x3c1: {  	v19 =	vld.idx.msk [tilespmem:v23+s17+$0x0], $0xffff  }
0x3c2: {  	v23 =	vmul.f32 v24, v4  }
0x3c3: {  	v25 =	vmul.f32 v25, v6;
	v24 =	vshll.u32 v8, $0x3  }
0x3c4: {  	[tilespmem:s5+$0xFFFF9260] =	vst v23;
	v8 =	vand.u32 $0x7F, v8;
	v24 =	vand.u32 $0xFFFFFC00, v24  }
0x3c5: {  	[tilespmem:s5+$0xFFFF92E0] =	vst v25;
	v16 =	vld.idx.msk [tilespmem:v16+s17+$0x0], $0xffff;
	v8 =	vor.u32 v8, v24  }
0x3c6: {  	v21 =	vld.idx.msk [tilespmem:v21+s17+$0x0], $0xffff;
	v19 =	vmul.f32 v19, v5;
	v23 =	vor.u32 $0x200, v8;
	_ =	sdelay $0x1  }
0x3c7: {  	[tilespmem:s5+$0xFFFF9360] =	vst v19  }
0x3c8: {  	v19 =	vld.idx.msk [tilespmem:v20+s17+$0x0], $0xffff  }
0x3c9: {  	v16 =	vmul.f32 v16, v4  }
0x3ca: {  	v21 =	vmul.f32 v21, v6;
	v20 =	vld.idx.msk [tilespmem:v23+s17+$0x0], $0xffff  }
0x3cb: {  	[tilespmem:s6+$0xFFFFB660] =	vst v16;
	v23 =	vld [tilespmem:s16+$0x80]  }
0x3cc: {  	[tilespmem:s6+$0xFFFFB6E0] =	vst v21;
	v16 =	vld.idx.msk [tilespmem:v17+s17+$0x0], $0xffff  }
0x3cd: {  	v18 =	vld.idx.msk [tilespmem:v18+s17+$0x0], $0xffff;
	v17 =	vmul.f32 v19, v5  }
0x3ce: {  	v19 =	vor.u32 $0x280, v8  }
0x3cf: {  	[tilespmem:s6+$0xFFFFB760] =	vst v17  }
0x3d0: {  	v14 =	vld.idx.msk [tilespmem:v14+s17+$0x0], $0xffff;
	v17 =	vmul.f32 v20, v23  }
0x3d1: {  	v16 =	vmul.f32 v16, v4  }
0x3d2: {  	v18 =	vmul.f32 v18, v6;
	[tilespmem:s6+$0xFFFF93F0] =	vst v17  }
0x3d3: {  	[tilespmem:s6+$0xFFFFDA60] =	vst v16;
	v17 =	vld.idx.msk [tilespmem:v19+s17+$0x0], $0xffff  }
0x3d4: {  	[tilespmem:s6+$0xFFFFDAE0] =	vst v18;
	v15 =	vld.idx.msk [tilespmem:v15+s17+$0x0], $0xffff  }
0x3d5: {  	v13 =	vld.idx.msk [tilespmem:v13+s17+$0x0], $0xffff;
	v14 =	vmul.f32 v14, v5  }
0x3d6: {  	v16 =	vor.u32 $0x300, v8  }
0x3d7: {  	[tilespmem:s6+$0xFFFFDB60] =	vst v14  }
0x3d8: {  	v11 =	vld.idx.msk [tilespmem:v11+s17+$0x0], $0xffff;
	v14 =	vmul.f32 v17, v23  }
0x3d9: {  	v4 =	vmul.f32 v15, v4  }
0x3da: {  	v6 =	vmul.f32 v13, v6;
	[tilespmem:s6+$0xFFFFB7F0] =	vst v14  }
0x3db: {  	[tilespmem:s6+$0xFFFFFE60] =	vst v4;
	v14 =	vld.idx.msk [tilespmem:v16+s17+$0x0], $0xffff  }
0x3dc: {  	[tilespmem:s6+$0xFFFFFEE0] =	vst v6;
	v4 =	vld [tilespmem:s0+$0xFFFFFF90]  }
0x3dd: {  	v6 =	vor.u32 $0x380, v8;
	v8 =	vld [tilespmem:s0+$0xFFFFFFE0];
	v5 =	vmul.f32 v11, v5;
	_ =	sdelay $0x1  }
0x3de: {  	[tilespmem:s6+$0xFFFFFF60] =	vst v5  }
0x3df: {  	v11 =	vld [tilespmem:s0+$0x30];
	v5 =	vmul.f32 v14, v23  }
0x3e0: {  	v13 =	vshll.u32 v4, $0x3  }
0x3e1: {  	v4 =	vand.u32 $0x7F, v4;
	[tilespmem:s6+$0xFFFFDBF0] =	vst v5;
	v5 =	vand.u32 $0xFFFFFC00, v13;
	v13 =	vshll.u32 v8, $0x3  }
0x3e2: {  	v6 =	vld.idx.msk [tilespmem:v6+s17+$0x0], $0xffff;
	v4 =	vor.u32 v4, v5;
	v5 =	vand.u32 $0x7F, v8;
	v8 =	vand.u32 $0xFFFFFC00, v13  }
0x3e3: {  	v13 =	vor.u32 $0x200, v4;
	v5 =	vor.u32 v5, v8  }
0x3e4: {  	[tilespmem:s30+$0xFFFFFF70] =	vst v7;
	v7 =	vshll.u32 v11, $0x3;
	v14 =	vor.u32 $0x200, v5  }
0x3e5: {  	v11 =	vand.u32 $0x7F, v11;
	v7 =	vand.u32 $0xFFFFFC00, v7;
	v8 =	vld [tilespmem:s31+$0x40]  }
0x3e6: {  	v15 =	vld [tilespmem:s16+$0xFFFFFF90];
	v7 =	vor.u32 v11, v7  }
0x3e7: {  	v11 =	vor.u32 v12, v22;
	v12 =	vld [tilespmem:s16+$0xFFFFFFE0];
	v16 =	vor.u32 $0x200, v7;
	v6 =	vmul.f32 v6, v23  }
0x3e8: {  	v17 =	vor.u32 $0x200, v11;
	v13 =	vld.idx.msk [tilespmem:v13+s17+$0x0], $0xffff  }
0x3e9: {  	v9 =	vand.u32 $0x7F, v9;
	v10 =	vand.u32 $0xFFFFFC00, v10;
	[tilespmem:s6+$0xFFFFFFF0] =	vst v6;
	v14 =	vld.idx.msk [tilespmem:v14+s17+$0x0], $0xffff  }
0x3ea: {  	v18 =	vshll.u32 v8, $0x3;
	v6 =	vor.u32 v9, v10;
	v9 =	vld [tilespmem:s0+$0x90]  }
0x3eb: {  	v19 =	vld [tilespmem:s16+$0x30];
	v8 =	vand.u32 $0x7F, v8;
	v18 =	vand.u32 $0xFFFFFC00, v18;
	v10 =	vor.u32 $0x200, v6  }
0x3ec: {  	v16 =	vld.idx.msk [tilespmem:v16+s17+$0x0], $0xffff;
	v8 =	vor.u32 v8, v18;
	v18 =	vor.u32 $0x280, v4  }
0x3ed: {  	v21 =	vor.u32 $0x280, v5;
	v17 =	vld.idx.msk [tilespmem:v17+s17+$0x0], $0xffff  }
0x3ee: {  	v20 =	vor.u32 $0x200, v8;
	v13 =	vmul.f32 v13, v15  }
0x3ef: {  	v25 =	vld [tilespmem:s1+$0x40];
	v22 =	vor.u32 $0x280, v7;
	v14 =	vmul.f32 v14, v12;
	v23 =	vshll.u32 v9, $0x3  }
0x3f0: {  	v24 =	vor.u32 $0x280, v11;
	v10 =	vld.idx.msk [tilespmem:v10+s17+$0x0], $0xffff;
	v9 =	vand.u32 $0x7F, v9;
	[tilespmem:s6+$0xFFFF9270] =	vst v13;
	v23 =	vand.u32 $0xFFFFFC00, v23  }
0x3f1: {  	v13 =	vmul.f32 v16, v19;
	v16 =	vld.idx.msk [tilespmem:v18+s17+$0x0], $0xffff;
	[tilespmem:s6+$0xFFFF92F0] =	vst v14;
	v9 =	vor.u32 v9, v23  }
0x3f2: {  	v17 =	vmul.f32 v17, v0;
	v18 =	vld.idx.msk [tilespmem:v21+s17+$0x0], $0xffff;
	v14 =	vor.u32 $0x200, v9  }
0x3f3: {  	v20 =	vld.idx.msk [tilespmem:v20+s17+$0x0], $0xffff;
	v21 =	vor.u32 $0x280, v6;
	[tilespmem:s6+$0xFFFF9370] =	vst v13  }
0x3f4: {  	[tilespmem:s30+$0xFFFF9280] =	vst v17;
	v13 =	vor.u32 $0x300, v4;
	v17 =	vld.idx.msk [tilespmem:v22+s17+$0x0], $0xffff  }
0x3f5: {  	v23 =	vor.u32 $0x300, v5;
	v22 =	vld.idx.msk [tilespmem:v24+s17+$0x0], $0xffff;
	v10 =	vmul.f32 v10, v1  }
0x3f6: {  	v24 =	vld [tilespmem:s16+$0x90];
	v16 =	vmul.f32 v16, v15  }
0x3f7: {  	[tilespmem:s30+$0xFFFF9300] =	vst v10;
	v10 =	vor.u32 $0x300, v7;
	v18 =	vmul.f32 v18, v12;
	v14 =	vld.idx.msk [tilespmem:v14+s17+$0x0], $0xffff  }
0x3f8: {  	v26 =	vor.u32 $0x280, v8;
	v21 =	vld.idx.msk [tilespmem:v21+s17+$0x0], $0xffff;
	[tilespmem:s6+$0xFFFFB670] =	vst v16  }
0x3f9: {  	v16 =	vor.u32 $0x300, v11;
	v17 =	vmul.f32 v17, v19;
	[tilespmem:s6+$0xFFFFB6F0] =	vst v18;
	v13 =	vld.idx.msk [tilespmem:v13+s17+$0x0], $0xffff  }
0x3fa: {  	v18 =	vmul.f32 v20, v25;
	v20 =	vld.idx.msk [tilespmem:v23+s17+$0x0], $0xffff;
	v23 =	vor.u32 $0x280, v9  }
0x3fb: {  	v27 =	vor.u32 $0x300, v6;
	v22 =	vmul.f32 v22, v0;
	[tilespmem:s6+$0xFFFFB770] =	vst v17  }
0x3fc: {  	v4 =	vor.u32 $0x380, v4;
	[tilespmem:s30+$0xFFFF9380] =	vst v18;
	v10 =	vld.idx.msk [tilespmem:v10+s17+$0x0], $0xffff;
	v14 =	vmul.f32 v14, v24  }
0x3fd: {  	v5 =	vor.u32 $0x380, v5;
	[tilespmem:s30+$0xFFFFB680] =	vst v22;
	v18 =	vld.idx.msk [tilespmem:v26+s17+$0x0], $0xffff;
	v17 =	vmul.f32 v21, v1  }
0x3fe: {  	v16 =	vld.idx.msk [tilespmem:v16+s17+$0x0], $0xffff;
	v13 =	vmul.f32 v13, v15;
	[tilespmem:s6+$0xFFFF9400] =	vst v14  }
0x3ff: {  	v7 =	vor.u32 $0x380, v7;
	[tilespmem:s30+$0xFFFFB700] =	vst v17;
	v14 =	vmul.f32 v20, v12;
	v17 =	vld.idx.msk [tilespmem:v23+s17+$0x0], $0xffff  }
0x400: {  	v20 =	vor.u32 $0x300, v8;
	v21 =	vld.idx.msk [tilespmem:v27+s17+$0x0], $0xffff;
	[tilespmem:s6+$0xFFFFDA70] =	vst v13  }
0x401: {  	v11 =	vor.u32 $0x380, v11;
	v4 =	vld.idx.msk [tilespmem:v4+s17+$0x0], $0xffff;
	[tilespmem:s6+$0xFFFFDAF0] =	vst v14;
	v10 =	vmul.f32 v10, v19  }
0x402: {  	v13 =	vmul.f32 v18, v25;
	v14 =	vor.u32 $0x300, v9;
	v5 =	vld.idx.msk [tilespmem:v5+s17+$0x0], $0xffff  }
0x403: {  	v6 =	vor.u32 $0x380, v6;
	v16 =	vmul.f32 v16, v0;
	[tilespmem:s6+$0xFFFFDB70] =	vst v10  }
0x404: {  	[tilespmem:s30+$0xFFFFB780] =	vst v13;
	v7 =	vld.idx.msk [tilespmem:v7+s17+$0x0], $0xffff;
	v10 =	vmul.f32 v17, v24  }
0x405: {  	[tilespmem:s30+$0xFFFFDA80] =	vst v16;
	v13 =	vmul.f32 v21, v1;
	v17 =	vld.idx.msk [tilespmem:v20+s17+$0x0], $0xffff  }
0x406: {  	v11 =	vld.idx.msk [tilespmem:v11+s17+$0x0], $0xffff;
	v4 =	vmul.f32 v4, v15;
	[tilespmem:s6+$0xFFFFB800] =	vst v10  }
0x407: {  	[tilespmem:s30+$0xFFFFDB00] =	vst v13;
	v5 =	vmul.f32 v5, v12;
	v10 =	vld.idx.msk [tilespmem:v14+s17+$0x0], $0xffff  }
0x408: {  	v6 =	vld.idx.msk [tilespmem:v6+s17+$0x0], $0xffff;
	[tilespmem:s6+$0xFFFFFE70] =	vst v4  }
0x409: {  	v4 =	vor.u32 $0x380, v8;
	[tilespmem:s6+$0xFFFFFEF0] =	vst v5;
	v5 =	vld [tilespmem:s0+$0xFFFFFFA0];
	v7 =	vmul.f32 v7, v19  }
0x40a: {  	v8 =	vor.u32 $0x380, v9;
	v9 =	vld [tilespmem:s0+$0xFFFFFFF0]  }
0x40b: {  	v12 =	vmul.f32 v17, v25;
	[tilespmem:s6+$0xFFFFFF70] =	vst v7  }
0x40c: {  	v7 =	vmul.f32 v10, v24;
	v10 =	vld [tilespmem:s0+$0x40]  }
0x40d: {  	v2 =	vmul.f32 v3, v2;
	[tilespmem:s30+$0xFFFFDB80] =	vst v12  }
0x40e: {  	v0 =	vmul.f32 v11, v0;
	v1 =	vmul.f32 v6, v1;
	v3 =	vld.idx.msk [tilespmem:v4+s17+$0x0], $0xffff;
	v4 =	vshll.u32 v5, $0x3;
	[tilespmem:s6+$0xFFFFDC00] =	vst v7  }
0x40f: {  	v5 =	vand.u32 $0x7F, v5;
	v4 =	vand.u32 $0xFFFFFC00, v4;
	v7 =	vshll.u32 v9, $0x3;
	v6 =	vld.idx.msk [tilespmem:v8+s17+$0x0], $0xffff  }
0x410: {  	v4 =	vor.u32 v5, v4;
	v5 =	vand.u32 $0x7F, v9;
	v7 =	vand.u32 $0xFFFFFC00, v7  }
0x411: {  	v8 =	vor.u32 $0x200, v4;
	v5 =	vor.u32 v5, v7;
	v7 =	vshll.u32 v10, $0x3  }
0x412: {  	[tilespmem:s30+$0x0] =	vst v2;
	v2 =	vor.u32 $0x200, v5;
	v9 =	vand.u32 $0x7F, v10;
	v7 =	vand.u32 $0xFFFFFC00, v7  }
0x413: {  	[tilespmem:s30+$0xFFFFFE80] =	vst v0;
	v0 =	vmul.f32 v3, v25;
	v3 =	vor.u32 v9, v7  }
0x414: {  	[tilespmem:s30+$0xFFFFFF00] =	vst v1;
	v1 =	vld [tilespmem:s16+$0xFFFFFFA0];
	v6 =	vmul.f32 v6, v24;
	v7 =	vor.u32 $0x200, v3  }
0x415: {  	[tilespmem:s30+$0xFFFFFF80] =	vst v0;
	v0 =	vld [tilespmem:s16+$0xFFFFFFF0]  }
0x416: {  	[tilespmem:s6+$0x0] =	vst v6;
	v6 =	vld.idx.msk [tilespmem:v8+s17+$0x0], $0xffff  }
0x417: {  	v2 =	vld.idx.msk [tilespmem:v2+s17+$0x0], $0xffff  }
0x418: {  	v8 =	vld [tilespmem:s16+$0x40]  }
0x419: {  	v7 =	vld.idx.msk [tilespmem:v7+s17+$0x0], $0xffff  }
0x41a: {  	v9 =	vor.u32 $0x280, v4  }
0x41b: {  	v10 =	vor.u32 $0x280, v5  }
0x41c: {  	v11 =	vor.u32 $0x280, v3;
	v6 =	vmul.f32 v6, v1  }
0x41d: {  	v2 =	vmul.f32 v2, v0  }
0x41e: {  	[tilespmem:s6+$0xFFFF9280] =	vst v6;
	v6 =	vmul.f32 v7, v8  }
0x41f: {  	[tilespmem:s6+$0xFFFF9300] =	vst v2;
	v2 =	vld.idx.msk [tilespmem:v9+s17+$0x0], $0xffff  }
0x420: {  	[tilespmem:s6+$0xFFFF9380] =	vst v6;
	v6 =	vld.idx.msk [tilespmem:v10+s17+$0x0], $0xffff  }
0x421: {  	v7 =	vld.idx.msk [tilespmem:v11+s17+$0x0], $0xffff  }
0x422: {  	v9 =	vor.u32 $0x300, v4  }
0x423: {  	v10 =	vor.u32 $0x300, v5  }
0x424: {  	v11 =	vor.u32 $0x300, v3;
	v2 =	vmul.f32 v2, v1  }
0x425: {  	v6 =	vmul.f32 v6, v0  }
0x426: {  	[tilespmem:s6+$0xFFFFB680] =	vst v2;
	v2 =	vmul.f32 v7, v8  }
0x427: {  	[tilespmem:s6+$0xFFFFB700] =	vst v6;
	v6 =	vld.idx.msk [tilespmem:v9+s17+$0x0], $0xffff  }
0x428: {  	v7 =	vld.idx.msk [tilespmem:v10+s17+$0x0], $0xffff;
	[tilespmem:s6+$0xFFFFB780] =	vst v2  }
0x429: {  	v2 =	vld.idx.msk [tilespmem:v11+s17+$0x0], $0xffff  }
0x42a: {  	v4 =	vor.u32 $0x380, v4  }
0x42b: {  	v5 =	vor.u32 $0x380, v5  }
0x42c: {  	v3 =	vor.u32 $0x380, v3;
	v6 =	vmul.f32 v6, v1  }
0x42d: {  	v7 =	vmul.f32 v7, v0  }
0x42e: {  	v2 =	vmul.f32 v2, v8;
	[tilespmem:s6+$0xFFFFDA80] =	vst v6  }
0x42f: {  	v4 =	vld.idx.msk [tilespmem:v4+s17+$0x0], $0xffff;
	[tilespmem:s6+$0xFFFFDB00] =	vst v7  }
0x430: {  	v5 =	vld.idx.msk [tilespmem:v5+s17+$0x0], $0xffff;
	[tilespmem:s6+$0xFFFFDB80] =	vst v2  }
0x431: {  	v2 =	vld.idx.msk [tilespmem:v3+s17+$0x0], $0xffff;
	_ =	sdelay $0x2  }
0x432: {  	s5 =	smul.u32 $0x2400, s29;
	v1 =	vmul.f32 v4, v1  }
0x433: {  	p0 =	seq.s32 s26, $0x1F;
	v0 =	vmul.f32 v5, v0  }
0x434: {  	s1 =	sadd.s32 @!p0 s28, s12;
	s0 =	sshrl.u32 s5, $0x3;
	[tilespmem:s6+$0xFFFFFE80] =	vst v1;
	v1 =	vmul.f32 v2, v8  }
0x435: {  	s1 =	sshrl.u32 @!p0 s1, $0x3;
	s0 =	sadd.s32 s7, s0;
	[tilespmem:s6+$0xFFFFFF00] =	vst v0  }
0x436: {  	s1 =	smul.u32 @!p0 $0x900, s1;
	s0 =	sadd.s32 $0x1200, s0;
	[tilespmem:s6+$0xFFFFFF80] =	vst v1  }
0x437: {  	[hbm4b:s0+s3] =	stream.linear.scatter [tilespmem:s20], [sflag:$0x4], $0x9000, $0x38;
	[tilespmem:$0x1DB00] =	vst v63  }
0x438: {  	s5 =	simm.s32 @!p0 $0x2B00;
	s0 =	sadd.s32 @!p0 s2, s1;
	s1 =	simm.s32 @!p0 $0x0  }
0x439: {  	[tilespmem:s5], [sflag:$0x1] =	stream.linear.gather @!p0 [hbm4b:s0+s1], $0x4800, $0x38;
	[tilespmem:$0x1DB00] =	vst v63  }
0x43a: {  	_ =	swait.ge [sflag:s24], $0x4800  }
0x43b: {  	[sflag:s24] =	ssyncset.done $0x0  }
0x43c: {  	[sflag:s24] =	ssyncadd.s32 $0xFFFFB800  }
0x43d: {  	_ =	swait.ge [sflag:s22], $0x9000  }
0x43e: {  	[sflag:s22] =	ssyncset.done $0x0  }
0x43f: {  	s6 =	simm.s32 $0xA0;
	[sflag:s22] =	ssyncadd.s32 $0xFFFF7000  }
0x440: {  	v0 =	vld [tilespmem:s6+$0x50];
	_ =	sdelay $0x3  }
0x441: {  	v2 =	vld [tilespmem:s6+$0xFFFFFF60]  }
0x442: {  	v1 =	vshll.u32 v0, $0x3  }
0x443: {  	v0 =	vand.u32 $0x7F, v0;
	v1 =	vand.u32 $0xFFFFFC00, v1  }
0x444: {  	v3 =	vld [tilespmem:s6+$0xFFFFFFB0];
	v0 =	vor.u32 v0, v1;
	_ =	sdelay $0x1  }
0x445: {  	v4 =	vshll.u32 v2, $0x3  }
0x446: {  	s9 =	simm.s32 $0x1620;
	v2 =	vand.u32 $0x7F, v2;
	v4 =	vand.u32 $0xFFFFFC00, v4;
	v1 =	vld [tilespmem:s6+$0x0]  }
0x447: {  	v2 =	vor.u32 v2, v4;
	v4 =	vld [tilespmem:s9+$0x50]  }
0x448: {  	v5 =	vshll.u32 v3, $0x3;
	v6 =	vld.idx.msk [tilespmem:v0+s18+$0x0], $0xffff  }
0x449: {  	v3 =	vand.u32 $0x7F, v3;
	v5 =	vand.u32 $0xFFFFFC00, v5  }
0x44a: {  	v3 =	vor.u32 v3, v5  }
0x44b: {  	v7 =	vor.u32 $0x80, v0  }
0x44c: {  	v8 =	vld [tilespmem:s9+$0xFFFFFF60];
	v5 =	vshll.u32 v1, $0x3  }
0x44d: {  	v10 =	vld [tilespmem:s9+$0xFFFFFFB0];
	v1 =	vand.u32 $0x7F, v1;
	v5 =	vand.u32 $0xFFFFFC00, v5;
	v6 =	vmul.f32 v6, v4  }
0x44e: {  	s30 =	simm.s32 $0x128C0;
	v1 =	vor.u32 v1, v5;
	v5 =	vld.idx.msk [tilespmem:v2+s18+$0x0], $0xffff  }
0x44f: {  	v9 =	vld.idx.msk [tilespmem:v3+s18+$0x0], $0xffff;
	[tilespmem:s30+$0xFFFF93C0] =	vst v6  }
0x450: {  	v6 =	vld.idx.msk [tilespmem:v7+s18+$0x0], $0xffff  }
0x451: {  	v7 =	vor.u32 $0x80, v2  }
0x452: {  	v13 =	vld [tilespmem:s9+$0x0];
	v11 =	vor.u32 $0x80, v3  }
0x453: {  	v14 =	vor.u32 $0x100, v0;
	v12 =	vld.idx.msk [tilespmem:v1+s18+$0x0], $0xffff;
	v5 =	vmul.f32 v5, v8  }
0x454: {  	v9 =	vmul.f32 v9, v10  }
0x455: {  	[tilespmem:s30+$0xFFFF9240] =	vst v5;
	v5 =	vmul.f32 v6, v4  }
0x456: {  	[tilespmem:s30+$0xFFFF92C0] =	vst v9;
	v6 =	vor.u32 $0x80, v1;
	v7 =	vld.idx.msk [tilespmem:v7+s18+$0x0], $0xffff  }
0x457: {  	v9 =	vld.idx.msk [tilespmem:v11+s18+$0x0], $0xffff;
	[tilespmem:s30+$0xFFFFB7C0] =	vst v5  }
0x458: {  	v5 =	vmul.f32 v12, v13;
	v11 =	vld.idx.msk [tilespmem:v14+s18+$0x0], $0xffff  }
0x459: {  	v12 =	vor.u32 $0x100, v2  }
0x45a: {  	v14 =	vor.u32 $0x100, v3;
	[tilespmem:s30+$0xFFFF9340] =	vst v5  }
0x45b: {  	v0 =	vor.u32 $0x180, v0;
	v5 =	vld.idx.msk [tilespmem:v6+s18+$0x0], $0xffff;
	v6 =	vmul.f32 v7, v8  }
0x45c: {  	v7 =	vmul.f32 v9, v10  }
0x45d: {  	[tilespmem:s30+$0xFFFFB640] =	vst v6;
	v6 =	vmul.f32 v11, v4  }
0x45e: {  	v9 =	vor.u32 $0x100, v1;
	[tilespmem:s30+$0xFFFFB6C0] =	vst v7;
	v11 =	vld.idx.msk [tilespmem:v12+s18+$0x0], $0xffff  }
0x45f: {  	v7 =	vld.idx.msk [tilespmem:v14+s18+$0x0], $0xffff;
	[tilespmem:s30+$0xFFFFDBC0] =	vst v6  }
0x460: {  	v5 =	vmul.f32 v5, v13;
	v0 =	vld.idx.msk [tilespmem:v0+s18+$0x0], $0xffff  }
0x461: {  	v2 =	vor.u32 $0x180, v2  }
0x462: {  	v3 =	vor.u32 $0x180, v3;
	[tilespmem:s30+$0xFFFFB740] =	vst v5  }
0x463: {  	v5 =	vmul.f32 v11, v8;
	v6 =	vld.idx.msk [tilespmem:v9+s18+$0x0], $0xffff  }
0x464: {  	v7 =	vmul.f32 v7, v10  }
0x465: {  	[tilespmem:s30+$0xFFFFDA40] =	vst v5;
	v0 =	vmul.f32 v0, v4  }
0x466: {  	v1 =	vor.u32 $0x180, v1;
	[tilespmem:s30+$0xFFFFDAC0] =	vst v7;
	v2 =	vld.idx.msk [tilespmem:v2+s18+$0x0], $0xffff  }
0x467: {  	v3 =	vld.idx.msk [tilespmem:v3+s18+$0x0], $0xffff;
	[tilespmem:s30+$0xFFFFFFC0] =	vst v0  }
0x468: {  	v0 =	vmul.f32 v6, v13;
	v4 =	vld [tilespmem:s6+$0x60];
	_ =	sdelay $0x1  }
0x469: {  	[tilespmem:s30+$0xFFFFDB40] =	vst v0  }
0x46a: {  	v0 =	vld.idx.msk [tilespmem:v1+s18+$0x0], $0xffff;
	v1 =	vmul.f32 v2, v8  }
0x46b: {  	v2 =	vmul.f32 v3, v10  }
0x46c: {  	[tilespmem:s30+$0xFFFFFE40] =	vst v1;
	v3 =	vshll.u32 v4, $0x3  }
0x46d: {  	[tilespmem:s30+$0xFFFFFEC0] =	vst v2;
	v1 =	vand.u32 $0x7F, v4;
	v4 =	vld [tilespmem:s6+$0xFFFFFF70];
	v3 =	vand.u32 $0xFFFFFC00, v3  }
0x46e: {  	v2 =	vld [tilespmem:s6+$0xFFFFFFC0];
	v1 =	vor.u32 v1, v3  }
0x46f: {  	v0 =	vmul.f32 v0, v13;
	_ =	sdelay $0x1  }
0x470: {  	v7 =	vld [tilespmem:s9+$0x60];
	[tilespmem:s30+$0xFFFFFF40] =	vst v0  }
0x471: {  	v0 =	vld [tilespmem:s6+$0x10];
	v3 =	vshll.u32 v4, $0x3  }
0x472: {  	v4 =	vand.u32 $0x7F, v4;
	v6 =	vshll.u32 v2, $0x3;
	v3 =	vand.u32 $0xFFFFFC00, v3;
	v5 =	vld.idx.msk [tilespmem:v1+s18+$0x0], $0xffff  }
0x473: {  	v2 =	vand.u32 $0x7F, v2;
	v3 =	vor.u32 v4, v3;
	v4 =	vand.u32 $0xFFFFFC00, v6  }
0x474: {  	v2 =	vor.u32 v2, v4  }
0x475: {  	v4 =	vor.u32 $0x80, v1  }
0x476: {  	v9 =	vld [tilespmem:s9+$0xFFFFFFC0]  }
0x477: {  	v6 =	vld [tilespmem:s9+$0xFFFFFF70];
	v8 =	vshll.u32 v0, $0x3;
	v5 =	vmul.f32 v5, v7  }
0x478: {  	v0 =	vand.u32 $0x7F, v0;
	v8 =	vand.u32 $0xFFFFFC00, v8;
	v10 =	vld.idx.msk [tilespmem:v3+s18+$0x0], $0xffff  }
0x479: {  	v0 =	vor.u32 v0, v8;
	v8 =	vld.idx.msk [tilespmem:v2+s18+$0x0], $0xffff;
	[tilespmem:s30+$0xFFFF93D0] =	vst v5  }
0x47a: {  	v4 =	vld.idx.msk [tilespmem:v4+s18+$0x0], $0xffff  }
0x47b: {  	v5 =	vor.u32 $0x80, v3  }
0x47c: {  	v12 =	vor.u32 $0x80, v2  }
0x47d: {  	v14 =	vor.u32 $0x100, v1;
	v11 =	vld [tilespmem:s9+$0x10];
	v10 =	vmul.f32 v10, v6  }
0x47e: {  	v13 =	vld.idx.msk [tilespmem:v0+s18+$0x0], $0xffff;
	v8 =	vmul.f32 v8, v9  }
0x47f: {  	[tilespmem:s30+$0xFFFF9250] =	vst v10;
	v4 =	vmul.f32 v4, v7  }
0x480: {  	v5 =	vld.idx.msk [tilespmem:v5+s18+$0x0], $0xffff;
	[tilespmem:s30+$0xFFFF92D0] =	vst v8  }
0x481: {  	v8 =	vld.idx.msk [tilespmem:v12+s18+$0x0], $0xffff;
	[tilespmem:s30+$0xFFFFB7D0] =	vst v4  }
0x482: {  	v10 =	vor.u32 $0x80, v0;
	v12 =	vld.idx.msk [tilespmem:v14+s18+$0x0], $0xffff  }
0x483: {  	v4 =	vmul.f32 v13, v11  }
0x484: {  	v13 =	vor.u32 $0x100, v3  }
0x485: {  	v1 =	vor.u32 $0x180, v1;
	[tilespmem:s30+$0xFFFF9350] =	vst v4;
	v4 =	vmul.f32 v5, v6;
	_ =	sdelay $0x1  }
0x486: {  	v5 =	vld.idx.msk [tilespmem:v10+s18+$0x0], $0xffff;
	[tilespmem:s30+$0xFFFFB650] =	vst v4;
	v4 =	vmul.f32 v12, v7  }
0x487: {  	v14 =	vor.u32 $0x100, v2  }
0x488: {  	v12 =	vld.idx.msk [tilespmem:v13+s18+$0x0], $0xffff;
	[tilespmem:s30+$0xFFFFDBD0] =	vst v4  }
0x489: {  	v10 =	vor.u32 $0x100, v0;
	v8 =	vmul.f32 v8, v9;
	v1 =	vld.idx.msk [tilespmem:v1+s18+$0x0], $0xffff;
	_ =	sdelay $0x1  }
0x48a: {  	v3 =	vor.u32 $0x180, v3;
	[tilespmem:s30+$0xFFFFB6D0] =	vst v8;
	v4 =	vmul.f32 v5, v11  }
0x48b: {  	v8 =	vld.idx.msk [tilespmem:v14+s18+$0x0], $0xffff  }
0x48c: {  	[tilespmem:s30+$0xFFFFB750] =	vst v4;
	v4 =	vmul.f32 v12, v6  }
0x48d: {  	v5 =	vld.idx.msk [tilespmem:v10+s18+$0x0], $0xffff;
	v1 =	vmul.f32 v1, v7  }
0x48e: {  	v2 =	vor.u32 $0x180, v2;
	[tilespmem:s30+$0xFFFFDA50] =	vst v4  }
0x48f: {  	v3 =	vld.idx.msk [tilespmem:v3+s18+$0x0], $0xffff;
	[tilespmem:s30+$0xFFFFFFD0] =	vst v1  }
0x490: {  	v0 =	vor.u32 $0x180, v0;
	v8 =	vmul.f32 v8, v9;
	v4 =	vld [tilespmem:s6+$0x70];
	_ =	sdelay $0x1  }
0x491: {  	[tilespmem:s30+$0xFFFFDAD0] =	vst v8;
	v1 =	vmul.f32 v5, v11  }
0x492: {  	v2 =	vld.idx.msk [tilespmem:v2+s18+$0x0], $0xffff  }
0x493: {  	[tilespmem:s30+$0xFFFFDB50] =	vst v1;
	v1 =	vmul.f32 v3, v6  }
0x494: {  	v0 =	vld.idx.msk [tilespmem:v0+s18+$0x0], $0xffff;
	v3 =	vshll.u32 v4, $0x3  }
0x495: {  	[tilespmem:s30+$0xFFFFFE50] =	vst v1;
	v1 =	vand.u32 $0x7F, v4;
	v3 =	vand.u32 $0xFFFFFC00, v3  }
0x496: {  	v3 =	vor.u32 v1, v3  }
0x497: {  	v2 =	vmul.f32 v2, v9  }
0x498: {  	v4 =	vld [tilespmem:s6+$0xFFFFFF80]  }
0x499: {  	v7 =	vld [tilespmem:s9+$0x70];
	[tilespmem:s30+$0xFFFFFED0] =	vst v2;
	v0 =	vmul.f32 v0, v11  }
0x49a: {  	v1 =	vld [tilespmem:s6+$0xFFFFFFD0]  }
0x49b: {  	[tilespmem:s30+$0xFFFFFF50] =	vst v0;
	v5 =	vld.idx.msk [tilespmem:v3+s18+$0x0], $0xffff  }
0x49c: {  	v0 =	vld [tilespmem:s6+$0x20]  }
0x49d: {  	v2 =	vshll.u32 v4, $0x3  }
0x49e: {  	s11 =	simm.s32 $0x1E0;
	v9 =	vor.u32 $0x80, v3;
	v4 =	vand.u32 $0x7F, v4;
	v2 =	vand.u32 $0xFFFFFC00, v2  }
0x49f: {  	v15 =	vld [tilespmem:s11+$0x0];
	v6 =	vshll.u32 v1, $0x3;
	v4 =	vor.u32 v4, v2  }
0x4a0: {  	v13 =	vld [tilespmem:s11+$0xFFFFFFB0];
	v1 =	vand.u32 $0x7F, v1;
	v2 =	vand.u32 $0xFFFFFC00, v6;
	v5 =	vmul.f32 v5, v7  }
0x4a1: {  	v6 =	vor.u32 v1, v2;
	v2 =	vld [tilespmem:s9+$0xFFFFFF80];
	v8 =	vshll.u32 v0, $0x3  }
0x4a2: {  	v1 =	vld [tilespmem:s9+$0xFFFFFFD0];
	v10 =	vand.u32 $0x7F, v0;
	v8 =	vand.u32 $0xFFFFFC00, v8;
	[tilespmem:s30+$0xFFFF93E0] =	vst v5  }
0x4a3: {  	v8 =	vor.u32 v10, v8;
	v5 =	vld.idx.msk [tilespmem:v9+s18+$0x0], $0xffff  }
0x4a4: {  	v9 =	vld [tilespmem:s11+$0x50]  }
0x4a5: {  	v10 =	vld.idx.msk [tilespmem:v4+s18+$0x0], $0xffff  }
0x4a6: {  	v14 =	vor.u32 $0x100, v3;
	v11 =	vld.idx.msk [tilespmem:v6+s18+$0x0], $0xffff  }
0x4a7: {  	v0 =	vld [tilespmem:s9+$0x20]  }
0x4a8: {  	v12 =	vld.idx.msk [tilespmem:v8+s18+$0x0], $0xffff;
	v5 =	vmul.f32 v5, v7  }
0x4a9: {  	v17 =	vld [tilespmem:s11+$0xFFFFFF60];
	v3 =	vor.u32 $0x180, v3;
	v16 =	vor.u32 $0x80, v4;
	v20 =	vshll.u32 v9, $0x3  }
0x4aa: {  	v10 =	vmul.f32 v10, v2;
	[tilespmem:s30+$0xFFFFB7E0] =	vst v5;
	v5 =	vand.u32 $0x7F, v9;
	v9 =	vand.u32 $0xFFFFFC00, v20  }
0x4ab: {  	s5 =	simm.s32 $0x1760;
	v18 =	vor.u32 $0x80, v6;
	v11 =	vmul.f32 v11, v1;
	v14 =	vld.idx.msk [tilespmem:v14+s18+$0x0], $0xffff;
	v5 =	vor.u32 v5, v9  }
0x4ac: {  	v24 =	vld [tilespmem:s5+$0xFFFFFFB0];
	v19 =	vor.u32 $0x80, v8;
	[tilespmem:s30+$0xFFFF9260] =	vst v10;
	v10 =	vshll.u32 v13, $0x3;
	v13 =	vand.u32 $0x7F, v13  }
0x4ad: {  	v26 =	vld [tilespmem:s5+$0x0];
	v10 =	vand.u32 $0xFFFFFC00, v10;
	[tilespmem:s30+$0xFFFF92E0] =	vst v11;
	v11 =	vshll.u32 v15, $0x3;
	v9 =	vmul.f32 v12, v0  }
0x4ae: {  	v15 =	vand.u32 $0x7F, v15;
	v11 =	vand.u32 $0xFFFFFC00, v11;
	v12 =	vld.idx.msk [tilespmem:v16+s18+$0x0], $0xffff;
	v16 =	vshll.u32 v17, $0x3  }
0x4af: {  	v11 =	vor.u32 v15, v11;
	v15 =	vld [tilespmem:s5+$0x50];
	v16 =	vand.u32 $0xFFFFFC00, v16;
	[tilespmem:s30+$0xFFFF9360] =	vst v9;
	v9 =	vand.u32 $0x7F, v17  }
0x4b0: {  	v10 =	vor.u32 v13, v10;
	v9 =	vor.u32 v9, v16;
	v13 =	vld.idx.msk [tilespmem:v5+s18+$0x0], $0xffff;
	v14 =	vmul.f32 v14, v7  }
0x4b1: {  	v18 =	vld.idx.msk [tilespmem:v18+s18+$0x0], $0xffff  }
0x4b2: {  	v17 =	vld.idx.msk [tilespmem:v19+s18+$0x0], $0xffff;
	[tilespmem:s30+$0xFFFFDBE0] =	vst v14  }
0x4b3: {  	v20 =	vor.u32 $0x100, v4;
	v3 =	vld.idx.msk [tilespmem:v3+s18+$0x0], $0xffff  }
0x4b4: {  	v16 =	vld [tilespmem:s5+$0xFFFFFF60];
	v19 =	vor.u32 $0x80, v5;
	v12 =	vmul.f32 v12, v2  }
0x4b5: {  	v23 =	vor.u32 $0x100, v6;
	v14 =	vld.idx.msk [tilespmem:v9+s18+$0x0], $0xffff;
	v13 =	vmul.f32 v13, v15  }
0x4b6: {  	s31 =	simm.s32 $0x12AC0;
	v21 =	vld.idx.msk [tilespmem:v10+s18+$0x0], $0xffff;
	[tilespmem:s30+$0xFFFFB660] =	vst v12  }
0x4b7: {  	v22 =	vld.idx.msk [tilespmem:v11+s18+$0x0], $0xffff;
	[tilespmem:s31+$0xFFFF93C0] =	vst v13;
	v13 =	vmul.f32 v18, v1  }
0x4b8: {  	v25 =	vor.u32 $0x80, v9;
	v18 =	vld.idx.msk [tilespmem:v20+s18+$0x0], $0xffff;
	v3 =	vmul.f32 v3, v7  }
0x4b9: {  	v7 =	vor.u32 $0x100, v8;
	v12 =	vld.idx.msk [tilespmem:v19+s18+$0x0], $0xffff;
	[tilespmem:s30+$0xFFFFB6E0] =	vst v13  }
0x4ba: {  	v14 =	vmul.f32 v14, v16;
	v19 =	vor.u32 $0x80, v11;
	[tilespmem:s30+$0xFFFFFFE0] =	vst v3;
	v20 =	vld.idx.msk [tilespmem:v23+s18+$0x0], $0xffff  }
0x4bb: {  	s0 =	simm.s32 $0x320;
	v17 =	vmul.f32 v17, v0;
	v3 =	vor.u32 $0x80, v10;
	v13 =	vld [tilespmem:s6+$0x80]  }
0x4bc: {  	v29 =	vld [tilespmem:s0+$0x0];
	v22 =	vmul.f32 v22, v26;
	[tilespmem:s31+$0xFFFF9240] =	vst v14;
	v14 =	vmul.f32 v21, v24;
	v21 =	vor.u32 $0x100, v5  }
0x4bd: {  	v4 =	vor.u32 $0x180, v4;
	[tilespmem:s30+$0xFFFFB760] =	vst v17;
	v17 =	vld.idx.msk [tilespmem:v25+s18+$0x0], $0xffff  }
0x4be: {  	v6 =	vor.u32 $0x180, v6;
	[tilespmem:s31+$0xFFFF9340] =	vst v22;
	v7 =	vld.idx.msk [tilespmem:v7+s18+$0x0], $0xffff;
	v12 =	vmul.f32 v12, v15  }
0x4bf: {  	[tilespmem:s31+$0xFFFF92C0] =	vst v14;
	v18 =	vmul.f32 v18, v2;
	v19 =	vld.idx.msk [tilespmem:v19+s18+$0x0], $0xffff  }
0x4c0: {  	v14 =	vor.u32 $0x100, v9;
	v3 =	vld.idx.msk [tilespmem:v3+s18+$0x0], $0xffff;
	[tilespmem:s31+$0xFFFFB7C0] =	vst v12;
	v12 =	vmul.f32 v20, v1;
	v22 =	vshll.u32 v13, $0x3  }
0x4c1: {  	v8 =	vor.u32 $0x180, v8;
	[tilespmem:s30+$0xFFFFDA60] =	vst v18;
	v13 =	vand.u32 $0x7F, v13;
	v21 =	vld.idx.msk [tilespmem:v21+s18+$0x0], $0xffff;
	v20 =	vand.u32 $0xFFFFFC00, v22  }
0x4c2: {  	v4 =	vld.idx.msk [tilespmem:v4+s18+$0x0], $0xffff;
	v17 =	vmul.f32 v17, v16;
	[tilespmem:s30+$0xFFFFDAE0] =	vst v12;
	v13 =	vor.u32 v13, v20  }
0x4c3: {  	v12 =	vor.u32 $0x100, v10;
	v7 =	vmul.f32 v7, v0;
	v6 =	vld.idx.msk [tilespmem:v6+s18+$0x0], $0xffff  }
0x4c4: {  	v5 =	vor.u32 $0x180, v5;
	[tilespmem:s31+$0xFFFFB640] =	vst v17;
	v20 =	vld [tilespmem:s9+$0x80]  }
0x4c5: {  	v14 =	vld.idx.msk [tilespmem:v14+s18+$0x0], $0xffff;
	[tilespmem:s30+$0xFFFFDB60] =	vst v7;
	v7 =	vor.u32 $0x100, v11;
	v3 =	vmul.f32 v3, v24  }
0x4c6: {  	v8 =	vld.idx.msk [tilespmem:v8+s18+$0x0], $0xffff;
	v17 =	vmul.f32 v21, v15  }
0x4c7: {  	v19 =	vmul.f32 v19, v26;
	[tilespmem:s31+$0xFFFFB6C0] =	vst v3;
	v18 =	vld.idx.msk [tilespmem:v13+s18+$0x0], $0xffff  }
0x4c8: {  	v2 =	vmul.f32 v4, v2;
	v3 =	vor.u32 $0x180, v9;
	v4 =	vld.idx.msk [tilespmem:v12+s18+$0x0], $0xffff;
	[tilespmem:s31+$0xFFFFDBC0] =	vst v17  }
0x4c9: {  	[tilespmem:s31+$0xFFFFB740] =	vst v19;
	v1 =	vmul.f32 v6, v1;
	v5 =	vld.idx.msk [tilespmem:v5+s18+$0x0], $0xffff  }
0x4ca: {  	[tilespmem:s30+$0xFFFFFE60] =	vst v2;
	v2 =	vmul.f32 v14, v16;
	v6 =	vld.idx.msk [tilespmem:v7+s18+$0x0], $0xffff;
	v7 =	vor.u32 $0x80, v13  }
0x4cb: {  	v9 =	vor.u32 $0x180, v10;
	[tilespmem:s30+$0xFFFFFEE0] =	vst v1;
	v1 =	vld [tilespmem:s6+$0xFFFFFF90];
	v0 =	vmul.f32 v8, v0  }
0x4cc: {  	[tilespmem:s31+$0xFFFFDA40] =	vst v2;
	v8 =	vld [tilespmem:s6+$0xFFFFFFE0];
	v2 =	vmul.f32 v18, v20  }
0x4cd: {  	v3 =	vld.idx.msk [tilespmem:v3+s18+$0x0], $0xffff;
	[tilespmem:s30+$0xFFFFFF60] =	vst v0;
	v0 =	vmul.f32 v4, v24  }
0x4ce: {  	v4 =	vor.u32 $0x180, v11;
	v10 =	vld [tilespmem:s6+$0x30];
	[tilespmem:s30+$0xFFFF93F0] =	vst v2  }
0x4cf: {  	v2 =	vmul.f32 v5, v15;
	[tilespmem:s31+$0xFFFFDAC0] =	vst v0;
	v5 =	vld.idx.msk [tilespmem:v7+s18+$0x0], $0xffff  }
0x4d0: {  	v0 =	vmul.f32 v6, v26;
	v6 =	vld.idx.msk [tilespmem:v9+s18+$0x0], $0xffff  }
0x4d1: {  	[tilespmem:s31+$0xFFFFFFC0] =	vst v2;
	v2 =	vld [tilespmem:s9+$0xFFFFFF90]  }
0x4d2: {  	[tilespmem:s31+$0xFFFFDB40] =	vst v0;
	v7 =	vld [tilespmem:s11+$0x60]  }
0x4d3: {  	v12 =	vor.u32 $0x100, v13;
	v9 =	vmul.f32 v3, v16;
	v11 =	vld.idx.msk [tilespmem:v4+s18+$0x0], $0xffff  }
0x4d4: {  	v3 =	vld [tilespmem:s9+$0xFFFFFFE0]  }
0x4d5: {  	v0 =	vshll.u32 v1, $0x3;
	v18 =	vld [tilespmem:s5+$0x60];
	[tilespmem:s31+$0xFFFFFE40] =	vst v9;
	v5 =	vmul.f32 v5, v20  }
0x4d6: {  	v1 =	vand.u32 $0x7F, v1;
	v0 =	vand.u32 $0xFFFFFC00, v0;
	v9 =	vld [tilespmem:s11+$0xFFFFFF70];
	v6 =	vmul.f32 v6, v24  }
0x4d7: {  	v1 =	vor.u32 v1, v0;
	v0 =	vld [tilespmem:s9+$0x30];
	v14 =	vshll.u32 v7, $0x3;
	[tilespmem:s30+$0xFFFFB7F0] =	vst v5  }
0x4d8: {  	v5 =	vand.u32 $0x7F, v7;
	[tilespmem:s31+$0xFFFFFEC0] =	vst v6;
	v6 =	vmul.f32 v11, v26;
	v7 =	vand.u32 $0xFFFFFC00, v14;
	v12 =	vld.idx.msk [tilespmem:v12+s18+$0x0], $0xffff  }
0x4d9: {  	v13 =	vor.u32 $0x180, v13;
	v11 =	vld [tilespmem:s11+$0xFFFFFFC0];
	v7 =	vor.u32 v5, v7  }
0x4da: {  	v4 =	vld [tilespmem:s5+$0xFFFFFF70];
	v14 =	vshll.u32 v10, $0x3;
	v10 =	vand.u32 $0x7F, v10;
	v5 =	vshll.u32 v8, $0x3;
	[tilespmem:s31+$0xFFFFFF40] =	vst v6  }
0x4db: {  	v8 =	vand.u32 $0x7F, v8;
	v6 =	vshll.u32 v9, $0x3;
	v5 =	vand.u32 $0xFFFFFC00, v5;
	v16 =	vld [tilespmem:s11+$0x10]  }
0x4dc: {  	v15 =	vld.idx.msk [tilespmem:v1+s18+$0x0], $0xffff;
	v9 =	vand.u32 $0x7F, v9;
	v6 =	vand.u32 $0xFFFFFC00, v6;
	v8 =	vor.u32 v8, v5  }
0x4dd: {  	v14 =	vand.u32 $0xFFFFFC00, v14;
	v5 =	vld [tilespmem:s5+$0xFFFFFFC0];
	v9 =	vor.u32 v9, v6;
	v12 =	vmul.f32 v12, v20  }
0x4de: {  	v10 =	vor.u32 v10, v14;
	v14 =	vshll.u32 v11, $0x3;
	v17 =	vld.idx.msk [tilespmem:v7+s18+$0x0], $0xffff  }
0x4df: {  	v19 =	vor.u32 $0x80, v1;
	v6 =	vld [tilespmem:s5+$0x10];
	v11 =	vand.u32 $0x7F, v11;
	v14 =	vand.u32 $0xFFFFFC00, v14;
	[tilespmem:s30+$0xFFFFDBF0] =	vst v12  }
0x4e0: {  	v21 =	vor.u32 $0x80, v7;
	v11 =	vor.u32 v11, v14;
	v14 =	vshll.u32 v16, $0x3;
	v13 =	vld.idx.msk [tilespmem:v13+s18+$0x0], $0xffff  }
0x4e1: {  	v12 =	vmul.f32 v15, v2;
	v16 =	vand.u32 $0x7F, v16;
	v15 =	vld.idx.msk [tilespmem:v8+s18+$0x0], $0xffff;
	v14 =	vand.u32 $0xFFFFFC00, v14  }
0x4e2: {  	v22 =	vld.idx.msk [tilespmem:v9+s18+$0x0], $0xffff;
	v14 =	vor.u32 v16, v14  }
0x4e3: {  	[tilespmem:s30+$0xFFFF9270] =	vst v12;
	v12 =	vld.idx.msk [tilespmem:v10+s18+$0x0], $0xffff;
	v16 =	vmul.f32 v17, v18  }
0x4e4: {  	v19 =	vld.idx.msk [tilespmem:v19+s18+$0x0], $0xffff;
	v17 =	vor.u32 $0x80, v8  }
0x4e5: {  	v23 =	vor.u32 $0x80, v9;
	v24 =	vld.idx.msk [tilespmem:v11+s18+$0x0], $0xffff;
	[tilespmem:s31+$0xFFFF93D0] =	vst v16;
	v13 =	vmul.f32 v13, v20  }
0x4e6: {  	v15 =	vmul.f32 v15, v3;
	v20 =	vld.idx.msk [tilespmem:v21+s18+$0x0], $0xffff  }
0x4e7: {  	v16 =	vor.u32 $0x80, v10;
	v21 =	vmul.f32 v22, v4;
	v22 =	vld.idx.msk [tilespmem:v14+s18+$0x0], $0xffff;
	[tilespmem:s30+$0xFFFFFFF0] =	vst v13  }
0x4e8: {  	v13 =	vor.u32 $0x100, v1;
	[tilespmem:s30+$0xFFFF92F0] =	vst v15;
	v15 =	vld [tilespmem:s6+$0x90]  }
0x4e9: {  	v25 =	vor.u32 $0x80, v11;
	v12 =	vmul.f32 v12, v0;
	v17 =	vld.idx.msk [tilespmem:v17+s18+$0x0], $0xffff;
	[tilespmem:s31+$0xFFFF9250] =	vst v21  }
0x4ea: {  	s16 =	simm.s32 $0x18A0;
	v19 =	vmul.f32 v19, v2;
	v21 =	vld.idx.msk [tilespmem:v23+s18+$0x0], $0xffff;
	v23 =	vor.u32 $0x100, v7  }
0x4eb: {  	v35 =	vld [tilespmem:s16+$0xFFFFFFB0];
	[tilespmem:s30+$0xFFFF9370] =	vst v12;
	v12 =	vor.u32 $0x80, v14;
	v24 =	vmul.f32 v24, v5  }
0x4ec: {  	[tilespmem:s30+$0xFFFFB670] =	vst v19;
	v16 =	vld.idx.msk [tilespmem:v16+s18+$0x0], $0xffff;
	v19 =	vmul.f32 v20, v18  }
0x4ed: {  	v26 =	vor.u32 $0x100, v8;
	[tilespmem:s31+$0xFFFF92D0] =	vst v24;
	v22 =	vmul.f32 v22, v6;
	v13 =	vld.idx.msk [tilespmem:v13+s18+$0x0], $0xffff  }
0x4ee: {  	v20 =	vor.u32 $0x100, v9;
	v25 =	vld.idx.msk [tilespmem:v25+s18+$0x0], $0xffff;
	[tilespmem:s31+$0xFFFFB7D0] =	vst v19  }
0x4ef: {  	v27 =	vor.u32 $0x100, v10;
	v24 =	vshll.u32 v15, $0x3;
	v17 =	vmul.f32 v17, v3;
	[tilespmem:s31+$0xFFFF9350] =	vst v22;
	v22 =	vld.idx.msk [tilespmem:v23+s18+$0x0], $0xffff  }
0x4f0: {  	v15 =	vand.u32 $0x7F, v15;
	v19 =	vand.u32 $0xFFFFFC00, v24;
	v21 =	vmul.f32 v21, v4;
	v12 =	vld.idx.msk [tilespmem:v12+s18+$0x0], $0xffff  }
0x4f1: {  	v24 =	vor.u32 $0x180, v1;
	v1 =	vld [tilespmem:s9+$0x90];
	v15 =	vor.u32 v15, v19;
	[tilespmem:s30+$0xFFFFB6F0] =	vst v17  }
0x4f2: {  	v16 =	vmul.f32 v16, v0;
	v17 =	vor.u32 $0x100, v11;
	v19 =	vld.idx.msk [tilespmem:v26+s18+$0x0], $0xffff;
	[tilespmem:s31+$0xFFFFB650] =	vst v21  }
0x4f3: {  	v7 =	vor.u32 $0x180, v7;
	v20 =	vld.idx.msk [tilespmem:v20+s18+$0x0], $0xffff;
	v21 =	vmul.f32 v25, v5  }
0x4f4: {  	v26 =	vld [tilespmem:s0+$0xFFFFFFB0];
	[tilespmem:s30+$0xFFFFB770] =	vst v16;
	v16 =	vor.u32 $0x100, v14;
	v13 =	vmul.f32 v13, v2  }
0x4f5: {  	v23 =	vld.idx.msk [tilespmem:v27+s18+$0x0], $0xffff;
	v22 =	vmul.f32 v22, v18;
	[tilespmem:s31+$0xFFFFB6D0] =	vst v21  }
0x4f6: {  	v9 =	vor.u32 $0x180, v9;
	v12 =	vmul.f32 v12, v6;
	[tilespmem:s30+$0xFFFFDA70] =	vst v13;
	v25 =	vld.idx.msk [tilespmem:v15+s18+$0x0], $0xffff  }
0x4f7: {  	v8 =	vor.u32 $0x180, v8;
	v17 =	vld.idx.msk [tilespmem:v17+s18+$0x0], $0xffff;
	[tilespmem:s31+$0xFFFFDBD0] =	vst v22;
	v19 =	vmul.f32 v19, v3  }
0x4f8: {  	v10 =	vor.u32 $0x180, v10;
	[tilespmem:s31+$0xFFFFB750] =	vst v12;
	v7 =	vld.idx.msk [tilespmem:v7+s18+$0x0], $0xffff;
	v12 =	vmul.f32 v20, v4  }
0x4f9: {  	v13 =	vld.idx.msk [tilespmem:v16+s18+$0x0], $0xffff;
	v16 =	vor.u32 $0x80, v15;
	[tilespmem:s30+$0xFFFFDAF0] =	vst v19  }
0x4fa: {  	v11 =	vor.u32 $0x180, v11;
	v19 =	vld.idx.msk [tilespmem:v24+s18+$0x0], $0xffff;
	v20 =	vmul.f32 v23, v0;
	[tilespmem:s31+$0xFFFFDA50] =	vst v12  }
0x4fb: {  	v12 =	vmul.f32 v25, v1;
	v9 =	vld.idx.msk [tilespmem:v9+s18+$0x0], $0xffff  }
0x4fc: {  	v14 =	vor.u32 $0x180, v14;
	v8 =	vld.idx.msk [tilespmem:v8+s18+$0x0], $0xffff;
	[tilespmem:s30+$0xFFFFDB70] =	vst v20;
	v17 =	vmul.f32 v17, v5  }
0x4fd: {  	v10 =	vld.idx.msk [tilespmem:v10+s18+$0x0], $0xffff;
	[tilespmem:s30+$0xFFFF9400] =	vst v12;
	v7 =	vmul.f32 v7, v18  }
0x4fe: {  	[tilespmem:s31+$0xFFFFDAD0] =	vst v17;
	v13 =	vmul.f32 v13, v6;
	v12 =	vld.idx.msk [tilespmem:v16+s18+$0x0], $0xffff  }
0x4ff: {  	v11 =	vld.idx.msk [tilespmem:v11+s18+$0x0], $0xffff;
	v2 =	vmul.f32 v19, v2;
	[tilespmem:s31+$0xFFFFFFD0] =	vst v7  }
0x500: {  	[tilespmem:s31+$0xFFFFDB50] =	vst v13;
	v7 =	vld [tilespmem:s11+$0x70];
	v4 =	vmul.f32 v9, v4  }
0x501: {  	v3 =	vmul.f32 v8, v3;
	v9 =	vld.idx.msk [tilespmem:v14+s18+$0x0], $0xffff;
	[tilespmem:s30+$0xFFFFFE70] =	vst v2;
	v2 =	vor.u32 $0x100, v15  }
0x502: {  	v13 =	vld [tilespmem:s6+$0xFFFFFFA0];
	v0 =	vmul.f32 v10, v0;
	[tilespmem:s31+$0xFFFFFE50] =	vst v4  }
0x503: {  	[tilespmem:s30+$0xFFFFFEF0] =	vst v3;
	v4 =	vmul.f32 v12, v1;
	v10 =	vld [tilespmem:s11+$0xFFFFFF80]  }
0x504: {  	v3 =	vld [tilespmem:s6+$0xFFFFFFF0];
	v5 =	vmul.f32 v11, v5;
	[tilespmem:s30+$0xFFFFFF70] =	vst v0  }
0x505: {  	v23 =	vld [tilespmem:s0+$0x50];
	v11 =	vshll.u32 v7, $0x3;
	[tilespmem:s30+$0xFFFFB800] =	vst v4  }
0x506: {  	v0 =	vand.u32 $0x7F, v7;
	[tilespmem:s31+$0xFFFFFED0] =	vst v5;
	v5 =	vmul.f32 v9, v6;
	v4 =	vand.u32 $0xFFFFFC00, v11;
	v2 =	vld.idx.msk [tilespmem:v2+s18+$0x0], $0xffff  }
0x507: {  	v11 =	vor.u32 v0, v4;
	v4 =	vld [tilespmem:s11+$0xFFFFFFD0]  }
0x508: {  	v8 =	vld [tilespmem:s5+$0xFFFFFF80];
	v7 =	vand.u32 $0x7F, v13;
	v0 =	vshll.u32 v13, $0x3;
	[tilespmem:s31+$0xFFFFFF50] =	vst v5;
	v13 =	vshll.u32 v10, $0x3  }
0x509: {  	v12 =	vshll.u32 v3, $0x3;
	v5 =	vand.u32 $0x7F, v10;
	v10 =	vand.u32 $0xFFFFFC00, v13;
	v13 =	vld [tilespmem:s11+$0x20]  }
0x50a: {  	v14 =	vor.u32 $0x180, v15;
	v6 =	vld [tilespmem:s6+$0x40];
	v3 =	vand.u32 $0x7F, v3;
	v12 =	vand.u32 $0xFFFFFC00, v12  }
0x50b: {  	v0 =	vand.u32 $0xFFFFFC00, v0;
	v15 =	vor.u32 v5, v10;
	v5 =	vor.u32 v3, v12;
	v12 =	vld [tilespmem:s5+$0x70]  }
0x50c: {  	v7 =	vor.u32 v7, v0;
	v16 =	vmul.f32 v2, v1;
	v0 =	vld.idx.msk [tilespmem:v11+s18+$0x0], $0xffff;
	v2 =	vshll.u32 v4, $0x3  }
0x50d: {  	v9 =	vld [tilespmem:s5+$0xFFFFFFD0];
	v3 =	vand.u32 $0x7F, v4;
	v4 =	vand.u32 $0xFFFFFC00, v2  }
0x50e: {  	v10 =	vld [tilespmem:s5+$0x20];
	[tilespmem:s30+$0xFFFFDC00] =	vst v16;
	v16 =	vor.u32 v3, v4;
	v3 =	vshll.u32 v13, $0x3  }
0x50f: {  	v17 =	vor.u32 $0x80, v11;
	v2 =	vld [tilespmem:s9+$0xFFFFFFA0];
	v13 =	vand.u32 $0x7F, v13;
	v3 =	vand.u32 $0xFFFFFC00, v3  }
0x510: {  	v4 =	vld.idx.msk [tilespmem:v14+s18+$0x0], $0xffff;
	v13 =	vor.u32 v13, v3  }
0x511: {  	v14 =	vld.idx.msk [tilespmem:v15+s18+$0x0], $0xffff;
	v0 =	vmul.f32 v0, v12  }
0x512: {  	v18 =	vld.idx.msk [tilespmem:v7+s18+$0x0], $0xffff  }
0x513: {  	v20 =	vld.idx.msk [tilespmem:v16+s18+$0x0], $0xffff;
	[tilespmem:s31+$0xFFFF93E0] =	vst v0  }
0x514: {  	v24 =	vand.u32 $0x7F, v6;
	v6 =	vshll.u32 v6, $0x3;
	v17 =	vld.idx.msk [tilespmem:v17+s18+$0x0], $0xffff  }
0x515: {  	v6 =	vand.u32 $0xFFFFFC00, v6;
	v21 =	vld.idx.msk [tilespmem:v13+s18+$0x0], $0xffff  }
0x516: {  	v6 =	vor.u32 v24, v6;
	v24 =	vor.u32 $0x80, v7;
	v19 =	vld.idx.msk [tilespmem:v5+s18+$0x0], $0xffff;
	v14 =	vmul.f32 v14, v8  }
0x517: {  	v27 =	vor.u32 $0x100, v11;
	v3 =	vld [tilespmem:s9+$0xFFFFFFF0];
	v18 =	vmul.f32 v18, v2  }
0x518: {  	v22 =	vor.u32 $0x80, v15;
	[tilespmem:s31+$0xFFFF9260] =	vst v14;
	v14 =	vld [tilespmem:s0+$0xFFFFFF60];
	v20 =	vmul.f32 v20, v9  }
0x519: {  	v37 =	vld [tilespmem:s16+$0x0];
	v25 =	vor.u32 $0x80, v16;
	[tilespmem:s30+$0xFFFF9280] =	vst v18;
	v17 =	vmul.f32 v17, v12  }
0x51a: {  	v28 =	vor.u32 $0x80, v13;
	v0 =	vld [tilespmem:s9+$0x40];
	[tilespmem:s31+$0xFFFF92E0] =	vst v20;
	v20 =	vmul.f32 v21, v10;
	v21 =	vshll.u32 v23, $0x3  }
0x51b: {  	v30 =	vor.u32 $0x80, v5;
	v24 =	vld.idx.msk [tilespmem:v24+s18+$0x0], $0xffff;
	[tilespmem:s31+$0xFFFFB7E0] =	vst v17;
	v17 =	vand.u32 $0x7F, v23;
	v21 =	vand.u32 $0xFFFFFC00, v21  }
0x51c: {  	v19 =	vmul.f32 v19, v3;
	[tilespmem:s31+$0xFFFF9360] =	vst v20;
	v20 =	vld.idx.msk [tilespmem:v27+s18+$0x0], $0xffff;
	v17 =	vor.u32 v17, v21;
	v21 =	vshll.u32 v26, $0x3  }
0x51d: {  	v22 =	vld.idx.msk [tilespmem:v22+s18+$0x0], $0xffff;
	v27 =	vshll.u32 v14, $0x3;
	v14 =	vand.u32 $0x7F, v14;
	v18 =	vand.u32 $0xFFFFFC00, v21  }
0x51e: {  	[tilespmem:s30+$0xFFFF9300] =	vst v19;
	v25 =	vld.idx.msk [tilespmem:v25+s18+$0x0], $0xffff;
	v21 =	vshll.u32 v29, $0x3;
	v19 =	vand.u32 $0xFFFFFC00, v27;
	v27 =	vor.u32 $0x180, v11  }
0x51f: {  	v23 =	vld.idx.msk [tilespmem:v28+s18+$0x0], $0xffff;
	v21 =	vand.u32 $0xFFFFFC00, v21;
	v14 =	vor.u32 v14, v19;
	v19 =	vand.u32 $0x7F, v29  }
0x520: {  	v26 =	vand.u32 $0x7F, v26;
	v19 =	vor.u32 v19, v21;
	v21 =	vld [tilespmem:s16+$0x50]  }
0x521: {  	v18 =	vor.u32 v26, v18;
	v26 =	vld.idx.msk [tilespmem:v17+s18+$0x0], $0xffff;
	v20 =	vmul.f32 v20, v12  }
0x522: {  	v11 =	vld.idx.msk [tilespmem:v30+s18+$0x0], $0xffff  }
0x523: {  	v29 =	vld [tilespmem:s16+$0xFFFFFF60];
	[tilespmem:s31+$0xFFFFDBE0] =	vst v20  }
0x524: {  	v30 =	vor.u32 $0x80, v17;
	v20 =	vld.idx.msk [tilespmem:v27+s18+$0x0], $0xffff  }
0x525: {  	v31 =	vor.u32 $0x100, v15;
	v27 =	vld.idx.msk [tilespmem:v14+s18+$0x0], $0xffff  }
0x526: {  	v33 =	vor.u32 $0x100, v16;
	v28 =	vld.idx.msk [tilespmem:v6+s18+$0x0], $0xffff;
	v26 =	vmul.f32 v26, v21  }
0x527: {  	s1 =	simm.s32 $0x12CC0;
	v22 =	vmul.f32 v22, v8;
	v32 =	vld.idx.msk [tilespmem:v18+s18+$0x0], $0xffff  }
0x528: {  	v36 =	vor.u32 $0x80, v14;
	v25 =	vmul.f32 v25, v9;
	v34 =	vld.idx.msk [tilespmem:v19+s18+$0x0], $0xffff;
	[tilespmem:s1+$0xFFFF93C0] =	vst v26  }
0x529: {  	[tilespmem:s31+$0xFFFFB660] =	vst v22;
	v26 =	vor.u32 $0x100, v13;
	v22 =	vld.idx.msk [tilespmem:v30+s18+$0x0], $0xffff;
	v12 =	vmul.f32 v20, v12  }
0x52a: {  	[tilespmem:s31+$0xFFFFB6E0] =	vst v25;
	v20 =	vor.u32 $0x80, v18;
	v25 =	vmul.f32 v27, v29;
	v27 =	vld.idx.msk [tilespmem:v31+s18+$0x0], $0xffff  }
0x52b: {  	v23 =	vmul.f32 v23, v10;
	v30 =	vor.u32 $0x80, v19;
	v31 =	vld.idx.msk [tilespmem:v33+s18+$0x0], $0xffff;
	[tilespmem:s31+$0xFFFFFFE0] =	vst v12  }
0x52c: {  	v12 =	vor.u32 $0x80, v6;
	[tilespmem:s1+$0xFFFF9240] =	vst v25;
	v25 =	vmul.f32 v32, v35;
	v61 =	vld [tilespmem:s11+$0x80]  }
0x52d: {  	v63 =	vor.u32 $0x100, v17;
	[tilespmem:s31+$0xFFFFB760] =	vst v23;
	v62 =	vmul.f32 v34, v37;
	v23 =	vld.idx.msk [tilespmem:v36+s18+$0x0], $0xffff  }
0x52e: {  	v40 =	vor.u32 $0x180, v15;
	v15 =	vmul.f32 v28, v0;
	[tilespmem:s1+$0xFFFF92C0] =	vst v25;
	v25 =	vld.idx.msk [tilespmem:v26+s18+$0x0], $0xffff  }
0x52f: {  	v16 =	vor.u32 $0x180, v16;
	[tilespmem:s1+$0xFFFF9340] =	vst v62;
	v20 =	vld.idx.msk [tilespmem:v20+s18+$0x0], $0xffff;
	v22 =	vmul.f32 v22, v21  }
0x530: {  	[tilespmem:s30+$0xFFFF9380] =	vst v15;
	v26 =	vor.u32 $0x100, v7;
	v28 =	vld.idx.msk [tilespmem:v30+s18+$0x0], $0xffff;
	v27 =	vmul.f32 v27, v8  }
0x531: {  	v30 =	vor.u32 $0x100, v14;
	[tilespmem:s1+$0xFFFFB7C0] =	vst v22;
	v22 =	vmul.f32 v31, v9;
	v15 =	vld.idx.msk [tilespmem:v12+s18+$0x0], $0xffff  }
0x532: {  	v13 =	vor.u32 $0x180, v13;
	v12 =	vmul.f32 v24, v2;
	[tilespmem:s31+$0xFFFFDA60] =	vst v27;
	v31 =	vshll.u32 v61, $0x3;
	v24 =	vld.idx.msk [tilespmem:v63+s18+$0x0], $0xffff  }
0x533: {  	v27 =	vand.u32 $0x7F, v61;
	v23 =	vmul.f32 v23, v29;
	v41 =	vld.idx.msk [tilespmem:v40+s18+$0x0], $0xffff;
	v31 =	vand.u32 $0xFFFFFC00, v31;
	[tilespmem:s31+$0xFFFFDAE0] =	vst v22  }
0x534: {  	[tilespmem:s30+$0xFFFFB680] =	vst v12;
	v25 =	vmul.f32 v25, v10;
	v22 =	vor.u32 v27, v31;
	v12 =	vld.idx.msk [tilespmem:v16+s18+$0x0], $0xffff  }
0x535: {  	v27 =	vor.u32 $0x100, v18;
	[tilespmem:s1+$0xFFFFB640] =	vst v23;
	v16 =	vld.idx.msk [tilespmem:v26+s18+$0x0], $0xffff  }
0x536: {  	v17 =	vor.u32 $0x180, v17;
	v20 =	vmul.f32 v20, v35;
	v23 =	vld.idx.msk [tilespmem:v30+s18+$0x0], $0xffff;
	[tilespmem:s31+$0xFFFFDB60] =	vst v25  }
0x537: {  	v25 =	vor.u32 $0x100, v19;
	v13 =	vld.idx.msk [tilespmem:v13+s18+$0x0], $0xffff  }
0x538: {  	[tilespmem:s1+$0xFFFFB6C0] =	vst v20;
	v20 =	vld [tilespmem:s5+$0x80];
	v24 =	vmul.f32 v24, v21  }
0x539: {  	v28 =	vmul.f32 v28, v37;
	v26 =	vld.idx.msk [tilespmem:v22+s18+$0x0], $0xffff  }
0x53a: {  	v7 =	vor.u32 $0x180, v7;
	v8 =	vmul.f32 v41, v8;
	v27 =	vld.idx.msk [tilespmem:v27+s18+$0x0], $0xffff;
	[tilespmem:s1+$0xFFFFDBC0] =	vst v24  }
0x53b: {  	v14 =	vor.u32 $0x180, v14;
	[tilespmem:s1+$0xFFFFB740] =	vst v28;
	v9 =	vmul.f32 v12, v9;
	v12 =	vld.idx.msk [tilespmem:v17+s18+$0x0], $0xffff  }
0x53c: {  	[tilespmem:s31+$0xFFFFFE60] =	vst v8;
	v16 =	vmul.f32 v16, v2;
	v17 =	vld.idx.msk [tilespmem:v25+s18+$0x0], $0xffff  }
0x53d: {  	v8 =	vmul.f32 v23, v29;
	v23 =	vor.u32 $0x80, v22;
	v24 =	vld [tilespmem:s11+$0xFFFFFF90];
	[tilespmem:s31+$0xFFFFFEE0] =	vst v9  }
0x53e: {  	v9 =	vmul.f32 v13, v10;
	v10 =	vor.u32 $0x180, v18;
	[tilespmem:s30+$0xFFFFDA80] =	vst v16;
	v13 =	vld [tilespmem:s11+$0xFFFFFFE0]  }
0x53f: {  	v18 =	vor.u32 $0x180, v19;
	[tilespmem:s1+$0xFFFFDA40] =	vst v8;
	v7 =	vld.idx.msk [tilespmem:v7+s18+$0x0], $0xffff;
	v8 =	vmul.f32 v26, v20  }
0x540: {  	v14 =	vld.idx.msk [tilespmem:v14+s18+$0x0], $0xffff;
	[tilespmem:s31+$0xFFFFFF60] =	vst v9;
	v9 =	vmul.f32 v27, v35  }
0x541: {  	v19 =	vld [tilespmem:s11+$0x30];
	v17 =	vmul.f32 v17, v37;
	[tilespmem:s31+$0xFFFF93F0] =	vst v8  }
0x542: {  	v8 =	vmul.f32 v12, v21;
	[tilespmem:s1+$0xFFFFDAC0] =	vst v9;
	v12 =	vld.idx.msk [tilespmem:v23+s18+$0x0], $0xffff  }
0x543: {  	v21 =	vld.idx.msk [tilespmem:v10+s18+$0x0], $0xffff;
	[tilespmem:s1+$0xFFFFDB40] =	vst v17  }
0x544: {  	[tilespmem:s1+$0xFFFFFFC0] =	vst v8;
	v18 =	vld.idx.msk [tilespmem:v18+s18+$0x0], $0xffff  }
0x545: {  	v10 =	vshll.u32 v24, $0x3;
	v23 =	vor.u32 $0x100, v22;
	v17 =	vld [tilespmem:s0+$0x60]  }
0x546: {  	v9 =	vld [tilespmem:s5+$0xFFFFFF90];
	v8 =	vand.u32 $0x7F, v24;
	v10 =	vand.u32 $0xFFFFFC00, v10;
	v14 =	vmul.f32 v14, v29  }
0x547: {  	v24 =	vor.u32 v8, v10;
	v10 =	vld [tilespmem:s5+$0xFFFFFFE0]  }
0x548: {  	v8 =	vld [tilespmem:s5+$0x30];
	[tilespmem:s1+$0xFFFFFE40] =	vst v14;
	v14 =	vmul.f32 v12, v20  }
0x549: {  	v25 =	vld [tilespmem:s0+$0xFFFFFF70];
	v21 =	vmul.f32 v21, v35  }
0x54a: {  	v42 =	vld [tilespmem:s16+$0x60];
	v18 =	vmul.f32 v18, v37;
	v26 =	vshll.u32 v17, $0x3;
	[tilespmem:s31+$0xFFFFB7F0] =	vst v14  }
0x54b: {  	v14 =	vand.u32 $0x7F, v17;
	[tilespmem:s1+$0xFFFFFEC0] =	vst v21;
	v17 =	vand.u32 $0xFFFFFC00, v26;
	v23 =	vld.idx.msk [tilespmem:v23+s18+$0x0], $0xffff;
	v26 =	vshll.u32 v13, $0x3  }
0x54c: {  	v17 =	vor.u32 v14, v17;
	v14 =	vand.u32 $0xFFFFFC00, v26;
	v26 =	vld [tilespmem:s0+$0xFFFFFFC0]  }
0x54d: {  	v11 =	vmul.f32 v11, v3;
	v21 =	vld.idx.msk [tilespmem:v24+s18+$0x0], $0xffff;
	v13 =	vand.u32 $0x7F, v13;
	[tilespmem:s1+$0xFFFFFF40] =	vst v18  }
0x54e: {  	v18 =	vand.u32 $0x7F, v25;
	v28 =	vor.u32 v13, v14;
	v14 =	vshll.u32 v25, $0x3;
	v25 =	vld [tilespmem:s0+$0x10]  }
0x54f: {  	v22 =	vor.u32 $0x180, v22;
	v27 =	vshll.u32 v19, $0x3;
	v12 =	vld [tilespmem:s16+$0xFFFFFF70];
	v14 =	vand.u32 $0xFFFFFC00, v14  }
0x550: {  	v19 =	vand.u32 $0x7F, v19;
	v27 =	vand.u32 $0xFFFFFC00, v27;
	v13 =	vld [tilespmem:s16+$0xFFFFFFC0];
	v18 =	vor.u32 v18, v14  }
0x551: {  	v19 =	vor.u32 v19, v27;
	v23 =	vmul.f32 v23, v20;
	v27 =	vld.idx.msk [tilespmem:v17+s18+$0x0], $0xffff;
	v31 =	vshll.u32 v26, $0x3  }
0x552: {  	v30 =	vor.u32 $0x80, v24;
	v14 =	vld [tilespmem:s16+$0x10];
	v26 =	vand.u32 $0x7F, v26;
	v31 =	vand.u32 $0xFFFFFC00, v31  }
0x553: {  	v21 =	vmul.f32 v21, v9;
	v43 =	vld.idx.msk [tilespmem:v28+s18+$0x0], $0xffff;
	[tilespmem:s31+$0xFFFFDBF0] =	vst v23;
	v23 =	vor.u32 v26, v31;
	v26 =	vshll.u32 v25, $0x3  }
0x554: {  	v44 =	vor.u32 $0x80, v17;
	v22 =	vld.idx.msk [tilespmem:v22+s18+$0x0], $0xffff;
	v25 =	vand.u32 $0x7F, v25;
	v26 =	vand.u32 $0xFFFFFC00, v26  }
0x555: {  	[tilespmem:s31+$0xFFFF9270] =	vst v21;
	v31 =	vld.idx.msk [tilespmem:v18+s18+$0x0], $0xffff;
	v21 =	vor.u32 v25, v26  }
0x556: {  	[tilespmem:s30+$0xFFFFB700] =	vst v11;
	v11 =	vor.u32 $0x80, v28;
	v25 =	vld.idx.msk [tilespmem:v19+s18+$0x0], $0xffff;
	v26 =	vmul.f32 v27, v42  }
0x557: {  	v27 =	vld.idx.msk [tilespmem:v30+s18+$0x0], $0xffff  }
0x558: {  	v29 =	vor.u32 $0x100, v5;
	v45 =	vld.idx.msk [tilespmem:v23+s18+$0x0], $0xffff;
	[tilespmem:s1+$0xFFFF93D0] =	vst v26;
	v26 =	vmul.f32 v43, v10  }
0x559: {  	v30 =	vor.u32 $0x80, v18;
	v20 =	vmul.f32 v22, v20;
	v34 =	vld.idx.msk [tilespmem:v44+s18+$0x0], $0xffff  }
0x55a: {  	v46 =	vor.u32 $0x80, v19;
	v31 =	vmul.f32 v31, v12;
	v47 =	vld.idx.msk [tilespmem:v21+s18+$0x0], $0xffff;
	[tilespmem:s31+$0xFFFF92F0] =	vst v26  }
0x55b: {  	v15 =	vmul.f32 v15, v0;
	v22 =	vor.u32 $0x100, v24;
	[tilespmem:s31+$0xFFFFFFF0] =	vst v20;
	v11 =	vld.idx.msk [tilespmem:v11+s18+$0x0], $0xffff  }
0x55c: {  	v25 =	vmul.f32 v25, v8;
	v20 =	vor.u32 $0x80, v23;
	[tilespmem:s1+$0xFFFF9250] =	vst v31;
	v31 =	vld [tilespmem:s11+$0x90]  }
0x55d: {  	[tilespmem:s30+$0xFFFFB780] =	vst v15;
	v29 =	vld.idx.msk [tilespmem:v29+s18+$0x0], $0xffff;
	v48 =	vor.u32 $0x100, v17;
	v27 =	vmul.f32 v27, v9  }
0x55e: {  	v30 =	vld.idx.msk [tilespmem:v30+s18+$0x0], $0xffff;
	[tilespmem:s31+$0xFFFF9370] =	vst v25;
	v25 =	vor.u32 $0x80, v21;
	v35 =	vmul.f32 v45, v13  }
0x55f: {  	v15 =	vor.u32 $0x100, v28;
	[tilespmem:s31+$0xFFFFB670] =	vst v27;
	v27 =	vld.idx.msk [tilespmem:v46+s18+$0x0], $0xffff;
	v49 =	vmul.f32 v34, v42  }
0x560: {  	v26 =	vor.u32 $0x100, v6;
	v22 =	vld.idx.msk [tilespmem:v22+s18+$0x0], $0xffff;
	[tilespmem:s1+$0xFFFF92D0] =	vst v35;
	v50 =	vmul.f32 v47, v14  }
0x561: {  	v51 =	vor.u32 $0x100, v18;
	v20 =	vld.idx.msk [tilespmem:v20+s18+$0x0], $0xffff;
	[tilespmem:s1+$0xFFFFB7D0] =	vst v49;
	v11 =	vmul.f32 v11, v10;
	v52 =	vshll.u32 v31, $0x3  }
0x562: {  	v53 =	vor.u32 $0x100, v19;
	v31 =	vand.u32 $0x7F, v31;
	[tilespmem:s1+$0xFFFF9350] =	vst v50;
	v54 =	vld.idx.msk [tilespmem:v48+s18+$0x0], $0xffff;
	v33 =	vand.u32 $0xFFFFFC00, v52  }
0x563: {  	v30 =	vmul.f32 v30, v12;
	v25 =	vld.idx.msk [tilespmem:v25+s18+$0x0], $0xffff;
	[tilespmem:s31+$0xFFFFB6F0] =	vst v11;
	v11 =	vor.u32 v31, v33  }
0x564: {  	v16 =	vld.idx.msk [tilespmem:v15+s18+$0x0], $0xffff;
	v15 =	vmul.f32 v27, v8  }
0x565: {  	v26 =	vld.idx.msk [tilespmem:v26+s18+$0x0], $0xffff;
	v27 =	vor.u32 $0x100, v23;
	[tilespmem:s1+$0xFFFFB650] =	vst v30  }
0x566: {  	v17 =	vor.u32 $0x180, v17;
	v30 =	vld.idx.msk [tilespmem:v51+s18+$0x0], $0xffff;
	[tilespmem:s31+$0xFFFFB770] =	vst v15  }
0x567: {  	v31 =	vor.u32 $0x100, v21;
	v15 =	vmul.f32 v20, v13;
	v20 =	vld.idx.msk [tilespmem:v53+s18+$0x0], $0xffff  }
0x568: {  	v24 =	vor.u32 $0x180, v24;
	v55 =	vmul.f32 v54, v42;
	v56 =	vld.idx.msk [tilespmem:v11+s18+$0x0], $0xffff  }
0x569: {  	v28 =	vor.u32 $0x180, v28;
	[tilespmem:s1+$0xFFFFB6D0] =	vst v15;
	v25 =	vmul.f32 v25, v14;
	v15 =	vld [tilespmem:s5+$0x90]  }
0x56a: {  	v18 =	vor.u32 $0x180, v18;
	v22 =	vmul.f32 v22, v9;
	v27 =	vld.idx.msk [tilespmem:v27+s18+$0x0], $0xffff;
	[tilespmem:s1+$0xFFFFDBD0] =	vst v55  }
0x56b: {  	v19 =	vor.u32 $0x180, v19;
	v16 =	vmul.f32 v16, v10;
	[tilespmem:s1+$0xFFFFB750] =	vst v25;
	v17 =	vld.idx.msk [tilespmem:v17+s18+$0x0], $0xffff  }
0x56c: {  	v5 =	vor.u32 $0x180, v5;
	[tilespmem:s31+$0xFFFFDA70] =	vst v22;
	v22 =	vmul.f32 v30, v12;
	v25 =	vld.idx.msk [tilespmem:v31+s18+$0x0], $0xffff  }
0x56d: {  	v30 =	vor.u32 $0x80, v11;
	[tilespmem:s31+$0xFFFFDAF0] =	vst v16;
	v16 =	vld.idx.msk [tilespmem:v24+s18+$0x0], $0xffff;
	v20 =	vmul.f32 v20, v8  }
0x56e: {  	v23 =	vor.u32 $0x180, v23;
	[tilespmem:s1+$0xFFFFDA50] =	vst v22;
	v22 =	vld.idx.msk [tilespmem:v28+s18+$0x0], $0xffff;
	v28 =	vmul.f32 v29, v3  }
0x56f: {  	v24 =	vmul.f32 v56, v15;
	v18 =	vld.idx.msk [tilespmem:v18+s18+$0x0], $0xffff;
	[tilespmem:s31+$0xFFFFDB70] =	vst v20  }
0x570: {  	v20 =	vor.u32 $0x180, v21;
	v21 =	vmul.f32 v27, v13;
	[tilespmem:s30+$0xFFFFDB00] =	vst v28;
	v19 =	vld.idx.msk [tilespmem:v19+s18+$0x0], $0xffff  }
0x571: {  	[tilespmem:s31+$0xFFFF9400] =	vst v24;
	v17 =	vmul.f32 v17, v42;
	v5 =	vld.idx.msk [tilespmem:v5+s18+$0x0], $0xffff  }
0x572: {  	v24 =	vld.idx.msk [tilespmem:v30+s18+$0x0], $0xffff;
	[tilespmem:s1+$0xFFFFDAD0] =	vst v21;
	v21 =	vmul.f32 v25, v14  }
0x573: {  	v9 =	vmul.f32 v16, v9;
	v23 =	vld.idx.msk [tilespmem:v23+s18+$0x0], $0xffff;
	[tilespmem:s1+$0xFFFFFFD0] =	vst v17  }
0x574: {  	v10 =	vmul.f32 v22, v10;
	[tilespmem:s1+$0xFFFFDB50] =	vst v21;
	v16 =	vld [tilespmem:s0+$0x70]  }
0x575: {  	v12 =	vmul.f32 v18, v12;
	[tilespmem:s31+$0xFFFFFE70] =	vst v9;
	v17 =	vld.idx.msk [tilespmem:v20+s18+$0x0], $0xffff  }
0x576: {  	v4 =	vmul.f32 v4, v1;
	v9 =	vor.u32 $0x100, v11;
	v18 =	vld [tilespmem:s11+$0xFFFFFFA0];
	[tilespmem:s31+$0xFFFFFEF0] =	vst v10  }
0x577: {  	v1 =	vor.u32 $0x180, v6;
	v7 =	vmul.f32 v7, v2;
	v6 =	vmul.f32 v26, v0;
	[tilespmem:s1+$0xFFFFFE50] =	vst v12;
	v12 =	vld [tilespmem:s11+$0xFFFFFFF0]  }
0x578: {  	v19 =	vmul.f32 v19, v8;
	v10 =	vmul.f32 v24, v15;
	v20 =	vld [tilespmem:s0+$0xFFFFFF80]  }
0x579: {  	v21 =	vld [tilespmem:s16+$0x70];
	v5 =	vmul.f32 v5, v3;
	v2 =	vmul.f32 v23, v13  }
0x57a: {  	v8 =	vld [tilespmem:s16+$0xFFFFFF80];
	v23 =	vor.u32 $0x180, v11;
	v13 =	vshll.u32 v16, $0x3;
	[tilespmem:s31+$0xFFFFB800] =	vst v10;
	v3 =	vand.u32 $0x7F, v16  }
0x57b: {  	v10 =	vand.u32 $0xFFFFFC00, v13;
	v9 =	vld.idx.msk [tilespmem:v9+s18+$0x0], $0xffff;
	[tilespmem:s1+$0xFFFFFED0] =	vst v2;
	v2 =	vmul.f32 v17, v14;
	v14 =	vand.u32 $0x7F, v18  }
0x57c: {  	[tilespmem:s31+$0xFFFFFF70] =	vst v19;
	v22 =	vor.u32 v3, v10;
	v3 =	vshll.u32 v18, $0x3;
	v16 =	vld [tilespmem:s0+$0xFFFFFFD0];
	v17 =	vshll.u32 v12, $0x3  }
0x57d: {  	v13 =	vld [tilespmem:s11+$0x40];
	v12 =	vand.u32 $0x7F, v12;
	v3 =	vand.u32 $0xFFFFFC00, v3;
	v18 =	vand.u32 $0x7F, v20  }
0x57e: {  	v10 =	vld [tilespmem:s16+$0xFFFFFFD0];
	v19 =	vshll.u32 v20, $0x3;
	[tilespmem:s1+$0xFFFFFF50] =	vst v2;
	v2 =	vand.u32 $0xFFFFFC00, v17;
	v61 =	vor.u32 $0x80, v22  }
0x57f: {  	v17 =	vand.u32 $0xFFFFFC00, v19;
	v19 =	vld [tilespmem:s0+$0x20];
	v27 =	vor.u32 v14, v3;
	v57 =	vor.u32 v12, v2  }
0x580: {  	[tilespmem:s30+$0xFFFFFE80] =	vst v7;
	v11 =	vld [tilespmem:s16+$0x20];
	v17 =	vor.u32 v18, v17;
	v7 =	vor.u32 $0x100, v57;
	v9 =	vmul.f32 v9, v15  }
0x581: {  	[tilespmem:s30+$0xFFFFFF00] =	vst v5;
	v5 =	vor.u32 $0x180, v27;
	v28 =	vor.u32 $0x80, v17;
	v2 =	vld.idx.msk [tilespmem:v22+s18+$0x0], $0xffff;
	v3 =	vshll.u32 v16, $0x3  }
0x582: {  	v20 =	vor.u32 $0x100, v17;
	v12 =	vand.u32 $0x7F, v16;
	v16 =	vand.u32 $0xFFFFFC00, v3;
	v3 =	vld [tilespmem:s5+$0xFFFFFFA0];
	[tilespmem:s31+$0xFFFFDC00] =	vst v9  }
0x583: {  	v14 =	vor.u32 $0x180, v17;
	v58 =	vand.u32 $0x7F, v13;
	v13 =	vshll.u32 v13, $0x3;
	v59 =	vld.idx.msk [tilespmem:v23+s18+$0x0], $0xffff  }
0x584: {  	[tilespmem:s30+$0xFFFFDB80] =	vst v6;
	v6 =	vand.u32 $0xFFFFFC00, v13;
	v9 =	vor.u32 v12, v16;
	v16 =	vshll.u32 v19, $0x3;
	v38 =	vld.idx.msk [tilespmem:v27+s18+$0x0], $0xffff  }
0x585: {  	v12 =	vand.u32 $0x7F, v19;
	v23 =	vor.u32 v58, v6;
	v60 =	vld.idx.msk [tilespmem:v17+s18+$0x0], $0xffff;
	v16 =	vand.u32 $0xFFFFFC00, v16  }
0x586: {  	v24 =	vld.idx.msk [tilespmem:v57+s18+$0x0], $0xffff;
	v29 =	vor.u32 $0x80, v9;
	v26 =	vor.u32 $0x100, v9;
	v62 =	vor.u32 v12, v16  }
0x587: {  	[tilespmem:s30+$0x0] =	vst v4;
	v18 =	vor.u32 $0x180, v9;
	v17 =	vor.u32 $0x80, v57;
	v4 =	vmul.f32 v2, v21;
	v2 =	vld [tilespmem:s5+$0xFFFFFFF0]  }
0x588: {  	v13 =	vld [tilespmem:s5+$0x40];
	v6 =	vor.u32 $0x100, v23;
	v16 =	vor.u32 $0x80, v27;
	v12 =	vor.u32 $0x80, v23  }
0x589: {  	v30 =	vor.u32 $0x80, v62;
	v25 =	vor.u32 $0x100, v62;
	v31 =	vld.idx.msk [tilespmem:v9+s18+$0x0], $0xffff;
	[tilespmem:s1+$0xFFFF93E0] =	vst v4;
	v63 =	vmul.f32 v59, v15  }
0x58a: {  	s6 =	simm.s32 $0x18A0;
	v19 =	vor.u32 $0x180, v62;
	v9 =	vor.u32 $0x100, v27;
	v32 =	vld.idx.msk [tilespmem:v61+s18+$0x0], $0xffff;
	v34 =	vmul.f32 v60, v8  }
0x58b: {  	s9 =	simm.s32 $0x8;
	s11 =	simm.s32 $0x460;
	s5 =	simm.s32 $0x12CC0;
	v27 =	vmul.f32 v38, v3;
	v4 =	vor.u32 $0x180, v57;
	v15 =	vor.u32 $0x180, v23;
	v33 =	vld.idx.msk [tilespmem:v62+s18+$0x0], $0xffff;
	[tilespmem:s31+$0x0] =	vst v63  }
.LBB2_7:
0x58c: {  	v35 =	vld [tilespmem:s11+$0x50];
	s9 =	sadd.s32 $0x4, s9;
	[tilespmem:s1+$0xFFFF9260] =	vst v34;
	v24 =	vmul.f32 v24, v2  }
0x58d: {  	v36 =	vor.u32 $0x100, v22;
	v34 =	vld [tilespmem:s11+$0xFFFFFFB0];
	p1 =	slt.u32 s9, $0x40;
	[tilespmem:s31+$0xFFFF9280] =	vst v27  }
0x58e: {  	v31 =	vmul.f32 v31, v10;
	v27 =	vld [tilespmem:s11+$0x0];
	[tilespmem:s31+$0xFFFF9300] =	vst v24  }
0x58f: {  	v32 =	vmul.f32 v32, v21;
	v24 =	vld [tilespmem:s11+$0xFFFFFF60]  }
0x590: {  	v28 =	vld.idx.msk [tilespmem:v28+s18+$0x0], $0xffff;
	[tilespmem:s1+$0xFFFF92E0] =	vst v31;
	v31 =	vmul.f32 v33, v11  }
0x591: {  	v33 =	vshll.u32 v35, $0x3;
	v29 =	vld.idx.msk [tilespmem:v29+s18+$0x0], $0xffff;
	[tilespmem:s1+$0xFFFFB7E0] =	vst v32  }
0x592: {  	v35 =	vand.u32 $0x7F, v35;
	v32 =	vshll.u32 v34, $0x3;
	v33 =	vand.u32 $0xFFFFFC00, v33;
	[tilespmem:s1+$0xFFFF9360] =	vst v31;
	v31 =	vld.idx.msk [tilespmem:v36+s18+$0x0], $0xffff  }
0x593: {  	v32 =	vand.u32 $0xFFFFFC00, v32;
	v36 =	vshll.u32 v27, $0x3;
	v33 =	vor.u32 v35, v33;
	v30 =	vld.idx.msk [tilespmem:v30+s18+$0x0], $0xffff  }
0x594: {  	v35 =	vand.u32 $0x7F, v24;
	v24 =	vshll.u32 v24, $0x3;
	v36 =	vand.u32 $0xFFFFFC00, v36;
	v37 =	vld.idx.msk [tilespmem:v23+s18+$0x0], $0xffff  }
0x595: {  	v27 =	vand.u32 $0x7F, v27;
	v23 =	vand.u32 $0xFFFFFC00, v24;
	v24 =	vand.u32 $0x7F, v34;
	v34 =	vld.idx.msk [tilespmem:v16+s18+$0x0], $0xffff  }
0x596: {  	v38 =	vor.u32 $0x180, v22;
	v35 =	vor.u32 v35, v23;
	v32 =	vor.u32 v24, v32;
	v17 =	vld.idx.msk [tilespmem:v17+s18+$0x0], $0xffff  }
0x597: {  	v27 =	vor.u32 v27, v36;
	v39 =	vor.u32 $0x80, v35;
	v40 =	vor.u32 $0x80, v32;
	v36 =	vld.idx.msk [tilespmem:v1+s18+$0x0], $0xffff;
	v1 =	vmovc v15  }
0x598: {  	s16 =	sadd.s32 $0x140, s16;
	v42 =	vor.u32 $0x80, v27;
	v41 =	vor.u32 $0x100, v35;
	v31 =	vmul.f32 v31, v21;
	v43 =	vld.idx.msk [tilespmem:v33+s18+$0x0], $0xffff  }
0x599: {  	v45 =	vor.u32 $0x100, v27;
	v24 =	vor.u32 $0x180, v35;
	v44 =	vor.u32 $0x100, v32;
	v23 =	vld [tilespmem:s16+$0x50]  }
0x59a: {  	v28 =	vmul.f32 v28, v8;
	v16 =	vor.u32 $0x180, v27;
	v22 =	vor.u32 $0x180, v32;
	v15 =	vld [tilespmem:s16+$0xFFFFFF60];
	[tilespmem:s1+$0xFFFFDBE0] =	vst v31  }
0x59b: {  	v29 =	vmul.f32 v29, v10;
	v30 =	vmul.f32 v30, v11;
	v31 =	vld.idx.msk [tilespmem:v38+s18+$0x0], $0xffff  }
0x59c: {  	v38 =	vor.u32 $0x80, v33;
	v35 =	vld.idx.msk [tilespmem:v35+s18+$0x0], $0xffff;
	[tilespmem:s1+$0xFFFFB660] =	vst v28;
	v28 =	vmul.f32 v34, v3;
	v34 =	vmul.f32 v37, v13  }
0x59d: {  	v36 =	vmul.f32 v36, v0;
	v0 =	vmov v13;
	v32 =	vld.idx.msk [tilespmem:v32+s18+$0x0], $0xffff;
	[tilespmem:s1+$0xFFFFB6E0] =	vst v29;
	v29 =	vmul.f32 v17, v2  }
0x59e: {  	v27 =	vld.idx.msk [tilespmem:v27+s18+$0x0], $0xffff;
	v37 =	vmul.f32 v43, v23;
	[tilespmem:s1+$0xFFFFB760] =	vst v30  }
0x59f: {  	s1 =	sadd.s32 $0x200, s1;
	v17 =	vld [tilespmem:s16+$0xFFFFFFB0];
	[tilespmem:s31+$0xFFFF9380] =	vst v34  }
0x5a0: {  	v13 =	vld [tilespmem:s16+$0x0];
	[tilespmem:s1+$0xFFFF93C0] =	vst v37  }
0x5a1: {  	v21 =	vmul.f32 v31, v21;
	v30 =	vld.idx.msk [tilespmem:v38+s18+$0x0], $0xffff;
	[tilespmem:s31+$0xFFFFB680] =	vst v28  }
0x5a2: {  	v28 =	vmul.f32 v35, v15;
	v20 =	vld.idx.msk [tilespmem:v20+s18+$0x0], $0xffff;
	[tilespmem:s31+$0xFFFFB700] =	vst v29  }
0x5a3: {  	v26 =	vld.idx.msk [tilespmem:v26+s18+$0x0], $0xffff;
	[tilespmem:s5+$0xFFFFFFE0] =	vst v21  }
0x5a4: {  	[tilespmem:s1+$0xFFFF9240] =	vst v28;
	v21 =	vmul.f32 v32, v17;
	v28 =	vld [tilespmem:s0+$0x80]  }
0x5a5: {  	v31 =	vor.u32 $0x100, v33;
	v29 =	vld.idx.msk [tilespmem:v39+s18+$0x0], $0xffff;
	v27 =	vmul.f32 v27, v13;
	[tilespmem:s30+$0xFFFFFF80] =	vst v36;
	s30 =	smov.u32 s31;
	s31 =	smov.u32 s5;
	s5 =	smov.u32 s1  }
0x5a6: {  	[tilespmem:s1+$0xFFFF92C0] =	vst v21;
	v21 =	vld.idx.msk [tilespmem:v25+s18+$0x0], $0xffff  }
0x5a7: {  	v25 =	vld.idx.msk [tilespmem:v40+s18+$0x0], $0xffff;
	[tilespmem:s1+$0xFFFF9340] =	vst v27;
	v27 =	vmul.f32 v30, v23  }
0x5a8: {  	v20 =	vmul.f32 v20, v8;
	v30 =	vld.idx.msk [tilespmem:v42+s18+$0x0], $0xffff  }
0x5a9: {  	v26 =	vmul.f32 v26, v10;
	[tilespmem:s1+$0xFFFFB7C0] =	vst v27;
	v27 =	vshll.u32 v28, $0x3;
	v12 =	vld.idx.msk [tilespmem:v12+s18+$0x0], $0xffff  }
0x5aa: {  	v31 =	vld.idx.msk [tilespmem:v31+s18+$0x0], $0xffff;
	[tilespmem:s31+$0xFFFFDA60] =	vst v20;
	v20 =	vand.u32 $0x7F, v28;
	v27 =	vand.u32 $0xFFFFFC00, v27  }
0x5ab: {  	v28 =	vmul.f32 v29, v15;
	v14 =	vld.idx.msk [tilespmem:v14+s18+$0x0], $0xffff;
	[tilespmem:s31+$0xFFFFDAE0] =	vst v26;
	v26 =	vor.u32 v20, v27  }
0x5ac: {  	v20 =	vld.idx.msk [tilespmem:v18+s18+$0x0], $0xffff;
	v18 =	vmul.f32 v21, v11  }
0x5ad: {  	v21 =	vmul.f32 v25, v17;
	[tilespmem:s1+$0xFFFFB640] =	vst v28;
	v9 =	vld.idx.msk [tilespmem:v9+s18+$0x0], $0xffff  }
0x5ae: {  	v27 =	vmul.f32 v30, v13;
	v28 =	vor.u32 $0x180, v33;
	v25 =	vld.idx.msk [tilespmem:v41+s18+$0x0], $0xffff;
	[tilespmem:s31+$0xFFFFDB60] =	vst v18  }
0x5af: {  	v12 =	vmul.f32 v12, v0;
	[tilespmem:s1+$0xFFFFB6C0] =	vst v21;
	v19 =	vld.idx.msk [tilespmem:v19+s18+$0x0], $0xffff  }
0x5b0: {  	v21 =	vmul.f32 v31, v23;
	[tilespmem:s1+$0xFFFFB740] =	vst v27;
	v27 =	vld.idx.msk [tilespmem:v26+s18+$0x0], $0xffff  }
0x5b1: {  	v8 =	vmul.f32 v14, v8;
	v18 =	vld [tilespmem:s6+$0x80];
	[tilespmem:s30+$0xFFFFB780] =	vst v12  }
0x5b2: {  	v10 =	vmul.f32 v20, v10;
	v12 =	vld.idx.msk [tilespmem:v44+s18+$0x0], $0xffff;
	[tilespmem:s1+$0xFFFFDBC0] =	vst v21  }
0x5b3: {  	v14 =	vld.idx.msk [tilespmem:v28+s18+$0x0], $0xffff;
	[tilespmem:s31+$0xFFFFFE60] =	vst v8;
	v8 =	vmul.f32 v9, v3  }
0x5b4: {  	v9 =	vmul.f32 v25, v15;
	v20 =	vld.idx.msk [tilespmem:v45+s18+$0x0], $0xffff;
	[tilespmem:s31+$0xFFFFFEE0] =	vst v10;
	v10 =	vor.u32 $0x80, v26  }
0x5b5: {  	v11 =	vmul.f32 v19, v11;
	v21 =	vld [tilespmem:s0+$0xFFFFFF90];
	[tilespmem:s30+$0xFFFFDA80] =	vst v8  }
0x5b6: {  	[tilespmem:s1+$0xFFFFDA40] =	vst v9;
	v9 =	vld [tilespmem:s0+$0xFFFFFFE0];
	v8 =	vmul.f32 v27, v18  }
0x5b7: {  	v19 =	vld.idx.msk [tilespmem:v24+s18+$0x0], $0xffff;
	[tilespmem:s31+$0xFFFFFF60] =	vst v11  }
0x5b8: {  	v11 =	vmul.f32 v12, v17;
	v12 =	vld [tilespmem:s0+$0x30];
	[tilespmem:s31+$0xFFFF93F0] =	vst v8  }
0x5b9: {  	v14 =	vmul.f32 v14, v23;
	v23 =	vld.idx.msk [tilespmem:v10+s18+$0x0], $0xffff  }
0x5ba: {  	v10 =	vmul.f32 v20, v13;
	[tilespmem:s1+$0xFFFFDAC0] =	vst v11;
	v8 =	vld [tilespmem:s6+$0xFFFFFF90];
	v11 =	vand.u32 $0x7F, v21;
	v20 =	vshll.u32 v21, $0x3  }
0x5bb: {  	v21 =	vld.idx.msk [tilespmem:v22+s18+$0x0], $0xffff;
	[tilespmem:s1+$0xFFFFFFC0] =	vst v14;
	v14 =	vand.u32 $0xFFFFFC00, v20;
	v20 =	vand.u32 $0x7F, v9;
	v9 =	vshll.u32 v9, $0x3  }
0x5bc: {  	[tilespmem:s1+$0xFFFFDB40] =	vst v10;
	v22 =	vld [tilespmem:s11+$0x60];
	v14 =	vor.u32 v11, v14;
	v9 =	vand.u32 $0xFFFFFC00, v9  }
0x5bd: {  	v11 =	vmul.f32 v19, v15;
	v19 =	vor.u32 $0x100, v26;
	v15 =	vld.idx.msk [tilespmem:v16+s18+$0x0], $0xffff;
	v16 =	vshll.u32 v12, $0x3  }
0x5be: {  	v24 =	vor.u32 v20, v9;
	v12 =	vand.u32 $0x7F, v12;
	v10 =	vld [tilespmem:s6+$0xFFFFFFE0];
	v16 =	vand.u32 $0xFFFFFC00, v16  }
0x5bf: {  	v25 =	vor.u32 $0x80, v14;
	[tilespmem:s1+$0xFFFFFE40] =	vst v11;
	v9 =	vld [tilespmem:s6+$0x30];
	v27 =	vor.u32 v12, v16;
	v12 =	vmul.f32 v23, v18  }
0x5c0: {  	v28 =	vor.u32 $0x100, v14;
	v29 =	vor.u32 $0x80, v24;
	v23 =	vld [tilespmem:s11+$0xFFFFFF70];
	v30 =	vor.u32 $0x80, v27  }
0x5c1: {  	v16 =	vmul.f32 v21, v17;
	v21 =	vor.u32 $0x100, v24;
	v11 =	vld [tilespmem:s16+$0xFFFFFF70];
	v17 =	vshll.u32 v22, $0x3;
	[tilespmem:s31+$0xFFFFB7F0] =	vst v12  }
0x5c2: {  	v20 =	vor.u32 $0x100, v27;
	v12 =	vand.u32 $0x7F, v22;
	v17 =	vand.u32 $0xFFFFFC00, v17;
	v19 =	vld.idx.msk [tilespmem:v19+s18+$0x0], $0xffff  }
0x5c3: {  	v22 =	vmul.f32 v15, v13;
	[tilespmem:s1+$0xFFFFFEC0] =	vst v16;
	v31 =	vor.u32 v12, v17;
	v32 =	vld.idx.msk [tilespmem:v14+s18+$0x0], $0xffff;
	v16 =	vor.u32 $0x180, v14  }
0x5c4: {  	v15 =	vor.u32 $0x180, v24;
	v14 =	vor.u32 $0x180, v27;
	v17 =	vld [tilespmem:s11+$0xFFFFFFC0]  }
0x5c5: {  	v12 =	vand.u32 $0x7F, v23;
	v23 =	vshll.u32 v23, $0x3;
	v13 =	vld [tilespmem:s16+$0xFFFFFFC0];
	[tilespmem:s1+$0xFFFFFF40] =	vst v22  }
0x5c6: {  	v26 =	vor.u32 $0x180, v26;
	v22 =	vand.u32 $0xFFFFFC00, v23;
	v23 =	vld [tilespmem:s11+$0x10]  }
0x5c7: {  	v22 =	vor.u32 v12, v22;
	v12 =	vld [tilespmem:s16+$0x10]  }
0x5c8: {  	v36 =	vmul.f32 v19, v18;
	v33 =	vor.u32 $0x80, v22;
	v34 =	vor.u32 $0x100, v22;
	v35 =	vld.idx.msk [tilespmem:v31+s18+$0x0], $0xffff  }
0x5c9: {  	v19 =	vor.u32 $0x180, v22;
	v37 =	vand.u32 $0x7F, v17;
	v38 =	vshll.u32 v17, $0x3;
	v17 =	vld [tilespmem:s16+$0x60]  }
0x5ca: {  	v32 =	vmul.f32 v32, v8;
	v38 =	vand.u32 $0xFFFFFC00, v38;
	v24 =	vld.idx.msk [tilespmem:v24+s18+$0x0], $0xffff;
	[tilespmem:s31+$0xFFFFDBF0] =	vst v36  }
0x5cb: {  	v36 =	vor.u32 v37, v38;
	v37 =	vand.u32 $0x7F, v23;
	v23 =	vshll.u32 v23, $0x3;
	v26 =	vld.idx.msk [tilespmem:v26+s18+$0x0], $0xffff  }
0x5cc: {  	v39 =	vor.u32 $0x80, v31;
	v22 =	vld.idx.msk [tilespmem:v22+s18+$0x0], $0xffff;
	v38 =	vor.u32 $0x80, v36;
	v23 =	vand.u32 $0xFFFFFC00, v23;
	[tilespmem:s31+$0xFFFF9270] =	vst v32  }
0x5cd: {  	v32 =	vor.u32 $0x100, v36;
	v40 =	vor.u32 $0x180, v36;
	v23 =	vor.u32 v37, v23;
	v27 =	vld.idx.msk [tilespmem:v27+s18+$0x0], $0xffff  }
0x5ce: {  	v37 =	vor.u32 $0x80, v23;
	v41 =	vor.u32 $0x100, v23;
	v35 =	vmul.f32 v35, v17;
	v25 =	vld.idx.msk [tilespmem:v25+s18+$0x0], $0xffff  }
0x5cf: {  	v42 =	vor.u32 $0x180, v23;
	v7 =	vld.idx.msk [tilespmem:v7+s18+$0x0], $0xffff  }
0x5d0: {  	v24 =	vmul.f32 v24, v10;
	v36 =	vld.idx.msk [tilespmem:v36+s18+$0x0], $0xffff;
	[tilespmem:s1+$0xFFFF93D0] =	vst v35  }
0x5d1: {  	v18 =	vmul.f32 v26, v18;
	v35 =	vld.idx.msk [tilespmem:v39+s18+$0x0], $0xffff  }
0x5d2: {  	v22 =	vmul.f32 v22, v11;
	v23 =	vld.idx.msk [tilespmem:v23+s18+$0x0], $0xffff;
	[tilespmem:s31+$0xFFFF92F0] =	vst v24  }
0x5d3: {  	v26 =	vmul.f32 v27, v9;
	v24 =	vld.idx.msk [tilespmem:v29+s18+$0x0], $0xffff;
	[tilespmem:s31+$0xFFFFFFF0] =	vst v18  }
0x5d4: {  	v18 =	vmul.f32 v25, v8;
	[tilespmem:s1+$0xFFFF9250] =	vst v22;
	v22 =	vld [tilespmem:s0+$0x90]  }
0x5d5: {  	v27 =	vor.u32 $0x100, v31;
	v7 =	vmul.f32 v7, v2;
	v25 =	vld.idx.msk [tilespmem:v33+s18+$0x0], $0xffff;
	[tilespmem:s31+$0xFFFF9370] =	vst v26  }
0x5d6: {  	v26 =	vmul.f32 v36, v13;
	[tilespmem:s31+$0xFFFFB670] =	vst v18;
	v18 =	vld.idx.msk [tilespmem:v30+s18+$0x0], $0xffff  }
0x5d7: {  	v29 =	vmul.f32 v35, v17;
	v28 =	vld.idx.msk [tilespmem:v28+s18+$0x0], $0xffff;
	[tilespmem:s30+$0xFFFFDB00] =	vst v7  }
0x5d8: {  	v7 =	vmul.f32 v23, v12;
	[tilespmem:s1+$0xFFFF92D0] =	vst v26;
	v6 =	vld.idx.msk [tilespmem:v6+s18+$0x0], $0xffff  }
0x5d9: {  	v24 =	vmul.f32 v24, v10;
	v23 =	vld.idx.msk [tilespmem:v38+s18+$0x0], $0xffff;
	[tilespmem:s1+$0xFFFFB7D0] =	vst v29;
	v26 =	vshll.u32 v22, $0x3  }
0x5da: {  	v22 =	vand.u32 $0x7F, v22;
	[tilespmem:s1+$0xFFFF9350] =	vst v7;
	v7 =	vld.idx.msk [tilespmem:v27+s18+$0x0], $0xffff;
	v26 =	vand.u32 $0xFFFFFC00, v26  }
0x5db: {  	v25 =	vmul.f32 v25, v11;
	v27 =	vld.idx.msk [tilespmem:v37+s18+$0x0], $0xffff;
	[tilespmem:s31+$0xFFFFB6F0] =	vst v24;
	v24 =	vor.u32 v22, v26  }
0x5dc: {  	v18 =	vmul.f32 v18, v9;
	v21 =	vld.idx.msk [tilespmem:v21+s18+$0x0], $0xffff  }
0x5dd: {  	v22 =	vmul.f32 v28, v8;
	[tilespmem:s1+$0xFFFFB650] =	vst v25;
	v25 =	vld.idx.msk [tilespmem:v5+s18+$0x0], $0xffff  }
0x5de: {  	v28 =	vor.u32 $0x180, v31;
	v5 =	vmul.f32 v6, v0;
	v26 =	vld.idx.msk [tilespmem:v34+s18+$0x0], $0xffff;
	[tilespmem:s31+$0xFFFFB770] =	vst v18  }
0x5df: {  	v6 =	vmul.f32 v23, v13;
	[tilespmem:s31+$0xFFFFDA70] =	vst v22;
	v18 =	vld.idx.msk [tilespmem:v20+s18+$0x0], $0xffff  }
0x5e0: {  	v7 =	vmul.f32 v7, v17;
	v20 =	vld.idx.msk [tilespmem:v24+s18+$0x0], $0xffff;
	[tilespmem:s30+$0xFFFFDB80] =	vst v5  }
0x5e1: {  	[tilespmem:s1+$0xFFFFB6D0] =	vst v6;
	v6 =	vmul.f32 v27, v12;
	v5 =	vld [tilespmem:s6+$0x90]  }
0x5e2: {  	v22 =	vld.idx.msk [tilespmem:v32+s18+$0x0], $0xffff;
	[tilespmem:s1+$0xFFFFDBD0] =	vst v7;
	v7 =	vmul.f32 v21, v10  }
0x5e3: {  	v3 =	vmul.f32 v25, v3;
	[tilespmem:s1+$0xFFFFB750] =	vst v6;
	v6 =	vld.idx.msk [tilespmem:v28+s18+$0x0], $0xffff  }
0x5e4: {  	v21 =	vmul.f32 v26, v11;
	v23 =	vld.idx.msk [tilespmem:v41+s18+$0x0], $0xffff;
	[tilespmem:s31+$0xFFFFDAF0] =	vst v7;
	v7 =	vor.u32 $0x80, v24  }
0x5e5: {  	v18 =	vmul.f32 v18, v9;
	v16 =	vld.idx.msk [tilespmem:v16+s18+$0x0], $0xffff;
	[tilespmem:s30+$0xFFFFFE80] =	vst v3  }
0x5e6: {  	[tilespmem:s1+$0xFFFFDA50] =	vst v21;
	v3 =	vld.idx.msk [tilespmem:v15+s18+$0x0], $0xffff;
	v15 =	vmul.f32 v20, v5  }
0x5e7: {  	v19 =	vld.idx.msk [tilespmem:v19+s18+$0x0], $0xffff;
	[tilespmem:s31+$0xFFFFDB70] =	vst v18  }
0x5e8: {  	v18 =	vmul.f32 v22, v13;
	v14 =	vld.idx.msk [tilespmem:v14+s18+$0x0], $0xffff;
	[tilespmem:s31+$0xFFFF9400] =	vst v15  }
0x5e9: {  	v6 =	vmul.f32 v6, v17;
	v7 =	vld.idx.msk [tilespmem:v7+s18+$0x0], $0xffff  }
0x5ea: {  	v15 =	vmul.f32 v23, v12;
	[tilespmem:s1+$0xFFFFDAD0] =	vst v18;
	v4 =	vld.idx.msk [tilespmem:v4+s18+$0x0], $0xffff  }
0x5eb: {  	v17 =	vld.idx.msk [tilespmem:v40+s18+$0x0], $0xffff;
	[tilespmem:s1+$0xFFFFFFD0] =	vst v6;
	v6 =	vmul.f32 v16, v8  }
0x5ec: {  	v3 =	vmul.f32 v3, v10;
	[tilespmem:s1+$0xFFFFDB50] =	vst v15;
	v15 =	vld [tilespmem:s11+$0x70]  }
0x5ed: {  	v8 =	vmul.f32 v19, v11;
	v10 =	vld.idx.msk [tilespmem:v42+s18+$0x0], $0xffff;
	[tilespmem:s31+$0xFFFFFE70] =	vst v6;
	v6 =	vor.u32 $0x100, v24  }
0x5ee: {  	v11 =	vld [tilespmem:s0+$0xFFFFFFA0];
	[tilespmem:s31+$0xFFFFFEF0] =	vst v3;
	v3 =	vmul.f32 v14, v9  }
0x5ef: {  	v7 =	vmul.f32 v7, v5;
	[tilespmem:s1+$0xFFFFFE50] =	vst v8;
	v9 =	vld [tilespmem:s0+$0xFFFFFFF0]  }
0x5f0: {  	v2 =	vmul.f32 v4, v2;
	v14 =	vld [tilespmem:s11+$0xFFFFFF80];
	[tilespmem:s31+$0xFFFFFF70] =	vst v3  }
0x5f1: {  	v3 =	vmul.f32 v17, v13;
	v8 =	vld [tilespmem:s16+$0xFFFFFF80];
	v4 =	vshll.u32 v15, $0x3;
	[tilespmem:s31+$0xFFFFB800] =	vst v7  }
0x5f2: {  	v7 =	vand.u32 $0x7F, v15;
	v4 =	vand.u32 $0xFFFFFC00, v4;
	v6 =	vld.idx.msk [tilespmem:v6+s18+$0x0], $0xffff;
	[tilespmem:s30+$0xFFFFFF00] =	vst v2  }
0x5f3: {  	v2 =	vmul.f32 v10, v12;
	[tilespmem:s1+$0xFFFFFED0] =	vst v3;
	v22 =	vor.u32 v7, v4;
	v3 =	vshll.u32 v11, $0x3;
	v4 =	vld [tilespmem:s0+$0x40];
	s0 =	smov.u32 s11  }
0x5f4: {  	v12 =	vand.u32 $0x7F, v11;
	v7 =	vld [tilespmem:s11+$0xFFFFFFD0];
	v3 =	vand.u32 $0xFFFFFC00, v3;
	v11 =	vshll.u32 v9, $0x3  }
0x5f5: {  	v13 =	vand.u32 $0x7F, v14;
	v14 =	vshll.u32 v14, $0x3;
	v10 =	vld [tilespmem:s16+$0xFFFFFFD0];
	[tilespmem:s1+$0xFFFFFF50] =	vst v2;
	v2 =	vand.u32 $0xFFFFFC00, v11  }
0x5f6: {  	v16 =	vor.u32 $0x180, v24;
	v9 =	vand.u32 $0x7F, v9;
	v11 =	vand.u32 $0xFFFFFC00, v14;
	v15 =	vld [tilespmem:s11+$0x20]  }
0x5f7: {  	v27 =	vor.u32 v12, v3;
	v35 =	vor.u32 v9, v2;
	v13 =	vor.u32 v13, v11;
	v11 =	vld [tilespmem:s16+$0x20]  }
0x5f8: {  	v6 =	vmul.f32 v6, v5;
	v28 =	vor.u32 $0x80, v13;
	v20 =	vor.u32 $0x100, v13;
	v2 =	vld.idx.msk [tilespmem:v22+s18+$0x0], $0xffff  }
0x5f9: {  	v14 =	vor.u32 $0x180, v13;
	v9 =	vand.u32 $0x7F, v7;
	v3 =	vshll.u32 v7, $0x3;
	v21 =	vld [tilespmem:s16+$0x70]  }
0x5fa: {  	v12 =	vand.u32 $0x7F, v4;
	v4 =	vshll.u32 v4, $0x3;
	v7 =	vand.u32 $0xFFFFFC00, v3;
	v3 =	vld [tilespmem:s6+$0xFFFFFFA0];
	[tilespmem:s31+$0xFFFFDC00] =	vst v6  }
0x5fb: {  	v6 =	vor.u32 v9, v7;
	v7 =	vand.u32 $0x7F, v15;
	v9 =	vshll.u32 v15, $0x3;
	v15 =	vld.idx.msk [tilespmem:v16+s18+$0x0], $0xffff  }
0x5fc: {  	v32 =	vor.u32 $0x80, v22;
	v13 =	vld.idx.msk [tilespmem:v13+s18+$0x0], $0xffff;
	v29 =	vor.u32 $0x80, v6;
	v9 =	vand.u32 $0xFFFFFC00, v9  }
0x5fd: {  	v26 =	vor.u32 $0x100, v6;
	v18 =	vor.u32 $0x180, v6;
	v33 =	vor.u32 v7, v9;
	v36 =	vld.idx.msk [tilespmem:v27+s18+$0x0], $0xffff  }
0x5fe: {  	v30 =	vor.u32 $0x80, v33;
	v25 =	vor.u32 $0x100, v33;
	v7 =	vmul.f32 v2, v21;
	v24 =	vld.idx.msk [tilespmem:v35+s18+$0x0], $0xffff  }
.Ltmp4:
0x5ff: {  	v4 =	vand.u32 $0xFFFFFC00, v4;
	v16 =	vor.u32 $0x80, v27;
	v19 =	vor.u32 $0x180, v33;
	v2 =	vld [tilespmem:s6+$0xFFFFFFF0];
	(pc) =	sbr.rel @p1 .LBB2_7-.Ltmp4, $4  }
0x600: {  	v17 =	vor.u32 $0x80, v35;
	v23 =	vor.u32 v12, v4;
	v9 =	vor.u32 $0x100, v27;
	v31 =	vld.idx.msk [tilespmem:v6+s18+$0x0], $0xffff;
	[tilespmem:s1+$0xFFFF93E0] =	vst v7  }
0x601: {  	v12 =	vor.u32 $0x80, v23;
	v7 =	vor.u32 $0x100, v35;
	v37 =	vmul.f32 v15, v5;
	v32 =	vld.idx.msk [tilespmem:v32+s18+$0x0], $0xffff  }
0x602: {  	v5 =	vor.u32 $0x180, v27;
	v6 =	vor.u32 $0x100, v23;
	v34 =	vmul.f32 v13, v8;
	v33 =	vld.idx.msk [tilespmem:v33+s18+$0x0], $0xffff  }
0x603: {  	s11 =	sadd.s32 $0x140, s11;
	v4 =	vor.u32 $0x180, v35;
	v15 =	vor.u32 $0x180, v23;
	v27 =	vmul.f32 v36, v3;
	v13 =	vld [tilespmem:s6+$0x40];
	[tilespmem:s31+$0x0] =	vst v37;
	s6 =	smov.u32 s16  }
0x604: {  	_ = 	snop  }
0x605: {  	v35 =	vor.u32 $0x100, v22  }
0x606: {  	v31 =	vmul.f32 v31, v10  }
0x607: {  	[tilespmem:s1+$0xFFFF9260] =	vst v34;
	v32 =	vmul.f32 v32, v21  }
0x608: {  	v28 =	vld.idx.msk [tilespmem:v28+s18+$0x0], $0xffff;
	[tilespmem:s1+$0xFFFF92E0] =	vst v31;
	v58 =	vmul.f32 v33, v11  }
0x609: {  	v29 =	vld.idx.msk [tilespmem:v29+s18+$0x0], $0xffff;
	[tilespmem:s1+$0xFFFFB7E0] =	vst v32  }
0x60a: {  	[tilespmem:s1+$0xFFFF9360] =	vst v58;
	v59 =	vld.idx.msk [tilespmem:v35+s18+$0x0], $0xffff  }
0x60b: {  	v30 =	vld.idx.msk [tilespmem:v30+s18+$0x0], $0xffff;
	_ =	sdelay $0x1  }
0x60c: {  	v22 =	vor.u32 $0x180, v22;
	v28 =	vmul.f32 v28, v8  }
0x60d: {  	v29 =	vmul.f32 v29, v10  }
0x60e: {  	[tilespmem:s1+$0xFFFFB660] =	vst v28;
	v28 =	vmul.f32 v59, v21  }
0x60f: {  	v20 =	vld.idx.msk [tilespmem:v20+s18+$0x0], $0xffff;
	[tilespmem:s1+$0xFFFFB6E0] =	vst v29;
	v29 =	vmul.f32 v30, v11  }
0x610: {  	v26 =	vld.idx.msk [tilespmem:v26+s18+$0x0], $0xffff;
	[tilespmem:s1+$0xFFFFDBE0] =	vst v28  }
0x611: {  	v22 =	vld.idx.msk [tilespmem:v22+s18+$0x0], $0xffff;
	[tilespmem:s1+$0xFFFFB760] =	vst v29  }
0x612: {  	v25 =	vld.idx.msk [tilespmem:v25+s18+$0x0], $0xffff;
	_ =	sdelay $0x1  }
0x613: {  	v20 =	vmul.f32 v20, v8  }
0x614: {  	v26 =	vmul.f32 v26, v10  }
0x615: {  	[tilespmem:s5+$0xFFFFDA60] =	vst v20;
	v20 =	vmul.f32 v22, v21  }
0x616: {  	v14 =	vld.idx.msk [tilespmem:v14+s18+$0x0], $0xffff;
	[tilespmem:s5+$0xFFFFDAE0] =	vst v26;
	v21 =	vmul.f32 v25, v11  }
0x617: {  	v18 =	vld.idx.msk [tilespmem:v18+s18+$0x0], $0xffff;
	[tilespmem:s5+$0xFFFFFFE0] =	vst v20  }
0x618: {  	v20 =	vld [tilespmem:s0+$0x80];
	[tilespmem:s5+$0xFFFFDB60] =	vst v21  }
0x619: {  	v19 =	vld.idx.msk [tilespmem:v19+s18+$0x0], $0xffff;
	_ =	sdelay $0x1  }
0x61a: {  	v8 =	vmul.f32 v14, v8  }
0x61b: {  	v10 =	vmul.f32 v18, v10  }
0x61c: {  	[tilespmem:s5+$0xFFFFFE60] =	vst v8  }
0x61d: {  	v8 =	vld [tilespmem:s0+$0xFFFFFF90];
	[tilespmem:s5+$0xFFFFFEE0] =	vst v10;
	v10 =	vshll.u32 v20, $0x3;
	v11 =	vmul.f32 v19, v11  }
0x61e: {  	v18 =	vand.u32 $0x7F, v20;
	v14 =	vld [tilespmem:s0+$0xFFFFFFE0];
	v10 =	vand.u32 $0xFFFFFC00, v10  }
0x61f: {  	v10 =	vor.u32 v18, v10;
	[tilespmem:s5+$0xFFFFFF60] =	vst v11  }
0x620: {  	v11 =	vld [tilespmem:s0+$0x30];
	_ =	sdelay $0x1  }
0x621: {  	v18 =	vshll.u32 v8, $0x3  }
0x622: {  	v8 =	vand.u32 $0x7F, v8;
	v18 =	vand.u32 $0xFFFFFC00, v18;
	v19 =	vshll.u32 v14, $0x3  }
0x623: {  	v8 =	vor.u32 v8, v18;
	v14 =	vand.u32 $0x7F, v14;
	v18 =	vand.u32 $0xFFFFFC00, v19;
	v19 =	vld.idx.msk [tilespmem:v10+s18+$0x0], $0xffff  }
0x624: {  	v14 =	vor.u32 v14, v18;
	v18 =	vld [tilespmem:s6+$0x80];
	v20 =	vshll.u32 v11, $0x3  }
0x625: {  	v11 =	vand.u32 $0x7F, v11;
	v20 =	vand.u32 $0xFFFFFC00, v20  }
0x626: {  	v21 =	vld [tilespmem:s6+$0xFFFFFF90];
	v11 =	vor.u32 v11, v20  }
0x627: {  	v22 =	vld [tilespmem:s6+$0xFFFFFFE0];
	v20 =	vor.u32 $0x80, v10  }
0x628: {  	v25 =	vld.idx.msk [tilespmem:v8+s18+$0x0], $0xffff  }
0x629: {  	v26 =	vld.idx.msk [tilespmem:v14+s18+$0x0], $0xffff;
	v19 =	vmul.f32 v19, v18  }
0x62a: {  	v29 =	vld [tilespmem:s6+$0x30]  }
0x62b: {  	v28 =	vor.u32 $0x80, v8;
	[tilespmem:s5+$0xFFFF93F0] =	vst v19;
	v60 =	vld.idx.msk [tilespmem:v11+s18+$0x0], $0xffff  }
0x62c: {  	v19 =	vor.u32 $0x80, v14;
	v20 =	vld.idx.msk [tilespmem:v20+s18+$0x0], $0xffff  }
0x62d: {  	v25 =	vmul.f32 v25, v21  }
0x62e: {  	v61 =	vor.u32 $0x80, v11;
	v26 =	vmul.f32 v26, v22  }
0x62f: {  	[tilespmem:s5+$0xFFFF9270] =	vst v25;
	v25 =	vor.u32 $0x100, v10  }
0x630: {  	v28 =	vld.idx.msk [tilespmem:v28+s18+$0x0], $0xffff;
	[tilespmem:s5+$0xFFFF92F0] =	vst v26;
	v26 =	vmul.f32 v60, v29  }
0x631: {  	v19 =	vld.idx.msk [tilespmem:v19+s18+$0x0], $0xffff;
	v20 =	vmul.f32 v20, v18  }
0x632: {  	[tilespmem:s5+$0xFFFF9370] =	vst v26  }
0x633: {  	v62 =	vor.u32 $0x100, v8;
	[tilespmem:s5+$0xFFFFB7F0] =	vst v20;
	v20 =	vld.idx.msk [tilespmem:v61+s18+$0x0], $0xffff  }
0x634: {  	v26 =	vor.u32 $0x100, v14;
	v25 =	vld.idx.msk [tilespmem:v25+s18+$0x0], $0xffff  }
0x635: {  	v28 =	vmul.f32 v28, v21  }
0x636: {  	v63 =	vor.u32 $0x100, v11;
	v19 =	vmul.f32 v19, v22  }
0x637: {  	v10 =	vor.u32 $0x180, v10;
	[tilespmem:s5+$0xFFFFB670] =	vst v28  }
0x638: {  	v28 =	vld.idx.msk [tilespmem:v62+s18+$0x0], $0xffff;
	[tilespmem:s5+$0xFFFFB6F0] =	vst v19;
	v20 =	vmul.f32 v20, v29  }
0x639: {  	v19 =	vld.idx.msk [tilespmem:v26+s18+$0x0], $0xffff;
	v25 =	vmul.f32 v25, v18  }
0x63a: {  	[tilespmem:s5+$0xFFFFB770] =	vst v20  }
0x63b: {  	v8 =	vor.u32 $0x180, v8;
	[tilespmem:s5+$0xFFFFDBF0] =	vst v25;
	v20 =	vld.idx.msk [tilespmem:v63+s18+$0x0], $0xffff  }
0x63c: {  	v10 =	vld.idx.msk [tilespmem:v10+s18+$0x0], $0xffff  }
0x63d: {  	v14 =	vor.u32 $0x180, v14;
	v25 =	vmul.f32 v28, v21  }
0x63e: {  	v11 =	vor.u32 $0x180, v11;
	v19 =	vmul.f32 v19, v22  }
0x63f: {  	[tilespmem:s5+$0xFFFFDA70] =	vst v25  }
0x640: {  	v8 =	vld.idx.msk [tilespmem:v8+s18+$0x0], $0xffff;
	[tilespmem:s5+$0xFFFFDAF0] =	vst v19;
	v19 =	vmul.f32 v20, v29  }
0x641: {  	v10 =	vmul.f32 v10, v18  }
0x642: {  	v14 =	vld.idx.msk [tilespmem:v14+s18+$0x0], $0xffff;
	[tilespmem:s5+$0xFFFFDB70] =	vst v19  }
0x643: {  	[tilespmem:s5+$0xFFFFFFF0] =	vst v10;
	v10 =	vld.idx.msk [tilespmem:v11+s18+$0x0], $0xffff  }
0x644: {  	v11 =	vld [tilespmem:s0+$0x90]  }
0x645: {  	v8 =	vmul.f32 v8, v21;
	_ =	sdelay $0x1  }
0x646: {  	[tilespmem:s5+$0xFFFFFE70] =	vst v8;
	v14 =	vmul.f32 v14, v22  }
0x647: {  	v8 =	vld [tilespmem:s0+$0xFFFFFFA0];
	v10 =	vmul.f32 v10, v29  }
0x648: {  	[tilespmem:s5+$0xFFFFFEF0] =	vst v14;
	v18 =	vshll.u32 v11, $0x3  }
0x649: {  	v14 =	vld [tilespmem:s0+$0xFFFFFFF0];
	v11 =	vand.u32 $0x7F, v11;
	v18 =	vand.u32 $0xFFFFFC00, v18;
	[tilespmem:s5+$0xFFFFFF70] =	vst v10  }
0x64a: {  	v10 =	vor.u32 v11, v18;
	v11 =	vld [tilespmem:s0+$0x40];
	_ =	sdelay $0x1  }
0x64b: {  	v18 =	vshll.u32 v8, $0x3  }
0x64c: {  	v8 =	vand.u32 $0x7F, v8;
	v18 =	vand.u32 $0xFFFFFC00, v18  }
0x64d: {  	v21 =	vld [tilespmem:s6+$0x90];
	v8 =	vor.u32 v8, v18;
	v19 =	vshll.u32 v14, $0x3  }
0x64e: {  	v22 =	vld [tilespmem:s6+$0xFFFFFFA0];
	v14 =	vand.u32 $0x7F, v14;
	v19 =	vand.u32 $0xFFFFFC00, v19;
	v20 =	vshll.u32 v11, $0x3  }
0x64f: {  	v25 =	vld [tilespmem:s6+$0xFFFFFFF0];
	v14 =	vor.u32 v14, v19;
	v11 =	vand.u32 $0x7F, v11;
	v20 =	vand.u32 $0xFFFFFC00, v20  }
0x650: {  	v18 =	vld.idx.msk [tilespmem:v23+s18+$0x0], $0xffff;
	v11 =	vor.u32 v11, v20  }
0x651: {  	v19 =	vld.idx.msk [tilespmem:v10+s18+$0x0], $0xffff  }
0x652: {  	v28 =	vld [tilespmem:s6+$0x40]  }
0x653: {  	v20 =	vld.idx.msk [tilespmem:v8+s18+$0x0], $0xffff  }
0x654: {  	v24 =	vmul.f32 v24, v2;
	v26 =	vor.u32 $0x80, v10;
	v23 =	vld.idx.msk [tilespmem:v14+s18+$0x0], $0xffff  }
0x655: {  	[tilespmem:s31+$0xFFFF9280] =	vst v27;
	v18 =	vmul.f32 v18, v13;
	v29 =	vld.idx.msk [tilespmem:v11+s18+$0x0], $0xffff  }
0x656: {  	[tilespmem:s31+$0xFFFF9300] =	vst v24;
	v16 =	vld.idx.msk [tilespmem:v16+s18+$0x0], $0xffff;
	v27 =	vor.u32 $0x80, v8;
	v19 =	vmul.f32 v19, v21  }
0x657: {  	v17 =	vld.idx.msk [tilespmem:v17+s18+$0x0], $0xffff;
	v24 =	vor.u32 $0x80, v14;
	[tilespmem:s31+$0xFFFF9380] =	vst v18  }
0x658: {  	v12 =	vld.idx.msk [tilespmem:v12+s18+$0x0], $0xffff;
	[tilespmem:s5+$0xFFFF9400] =	vst v19;
	v19 =	vor.u32 $0x80, v11;
	v20 =	vmul.f32 v20, v22  }
0x659: {  	v18 =	vld.idx.msk [tilespmem:v26+s18+$0x0], $0xffff;
	v23 =	vmul.f32 v23, v25  }
0x65a: {  	[tilespmem:s5+$0xFFFF9280] =	vst v20;
	v20 =	vmul.f32 v29, v28  }
0x65b: {  	v16 =	vmul.f32 v16, v3;
	[tilespmem:s5+$0xFFFF9300] =	vst v23;
	v23 =	vld.idx.msk [tilespmem:v27+s18+$0x0], $0xffff  }
0x65c: {  	v17 =	vmul.f32 v17, v2;
	v26 =	vor.u32 $0x100, v10;
	v24 =	vld.idx.msk [tilespmem:v24+s18+$0x0], $0xffff;
	[tilespmem:s5+$0xFFFF9380] =	vst v20  }
0x65d: {  	[tilespmem:s31+$0xFFFFB680] =	vst v16;
	v12 =	vmul.f32 v12, v13;
	v19 =	vld.idx.msk [tilespmem:v19+s18+$0x0], $0xffff  }
0x65e: {  	[tilespmem:s31+$0xFFFFB700] =	vst v17;
	v9 =	vld.idx.msk [tilespmem:v9+s18+$0x0], $0xffff;
	v16 =	vmul.f32 v18, v21;
	v18 =	vor.u32 $0x100, v8  }
0x65f: {  	v7 =	vld.idx.msk [tilespmem:v7+s18+$0x0], $0xffff;
	v17 =	vor.u32 $0x100, v14;
	[tilespmem:s31+$0xFFFFB780] =	vst v12  }
0x660: {  	v6 =	vld.idx.msk [tilespmem:v6+s18+$0x0], $0xffff;
	[tilespmem:s5+$0xFFFFB800] =	vst v16;
	v16 =	vor.u32 $0x100, v11;
	v20 =	vmul.f32 v23, v22  }
0x661: {  	v12 =	vld.idx.msk [tilespmem:v26+s18+$0x0], $0xffff;
	v23 =	vmul.f32 v24, v25  }
0x662: {  	v1 =	vld.idx.msk [tilespmem:v1+s18+$0x0], $0xffff;
	[tilespmem:s5+$0xFFFFB680] =	vst v20;
	v19 =	vmul.f32 v19, v28  }
0x663: {  	v9 =	vmul.f32 v9, v3;
	[tilespmem:s5+$0xFFFFB700] =	vst v23;
	v18 =	vld.idx.msk [tilespmem:v18+s18+$0x0], $0xffff  }
0x664: {  	v7 =	vmul.f32 v7, v2;
	v10 =	vor.u32 $0x180, v10;
	v17 =	vld.idx.msk [tilespmem:v17+s18+$0x0], $0xffff;
	[tilespmem:s5+$0xFFFFB780] =	vst v19  }
0x665: {  	[tilespmem:s31+$0xFFFFDA80] =	vst v9;
	v6 =	vmul.f32 v6, v13;
	v16 =	vld.idx.msk [tilespmem:v16+s18+$0x0], $0xffff  }
0x666: {  	[tilespmem:s31+$0xFFFFDB00] =	vst v7;
	v5 =	vld.idx.msk [tilespmem:v5+s18+$0x0], $0xffff;
	v8 =	vor.u32 $0x180, v8;
	v9 =	vmul.f32 v12, v21  }
0x667: {  	v0 =	vmul.f32 v1, v0;
	v4 =	vld.idx.msk [tilespmem:v4+s18+$0x0], $0xffff;
	v7 =	vor.u32 $0x180, v14;
	[tilespmem:s31+$0xFFFFDB80] =	vst v6  }
0x668: {  	v12 =	vld.idx.msk [tilespmem:v15+s18+$0x0], $0xffff;
	[tilespmem:s5+$0xFFFFDC00] =	vst v9;
	v9 =	vor.u32 $0x180, v11;
	v11 =	vmul.f32 v18, v22  }
0x669: {  	[tilespmem:s30+$0xFFFFFF80] =	vst v0;
	v6 =	vld.idx.msk [tilespmem:v10+s18+$0x0], $0xffff;
	v10 =	vmul.f32 v17, v25  }
0x66a: {  	[tilespmem:s5+$0xFFFFDA80] =	vst v11;
	v11 =	vmul.f32 v16, v28  }
0x66b: {  	[tilespmem:s5+$0xFFFFDB00] =	vst v10;
	v1 =	vld.idx.msk [tilespmem:v8+s18+$0x0], $0xffff  }
0x66c: {  	v3 =	vmul.f32 v5, v3;
	v0 =	vmul.f32 v4, v2;
	v5 =	vld.idx.msk [tilespmem:v7+s18+$0x0], $0xffff;
	[tilespmem:s5+$0xFFFFDB80] =	vst v11  }
0x66d: {  	v2 =	vld.idx.msk [tilespmem:v9+s18+$0x0], $0xffff  }
0x66e: {  	[tilespmem:s31+$0xFFFFFF00] =	vst v0;
	v0 =	vmul.f32 v12, v13  }
0x66f: {  	[tilespmem:s31+$0xFFFFFE80] =	vst v3;
	v3 =	vmul.f32 v6, v21  }
0x670: {  	[tilespmem:s31+$0xFFFFFF80] =	vst v0;
	v1 =	vmul.f32 v1, v22  }
0x671: {  	s29 =	sor.u32 $0x8, s29;
	[tilespmem:s5+$0x0] =	vst v3;
	v0 =	vmul.f32 v5, v25  }
0x672: {  	s16 =	smul.u32 $0x480, s29;
	[tilespmem:s5+$0xFFFFFE80] =	vst v1;
	v1 =	vmul.f32 v2, v28  }
0x673: {  	[tilespmem:s5+$0xFFFFFF00] =	vst v0  }
0x674: {  	s0 =	sadd.s32 s7, s16;
	[tilespmem:s5+$0xFFFFFF80] =	vst v1  }
0x675: {  	[hbm4b:s0+s3] =	stream.linear.scatter [tilespmem:s19], [sflag:$0x3], $0x9000, $0x38;
	[tilespmem:$0x1DB00] =	vst v63  }
0x676: {  	_ =	swait.ge [sflag:s23], $0x9000  }
0x677: {  	[sflag:s23] =	ssyncset.done $0x0  }
0x678: {  	s1 =	simm.s32 $0xA0;
	[sflag:s23] =	ssyncadd.s32 $0xFFFF7000  }
0x679: {  	v0 =	vld [tilespmem:s1+$0x50];
	_ =	sdelay $0x4  }
0x67a: {  	v1 =	vshll.u32 v0, $0x3  }
0x67b: {  	v0 =	vand.u32 $0x7F, v0;
	v1 =	vand.u32 $0xFFFFFC00, v1  }
0x67c: {  	v0 =	vor.u32 v0, v1  }
0x67d: {  	v1 =	vor.u32 $0x200, v0;
	_ =	sdelay $0x2  }
0x67e: {  	s31 =	simm.s32 $0x1620  }
0x67f: {  	v2 =	vld [tilespmem:s31+$0x50]  }
0x680: {  	v1 =	vld.idx.msk [tilespmem:v1+s18+$0x0], $0xffff;
	_ =	sdelay $0x1  }
0x681: {  	v3 =	vld [tilespmem:s1+$0xFFFFFF60]  }
0x682: {  	v6 =	vld [tilespmem:s1+$0x0];
	v5 =	vor.u32 $0x280, v0  }
0x683: {  	v4 =	vld [tilespmem:s1+$0xFFFFFFB0]  }
0x684: {  	v1 =	vmul.f32 v1, v2  }
0x685: {  	s30 =	simm.s32 $0x1B8C0  }
0x686: {  	v7 =	vshll.u32 v3, $0x3;
	[tilespmem:s30+$0xFFFF93C0] =	vst v1  }
0x687: {  	v3 =	vand.u32 $0x7F, v3;
	v8 =	vshll.u32 v6, $0x3;
	v7 =	vand.u32 $0xFFFFFC00, v7;
	v5 =	vld.idx.msk [tilespmem:v5+s18+$0x0], $0xffff  }
0x688: {  	v3 =	vor.u32 v3, v7;
	v7 =	vand.u32 $0xFFFFFC00, v8;
	v1 =	vshll.u32 v4, $0x3  }
0x689: {  	v8 =	vor.u32 $0x200, v3;
	v4 =	vand.u32 $0x7F, v4;
	v1 =	vand.u32 $0xFFFFFC00, v1  }
0x68a: {  	v6 =	vand.u32 $0x7F, v6;
	v1 =	vor.u32 v4, v1;
	v4 =	vor.u32 $0x300, v0  }
0x68b: {  	v6 =	vor.u32 v6, v7;
	v7 =	vor.u32 $0x200, v1  }
0x68c: {  	v10 =	vld [tilespmem:s31+$0xFFFFFF60];
	v5 =	vmul.f32 v5, v2  }
0x68d: {  	v11 =	vld [tilespmem:s31+$0xFFFFFFB0];
	v9 =	vor.u32 $0x200, v6  }
0x68e: {  	v8 =	vld.idx.msk [tilespmem:v8+s18+$0x0], $0xffff;
	[tilespmem:s30+$0xFFFFB7C0] =	vst v5  }
0x68f: {  	v4 =	vld.idx.msk [tilespmem:v4+s18+$0x0], $0xffff  }
0x690: {  	v5 =	vld.idx.msk [tilespmem:v7+s18+$0x0], $0xffff  }
0x691: {  	v12 =	vld [tilespmem:s31+$0x0];
	v7 =	vor.u32 $0x280, v3  }
0x692: {  	v9 =	vld.idx.msk [tilespmem:v9+s18+$0x0], $0xffff;
	v0 =	vor.u32 $0x380, v0  }
0x693: {  	v8 =	vmul.f32 v8, v10;
	v13 =	vor.u32 $0x280, v1  }
0x694: {  	v4 =	vmul.f32 v4, v2  }
0x695: {  	v14 =	vor.u32 $0x280, v6;
	[tilespmem:s30+$0xFFFF9240] =	vst v8;
	v5 =	vmul.f32 v5, v11  }
0x696: {  	v7 =	vld.idx.msk [tilespmem:v7+s18+$0x0], $0xffff;
	[tilespmem:s30+$0xFFFFDBC0] =	vst v4  }
0x697: {  	[tilespmem:s30+$0xFFFF92C0] =	vst v5;
	v4 =	vmul.f32 v9, v12;
	v0 =	vld.idx.msk [tilespmem:v0+s18+$0x0], $0xffff  }
0x698: {  	v5 =	vld.idx.msk [tilespmem:v13+s18+$0x0], $0xffff  }
0x699: {  	v8 =	vor.u32 $0x300, v3;
	[tilespmem:s30+$0xFFFF9340] =	vst v4  }
0x69a: {  	v4 =	vld.idx.msk [tilespmem:v14+s18+$0x0], $0xffff  }
0x69b: {  	v9 =	vor.u32 $0x300, v1;
	v7 =	vmul.f32 v7, v10  }
0x69c: {  	v0 =	vmul.f32 v0, v2  }
0x69d: {  	[tilespmem:s30+$0xFFFFB640] =	vst v7;
	v5 =	vmul.f32 v5, v11;
	v2 =	vor.u32 $0x300, v6  }
0x69e: {  	v7 =	vld.idx.msk [tilespmem:v8+s18+$0x0], $0xffff;
	[tilespmem:s30+$0xFFFFFFC0] =	vst v0  }
0x69f: {  	[tilespmem:s30+$0xFFFFB6C0] =	vst v5;
	v0 =	vmul.f32 v4, v12;
	v4 =	vld [tilespmem:s1+$0x60]  }
0x6a0: {  	v5 =	vld.idx.msk [tilespmem:v9+s18+$0x0], $0xffff  }
0x6a1: {  	[tilespmem:s30+$0xFFFFB740] =	vst v0  }
0x6a2: {  	v0 =	vor.u32 $0x380, v3;
	v2 =	vld.idx.msk [tilespmem:v2+s18+$0x0], $0xffff  }
0x6a3: {  	v1 =	vor.u32 $0x380, v1  }
0x6a4: {  	v3 =	vor.u32 $0x380, v6;
	v6 =	vmul.f32 v7, v10;
	v7 =	vshll.u32 v4, $0x3  }
0x6a5: {  	v5 =	vmul.f32 v5, v11;
	v4 =	vand.u32 $0x7F, v4;
	v7 =	vand.u32 $0xFFFFFC00, v7  }
0x6a6: {  	[tilespmem:s30+$0xFFFFDA40] =	vst v6;
	v4 =	vor.u32 v4, v7  }
0x6a7: {  	v0 =	vld.idx.msk [tilespmem:v0+s18+$0x0], $0xffff;
	[tilespmem:s30+$0xFFFFDAC0] =	vst v5;
	v2 =	vmul.f32 v2, v12;
	v5 =	vor.u32 $0x200, v4  }
0x6a8: {  	v1 =	vld.idx.msk [tilespmem:v1+s18+$0x0], $0xffff  }
0x6a9: {  	[tilespmem:s30+$0xFFFFDB40] =	vst v2  }
0x6aa: {  	v2 =	vld.idx.msk [tilespmem:v3+s18+$0x0], $0xffff;
	_ =	sdelay $0x1  }
0x6ab: {  	v0 =	vmul.f32 v0, v10;
	v3 =	vld.idx.msk [tilespmem:v5+s18+$0x0], $0xffff  }
0x6ac: {  	v1 =	vmul.f32 v1, v11;
	v5 =	vld [tilespmem:s31+$0x60]  }
0x6ad: {  	[tilespmem:s30+$0xFFFFFE40] =	vst v0  }
0x6ae: {  	v0 =	vld [tilespmem:s1+$0xFFFFFF70];
	[tilespmem:s30+$0xFFFFFEC0] =	vst v1;
	v1 =	vmul.f32 v2, v12  }
0x6af: {  	v6 =	vor.u32 $0x280, v4;
	v2 =	vld [tilespmem:s1+$0xFFFFFFC0]  }
0x6b0: {  	[tilespmem:s30+$0xFFFFFF40] =	vst v1  }
0x6b1: {  	v1 =	vld [tilespmem:s1+$0x10];
	v3 =	vmul.f32 v3, v5;
	_ =	sdelay $0x1  }
0x6b2: {  	v7 =	vshll.u32 v0, $0x3;
	[tilespmem:s30+$0xFFFF93D0] =	vst v3  }
0x6b3: {  	v0 =	vand.u32 $0x7F, v0;
	v3 =	vand.u32 $0xFFFFFC00, v7;
	v7 =	vshll.u32 v2, $0x3;
	v6 =	vld.idx.msk [tilespmem:v6+s18+$0x0], $0xffff  }
0x6b4: {  	v2 =	vand.u32 $0x7F, v2;
	v0 =	vor.u32 v0, v3;
	v3 =	vand.u32 $0xFFFFFC00, v7  }
0x6b5: {  	v2 =	vor.u32 v2, v3;
	v7 =	vor.u32 $0x200, v0;
	v3 =	vshll.u32 v1, $0x3  }
0x6b6: {  	v8 =	vor.u32 $0x300, v4;
	v1 =	vand.u32 $0x7F, v1;
	v3 =	vand.u32 $0xFFFFFC00, v3  }
0x6b7: {  	v9 =	vld [tilespmem:s31+$0xFFFFFF70];
	v10 =	vor.u32 $0x200, v2;
	v1 =	vor.u32 v1, v3  }
0x6b8: {  	v12 =	vld [tilespmem:s31+$0x10];
	v11 =	vor.u32 $0x200, v1;
	v6 =	vmul.f32 v6, v5  }
0x6b9: {  	v3 =	vld [tilespmem:s31+$0xFFFFFFC0]  }
0x6ba: {  	v7 =	vld.idx.msk [tilespmem:v7+s18+$0x0], $0xffff;
	[tilespmem:s30+$0xFFFFB7D0] =	vst v6  }
0x6bb: {  	v6 =	vld.idx.msk [tilespmem:v8+s18+$0x0], $0xffff  }
0x6bc: {  	v8 =	vld.idx.msk [tilespmem:v10+s18+$0x0], $0xffff  }
0x6bd: {  	v10 =	vor.u32 $0x280, v0;
	v11 =	vld.idx.msk [tilespmem:v11+s18+$0x0], $0xffff  }
0x6be: {  	v4 =	vor.u32 $0x380, v4  }
0x6bf: {  	v13 =	vor.u32 $0x280, v2;
	v7 =	vmul.f32 v7, v9  }
0x6c0: {  	v14 =	vor.u32 $0x280, v1;
	v6 =	vmul.f32 v6, v5  }
0x6c1: {  	[tilespmem:s30+$0xFFFF9250] =	vst v7;
	v7 =	vmul.f32 v8, v3  }
0x6c2: {  	v8 =	vld.idx.msk [tilespmem:v10+s18+$0x0], $0xffff;
	v10 =	vmul.f32 v11, v12;
	[tilespmem:s30+$0xFFFFDBD0] =	vst v6  }
0x6c3: {  	[tilespmem:s30+$0xFFFF92D0] =	vst v7;
	v4 =	vld.idx.msk [tilespmem:v4+s18+$0x0], $0xffff  }
0x6c4: {  	v6 =	vld.idx.msk [tilespmem:v13+s18+$0x0], $0xffff;
	[tilespmem:s30+$0xFFFF9350] =	vst v10  }
0x6c5: {  	v7 =	vor.u32 $0x300, v0;
	v10 =	vld.idx.msk [tilespmem:v14+s18+$0x0], $0xffff;
	_ =	sdelay $0x1  }
0x6c6: {  	v11 =	vor.u32 $0x300, v2;
	v8 =	vmul.f32 v8, v9  }
0x6c7: {  	v13 =	vor.u32 $0x300, v1;
	v4 =	vmul.f32 v4, v5  }
0x6c8: {  	[tilespmem:s30+$0xFFFFB650] =	vst v8;
	v5 =	vmul.f32 v6, v3  }
0x6c9: {  	v6 =	vld.idx.msk [tilespmem:v7+s18+$0x0], $0xffff;
	v7 =	vmul.f32 v10, v12;
	[tilespmem:s30+$0xFFFFFFD0] =	vst v4  }
0x6ca: {  	[tilespmem:s30+$0xFFFFB6D0] =	vst v5;
	v4 =	vld [tilespmem:s1+$0x70]  }
0x6cb: {  	v5 =	vld.idx.msk [tilespmem:v11+s18+$0x0], $0xffff;
	[tilespmem:s30+$0xFFFFB750] =	vst v7  }
0x6cc: {  	v0 =	vor.u32 $0x380, v0;
	v7 =	vld.idx.msk [tilespmem:v13+s18+$0x0], $0xffff;
	_ =	sdelay $0x1  }
0x6cd: {  	v2 =	vor.u32 $0x380, v2;
	v6 =	vmul.f32 v6, v9  }
0x6ce: {  	v1 =	vor.u32 $0x380, v1;
	v8 =	vshll.u32 v4, $0x3  }
0x6cf: {  	[tilespmem:s30+$0xFFFFDA50] =	vst v6;
	v5 =	vmul.f32 v5, v3;
	v4 =	vand.u32 $0x7F, v4;
	v6 =	vand.u32 $0xFFFFFC00, v8  }
0x6d0: {  	v0 =	vld.idx.msk [tilespmem:v0+s18+$0x0], $0xffff;
	v7 =	vmul.f32 v7, v12;
	v4 =	vor.u32 v4, v6  }
0x6d1: {  	[tilespmem:s30+$0xFFFFDAD0] =	vst v5;
	v5 =	vor.u32 $0x200, v4  }
0x6d2: {  	v2 =	vld.idx.msk [tilespmem:v2+s18+$0x0], $0xffff;
	[tilespmem:s30+$0xFFFFDB50] =	vst v7  }
0x6d3: {  	s0 =	simm.s32 $0x1E0;
	v1 =	vld.idx.msk [tilespmem:v1+s18+$0x0], $0xffff  }
0x6d4: {  	v15 =	vld [tilespmem:s0+$0x0]  }
0x6d5: {  	v10 =	vld [tilespmem:s0+$0xFFFFFF60];
	v0 =	vmul.f32 v0, v9  }
0x6d6: {  	v5 =	vld.idx.msk [tilespmem:v5+s18+$0x0], $0xffff  }
0x6d7: {  	[tilespmem:s30+$0xFFFFFE50] =	vst v0;
	v0 =	vmul.f32 v2, v3;
	v3 =	vld [tilespmem:s31+$0x70]  }
0x6d8: {  	v1 =	vmul.f32 v1, v12  }
0x6d9: {  	v8 =	vld [tilespmem:s0+$0x50]  }
0x6da: {  	[tilespmem:s30+$0xFFFFFF50] =	vst v1;
	v1 =	vor.u32 $0x280, v4  }
0x6db: {  	v2 =	vld [tilespmem:s1+$0xFFFFFF80]  }
0x6dc: {  	v19 =	vshll.u32 v15, $0x3;
	v18 =	vshll.u32 v10, $0x3;
	[tilespmem:s30+$0xFFFFFED0] =	vst v0;
	v5 =	vmul.f32 v5, v3  }
0x6dd: {  	v15 =	vand.u32 $0x7F, v15;
	v10 =	vand.u32 $0x7F, v10;
	v18 =	vand.u32 $0xFFFFFC00, v18;
	v0 =	vld [tilespmem:s1+$0xFFFFFFD0]  }
0x6de: {  	v10 =	vor.u32 v10, v18;
	v18 =	vand.u32 $0xFFFFFC00, v19;
	v13 =	vshll.u32 v8, $0x3;
	v6 =	vld [tilespmem:s1+$0x20];
	[tilespmem:s30+$0xFFFF93E0] =	vst v5  }
0x6df: {  	v15 =	vor.u32 v15, v18;
	v8 =	vand.u32 $0x7F, v8;
	v13 =	vand.u32 $0xFFFFFC00, v13;
	v1 =	vld.idx.msk [tilespmem:v1+s18+$0x0], $0xffff  }
0x6e0: {  	s16 =	simm.s32 $0x1760;
	v14 =	vor.u32 $0x300, v4;
	v8 =	vor.u32 v8, v13;
	v7 =	vshll.u32 v2, $0x3  }
0x6e1: {  	v21 =	vld [tilespmem:s16+$0xFFFFFF60];
	v17 =	vor.u32 $0x200, v8;
	v2 =	vand.u32 $0x7F, v2;
	v7 =	vand.u32 $0xFFFFFC00, v7  }
0x6e2: {  	v12 =	vld [tilespmem:s0+$0xFFFFFFB0];
	v5 =	vor.u32 v2, v7;
	v2 =	vand.u32 $0x7F, v0;
	v7 =	vshll.u32 v0, $0x3  }
0x6e3: {  	v22 =	vld [tilespmem:s16+$0xFFFFFFB0];
	v7 =	vand.u32 $0xFFFFFC00, v7;
	v9 =	vand.u32 $0x7F, v6;
	v6 =	vshll.u32 v6, $0x3  }
0x6e4: {  	v18 =	vld [tilespmem:s16+$0x50];
	v7 =	vor.u32 v2, v7;
	v2 =	vand.u32 $0xFFFFFC00, v6;
	v13 =	vmul.f32 v1, v3  }
0x6e5: {  	v0 =	vld [tilespmem:s31+$0xFFFFFF80];
	v6 =	vor.u32 $0x200, v5;
	v9 =	vor.u32 v9, v2  }
0x6e6: {  	v2 =	vld [tilespmem:s31+$0xFFFFFFD0];
	v16 =	vor.u32 $0x200, v9;
	[tilespmem:s30+$0xFFFFB7E0] =	vst v13  }
0x6e7: {  	v11 =	vor.u32 $0x200, v7;
	v13 =	vshll.u32 v12, $0x3;
	v14 =	vld.idx.msk [tilespmem:v14+s18+$0x0], $0xffff  }
0x6e8: {  	v1 =	vld [tilespmem:s31+$0x20];
	v12 =	vand.u32 $0x7F, v12;
	v13 =	vand.u32 $0xFFFFFC00, v13  }
0x6e9: {  	v19 =	vor.u32 $0x200, v10;
	v12 =	vor.u32 v12, v13;
	v13 =	vld.idx.msk [tilespmem:v17+s18+$0x0], $0xffff  }
0x6ea: {  	v4 =	vor.u32 $0x380, v4;
	v6 =	vld.idx.msk [tilespmem:v6+s18+$0x0], $0xffff  }
0x6eb: {  	v16 =	vld.idx.msk [tilespmem:v16+s18+$0x0], $0xffff;
	v17 =	vor.u32 $0x200, v12  }
0x6ec: {  	v20 =	vor.u32 $0x200, v15;
	v11 =	vld.idx.msk [tilespmem:v11+s18+$0x0], $0xffff;
	v14 =	vmul.f32 v14, v3  }
0x6ed: {  	v26 =	vld [tilespmem:s16+$0x0];
	v23 =	vor.u32 $0x280, v8  }
0x6ee: {  	v19 =	vld.idx.msk [tilespmem:v19+s18+$0x0], $0xffff;
	v25 =	vor.u32 $0x280, v9;
	v13 =	vmul.f32 v13, v18;
	[tilespmem:s30+$0xFFFFDBE0] =	vst v14  }
0x6ef: {  	s5 =	simm.s32 $0x1BAC0;
	v6 =	vmul.f32 v6, v0;
	v14 =	vor.u32 $0x280, v5;
	v4 =	vld.idx.msk [tilespmem:v4+s18+$0x0], $0xffff  }
0x6f0: {  	v24 =	vor.u32 $0x280, v7;
	v17 =	vld.idx.msk [tilespmem:v17+s18+$0x0], $0xffff;
	[tilespmem:s5+$0xFFFF93C0] =	vst v13;
	v13 =	vmul.f32 v16, v1  }
0x6f1: {  	v20 =	vld.idx.msk [tilespmem:v20+s18+$0x0], $0xffff;
	v11 =	vmul.f32 v11, v2;
	[tilespmem:s30+$0xFFFF9260] =	vst v6;
	v6 =	vor.u32 $0x280, v10  }
0x6f2: {  	v16 =	vld.idx.msk [tilespmem:v23+s18+$0x0], $0xffff;
	[tilespmem:s30+$0xFFFF9360] =	vst v13  }
0x6f3: {  	[tilespmem:s30+$0xFFFF92E0] =	vst v11;
	v11 =	vor.u32 $0x280, v12;
	v13 =	vmul.f32 v19, v21;
	v19 =	vld.idx.msk [tilespmem:v25+s18+$0x0], $0xffff  }
0x6f4: {  	v23 =	vor.u32 $0x280, v15;
	v14 =	vld.idx.msk [tilespmem:v14+s18+$0x0], $0xffff;
	v3 =	vmul.f32 v4, v3  }
0x6f5: {  	v17 =	vmul.f32 v17, v22;
	[tilespmem:s5+$0xFFFF9240] =	vst v13;
	v4 =	vld.idx.msk [tilespmem:v24+s18+$0x0], $0xffff;
	v24 =	vor.u32 $0x300, v8  }
0x6f6: {  	v6 =	vld.idx.msk [tilespmem:v6+s18+$0x0], $0xffff;
	[tilespmem:s30+$0xFFFFFFE0] =	vst v3;
	v3 =	vmul.f32 v20, v26  }
0x6f7: {  	[tilespmem:s5+$0xFFFF92C0] =	vst v17;
	v16 =	vmul.f32 v16, v18;
	v20 =	vor.u32 $0x300, v5;
	v13 =	vld [tilespmem:s1+$0x80]  }
0x6f8: {  	v17 =	vor.u32 $0x300, v7;
	v11 =	vld.idx.msk [tilespmem:v11+s18+$0x0], $0xffff;
	[tilespmem:s5+$0xFFFF9340] =	vst v3  }
0x6f9: {  	[tilespmem:s5+$0xFFFFB7C0] =	vst v16;
	v16 =	vor.u32 $0x300, v10;
	v14 =	vmul.f32 v14, v0;
	v23 =	vld.idx.msk [tilespmem:v23+s18+$0x0], $0xffff  }
0x6fa: {  	v3 =	vor.u32 $0x300, v9;
	v4 =	vmul.f32 v4, v2;
	v24 =	vld.idx.msk [tilespmem:v24+s18+$0x0], $0xffff  }
0x6fb: {  	v27 =	vor.u32 $0x300, v15;
	v25 =	vor.u32 $0x300, v12;
	v6 =	vmul.f32 v6, v21;
	[tilespmem:s30+$0xFFFFB660] =	vst v14  }
0x6fc: {  	v8 =	vor.u32 $0x380, v8;
	v14 =	vmul.f32 v19, v1;
	[tilespmem:s30+$0xFFFFB6E0] =	vst v4;
	v4 =	vld.idx.msk [tilespmem:v20+s18+$0x0], $0xffff;
	v19 =	vshll.u32 v13, $0x3  }
0x6fd: {  	v11 =	vmul.f32 v11, v22;
	[tilespmem:s5+$0xFFFFB640] =	vst v6;
	v13 =	vand.u32 $0x7F, v13;
	v17 =	vld.idx.msk [tilespmem:v17+s18+$0x0], $0xffff;
	v19 =	vand.u32 $0xFFFFFC00, v19  }
0x6fe: {  	[tilespmem:s30+$0xFFFFB760] =	vst v14;
	v16 =	vld.idx.msk [tilespmem:v16+s18+$0x0], $0xffff;
	v13 =	vor.u32 v13, v19;
	v6 =	vmul.f32 v23, v26  }
0x6ff: {  	v3 =	vld.idx.msk [tilespmem:v3+s18+$0x0], $0xffff;
	[tilespmem:s5+$0xFFFFB6C0] =	vst v11;
	v11 =	vmul.f32 v24, v18;
	v14 =	vor.u32 $0x200, v13  }
0x700: {  	v5 =	vor.u32 $0x380, v5;
	v19 =	vld.idx.msk [tilespmem:v25+s18+$0x0], $0xffff;
	[tilespmem:s5+$0xFFFFB740] =	vst v6  }
0x701: {  	v6 =	vor.u32 $0x380, v7;
	[tilespmem:s5+$0xFFFFDBC0] =	vst v11;
	v4 =	vmul.f32 v4, v0;
	v7 =	vld.idx.msk [tilespmem:v27+s18+$0x0], $0xffff  }
0x702: {  	v10 =	vor.u32 $0x380, v10;
	v8 =	vld.idx.msk [tilespmem:v8+s18+$0x0], $0xffff  }
0x703: {  	v11 =	vor.u32 $0x380, v12;
	v12 =	vmul.f32 v17, v2;
	[tilespmem:s30+$0xFFFFDA60] =	vst v4;
	v4 =	vmul.f32 v16, v21;
	v16 =	vld [tilespmem:s31+$0x80]  }
0x704: {  	v15 =	vor.u32 $0x380, v15;
	v14 =	vld.idx.msk [tilespmem:v14+s18+$0x0], $0xffff  }
0x705: {  	v5 =	vld.idx.msk [tilespmem:v5+s18+$0x0], $0xffff;
	[tilespmem:s30+$0xFFFFDAE0] =	vst v12;
	v12 =	vmul.f32 v19, v22  }
0x706: {  	v9 =	vor.u32 $0x380, v9;
	[tilespmem:s5+$0xFFFFDA40] =	vst v4;
	v6 =	vld.idx.msk [tilespmem:v6+s18+$0x0], $0xffff;
	v4 =	vmul.f32 v7, v26  }
0x707: {  	[tilespmem:s5+$0xFFFFDAC0] =	vst v12;
	v7 =	vld.idx.msk [tilespmem:v10+s18+$0x0], $0xffff;
	v10 =	vor.u32 $0x280, v13;
	v8 =	vmul.f32 v8, v18  }
0x708: {  	v3 =	vmul.f32 v3, v1;
	v11 =	vld.idx.msk [tilespmem:v11+s18+$0x0], $0xffff;
	[tilespmem:s5+$0xFFFFDB40] =	vst v4  }
0x709: {  	[tilespmem:s5+$0xFFFFFFC0] =	vst v8;
	v4 =	vld.idx.msk [tilespmem:v15+s18+$0x0], $0xffff;
	v12 =	vmul.f32 v14, v16  }
0x70a: {  	[tilespmem:s30+$0xFFFFDB60] =	vst v3;
	v0 =	vmul.f32 v5, v0;
	v3 =	vld [tilespmem:s0+$0x60]  }
0x70b: {  	v5 =	vld.idx.msk [tilespmem:v9+s18+$0x0], $0xffff;
	v2 =	vmul.f32 v6, v2;
	[tilespmem:s30+$0xFFFF93F0] =	vst v12  }
0x70c: {  	[tilespmem:s30+$0xFFFFFE60] =	vst v0;
	v0 =	vmul.f32 v7, v21;
	v6 =	vld.idx.msk [tilespmem:v10+s18+$0x0], $0xffff  }
0x70d: {  	v7 =	vmul.f32 v11, v22;
	[tilespmem:s30+$0xFFFFFEE0] =	vst v2;
	v2 =	vld [tilespmem:s1+$0xFFFFFF90]  }
0x70e: {  	v8 =	vld [tilespmem:s1+$0xFFFFFFE0];
	[tilespmem:s5+$0xFFFFFE40] =	vst v0  }
0x70f: {  	[tilespmem:s5+$0xFFFFFEC0] =	vst v7;
	v7 =	vor.u32 $0x300, v13;
	v9 =	vld [tilespmem:s0+$0xFFFFFF70];
	v4 =	vmul.f32 v4, v26;
	v0 =	vshll.u32 v3, $0x3  }
0x710: {  	v1 =	vmul.f32 v5, v1;
	v5 =	vld [tilespmem:s0+$0xFFFFFFC0];
	v3 =	vand.u32 $0x7F, v3;
	v10 =	vand.u32 $0xFFFFFC00, v0  }
0x711: {  	v18 =	vld [tilespmem:s16+$0x60];
	[tilespmem:s5+$0xFFFFFF40] =	vst v4;
	v10 =	vor.u32 v3, v10;
	v3 =	vmul.f32 v6, v16  }
0x712: {  	v13 =	vor.u32 $0x380, v13;
	[tilespmem:s30+$0xFFFFFF60] =	vst v1;
	v1 =	vld [tilespmem:s0+$0x10]  }
0x713: {  	v0 =	vld [tilespmem:s31+$0xFFFFFF90];
	v4 =	vshll.u32 v2, $0x3;
	v6 =	vor.u32 $0x200, v10;
	v2 =	vand.u32 $0x7F, v2;
	[tilespmem:s30+$0xFFFFB7F0] =	vst v3  }
0x714: {  	v11 =	vand.u32 $0xFFFFFC00, v4;
	v14 =	vand.u32 $0x7F, v8;
	v3 =	vshll.u32 v9, $0x3;
	v7 =	vld.idx.msk [tilespmem:v7+s18+$0x0], $0xffff  }
0x715: {  	v12 =	vld [tilespmem:s1+$0x30];
	v9 =	vand.u32 $0x7F, v9;
	v17 =	vshll.u32 v5, $0x3;
	v15 =	vand.u32 $0xFFFFFC00, v3  }
0x716: {  	v19 =	vld [tilespmem:s16+$0x10];
	v5 =	vand.u32 $0x7F, v5;
	v15 =	vor.u32 v9, v15;
	v9 =	vand.u32 $0xFFFFFC00, v17  }
0x717: {  	v8 =	vshll.u32 v8, $0x3;
	v4 =	vld [tilespmem:s16+$0xFFFFFF70];
	v5 =	vor.u32 v5, v9;
	v9 =	vshll.u32 v1, $0x3  }
0x718: {  	v6 =	vld.idx.msk [tilespmem:v6+s18+$0x0], $0xffff;
	v1 =	vand.u32 $0x7F, v1;
	v17 =	vor.u32 $0x200, v15;
	v9 =	vand.u32 $0xFFFFFC00, v9  }
0x719: {  	v3 =	vld [tilespmem:s16+$0xFFFFFFC0];
	v20 =	vor.u32 $0x200, v5;
	v21 =	vor.u32 v1, v9;
	v7 =	vmul.f32 v7, v16  }
0x71a: {  	v8 =	vand.u32 $0xFFFFFC00, v8;
	v11 =	vor.u32 v2, v11;
	v1 =	vld [tilespmem:s31+$0xFFFFFFE0];
	v2 =	vor.u32 $0x200, v21  }
0x71b: {  	v22 =	vor.u32 $0x280, v10;
	v8 =	vor.u32 v14, v8;
	v14 =	vshll.u32 v12, $0x3;
	v9 =	vld [tilespmem:s31+$0x30];
	[tilespmem:s30+$0xFFFFDBF0] =	vst v7  }
0x71c: {  	v7 =	vand.u32 $0x7F, v12;
	v12 =	vand.u32 $0xFFFFFC00, v14;
	v14 =	vor.u32 $0x200, v11;
	v13 =	vld.idx.msk [tilespmem:v13+s18+$0x0], $0xffff  }
0x71d: {  	v6 =	vmul.f32 v6, v18;
	v7 =	vor.u32 v7, v12;
	v12 =	vld.idx.msk [tilespmem:v17+s18+$0x0], $0xffff;
	v17 =	vor.u32 $0x200, v8  }
0x71e: {  	v20 =	vld.idx.msk [tilespmem:v20+s18+$0x0], $0xffff;
	v23 =	vor.u32 $0x200, v7  }
0x71f: {  	[tilespmem:s5+$0xFFFF93D0] =	vst v6;
	v2 =	vld.idx.msk [tilespmem:v2+s18+$0x0], $0xffff  }
0x720: {  	v6 =	vor.u32 $0x280, v15;
	v22 =	vld.idx.msk [tilespmem:v22+s18+$0x0], $0xffff  }
0x721: {  	v24 =	vor.u32 $0x280, v5;
	v14 =	vld.idx.msk [tilespmem:v14+s18+$0x0], $0xffff;
	v13 =	vmul.f32 v13, v16  }
0x722: {  	v16 =	vor.u32 $0x280, v21;
	v12 =	vmul.f32 v12, v4;
	v17 =	vld.idx.msk [tilespmem:v17+s18+$0x0], $0xffff  }
0x723: {  	v25 =	vor.u32 $0x300, v10;
	v20 =	vmul.f32 v20, v3;
	v23 =	vld.idx.msk [tilespmem:v23+s18+$0x0], $0xffff;
	[tilespmem:s30+$0xFFFFFFF0] =	vst v13  }
0x724: {  	[tilespmem:s5+$0xFFFF9250] =	vst v12;
	v2 =	vmul.f32 v2, v19;
	v12 =	vld [tilespmem:s1+$0x90]  }
0x725: {  	v13 =	vor.u32 $0x280, v11;
	[tilespmem:s5+$0xFFFF92D0] =	vst v20;
	v20 =	vmul.f32 v22, v18;
	v6 =	vld.idx.msk [tilespmem:v6+s18+$0x0], $0xffff  }
0x726: {  	v22 =	vor.u32 $0x280, v8;
	v24 =	vld.idx.msk [tilespmem:v24+s18+$0x0], $0xffff;
	[tilespmem:s5+$0xFFFF9350] =	vst v2  }
0x727: {  	v2 =	vor.u32 $0x280, v7;
	v14 =	vmul.f32 v14, v0;
	[tilespmem:s5+$0xFFFFB7D0] =	vst v20;
	v16 =	vld.idx.msk [tilespmem:v16+s18+$0x0], $0xffff  }
0x728: {  	v20 =	vor.u32 $0x300, v15;
	v17 =	vmul.f32 v17, v1;
	v25 =	vld.idx.msk [tilespmem:v25+s18+$0x0], $0xffff  }
0x729: {  	v10 =	vor.u32 $0x380, v10;
	v26 =	vor.u32 $0x300, v5;
	[tilespmem:s30+$0xFFFF9270] =	vst v14;
	v14 =	vmul.f32 v23, v9  }
0x72a: {  	v27 =	vor.u32 $0x300, v21;
	v13 =	vld.idx.msk [tilespmem:v13+s18+$0x0], $0xffff;
	[tilespmem:s30+$0xFFFF92F0] =	vst v17;
	v23 =	vshll.u32 v12, $0x3;
	v6 =	vmul.f32 v6, v4  }
0x72b: {  	v12 =	vand.u32 $0x7F, v12;
	v22 =	vld.idx.msk [tilespmem:v22+s18+$0x0], $0xffff;
	[tilespmem:s30+$0xFFFF9370] =	vst v14;
	v14 =	vmul.f32 v24, v3;
	v17 =	vand.u32 $0xFFFFFC00, v23  }
0x72c: {  	v12 =	vor.u32 v12, v17;
	v17 =	vld.idx.msk [tilespmem:v2+s18+$0x0], $0xffff;
	[tilespmem:s5+$0xFFFFB650] =	vst v6;
	v2 =	vmul.f32 v16, v19  }
0x72d: {  	[tilespmem:s5+$0xFFFFB6D0] =	vst v14;
	v14 =	vmul.f32 v25, v18;
	v6 =	vor.u32 $0x200, v12;
	v16 =	vld.idx.msk [tilespmem:v20+s18+$0x0], $0xffff  }
0x72e: {  	v20 =	vor.u32 $0x300, v11;
	v23 =	vld.idx.msk [tilespmem:v26+s18+$0x0], $0xffff;
	[tilespmem:s5+$0xFFFFB750] =	vst v2  }
0x72f: {  	v24 =	vor.u32 $0x300, v8;
	[tilespmem:s5+$0xFFFFDBD0] =	vst v14;
	v2 =	vmul.f32 v13, v0;
	v25 =	vld.idx.msk [tilespmem:v27+s18+$0x0], $0xffff  }
0x730: {  	v14 =	vor.u32 $0x380, v15;
	v10 =	vld.idx.msk [tilespmem:v10+s18+$0x0], $0xffff  }
0x731: {  	v13 =	vor.u32 $0x300, v7;
	v15 =	vmul.f32 v22, v1;
	[tilespmem:s30+$0xFFFFB670] =	vst v2;
	v2 =	vld [tilespmem:s31+$0x90]  }
0x732: {  	v5 =	vor.u32 $0x380, v5;
	v6 =	vld.idx.msk [tilespmem:v6+s18+$0x0], $0xffff;
	v16 =	vmul.f32 v16, v4  }
0x733: {  	v21 =	vor.u32 $0x380, v21;
	v17 =	vmul.f32 v17, v9;
	[tilespmem:s30+$0xFFFFB6F0] =	vst v15;
	v15 =	vld.idx.msk [tilespmem:v20+s18+$0x0], $0xffff  }
0x734: {  	v20 =	vld.idx.msk [tilespmem:v24+s18+$0x0], $0xffff;
	[tilespmem:s5+$0xFFFFDA50] =	vst v16;
	v16 =	vmul.f32 v23, v3  }
0x735: {  	v22 =	vor.u32 $0x280, v12;
	[tilespmem:s30+$0xFFFFB770] =	vst v17;
	v17 =	vmul.f32 v25, v19;
	v14 =	vld.idx.msk [tilespmem:v14+s18+$0x0], $0xffff  }
0x736: {  	v11 =	vor.u32 $0x380, v11;
	v10 =	vmul.f32 v10, v18;
	v13 =	vld.idx.msk [tilespmem:v13+s18+$0x0], $0xffff;
	[tilespmem:s5+$0xFFFFDAD0] =	vst v16  }
0x737: {  	v8 =	vor.u32 $0x380, v8;
	[tilespmem:s5+$0xFFFFDB50] =	vst v17;
	v5 =	vld.idx.msk [tilespmem:v5+s18+$0x0], $0xffff;
	v6 =	vmul.f32 v6, v2  }
0x738: {  	[tilespmem:s5+$0xFFFFFFD0] =	vst v10;
	v16 =	vld.idx.msk [tilespmem:v21+s18+$0x0], $0xffff;
	v10 =	vmul.f32 v15, v0  }
0x739: {  	v15 =	vld [tilespmem:s0+$0x70];
	[tilespmem:s30+$0xFFFF9400] =	vst v6;
	v6 =	vmul.f32 v20, v1  }
0x73a: {  	[tilespmem:s30+$0xFFFFDA70] =	vst v10;
	v17 =	vld.idx.msk [tilespmem:v22+s18+$0x0], $0xffff;
	v4 =	vmul.f32 v14, v4  }
0x73b: {  	v10 =	vld.idx.msk [tilespmem:v11+s18+$0x0], $0xffff;
	[tilespmem:s30+$0xFFFFDAF0] =	vst v6  }
0x73c: {  	[tilespmem:s5+$0xFFFFFE50] =	vst v4;
	v3 =	vmul.f32 v5, v3;
	v5 =	vld.idx.msk [tilespmem:v8+s18+$0x0], $0xffff  }
0x73d: {  	v8 =	vmul.f32 v16, v19;
	v6 =	vld [tilespmem:s0+$0xFFFFFF80]  }
0x73e: {  	v11 =	vor.u32 $0x300, v12;
	v14 =	vor.u32 $0x380, v7;
	v4 =	vld [tilespmem:s16+$0xFFFFFF80];
	[tilespmem:s5+$0xFFFFFED0] =	vst v3  }
0x73f: {  	v7 =	vand.u32 $0x7F, v15;
	v3 =	vshll.u32 v15, $0x3;
	[tilespmem:s5+$0xFFFFFF50] =	vst v8;
	v16 =	vld [tilespmem:s0+$0xFFFFFFD0];
	v15 =	vmul.f32 v17, v2  }
0x740: {  	v3 =	vand.u32 $0xFFFFFC00, v3;
	v17 =	vld [tilespmem:s0+$0x20];
	v0 =	vmul.f32 v10, v0  }
0x741: {  	v8 =	vor.u32 v7, v3;
	v3 =	vmul.f32 v13, v9;
	v7 =	vld [tilespmem:s16+$0xFFFFFFD0];
	[tilespmem:s30+$0xFFFFB800] =	vst v15  }
0x742: {  	v13 =	vor.u32 $0x200, v8;
	v1 =	vmul.f32 v5, v1;
	v5 =	vld [tilespmem:s16+$0x20];
	[tilespmem:s30+$0xFFFFFE70] =	vst v0;
	v10 =	vshll.u32 v6, $0x3  }
0x743: {  	v11 =	vld.idx.msk [tilespmem:v11+s18+$0x0], $0xffff;
	[tilespmem:s30+$0xFFFFDB70] =	vst v3;
	v3 =	vand.u32 $0x7F, v6;
	v6 =	vand.u32 $0xFFFFFC00, v10  }
0x744: {  	v12 =	vor.u32 $0x380, v12;
	v22 =	vor.u32 $0x280, v8;
	v28 =	vld [tilespmem:s1+$0xFFFFFFA0];
	v3 =	vor.u32 v3, v6  }
0x745: {  	v10 =	vld.idx.msk [tilespmem:v14+s18+$0x0], $0xffff;
	v0 =	vand.u32 $0x7F, v16;
	v6 =	vshll.u32 v16, $0x3;
	v14 =	vand.u32 $0x7F, v17  }
0x746: {  	v15 =	vshll.u32 v17, $0x3;
	v16 =	vld [tilespmem:s16+$0x70];
	v6 =	vand.u32 $0xFFFFFC00, v6;
	v26 =	vor.u32 $0x200, v3  }
0x747: {  	[tilespmem:s30+$0xFFFFFEF0] =	vst v1;
	v21 =	vor.u32 $0x280, v3;
	v18 =	vor.u32 $0x300, v3;
	v25 =	vor.u32 v0, v6;
	v13 =	vld.idx.msk [tilespmem:v13+s18+$0x0], $0xffff  }
0x748: {  	v0 =	vand.u32 $0xFFFFFC00, v15;
	v6 =	vld [tilespmem:s1+$0xFFFFFFF0];
	v29 =	vor.u32 $0x200, v25;
	v11 =	vmul.f32 v11, v2  }
0x749: {  	v1 =	vld [tilespmem:s31+$0xFFFFFFA0];
	v17 =	vor.u32 $0x380, v3;
	v27 =	vor.u32 v14, v0;
	v23 =	vor.u32 $0x280, v25  }
0x74a: {  	v19 =	vor.u32 $0x300, v25;
	v0 =	vld [tilespmem:s31+$0xFFFFFFF0];
	v14 =	vor.u32 $0x380, v25;
	v24 =	vor.u32 $0x200, v27;
	[tilespmem:s30+$0xFFFFDC00] =	vst v11  }
0x74b: {  	v20 =	vor.u32 $0x280, v27;
	v15 =	vor.u32 $0x300, v27;
	v9 =	vmul.f32 v10, v9;
	v3 =	vld.idx.msk [tilespmem:v12+s18+$0x0], $0xffff  }
0x74c: {  	v11 =	vor.u32 $0x380, v27;
	v25 =	vld.idx.msk [tilespmem:v26+s18+$0x0], $0xffff;
	v27 =	vmul.f32 v13, v16;
	v13 =	vshll.u32 v28, $0x3  }
0x74d: {  	s9 =	simm.s32 $0x4;
	s11 =	simm.s32 $0x320;
	s6 =	simm.s32 $0x1BAC0;
	v12 =	vand.u32 $0x7F, v28;
	v10 =	vshll.u32 v6, $0x3;
	v26 =	vld.idx.msk [tilespmem:v29+s18+$0x0], $0xffff;
	v13 =	vand.u32 $0xFFFFFC00, v13  }
.LBB2_9:
0x74e: {  	v28 =	vld [tilespmem:s11+$0x50];
	[tilespmem:s5+$0xFFFF93E0] =	vst v27;
	v13 =	vor.u32 v12, v13;
	v6 =	vand.u32 $0x7F, v6;
	v10 =	vand.u32 $0xFFFFFC00, v10  }
0x74f: {  	s9 =	sadd.s32 $0x4, s9;
	v27 =	vld.idx.msk [tilespmem:v22+s18+$0x0], $0xffff;
	v29 =	vor.u32 $0x200, v13;
	v12 =	vor.u32 $0x280, v13;
	v30 =	vor.u32 v6, v10;
	[tilespmem:s30+$0xFFFFFF70] =	vst v9  }
0x750: {  	p1 =	slt.u32 s9, $0x40;
	v9 =	vor.u32 $0x300, v13;
	v31 =	vld [tilespmem:s11+$0xFFFFFFB0];
	v32 =	vor.u32 $0x200, v30;
	v22 =	vor.u32 $0x280, v30  }
0x751: {  	v6 =	vor.u32 $0x380, v13;
	v10 =	vor.u32 $0x300, v30;
	v3 =	vmul.f32 v3, v2;
	v33 =	vld [tilespmem:s11+$0x0]  }
0x752: {  	v2 =	vor.u32 $0x380, v30;
	v25 =	vmul.f32 v25, v4;
	v13 =	vld [tilespmem:s11+$0xFFFFFF60]  }
0x753: {  	v34 =	vmul.f32 v26, v7;
	v30 =	vshll.u32 v28, $0x3;
	v35 =	vld.idx.msk [tilespmem:v24+s18+$0x0], $0xffff;
	v24 =	vor.u32 $0x300, v8;
	[tilespmem:s30+$0x0] =	vst v3  }
0x754: {  	v3 =	vand.u32 $0x7F, v28;
	v26 =	vand.u32 $0xFFFFFC00, v30;
	[tilespmem:s5+$0xFFFF9260] =	vst v25;
	v30 =	vld [tilespmem:s1+$0x40];
	s1 =	smov.u32 s0;
	s0 =	smov.u32 s11  }
0x755: {  	v25 =	vshll.u32 v31, $0x3;
	v26 =	vor.u32 v3, v26;
	v21 =	vld.idx.msk [tilespmem:v21+s18+$0x0], $0xffff;
	[tilespmem:s5+$0xFFFF92E0] =	vst v34;
	v3 =	vmul.f32 v27, v16  }
0x756: {  	v25 =	vand.u32 $0xFFFFFC00, v25;
	v27 =	vshll.u32 v33, $0x3;
	v28 =	vor.u32 $0x200, v26;
	v34 =	vld.idx.msk [tilespmem:v23+s18+$0x0], $0xffff  }
0x757: {  	v23 =	vand.u32 $0x7F, v13;
	v13 =	vshll.u32 v13, $0x3;
	v27 =	vand.u32 $0xFFFFFC00, v27;
	[tilespmem:s5+$0xFFFFB7E0] =	vst v3;
	v36 =	vld.idx.msk [tilespmem:v29+s18+$0x0], $0xffff  }
0x758: {  	v29 =	vand.u32 $0x7F, v33;
	v3 =	vand.u32 $0xFFFFFC00, v13;
	v13 =	vand.u32 $0x7F, v31;
	v31 =	vld.idx.msk [tilespmem:v24+s18+$0x0], $0xffff  }
0x759: {  	v27 =	vor.u32 v29, v27;
	v24 =	vor.u32 v23, v3;
	v13 =	vor.u32 v13, v25;
	v32 =	vld.idx.msk [tilespmem:v32+s18+$0x0], $0xffff  }
0x75a: {  	v38 =	vor.u32 $0x200, v27;
	v33 =	vor.u32 $0x200, v24;
	v37 =	vor.u32 $0x200, v13;
	v3 =	vld [tilespmem:s31+$0x40];
	s31 =	smov.u32 s16  }
0x75b: {  	v41 =	vor.u32 $0x280, v27;
	v39 =	vor.u32 $0x280, v24;
	v40 =	vor.u32 $0x280, v13;
	s16 =	sadd.s32 $0x140, s16;
	v42 =	vld.idx.msk [tilespmem:v28+s18+$0x0], $0xffff  }
0x75c: {  	v8 =	vor.u32 $0x380, v8;
	v43 =	vor.u32 $0x300, v24;
	v44 =	vor.u32 $0x300, v13;
	v25 =	vld [tilespmem:s16+$0x50]  }
0x75d: {  	v46 =	vor.u32 $0x300, v27;
	v45 =	vor.u32 $0x380, v24;
	v29 =	vor.u32 $0x380, v13;
	v23 =	vld [tilespmem:s16+$0xFFFFFF60]  }
0x75e: {  	v13 =	vmul.f32 v35, v5;
	v28 =	vor.u32 $0x380, v27;
	v27 =	vmul.f32 v31, v16;
	v24 =	vld [tilespmem:s16+$0xFFFFFFB0]  }
0x75f: {  	v21 =	vmul.f32 v21, v4;
	v34 =	vmul.f32 v34, v7;
	v31 =	vld.idx.msk [tilespmem:v33+s18+$0x0], $0xffff;
	v33 =	vor.u32 $0x280, v26  }
0x760: {  	v36 =	vmul.f32 v36, v1;
	v35 =	vld.idx.msk [tilespmem:v37+s18+$0x0], $0xffff;
	[tilespmem:s5+$0xFFFFDBE0] =	vst v27;
	v27 =	vand.u32 $0x7F, v30;
	v30 =	vshll.u32 v30, $0x3  }
0x761: {  	v32 =	vmul.f32 v32, v0;
	v37 =	vmul.f32 v42, v25;
	[tilespmem:s5+$0xFFFF9360] =	vst v13;
	v42 =	vld.idx.msk [tilespmem:v8+s18+$0x0], $0xffff;
	v8 =	vand.u32 $0xFFFFFC00, v30  }
0x762: {  	s5 =	sadd.s32 $0x200, s5;
	v30 =	vld.idx.msk [tilespmem:v38+s18+$0x0], $0xffff;
	[tilespmem:s6+$0xFFFFB660] =	vst v21;
	v8 =	vor.u32 v27, v8  }
0x763: {  	v27 =	vld [tilespmem:s16+$0x0];
	[tilespmem:s5+$0xFFFF93C0] =	vst v37;
	v37 =	vor.u32 $0x200, v8;
	v21 =	vor.u32 $0x280, v8;
	v13 =	vor.u32 $0x300, v8  }
0x764: {  	v8 =	vor.u32 $0x380, v8;
	v33 =	vld.idx.msk [tilespmem:v33+s18+$0x0], $0xffff;
	[tilespmem:s6+$0xFFFFB6E0] =	vst v34  }
0x765: {  	v31 =	vmul.f32 v31, v23;
	v20 =	vld.idx.msk [tilespmem:v20+s18+$0x0], $0xffff;
	[tilespmem:s30+$0xFFFF9280] =	vst v36  }
0x766: {  	v34 =	vmul.f32 v35, v24;
	v18 =	vld.idx.msk [tilespmem:v18+s18+$0x0], $0xffff;
	[tilespmem:s30+$0xFFFF9300] =	vst v32  }
0x767: {  	v16 =	vmul.f32 v42, v16;
	[tilespmem:s5+$0xFFFF9240] =	vst v31;
	v19 =	vld.idx.msk [tilespmem:v19+s18+$0x0], $0xffff  }
0x768: {  	v32 =	vor.u32 $0x300, v26;
	v31 =	vld.idx.msk [tilespmem:v39+s18+$0x0], $0xffff;
	[tilespmem:s5+$0xFFFF92C0] =	vst v34;
	v30 =	vmul.f32 v30, v27  }
0x769: {  	v34 =	vld.idx.msk [tilespmem:v40+s18+$0x0], $0xffff;
	[tilespmem:s6+$0xFFFFFFE0] =	vst v16  }
0x76a: {  	v16 =	vmul.f32 v33, v25;
	[tilespmem:s5+$0xFFFF9340] =	vst v30;
	v30 =	vld [tilespmem:s1+$0x80]  }
0x76b: {  	v20 =	vmul.f32 v20, v5;
	v33 =	vld.idx.msk [tilespmem:v41+s18+$0x0], $0xffff  }
0x76c: {  	[tilespmem:s5+$0xFFFFB7C0] =	vst v16;
	v16 =	vmul.f32 v18, v4;
	v18 =	vld.idx.msk [tilespmem:v37+s18+$0x0], $0xffff  }
0x76d: {  	v19 =	vmul.f32 v19, v7;
	v32 =	vld.idx.msk [tilespmem:v32+s18+$0x0], $0xffff;
	[tilespmem:s6+$0xFFFFB760] =	vst v20  }
0x76e: {  	v20 =	vmul.f32 v31, v23;
	[tilespmem:s6+$0xFFFFDA60] =	vst v16;
	v15 =	vld.idx.msk [tilespmem:v15+s18+$0x0], $0xffff  }
0x76f: {  	v16 =	vmul.f32 v34, v24;
	v17 =	vld.idx.msk [tilespmem:v17+s18+$0x0], $0xffff;
	[tilespmem:s6+$0xFFFFDAE0] =	vst v19;
	v19 =	vshll.u32 v30, $0x3  }
0x770: {  	[tilespmem:s5+$0xFFFFB640] =	vst v20;
	v14 =	vld.idx.msk [tilespmem:v14+s18+$0x0], $0xffff;
	v20 =	vand.u32 $0x7F, v30;
	v19 =	vand.u32 $0xFFFFFC00, v19  }
0x771: {  	v26 =	vor.u32 $0x380, v26;
	v30 =	vld.idx.msk [tilespmem:v43+s18+$0x0], $0xffff;
	[tilespmem:s5+$0xFFFFB6C0] =	vst v16;
	v16 =	vmul.f32 v33, v27;
	v19 =	vor.u32 v20, v19  }
0x772: {  	v18 =	vmul.f32 v18, v3;
	v20 =	vld.idx.msk [tilespmem:v44+s18+$0x0], $0xffff;
	v31 =	vor.u32 $0x200, v19  }
0x773: {  	[tilespmem:s5+$0xFFFFB740] =	vst v16;
	v16 =	vmul.f32 v32, v25;
	v12 =	vld.idx.msk [tilespmem:v12+s18+$0x0], $0xffff  }
0x774: {  	v15 =	vmul.f32 v15, v5;
	v32 =	vld.idx.msk [tilespmem:v46+s18+$0x0], $0xffff;
	[tilespmem:s30+$0xFFFF9380] =	vst v18  }
0x775: {  	v4 =	vmul.f32 v17, v4;
	[tilespmem:s5+$0xFFFFDBC0] =	vst v16;
	v16 =	vld.idx.msk [tilespmem:v22+s18+$0x0], $0xffff  }
0x776: {  	v7 =	vmul.f32 v14, v7;
	v17 =	vld.idx.msk [tilespmem:v26+s18+$0x0], $0xffff;
	[tilespmem:s6+$0xFFFFDB60] =	vst v15  }
0x777: {  	v14 =	vmul.f32 v30, v23;
	[tilespmem:s6+$0xFFFFFE60] =	vst v4;
	v4 =	vld.idx.msk [tilespmem:v31+s18+$0x0], $0xffff  }
0x778: {  	v18 =	vmul.f32 v20, v24;
	[tilespmem:s6+$0xFFFFFEE0] =	vst v7;
	v15 =	vld [tilespmem:s31+$0x80]  }
0x779: {  	[tilespmem:s5+$0xFFFFDA40] =	vst v14;
	v7 =	vld.idx.msk [tilespmem:v11+s18+$0x0], $0xffff;
	v11 =	vmul.f32 v12, v1  }
0x77a: {  	v14 =	vmul.f32 v32, v27;
	v12 =	vld.idx.msk [tilespmem:v45+s18+$0x0], $0xffff;
	[tilespmem:s5+$0xFFFFDAC0] =	vst v18  }
0x77b: {  	v20 =	vor.u32 $0x280, v19;
	v18 =	vld.idx.msk [tilespmem:v29+s18+$0x0], $0xffff;
	[tilespmem:s30+$0xFFFFB680] =	vst v11;
	v11 =	vmul.f32 v16, v0  }
0x77c: {  	[tilespmem:s5+$0xFFFFDB40] =	vst v14;
	v14 =	vmul.f32 v17, v25;
	v16 =	vld [tilespmem:s1+$0xFFFFFF90]  }
0x77d: {  	v17 =	vld.idx.msk [tilespmem:v28+s18+$0x0], $0xffff;
	v4 =	vmul.f32 v4, v15;
	[tilespmem:s30+$0xFFFFB700] =	vst v11  }
0x77e: {  	[tilespmem:s5+$0xFFFFFFC0] =	vst v14;
	v11 =	vld [tilespmem:s1+$0xFFFFFFE0]  }
0x77f: {  	v7 =	vmul.f32 v7, v5;
	v14 =	vld [tilespmem:s11+$0x60];
	[tilespmem:s6+$0xFFFF93F0] =	vst v4  }
0x780: {  	v4 =	vmul.f32 v12, v23;
	v12 =	vld.idx.msk [tilespmem:v20+s18+$0x0], $0xffff  }
0x781: {  	v18 =	vmul.f32 v18, v24;
	v5 =	vld [tilespmem:s31+$0xFFFFFF90];
	v20 =	vand.u32 $0x7F, v16;
	v16 =	vshll.u32 v16, $0x3;
	[tilespmem:s6+$0xFFFFFF60] =	vst v7  }
0x782: {  	[tilespmem:s5+$0xFFFFFE40] =	vst v4;
	v7 =	vand.u32 $0xFFFFFC00, v16;
	v16 =	vld [tilespmem:s1+$0x30]  }
0x783: {  	v17 =	vmul.f32 v17, v27;
	v22 =	vld [tilespmem:s11+$0xFFFFFF70];
	[tilespmem:s5+$0xFFFFFEC0] =	vst v18;
	v18 =	vand.u32 $0x7F, v11;
	v4 =	vshll.u32 v11, $0x3  }
0x784: {  	v25 =	vor.u32 $0x300, v19;
	v11 =	vld [tilespmem:s11+$0xFFFFFFC0];
	v23 =	vshll.u32 v14, $0x3;
	v24 =	vand.u32 $0xFFFFFC00, v4  }
0x785: {  	v20 =	vor.u32 v20, v7;
	v14 =	vand.u32 $0x7F, v14;
	v4 =	vld [tilespmem:s16+$0xFFFFFF70];
	[tilespmem:s5+$0xFFFFFF40] =	vst v17;
	v17 =	vand.u32 $0xFFFFFC00, v23  }
0x786: {  	v18 =	vor.u32 v18, v24;
	v12 =	vmul.f32 v12, v15;
	v23 =	vld [tilespmem:s11+$0x10];
	v17 =	vor.u32 v14, v17  }
0x787: {  	v7 =	vld [tilespmem:s16+$0xFFFFFFC0];
	v24 =	vor.u32 $0x200, v17;
	v26 =	vand.u32 $0x7F, v16;
	v16 =	vshll.u32 v16, $0x3  }
0x788: {  	v27 =	vand.u32 $0x7F, v22;
	v22 =	vshll.u32 v22, $0x3;
	v14 =	vld [tilespmem:s16+$0x10];
	v16 =	vand.u32 $0xFFFFFC00, v16;
	[tilespmem:s6+$0xFFFFB7F0] =	vst v12  }
0x789: {  	v12 =	vand.u32 $0xFFFFFC00, v22;
	v22 =	vand.u32 $0x7F, v11;
	v11 =	vshll.u32 v11, $0x3;
	v25 =	vld.idx.msk [tilespmem:v25+s18+$0x0], $0xffff  }
0x78a: {  	v26 =	vor.u32 v26, v16;
	v27 =	vor.u32 v27, v12;
	v12 =	vand.u32 $0xFFFFFC00, v11;
	v11 =	vld [tilespmem:s31+$0xFFFFFFE0]  }
0x78b: {  	v22 =	vor.u32 v22, v12;
	v16 =	vand.u32 $0x7F, v23;
	v23 =	vshll.u32 v23, $0x3;
	v12 =	vld [tilespmem:s31+$0x30]  }
0x78c: {  	v28 =	vor.u32 $0x200, v27;
	v29 =	vor.u32 $0x200, v22;
	v23 =	vand.u32 $0xFFFFFC00, v23;
	v24 =	vld.idx.msk [tilespmem:v24+s18+$0x0], $0xffff  }
0x78d: {  	v31 =	vor.u32 $0x380, v19;
	v30 =	vor.u32 $0x280, v27;
	v23 =	vor.u32 v16, v23;
	v16 =	vld [tilespmem:s16+$0x60]  }
0x78e: {  	v32 =	vor.u32 $0x280, v22;
	v33 =	vor.u32 $0x200, v23;
	v34 =	vor.u32 $0x280, v23;
	v21 =	vld.idx.msk [tilespmem:v21+s18+$0x0], $0xffff  }
0x78f: {  	v35 =	vor.u32 $0x300, v27;
	v36 =	vor.u32 $0x300, v22;
	v25 =	vmul.f32 v25, v15;
	v37 =	vld.idx.msk [tilespmem:v9+s18+$0x0], $0xffff  }
0x790: {  	v27 =	vor.u32 $0x380, v27;
	v38 =	vor.u32 $0x300, v23;
	v9 =	vor.u32 $0x280, v17;
	v39 =	vld.idx.msk [tilespmem:v10+s18+$0x0], $0xffff  }
0x791: {  	v19 =	vor.u32 $0x380, v22;
	v22 =	vor.u32 $0x200, v20;
	v10 =	vor.u32 $0x380, v23;
	v28 =	vld.idx.msk [tilespmem:v28+s18+$0x0], $0xffff;
	[tilespmem:s6+$0xFFFFDBF0] =	vst v25  }
0x792: {  	v25 =	vor.u32 $0x200, v26;
	v23 =	vmul.f32 v24, v16;
	v24 =	vor.u32 $0x200, v18;
	v31 =	vld.idx.msk [tilespmem:v31+s18+$0x0], $0xffff  }
0x793: {  	v40 =	vor.u32 $0x280, v20;
	v41 =	vor.u32 $0x280, v18;
	v42 =	vor.u32 $0x280, v26;
	v29 =	vld.idx.msk [tilespmem:v29+s18+$0x0], $0xffff  }
0x794: {  	v43 =	vor.u32 $0x300, v18;
	v44 =	vor.u32 $0x300, v26;
	v33 =	vld.idx.msk [tilespmem:v33+s18+$0x0], $0xffff;
	[tilespmem:s5+$0xFFFF93D0] =	vst v23;
	v23 =	vor.u32 $0x300, v20  }
0x795: {  	v18 =	vor.u32 $0x380, v18;
	v20 =	vor.u32 $0x380, v20;
	v45 =	vld.idx.msk [tilespmem:v9+s18+$0x0], $0xffff;
	v9 =	vor.u32 $0x380, v26  }
0x796: {  	v21 =	vmul.f32 v21, v3;
	v26 =	vmul.f32 v37, v1;
	v22 =	vld.idx.msk [tilespmem:v22+s18+$0x0], $0xffff  }
0x797: {  	v37 =	vmul.f32 v39, v0;
	v28 =	vmul.f32 v28, v4;
	v24 =	vld.idx.msk [tilespmem:v24+s18+$0x0], $0xffff  }
0x798: {  	v15 =	vmul.f32 v31, v15;
	v25 =	vld.idx.msk [tilespmem:v25+s18+$0x0], $0xffff;
	[tilespmem:s30+$0xFFFFB780] =	vst v21  }
0x799: {  	v21 =	vmul.f32 v29, v7;
	[tilespmem:s5+$0xFFFF9250] =	vst v28;
	v28 =	vor.u32 $0x300, v17;
	v13 =	vld.idx.msk [tilespmem:v13+s18+$0x0], $0xffff  }
0x79a: {  	v29 =	vld.idx.msk [tilespmem:v30+s18+$0x0], $0xffff;
	v30 =	vmul.f32 v33, v14;
	[tilespmem:s6+$0xFFFFFFF0] =	vst v15  }
0x79b: {  	v15 =	vmul.f32 v45, v16;
	[tilespmem:s5+$0xFFFF92D0] =	vst v21;
	v21 =	vld [tilespmem:s1+$0x90]  }
0x79c: {  	v22 =	vmul.f32 v22, v5;
	v31 =	vld.idx.msk [tilespmem:v32+s18+$0x0], $0xffff;
	[tilespmem:s5+$0xFFFF9350] =	vst v30  }
0x79d: {  	v30 =	vld.idx.msk [tilespmem:v34+s18+$0x0], $0xffff;
	[tilespmem:s5+$0xFFFFB7D0] =	vst v15;
	v15 =	vmul.f32 v24, v11  }
0x79e: {  	v24 =	vld.idx.msk [tilespmem:v28+s18+$0x0], $0xffff;
	[tilespmem:s6+$0xFFFF9270] =	vst v22;
	v22 =	vmul.f32 v25, v12  }
0x79f: {  	v13 =	vmul.f32 v13, v3;
	v25 =	vld.idx.msk [tilespmem:v40+s18+$0x0], $0xffff;
	[tilespmem:s6+$0xFFFF92F0] =	vst v15  }
0x7a0: {  	v15 =	vmul.f32 v29, v4;
	v28 =	vld.idx.msk [tilespmem:v41+s18+$0x0], $0xffff;
	[tilespmem:s6+$0xFFFF9370] =	vst v22;
	v22 =	vshll.u32 v21, $0x3  }
0x7a1: {  	v21 =	vand.u32 $0x7F, v21;
	v29 =	vld.idx.msk [tilespmem:v42+s18+$0x0], $0xffff;
	v22 =	vand.u32 $0xFFFFFC00, v22;
	[tilespmem:s30+$0xFFFFDA80] =	vst v26  }
0x7a2: {  	v17 =	vor.u32 $0x380, v17;
	[tilespmem:s5+$0xFFFFB650] =	vst v15;
	v15 =	vmul.f32 v31, v7;
	v21 =	vor.u32 v21, v22;
	v6 =	vld.idx.msk [tilespmem:v6+s18+$0x0], $0xffff  }
0x7a3: {  	v26 =	vmul.f32 v30, v14;
	v22 =	vld.idx.msk [tilespmem:v35+s18+$0x0], $0xffff;
	v30 =	vor.u32 $0x200, v21;
	[tilespmem:s30+$0xFFFFDB00] =	vst v37  }
0x7a4: {  	[tilespmem:s5+$0xFFFFB6D0] =	vst v15;
	v15 =	vmul.f32 v24, v16;
	v24 =	vld.idx.msk [tilespmem:v2+s18+$0x0], $0xffff  }
0x7a5: {  	v2 =	vmul.f32 v25, v5;
	v31 =	vld.idx.msk [tilespmem:v36+s18+$0x0], $0xffff;
	[tilespmem:s5+$0xFFFFB750] =	vst v26  }
0x7a6: {  	v25 =	vld.idx.msk [tilespmem:v38+s18+$0x0], $0xffff;
	[tilespmem:s5+$0xFFFFDBD0] =	vst v15;
	v15 =	vmul.f32 v28, v11  }
0x7a7: {  	v17 =	vld.idx.msk [tilespmem:v17+s18+$0x0], $0xffff;
	[tilespmem:s6+$0xFFFFB670] =	vst v2;
	v2 =	vmul.f32 v29, v12  }
0x7a8: {  	v1 =	vmul.f32 v6, v1;
	[tilespmem:s6+$0xFFFFB6F0] =	vst v15;
	v15 =	vld.idx.msk [tilespmem:v30+s18+$0x0], $0xffff  }
0x7a9: {  	v6 =	vmul.f32 v22, v4;
	[tilespmem:s6+$0xFFFFB770] =	vst v2;
	v2 =	vld [tilespmem:s31+$0x90]  }
0x7aa: {  	v0 =	vmul.f32 v24, v0;
	v22 =	vld.idx.msk [tilespmem:v23+s18+$0x0], $0xffff;
	[tilespmem:s30+$0xFFFFDB80] =	vst v13  }
0x7ab: {  	[tilespmem:s5+$0xFFFFDA50] =	vst v6;
	v6 =	vmul.f32 v31, v7;
	v13 =	vld.idx.msk [tilespmem:v43+s18+$0x0], $0xffff  }
0x7ac: {  	v24 =	vmul.f32 v25, v14;
	v25 =	vor.u32 $0x280, v21;
	v23 =	vld.idx.msk [tilespmem:v27+s18+$0x0], $0xffff;
	[tilespmem:s30+$0xFFFFFE80] =	vst v1  }
0x7ad: {  	v1 =	vmul.f32 v17, v16;
	[tilespmem:s5+$0xFFFFDAD0] =	vst v6;
	v6 =	vld.idx.msk [tilespmem:v44+s18+$0x0], $0xffff  }
0x7ae: {  	v16 =	vld.idx.msk [tilespmem:v19+s18+$0x0], $0xffff;
	[tilespmem:s5+$0xFFFFDB50] =	vst v24;
	v15 =	vmul.f32 v15, v2  }
0x7af: {  	v10 =	vld.idx.msk [tilespmem:v10+s18+$0x0], $0xffff;
	[tilespmem:s5+$0xFFFFFFD0] =	vst v1  }
0x7b0: {  	v17 =	vmul.f32 v22, v5;
	v1 =	vld [tilespmem:s11+$0x70];
	[tilespmem:s6+$0xFFFF9400] =	vst v15  }
0x7b1: {  	v13 =	vmul.f32 v13, v11;
	v15 =	vld.idx.msk [tilespmem:v25+s18+$0x0], $0xffff;
	[tilespmem:s30+$0xFFFFFF00] =	vst v0  }
0x7b2: {  	v0 =	vmul.f32 v23, v4;
	[tilespmem:s6+$0xFFFFDA70] =	vst v17;
	v17 =	vld.idx.msk [tilespmem:v8+s18+$0x0], $0xffff  }
0x7b3: {  	v4 =	vmul.f32 v6, v12;
	v19 =	vld.idx.msk [tilespmem:v20+s18+$0x0], $0xffff;
	[tilespmem:s6+$0xFFFFDAF0] =	vst v13  }
0x7b4: {  	[tilespmem:s5+$0xFFFFFE50] =	vst v0;
	v0 =	vmul.f32 v16, v7;
	v6 =	vld.idx.msk [tilespmem:v18+s18+$0x0], $0xffff  }
0x7b5: {  	v7 =	vmul.f32 v10, v14;
	v10 =	vor.u32 $0x300, v21;
	v13 =	vld [tilespmem:s11+$0xFFFFFF80];
	[tilespmem:s6+$0xFFFFDB70] =	vst v4  }
0x7b6: {  	v4 =	vld [tilespmem:s16+$0xFFFFFF80];
	[tilespmem:s5+$0xFFFFFED0] =	vst v0;
	v0 =	vshll.u32 v1, $0x3  }
0x7b7: {  	v1 =	vand.u32 $0x7F, v1;
	v15 =	vmul.f32 v15, v2;
	v14 =	vld [tilespmem:s11+$0xFFFFFFD0];
	[tilespmem:s5+$0xFFFFFF50] =	vst v7;
	v0 =	vand.u32 $0xFFFFFC00, v0  }
0x7b8: {  	v16 =	vld [tilespmem:s11+$0x20];
	v8 =	vor.u32 v1, v0;
	v0 =	vmul.f32 v17, v3  }
0x7b9: {  	v3 =	vmul.f32 v19, v5;
	v7 =	vld [tilespmem:s16+$0xFFFFFFD0];
	v1 =	vor.u32 $0x200, v8;
	[tilespmem:s6+$0xFFFFB800] =	vst v15  }
0x7ba: {  	v6 =	vmul.f32 v6, v11;
	v15 =	vand.u32 $0x7F, v13;
	v5 =	vshll.u32 v13, $0x3;
	v10 =	vld.idx.msk [tilespmem:v10+s18+$0x0], $0xffff;
	[tilespmem:s30+$0xFFFFFF80] =	vst v0;
	s30 =	smov.u32 s6;
	s6 =	smov.u32 s5  }
0x7bb: {  	v0 =	vand.u32 $0xFFFFFC00, v5;
	v5 =	vld [tilespmem:s16+$0x20];
	[tilespmem:s30+$0xFFFFFE70] =	vst v3  }
0x7bc: {  	v3 =	vor.u32 v15, v0;
	v0 =	vand.u32 $0x7F, v14;
	v11 =	vshll.u32 v14, $0x3;
	[tilespmem:s30+$0xFFFFFEF0] =	vst v6;
	v9 =	vld.idx.msk [tilespmem:v9+s18+$0x0], $0xffff  }
0x7bd: {  	v6 =	vand.u32 $0xFFFFFC00, v11;
	v11 =	vand.u32 $0x7F, v16;
	v13 =	vshll.u32 v16, $0x3;
	v28 =	vld [tilespmem:s1+$0xFFFFFFA0]  }
0x7be: {  	v25 =	vor.u32 $0x380, v21;
	v14 =	vor.u32 v0, v6;
	v0 =	vand.u32 $0xFFFFFC00, v13;
	v13 =	vld.idx.msk [tilespmem:v1+s18+$0x0], $0xffff  }
0x7bf: {  	v26 =	vor.u32 $0x200, v3;
	v29 =	vor.u32 $0x200, v14;
	v11 =	vor.u32 v11, v0;
	v16 =	vld [tilespmem:s16+$0x70]  }
0x7c0: {  	v21 =	vor.u32 $0x280, v3;
	v10 =	vmul.f32 v10, v2;
	v24 =	vor.u32 $0x200, v11;
	v6 =	vld [tilespmem:s1+$0xFFFFFFF0]  }
.Ltmp5:
0x7c1: {  	v18 =	vor.u32 $0x300, v3;
	v23 =	vor.u32 $0x280, v14;
	v20 =	vor.u32 $0x280, v11;
	v1 =	vld [tilespmem:s31+$0xFFFFFFA0];
	(pc) =	sbr.rel @p1 .LBB2_9-.Ltmp5, $4  }
0x7c2: {  	v22 =	vor.u32 $0x280, v8;
	v19 =	vor.u32 $0x300, v14;
	v15 =	vor.u32 $0x300, v11;
	v0 =	vld [tilespmem:s31+$0xFFFFFFF0];
	[tilespmem:s30+$0xFFFFDC00] =	vst v10  }
0x7c3: {  	v17 =	vor.u32 $0x380, v3;
	v14 =	vor.u32 $0x380, v14;
	v11 =	vor.u32 $0x380, v11;
	v3 =	vld.idx.msk [tilespmem:v25+s18+$0x0], $0xffff  }
0x7c4: {  	v9 =	vmul.f32 v9, v12;
	v10 =	vshll.u32 v28, $0x3;
	v25 =	vld.idx.msk [tilespmem:v26+s18+$0x0], $0xffff;
	v27 =	vmul.f32 v13, v16  }
0x7c5: {  	s11 =	sadd.s32 $0x140, s11;
	v12 =	vand.u32 $0x7F, v28;
	v13 =	vand.u32 $0xFFFFFC00, v10;
	v26 =	vld.idx.msk [tilespmem:v29+s18+$0x0], $0xffff;
	v10 =	vshll.u32 v6, $0x3  }
0x7c6: {  	_ =	sdelay $0x3  }
0x7c7: {  	v24 =	vld.idx.msk [tilespmem:v24+s18+$0x0], $0xffff;
	_ =	sdelay $0x1  }
0x7c8: {  	[tilespmem:s5+$0xFFFF93E0] =	vst v27;
	v25 =	vmul.f32 v25, v4  }
0x7c9: {  	v22 =	vld.idx.msk [tilespmem:v22+s18+$0x0], $0xffff  }
0x7ca: {  	v26 =	vmul.f32 v26, v7;
	[tilespmem:s5+$0xFFFF9260] =	vst v25  }
0x7cb: {  	v24 =	vmul.f32 v24, v5;
	v21 =	vld.idx.msk [tilespmem:v21+s18+$0x0], $0xffff  }
0x7cc: {  	v35 =	vor.u32 $0x300, v8;
	[tilespmem:s5+$0xFFFF92E0] =	vst v26  }
0x7cd: {  	v23 =	vld.idx.msk [tilespmem:v23+s18+$0x0], $0xffff;
	[tilespmem:s5+$0xFFFF9360] =	vst v24  }
0x7ce: {  	v22 =	vmul.f32 v22, v16;
	v20 =	vld.idx.msk [tilespmem:v20+s18+$0x0], $0xffff;
	_ =	sdelay $0x1  }
0x7cf: {  	[tilespmem:s5+$0xFFFFB7E0] =	vst v22;
	v21 =	vmul.f32 v21, v4  }
0x7d0: {  	v22 =	vld.idx.msk [tilespmem:v35+s18+$0x0], $0xffff  }
0x7d1: {  	v23 =	vmul.f32 v23, v7;
	[tilespmem:s6+$0xFFFFB660] =	vst v21  }
0x7d2: {  	v20 =	vmul.f32 v20, v5;
	v18 =	vld.idx.msk [tilespmem:v18+s18+$0x0], $0xffff  }
0x7d3: {  	v36 =	vor.u32 $0x380, v8;
	[tilespmem:s6+$0xFFFFB6E0] =	vst v23  }
0x7d4: {  	v19 =	vld.idx.msk [tilespmem:v19+s18+$0x0], $0xffff;
	[tilespmem:s6+$0xFFFFB760] =	vst v20  }
0x7d5: {  	v22 =	vmul.f32 v22, v16;
	v15 =	vld.idx.msk [tilespmem:v15+s18+$0x0], $0xffff;
	_ =	sdelay $0x1  }
0x7d6: {  	[tilespmem:s5+$0xFFFFDBE0] =	vst v22;
	v18 =	vmul.f32 v18, v4  }
0x7d7: {  	v8 =	vld.idx.msk [tilespmem:v36+s18+$0x0], $0xffff  }
0x7d8: {  	v19 =	vmul.f32 v19, v7;
	[tilespmem:s6+$0xFFFFDA60] =	vst v18  }
0x7d9: {  	v15 =	vmul.f32 v15, v5;
	v37 =	vld.idx.msk [tilespmem:v17+s18+$0x0], $0xffff  }
0x7da: {  	[tilespmem:s6+$0xFFFFDAE0] =	vst v19  }
0x7db: {  	v38 =	vld.idx.msk [tilespmem:v14+s18+$0x0], $0xffff;
	[tilespmem:s6+$0xFFFFDB60] =	vst v15  }
0x7dc: {  	v8 =	vmul.f32 v8, v16;
	v11 =	vld.idx.msk [tilespmem:v11+s18+$0x0], $0xffff;
	_ =	sdelay $0x1  }
0x7dd: {  	[tilespmem:s6+$0xFFFFFFE0] =	vst v8;
	v40 =	vmul.f32 v37, v4  }
0x7de: {  	v39 =	vld [tilespmem:s0+$0x80]  }
0x7df: {  	v41 =	vmul.f32 v38, v7;
	[tilespmem:s6+$0xFFFFFE60] =	vst v40  }
0x7e0: {  	v44 =	vmul.f32 v11, v5;
	v43 =	vld [tilespmem:s0+$0xFFFFFF90]  }
0x7e1: {  	[tilespmem:s6+$0xFFFFFEE0] =	vst v41  }
0x7e2: {  	v46 =	vld [tilespmem:s0+$0xFFFFFFE0];
	[tilespmem:s6+$0xFFFFFF60] =	vst v44  }
0x7e3: {  	v42 =	vshll.u32 v39, $0x3;
	v48 =	vld [tilespmem:s0+$0x30]  }
0x7e4: {  	v45 =	vand.u32 $0x7F, v39;
	v4 =	vand.u32 $0xFFFFFC00, v42  }
0x7e5: {  	v4 =	vor.u32 v45, v4;
	v49 =	vshll.u32 v43, $0x3  }
0x7e6: {  	v47 =	vor.u32 $0x200, v4;
	v7 =	vand.u32 $0x7F, v43;
	v14 =	vand.u32 $0xFFFFFC00, v49  }
0x7e7: {  	v50 =	vshll.u32 v46, $0x3;
	v11 =	vand.u32 $0x7F, v46;
	v7 =	vor.u32 v7, v14  }
0x7e8: {  	v15 =	vand.u32 $0xFFFFFC00, v50;
	v51 =	vshll.u32 v48, $0x3;
	v52 =	vor.u32 $0x200, v7  }
0x7e9: {  	v53 =	vld [tilespmem:s16+$0x80];
	v8 =	vand.u32 $0x7F, v48;
	v11 =	vor.u32 v11, v15;
	v14 =	vand.u32 $0xFFFFFC00, v51  }
0x7ea: {  	v55 =	vld [tilespmem:s16+$0xFFFFFF90];
	v54 =	vor.u32 $0x200, v11;
	v8 =	vor.u32 v8, v14  }
0x7eb: {  	v5 =	vld.idx.msk [tilespmem:v47+s18+$0x0], $0xffff;
	v56 =	vor.u32 $0x200, v8  }
0x7ec: {  	v58 =	vld [tilespmem:s16+$0xFFFFFFE0]  }
0x7ed: {  	v15 =	vld.idx.msk [tilespmem:v52+s18+$0x0], $0xffff  }
0x7ee: {  	v59 =	vld [tilespmem:s16+$0x30];
	v57 =	vor.u32 $0x280, v4  }
0x7ef: {  	v17 =	vld.idx.msk [tilespmem:v54+s18+$0x0], $0xffff  }
0x7f0: {  	v60 =	vor.u32 $0x280, v7;
	v5 =	vmul.f32 v5, v53;
	v18 =	vld.idx.msk [tilespmem:v56+s18+$0x0], $0xffff;
	_ =	sdelay $0x1  }
0x7f1: {  	v61 =	vor.u32 $0x280, v11;
	[tilespmem:s6+$0xFFFF93F0] =	vst v5;
	v15 =	vmul.f32 v15, v55  }
0x7f2: {  	v62 =	vor.u32 $0x280, v8;
	v19 =	vld.idx.msk [tilespmem:v57+s18+$0x0], $0xffff  }
0x7f3: {  	v17 =	vmul.f32 v17, v58;
	[tilespmem:s6+$0xFFFF9270] =	vst v15  }
0x7f4: {  	v26 =	vmul.f32 v18, v59;
	v5 =	vld.idx.msk [tilespmem:v60+s18+$0x0], $0xffff  }
0x7f5: {  	v63 =	vor.u32 $0x300, v4;
	[tilespmem:s6+$0xFFFF92F0] =	vst v17  }
0x7f6: {  	v28 =	vld.idx.msk [tilespmem:v61+s18+$0x0], $0xffff;
	[tilespmem:s6+$0xFFFF9370] =	vst v26  }
0x7f7: {  	v29 =	vor.u32 $0x300, v7;
	v27 =	vmul.f32 v19, v53;
	v30 =	vld.idx.msk [tilespmem:v62+s18+$0x0], $0xffff;
	_ =	sdelay $0x1  }
0x7f8: {  	v32 =	vor.u32 $0x300, v11;
	[tilespmem:s6+$0xFFFFB7F0] =	vst v27;
	v5 =	vmul.f32 v5, v55  }
0x7f9: {  	v33 =	vor.u32 $0x300, v8;
	v31 =	vld.idx.msk [tilespmem:v63+s18+$0x0], $0xffff  }
0x7fa: {  	v18 =	vmul.f32 v28, v58;
	[tilespmem:s6+$0xFFFFB670] =	vst v5  }
0x7fb: {  	v34 =	vmul.f32 v30, v59;
	v15 =	vld.idx.msk [tilespmem:v29+s18+$0x0], $0xffff  }
0x7fc: {  	v4 =	vor.u32 $0x380, v4;
	[tilespmem:s6+$0xFFFFB6F0] =	vst v18  }
0x7fd: {  	v18 =	vld.idx.msk [tilespmem:v32+s18+$0x0], $0xffff;
	[tilespmem:s6+$0xFFFFB770] =	vst v34  }
0x7fe: {  	v36 =	vor.u32 $0x380, v7;
	v35 =	vmul.f32 v31, v53;
	v37 =	vld.idx.msk [tilespmem:v33+s18+$0x0], $0xffff;
	_ =	sdelay $0x1  }
0x7ff: {  	v11 =	vor.u32 $0x380, v11;
	[tilespmem:s6+$0xFFFFDBF0] =	vst v35;
	v15 =	vmul.f32 v15, v55  }
0x800: {  	v8 =	vor.u32 $0x380, v8;
	v4 =	vld.idx.msk [tilespmem:v4+s18+$0x0], $0xffff  }
0x801: {  	v38 =	vmul.f32 v18, v58;
	[tilespmem:s6+$0xFFFFDA70] =	vst v15  }
0x802: {  	v7 =	vmul.f32 v37, v59;
	v5 =	vld.idx.msk [tilespmem:v36+s18+$0x0], $0xffff  }
0x803: {  	[tilespmem:s6+$0xFFFFDAF0] =	vst v38  }
0x804: {  	v39 =	vld.idx.msk [tilespmem:v11+s18+$0x0], $0xffff;
	[tilespmem:s6+$0xFFFFDB70] =	vst v7  }
0x805: {  	[tilespmem:s30+$0xFFFFFF70] =	vst v9;
	v4 =	vmul.f32 v4, v53;
	v41 =	vld.idx.msk [tilespmem:v8+s18+$0x0], $0xffff  }
0x806: {  	v40 =	vld [tilespmem:s1+$0x40]  }
0x807: {  	[tilespmem:s6+$0xFFFFFFF0] =	vst v4;
	v5 =	vmul.f32 v5, v55  }
0x808: {  	v42 =	vld [tilespmem:s0+$0x90]  }
0x809: {  	v6 =	vand.u32 $0x7F, v6;
	v10 =	vand.u32 $0xFFFFFC00, v10;
	v9 =	vmul.f32 v39, v58;
	[tilespmem:s6+$0xFFFFFE70] =	vst v5  }
0x80a: {  	v6 =	vor.u32 v6, v10;
	v4 =	vmul.f32 v41, v59;
	v45 =	vld [tilespmem:s0+$0xFFFFFFA0]  }
0x80b: {  	v44 =	vshll.u32 v40, $0x3;
	v43 =	vor.u32 $0x200, v6;
	[tilespmem:s6+$0xFFFFFEF0] =	vst v9  }
0x80c: {  	v10 =	vand.u32 $0xFFFFFC00, v44;
	v11 =	vand.u32 $0x7F, v40;
	v8 =	vor.u32 v12, v13;
	v47 =	vld [tilespmem:s0+$0xFFFFFFF0];
	[tilespmem:s6+$0xFFFFFF70] =	vst v4  }
0x80d: {  	v10 =	vor.u32 v11, v10;
	v12 =	vor.u32 $0x200, v8;
	v46 =	vshll.u32 v42, $0x3;
	v50 =	vld [tilespmem:s0+$0x40]  }
0x80e: {  	v49 =	vor.u32 $0x200, v10;
	v7 =	vand.u32 $0x7F, v42;
	v48 =	vand.u32 $0xFFFFFC00, v46  }
0x80f: {  	v17 =	vld [tilespmem:s31+$0x40];
	v7 =	vor.u32 v7, v48;
	v52 =	vshll.u32 v45, $0x3  }
0x810: {  	v19 =	vld [tilespmem:s16+$0x90];
	v51 =	vor.u32 $0x200, v7;
	v9 =	vand.u32 $0x7F, v45;
	v15 =	vand.u32 $0xFFFFFC00, v52  }
0x811: {  	v5 =	vld.idx.msk [tilespmem:v43+s18+$0x0], $0xffff;
	v53 =	vshll.u32 v47, $0x3;
	v14 =	vand.u32 $0x7F, v47;
	v9 =	vor.u32 v9, v15  }
0x812: {  	v12 =	vld.idx.msk [tilespmem:v12+s18+$0x0], $0xffff;
	v54 =	vand.u32 $0xFFFFFC00, v53;
	v56 =	vshll.u32 v50, $0x3;
	v11 =	vand.u32 $0x7F, v50  }
0x813: {  	v4 =	vld.idx.msk [tilespmem:v49+s18+$0x0], $0xffff;
	v55 =	vor.u32 $0x200, v9;
	v14 =	vor.u32 v14, v54;
	v15 =	vand.u32 $0xFFFFFC00, v56  }
0x814: {  	v21 =	vld [tilespmem:s16+$0xFFFFFFF0];
	v57 =	vor.u32 $0x200, v14;
	v11 =	vor.u32 v11, v15  }
0x815: {  	v25 =	vld [tilespmem:s16+$0x40];
	v58 =	vor.u32 $0x200, v11  }
0x816: {  	v13 =	vld.idx.msk [tilespmem:v51+s18+$0x0], $0xffff  }
0x817: {  	v59 =	vor.u32 $0x280, v8;
	v15 =	vld [tilespmem:s16+$0xFFFFFFA0]  }
0x818: {  	v61 =	vor.u32 $0x280, v10;
	v16 =	vld.idx.msk [tilespmem:v55+s18+$0x0], $0xffff  }
0x819: {  	v60 =	vor.u32 $0x280, v6;
	v12 =	vmul.f32 v12, v1;
	v18 =	vld.idx.msk [tilespmem:v57+s18+$0x0], $0xffff  }
0x81a: {  	v62 =	vor.u32 $0x280, v7;
	v4 =	vmul.f32 v4, v17;
	v20 =	vld.idx.msk [tilespmem:v58+s18+$0x0], $0xffff  }
0x81b: {  	v5 =	vmul.f32 v5, v0;
	[tilespmem:s30+$0xFFFF9280] =	vst v12;
	v63 =	vor.u32 $0x280, v9  }
0x81c: {  	v28 =	vld.idx.msk [tilespmem:v59+s18+$0x0], $0xffff;
	[tilespmem:s30+$0xFFFF9380] =	vst v4;
	v29 =	vor.u32 $0x280, v14;
	v13 =	vmul.f32 v13, v19  }
0x81d: {  	[tilespmem:s30+$0xFFFF9300] =	vst v5;
	v24 =	vld.idx.msk [tilespmem:v61+s18+$0x0], $0xffff;
	v31 =	vor.u32 $0x280, v11;
	v16 =	vmul.f32 v16, v15  }
0x81e: {  	v30 =	vld.idx.msk [tilespmem:v60+s18+$0x0], $0xffff;
	[tilespmem:s6+$0xFFFF9400] =	vst v13;
	v32 =	vmul.f32 v18, v21  }
0x81f: {  	v33 =	vor.u32 $0x300, v8;
	v26 =	vld.idx.msk [tilespmem:v62+s18+$0x0], $0xffff;
	[tilespmem:s6+$0xFFFF9280] =	vst v16;
	v34 =	vmul.f32 v20, v25  }
0x820: {  	v36 =	vor.u32 $0x300, v10;
	[tilespmem:s6+$0xFFFF9300] =	vst v32;
	v12 =	vld.idx.msk [tilespmem:v63+s18+$0x0], $0xffff  }
0x821: {  	v35 =	vor.u32 $0x300, v6;
	v5 =	vmul.f32 v28, v1;
	[tilespmem:s6+$0xFFFF9380] =	vst v34;
	v37 =	vld.idx.msk [tilespmem:v29+s18+$0x0], $0xffff  }
0x822: {  	v38 =	vor.u32 $0x300, v7;
	v39 =	vmul.f32 v24, v17;
	v23 =	vld.idx.msk [tilespmem:v31+s18+$0x0], $0xffff  }
0x823: {  	v40 =	vor.u32 $0x300, v9;
	v4 =	vmul.f32 v30, v0;
	[tilespmem:s30+$0xFFFFB680] =	vst v5  }
0x824: {  	v43 =	vor.u32 $0x300, v14;
	v41 =	vld.idx.msk [tilespmem:v33+s18+$0x0], $0xffff;
	[tilespmem:s30+$0xFFFFB780] =	vst v39;
	v42 =	vmul.f32 v26, v19  }
0x825: {  	v44 =	vor.u32 $0x300, v11;
	[tilespmem:s30+$0xFFFFB700] =	vst v4;
	v13 =	vld.idx.msk [tilespmem:v36+s18+$0x0], $0xffff;
	v12 =	vmul.f32 v12, v15  }
0x826: {  	v20 =	vld.idx.msk [tilespmem:v35+s18+$0x0], $0xffff;
	[tilespmem:s6+$0xFFFFB800] =	vst v42;
	v16 =	vmul.f32 v37, v21  }
0x827: {  	v8 =	vor.u32 $0x380, v8;
	v18 =	vld.idx.msk [tilespmem:v38+s18+$0x0], $0xffff;
	[tilespmem:s6+$0xFFFFB680] =	vst v12;
	v45 =	vmul.f32 v23, v25  }
0x828: {  	v10 =	vor.u32 $0x380, v10;
	[tilespmem:s6+$0xFFFFB700] =	vst v16;
	v46 =	vld.idx.msk [tilespmem:v40+s18+$0x0], $0xffff  }
0x829: {  	v6 =	vor.u32 $0x380, v6;
	v4 =	vmul.f32 v41, v1;
	v47 =	vld.idx.msk [tilespmem:v43+s18+$0x0], $0xffff;
	[tilespmem:s6+$0xFFFFB780] =	vst v45  }
0x82a: {  	v7 =	vor.u32 $0x380, v7;
	v13 =	vmul.f32 v13, v17;
	v5 =	vld.idx.msk [tilespmem:v44+s18+$0x0], $0xffff  }
0x82b: {  	v49 =	vor.u32 $0x380, v9;
	[tilespmem:s30+$0xFFFFDA80] =	vst v4;
	v48 =	vmul.f32 v20, v0  }
0x82c: {  	v51 =	vor.u32 $0x380, v14;
	v8 =	vld.idx.msk [tilespmem:v8+s18+$0x0], $0xffff;
	[tilespmem:s30+$0xFFFFDB80] =	vst v13;
	v50 =	vmul.f32 v18, v19  }
0x82d: {  	v11 =	vor.u32 $0x380, v11;
	v10 =	vld.idx.msk [tilespmem:v10+s18+$0x0], $0xffff;
	[tilespmem:s30+$0xFFFFDB00] =	vst v48;
	v52 =	vmul.f32 v46, v15  }
0x82e: {  	v6 =	vld.idx.msk [tilespmem:v6+s18+$0x0], $0xffff;
	[tilespmem:s6+$0xFFFFDC00] =	vst v50;
	v53 =	vmul.f32 v47, v21  }
0x82f: {  	v7 =	vld.idx.msk [tilespmem:v7+s18+$0x0], $0xffff;
	v5 =	vmul.f32 v5, v25;
	[tilespmem:s6+$0xFFFFDA80] =	vst v52  }
0x830: {  	v2 =	vmul.f32 v3, v2;
	v54 =	vld.idx.msk [tilespmem:v49+s18+$0x0], $0xffff;
	[tilespmem:s6+$0xFFFFDB00] =	vst v53  }
0x831: {  	v55 =	vmul.f32 v8, v1;
	v56 =	vld.idx.msk [tilespmem:v51+s18+$0x0], $0xffff;
	[tilespmem:s6+$0xFFFFDB80] =	vst v5  }
0x832: {  	[tilespmem:s30+$0x0] =	vst v2;
	v59 =	vmul.f32 v10, v17;
	v58 =	vld.idx.msk [tilespmem:v11+s18+$0x0], $0xffff  }
0x833: {  	[tilespmem:s30+$0xFFFFFE80] =	vst v55;
	v57 =	vmul.f32 v6, v0  }
0x834: {  	[tilespmem:s30+$0xFFFFFF80] =	vst v59;
	v60 =	vmul.f32 v7, v19  }
0x835: {  	s31 =	smul.u32 $0x2400, s29;
	[tilespmem:s30+$0xFFFFFF00] =	vst v57;
	v61 =	vmul.f32 v54, v15  }
.Ltmp6:
0x836: {  	[tilespmem:s6+$0x0] =	vst v60;
	v62 =	vmul.f32 v56, v21;
	(pc) =	sbr.rel @p0 .LBB2_12-.Ltmp6, $4  }
0x837: {  	s0 =	sshrl.u32 s31, $0x3;
	[tilespmem:s6+$0xFFFFFE80] =	vst v61;
	v63 =	vmul.f32 v58, v25  }
0x838: {  	s0 =	sadd.s32 s7, s0;
	[tilespmem:s6+$0xFFFFFF00] =	vst v62  }
0x839: {  	s0 =	sadd.s32 $0x1200, s0;
	[tilespmem:s6+$0xFFFFFF80] =	vst v63  }
0x83a: {  	[hbm4b:s0+s3] =	stream.linear.scatter [tilespmem:s20], [sflag:$0x4], $0x9000, $0x38;
	[tilespmem:$0x1DB00] =	vst v63  }
0x83b: {  	s0 =	sadd.s32 s28, s13  }
.Ltmp7:
0x83c: {  	s0 =	sshrl.u32 s0, $0x3;
	(pc) =	sbr.rel .LBB2_2-.Ltmp7, $3  }
0x83d: {  	s0 =	smul.u32 $0x900, s0;
	_ =	sdelay $0x1  }
0x83e: {  	s26 =	sadd.s32 $0x1, s26;
	s0 =	sadd.s32 s2, s0  }
0x83f: {  	[tilespmem:s18], [sflag:$0x2] =	stream.linear.gather [hbm4b:s0+s3], $0x4800, $0x38;
	[tilespmem:$0x1DB00] =	vst v63  }
.LBB2_13:
0x840: {  	_ =	sfence.sel $0x180000  }
0x841: {  	[bflag:$0x0] =	sbarrier.arrive $0xFFFF  }
0x842: {  	_ =	strace $0x90000047  }
0x843: {  	s0 =	stileid.u32;
	[bflag:$0x2] =	sbarrier.arrive $0xFFFF  }
0x844: {  	p0 =	sne.s32 s0, $0x0;
	s0 =	rddreg [dreg:$0x2]  }
0x845: {  	s0 =	sadd.s32 @!p0 $0x100000, s0  }
0x846: {  	[sflag:s0] =	ssyncadd.tile.s32 @!p0 $0x1;
	_ =	shalt  }
.Lfunc_end2:
_tile_overlayer_lowered:
.L_overlay_start_2:
0x847: {  	(tag) =	ssettag $0x2  }
0x848: {  	s0 =	rddreg [dreg:$0x0];
	s2 =	stileid.u32  }
0x849: {  	s1 =	rddreg [dreg:$0x1];
	p0 =	sne.s32 s2, $0x0  }
0x84a: {  	s3 =	rddreg [dreg:$0x2];
	[bflag:$0x3] =	sbarrier.arrive $0xFFFF;
	s2 =	simm.s32 @!p0 $0x1C05  }
0x84b: {  	[timem:s3], [sflag:s2] =	dma.local @!p0 [hbm:s0], s1  }
0x84c: {  	s0 =	simm.s32 @!p0 $0x5  }
0x84d: {  	_ =	swait.ge @!p0 [sflag:s0], s1  }
0x84e: {  	s1 =	ssub.s32 @!p0 $0x0, s1;
	[sflag:s0] =	ssyncset.done @!p0 $0x0  }
0x84f: {  	[sflag:s0] =	ssyncadd.s32 @!p0 s1  }
0x850: {  	[bflag:$0x3] =	sbarrier.arrive $0xFFFF  }
0x851: {  	_ =	shalt  }

// kernel: sparse-core-data-format-call.cloned.1.call-start
scs
called_computation_lowered:
.L_overlay_start_0:
0x0: {  	s2 =	sld [smem:$0x3FD9]  }
0x1: {  	s3 =	sld [smem:$0x3FFE];
	_ =	sdelay $0x1  }
0x2: {  	s1 =	srdreg.scid  }
0x3: {  	s0 =	sand.u32 $0x1, s1  }
0x4: {  	s18 =	sshll.u32 s0, $0xA;
	s2 =	sadd.s32 s3, s2  }
0x5: {  	s2 =	sadd.s32 s2, s18  }
0x6: {  	[smem:$0x3FC7] =	sst s2  }
0x7: {  	_ = 	snop  }
0x8: {  	s2 =	sld [smem:$0x3FD0];
	(tm) =	ssettm $0x1  }
0x9: {  	s19 =	sld [smem:$0x3FFB];
	_ =	sdelay $0x3  }
0xa: {  	_ =	strace s19  }
0xb: {  	s3 =	sld [smem:$0x3FFC];
	_ =	sdelay $0x3  }
0xc: {  	_ =	strace s3  }
0xd: {  	s3 =	sld [smem:$0x3FFD];
	_ =	sdelay $0x3  }
0xe: {  	_ =	strace s3  }
0xf: {  	_ =	strace $0x8FFFFFFF  }
0x10: {  	s20 =	sld [smem:$0x3FDB];
	_ =	sdelay $0x1  }
0x11: {  	s4 =	simm.s32 $_scs_section_size  }
0x12: {  	s5 =	simm.s32 $_size__tile_overlayer_lowered;
	s6 =	simm.s32 $_tile_overlayer_lowered  }
0x13: {  	s23 =	simm.s32 $0x1BFF;
	s22 =	sshll.u32 s6, $0x1;
	s3 =	sadd.s32 s4, s20  }
0x14: {  	s7 =	simm.s32 $0x0;
	s21 =	sshll.u32 s5, $0x1;
	s5 =	sadd.s32 s22, s3  }
0x15: {  	[timem:s7], [sflag:s23] =	dma.local [hbm:s5], s21  }
0x16: {  	_ =	swait.ge [sflag:s23], s21  }
0x17: {  	s4 =	ssub.s32 $0x0, s21;
	[sflag:s23] =	ssyncset.done $0x0  }
0x18: {  	[sflag:s23] =	ssyncadd.s32 s4;
	_ =	sdelay $0x1  }
0x19: {  	s24 =	simm.s32 $0x1B8B  }
0x1a: {  	_ =	swait.ge [sflag:s24], $0x1  }
0x1b: {  	[sflag:s24] =	ssyncset.done $0x0  }
0x1c: {  	s26 =	simm.s32 $0x1B8E;
	s25 =	sld [smem:$0x3FFE];
	[sflag:s24] =	ssyncadd.s32 $0xFFFFFFFF  }
0x1d: {  	s27 =	simm.s32 $execute0_lowered;
	[smem:$0x3FD2] =	sst s26  }
0x1e: {  	s5 =	sshll.u32 s27, $0x1;
	_ =	strace $0x80000049;
	[dreg:$0x1] =	wrdreg $0xFFFFFFFF  }
0x1f: {  	s28 =	simm.s32 $_size_execute0_lowered;
	s3 =	sadd.s32 s3, s5;
	[dreg:$0x0] =	wrdreg $0x0  }
0x20: {  	s5 =	sshll.u32 s28, $0x1;
	[dreg:$0x2] =	wrdreg s3  }
0x21: {  	[dreg:$0x3] =	wrdreg s5  }
0x22: {  	[dreg:$0x4] =	wrdreg $0xC0  }
0x23: {  	_ =	task [dreg:s7], $0x5FFFF  }
0x24: {  	[dreg:$0x1] =	wrdreg $0xFFFFFFFF  }
0x25: {  	[dreg:$0x0] =	wrdreg $0x60  }
0x26: {  	[dreg:$0x2] =	wrdreg s25  }
0x27: {  	[dreg:$0x3] =	wrdreg s2  }
0x28: {  	[dreg:$0x4] =	wrdreg $0x9  }
0x29: {  	_ =	task.clear_ibuf [dreg:s7], $0x5FFFF;
	_ =	strace $0x90000049  }
0x2a: {  	s29 =	simm.s32 $0x9;
	_ =	strace $0x8000004B  }
0x2b: {  	_ =	swait.ge [sflag:s29], $0x1  }
0x2c: {  	[sflag:s29] =	ssyncadd.s32 $0xFFFFFFFF  }
0x2d: {  	_ =	strace $0x9000004B  }
0x2e: {  	_ =	sfence  }
0x2f: {  	s30 =	sld [smem:$0x0];
	_ =	sdelay $0x2  }
0x30: {  	s31 =	sshll.u32 s1, $0xD;
	s1 =	sshrl.u32 s1, $0x2  }
0x31: {  	s3 =	sand.u32 $0x4000, s31;
	s1 =	sadd.s32 s1, s30  }
0x32: {  	s0 =	sor.u32 s3, s0;
	s1 =	sshll.u32 s1, $0x11  }
0x33: {  	s0 =	sor.u32 s1, s0  }
0x34: {  	s0 =	sadd.s32 $0x8F2B, s0  }
0x35: {  	[sflag:s0] =	ssyncadd.remote.s32 $0x1  }
0x36: {  	_ =	sfence.sel $0xFFFF  }
0x37: {  	[dreg:$0x0] =	wrdreg $0xFFFFFFFF;
	(pc) =	sbr.abs _section_cstart, $3  }
0x38: {  	[dreg:$0x1] =	wrdreg $0xFFFFFFFF  }
0x39: {  	_ =	task.clear_ibuf [dreg:s7], $0x2FFFF;
	_ =	strace $0x9FFFFFFF  }
0x3a: {  	(tm) =	ssettm $0x7FFFFFFF  }
0x3b: {  	_ =	shalt  }
tec
execute0_lowered:
.L_overlay_start_1:
0x0: {  	(tag) =	ssettag $0x1  }
0x1: {  	s0 =	srdreg.scid  }
0x2: {  	s1 =	sshll.u32 s0, $0x4  }
0x3: {  	s6 =	rddreg [dreg:$0x0];
	s0 =	stileid.u32;
	s1 =	sand.u32 $0x10, s1  }
0x4: {  	s3 =	rddreg [dreg:$0x1];
	s1 =	sor.u32 s0, s1  }
0x5: {  	s5 =	simm.s32 $0x1;
	s31 =	simm.s32 $0x2;
	s2 =	sshll.u32 s1, $0x7  }
0x6: {  	s15 =	simm.s32 $0x0;
	s8 =	simm.s32 $0x20000;
	s4 =	ssub.s32 $0x4000, s2  }
0x7: {  	s14 =	simm.s32 $0x0;
	s9 =	simm.s32 $0x0;
	s30 =	sand.u32 $0xF80, s4  }
0x8: {  	s10 =	simm.s32 $0x0;
	s11 =	simm.s32 $0x0;
	p0 =	sne.s32 s30, $0x0  }
.Ltmp0:
0x9: {  	s7 =	sshrl.u32 s4, $0xC;
	s5 =	simm.s32 @!p0 $0x0;
	(pc) =	sbr.rel .LBB1_1-.Ltmp0, $4  }
0xa: {  	s13 =	simm.s32 $0x0;
	s1 =	rddreg [dreg:$0x2];
	s5 =	sadd.s32 s5, s7  }
0xb: {  	_ =	strace $0x8000004A;
	s4 =	simm.s32 $0x1;
	s5 =	smul.u32 $0x44, s5  }
0xc: {  	s6 =	sadd.s32 $0x1000, s6;
	s12 =	smov.u32 s2;
	[sflag:s4] =	ssyncpa.u1 $0x0  }
0xd: {  	[sflag:s31] =	ssyncpa.u1 $0x0;
	p0 =	por $0x0, $0x0;
	s7 =	sor.u32 $0x1, s5  }
.LBB1_4:
0xe: {  	s20 =	sshra.s32 s20, $0x2;
	s28 =	sshll.u32 s10, $0x3;
	p1 =	sgt.s32 s9, $0x43  }
0xf: {  	s21 =	smov.u32 s9;
	s23 =	sshra.s32 s9, $0x1F;
	s24 =	smov.u32 s10  }
0x10: {  	v5 =	vld [tilespmem:s17+$0xFFFFFFD0];
	[tilespmem:s18+$0x2040 ss:$0x81] =	vst.msk $0xffff, v4;
	s25 =	sshra.s32 s10, $0x1F;
	s26 =	sand.u32 $0x78, s10;
	s19 =	sadd.s32 s20, s19  }
0x11: {  	v58 =	vld [tilespmem:s17+$0xFFFFFFE0];
	[tilespmem:s18+$0x2850 ss:$0x81] =	vst.msk $0xffff, v3;
	s22 =	sshrl.u32 s28, $0xE;
	s21 =	simm.s32 @!p1 $0x43;
	s23 =	sand.u32 s23, s9  }
0x12: {  	v59 =	vld [tilespmem:s17+$0xFFFFFFF0];
	[tilespmem:s18+$0x3060 ss:$0x81] =	vst.msk $0xffff, v2;
	p1 =	sgt.s32 s10, $0x3F80;
	s29 =	sand.u32 s25, s10;
	s20 =	sand.u32 $0x3C00, s28  }
0x13: {  	v60 =	vld [tilespmem:s17+$0x0];
	[tilespmem:s18+$0x0 ss:$0x81] =	vst.msk $0xffff, v0;
	s28 =	smul.u32 $0x24000, s9;
	s21 =	ssub.s32 s21, s23;
	s24 =	simm.s32 @!p1 $0x3F80  }
0x14: {  	v61 =	vld [tilespmem:s17+$0x10];
	s30 =	smulhi.u32 $0x38E38E4, s22;
	[tilespmem:s19+$0x3870 ss:$0x81] =	vst.msk $0xffff, v1;
	s20 =	sor.u32 s26, s20;
	s31 =	ssub.s32 $0x44, s21  }
0x15: {  	v62 =	vld [tilespmem:s17+$0x20];
	s23 =	ssub.s32 s24, s29;
	s21 =	sadd.s32 $0xFFFFFFBD, s21;
	s25 =	smul.u32 $0x48, s31;
	[tilespmem:s19+$0x810 ss:$0x81] =	vst.msk $0xffff, v5  }
0x16: {  	v63 =	vld [tilespmem:s17+$0xFFFFFFC0];
	s18 =	smul.u32 $0x48, s30;
	p1 =	sgt.s32 s21, $0x0;
	s27 =	sadd.s32 $0xFFFFC080, s23;
	[tilespmem:s19+$0x1020 ss:$0x81] =	vst.msk $0xffff, v58  }
0x17: {  	s17 =	ssub.s32 $0x4000, s23;
	[tilespmem:s19+$0x1830 ss:$0x81] =	vst.msk $0xffff, v59;
	s25 =	simm.s32 @p1 $0x0;
	p1 =	sgt.s32 s27, $0x7F  }
0x18: {  	s29 =	sand.u32 $0x7, s10;
	[tilespmem:s19+$0x2040 ss:$0x81] =	vst.msk $0xffff, v60;
	s18 =	ssub.s32 s22, s18;
	s17 =	simm.s32 @p1 $0x0  }
0x19: {  	s21 =	sadd.s32 s3, s28;
	[tilespmem:s19+$0x2850 ss:$0x81] =	vst.msk $0xffff, v61;
	s18 =	sshll.u32 s18, $0xB;
	s17 =	smul.u32 s17, s25  }
0x1a: {  	s20 =	sshrl.u32 s20, $0x3;
	s30 =	sshll.u32 s29, $0x12;
	[tilespmem:s19+$0x3060 ss:$0x81] =	vst.msk $0xffff, v62;
	s18 =	sadd.s32 s18, s21  }
0x1b: {  	[tilespmem:s19+$0x0 ss:$0x81] =	vst.msk $0xffff, v63;
	s31 =	sor.u32 $0x400, s30;
	s18 =	sadd.s32 s20, s18;
	s17 =	sand.u32 $0x3FFFFFF8, s17  }
0x1c: {  	[hbm4b:s18+s31] =	stream.strided.scatter [tilespmem:s16], [sflag:$0x2], s17, s8, s31, $0x20;
	[tilespmem:$0x10100] =	vst v63  }
.LBB1_5:
0x1d: {  	p1 =	slt.u32 s13, $0x2  }
0x1e: {  	s17 =	smov.u32 s15;
	p2 =	sgt.s32 @!p1 s15, $0x43;
	s16 =	sshra.s32 @!p1 s15, $0x1F  }
0x1f: {  	p3 =	sgt.s32 @!p1 s14, $0x3F80;
	s18 =	sshra.s32 @!p1 s14, $0x1F;
	p2 =	por !p2, p1  }
0x20: {  	s15 =	sand.u32 @!p1 s16, s15;
	p3 =	por !p3, p1;
	s16 =	smov.u32 s14  }
0x21: {  	s14 =	sand.u32 @!p1 s18, s14;
	s17 =	simm.s32 @p2 $0x43;
	s16 =	simm.s32 @p3 $0x3F80  }
0x22: {  	s18 =	smov.u32 s12;
	s15 =	ssub.s32 @!p1 s17, s15;
	s14 =	ssub.s32 @!p1 s16, s14  }
0x23: {  	s16 =	sadd.s32 @!p1 $0xFFFFFFBD, s15;
	s15 =	ssub.s32 @!p1 $0x44, s15;
	s17 =	sadd.s32 @!p1 $0xFFFFC080, s14  }
0x24: {  	p2 =	sgt.s32 @!p1 s16, $0x0;
	s15 =	smul.u32 @!p1 $0x48, s15;
	p3 =	sgt.s32 @!p1 s17, $0x7F  }
0x25: {  	s14 =	ssub.s32 @!p1 $0x4000, s14;
	p2 =	por !p2, p1;
	p3 =	por !p3, p1  }
0x26: {  	s16 =	sadd.s32 $0x1, s11;
	s15 =	simm.s32 @!p2 $0x0;
	s14 =	simm.s32 @!p3 $0x0  }
0x27: {  	p2 =	sgt.s32 s16, $0x43;
	s14 =	smul.u32 @!p1 s14, s15;
	s15 =	sadd.s32 $0x1000, s12  }
0x28: {  	s18 =	smov.u32 @p2 s15  }
0x29: {  	s16 =	simm.s32 @p2 $0x0;
	p2 =	sgt.s32 s18, $0x3FFF  }
0x2a: {  	s18 =	smov.u32 @p2 s2;
	p2 =	sne.s32 s13, s7  }
.Ltmp1:
0x2b: {  	p0 =	por !p0, !p0;
	s17 =	simm.s32 @!p1 $0x2;
	(pc) =	sbr.rel @!p2 .LBB1_6-.Ltmp1, $4  }
0x2c: {  	s15 =	smov.u32 s9;
	s9 =	smov.u32 s11;
	s14 =	sand.u32 @!p1 $0x3FFFFFF8, s14  }
0x2d: {  	s11 =	smov.u32 s16;
	_ =	swait.ge @!p1 [sflag:s17], s14;
	s19 =	ssub.s32 @!p1 $0x0, s14  }
0x2e: {  	s14 =	smov.u32 s10;
	s13 =	sadd.s32 $0x1, s13;
	[sflag:s17] =	ssyncset.done @!p1 $0x0  }
0x2f: {  	s10 =	smov.u32 s12;
	s12 =	smov.u32 s18;
	[sflag:s17] =	ssyncadd.s32 @!p1 s19  }
.LBB1_1:
0x30: {  	p1 =	sge.u32 s13, s5  }
0x31: {  	s16 =	sand.u32 @!p1 $0x1FFFFFF, s11  }
0x32: {  	s17 =	smulhi.u32 @!p1 $0x38E38E4, s16;
	_ =	sdelay $0x1  }
0x33: {  	s17 =	smul.u32 @!p1 $0x48, s17  }
0x34: {  	s18 =	sxor.u32 @!p1 $0xFFFFFFFF, s13;
	s19 =	smul.u32 @!p1 $0x480, s12  }
0x35: {  	s31 =	sadd.s32 $0xFFFFFFFF, s13;
	s18 =	sshll.u32 @!p1 s18, $0xE;
	s16 =	ssub.s32 @!p1 s16, s17  }
0x36: {  	s17 =	sand.u32 @!p1 $0x4000, s18;
	s18 =	sadd.s32 @!p1 s6, s19;
	s16 =	sshll.u32 @!p1 s16, $0x4  }
0x37: {  	s19 =	simm.s32 @!p1 $0x2400;
	s16 =	sadd.s32 @!p1 s16, s18;
	s18 =	simm.s32 @!p1 $0x80  }
0x38: {  	[tilespmem:s17], [sflag:$0x1] =	stream.strided.gather @!p1 [hbm4b:s16+s18], $0x4000, s19, s18, $0x38;
	[tilespmem:$0x10100] =	vst v63  }
0x39: {  	p1 =	sge.u32 s31, s5  }
.Ltmp2:
0x3a: {  	_ = 	snop;
	(pc) =	sbr.rel @p1 .LBB1_5-.Ltmp2, $1  }
0x3b: {  	_ =	sdelay $0x3  }
0x3c: {  	s16 =	simm.s32 $0x1  }
0x3d: {  	_ =	swait.ge [sflag:s4], $0x4000;
	s16 =	simm.s32 @!p0 $0x0  }
0x3e: {  	[sflag:s4] =	ssyncset.done $0x0;
	s17 =	sshll.u32 s16, $0xE  }
0x3f: {  	[sflag:s4] =	ssyncadd.s32 $0xFFFFC000;
	s17 =	sor.u32 $0x40, s17  }
0x40: {  	s16 =	smul.u32 $0x10200, s16;
	v0 =	vld [tilespmem:s17+$0x30]  }
0x41: {  	v1 =	vld [tilespmem:s17+$0xFFFFFFD0]  }
0x42: {  	s16 =	sshrl.u32 s16, $0x2;
	v5 =	vld [tilespmem:s17+$0xFFFFFFE0]  }
0x43: {  	v6 =	vld [tilespmem:s17+$0xFFFFFFF0];
	s19 =	sor.u32 $0x8000, s16  }
0x44: {  	s31 =	sand.u32 $0x1, s13;
	v4 =	vld [tilespmem:s17+$0x0];
	s18 =	sadd.s32 $0x0, s19  }
0x45: {  	v3 =	vld [tilespmem:s17+$0x10];
	s16 =	smul.u32 $0x10200, s31;
	[tilespmem:s18+$0x3870 ss:$0x81] =	vst.msk $0xffff, v0  }
0x46: {  	v2 =	vld [tilespmem:s17+$0x20];
	[tilespmem:s18+$0x810 ss:$0x81] =	vst.msk $0xffff, v1  }
0x47: {  	s16 =	sshrl.u32 s16, $0x2;
	v0 =	vld [tilespmem:s17+$0xFFFFFFC0];
	[tilespmem:s18+$0x1020 ss:$0x81] =	vst.msk $0xffff, v5;
	s17 =	sadd.s32 $0x80, s17  }
0x48: {  	s20 =	simm.s32 $0x4;
	s21 =	simm.s32 $0x8;
	s16 =	sor.u32 $0x8000, s16;
	[tilespmem:s18+$0x1830 ss:$0x81] =	vst.msk $0xffff, v6;
	v1 =	vld [tilespmem:s17+$0x30]  }
.LBB1_3:
0x49: {  	p1 =	sne.s32 s21, $0x1FC;
	v5 =	vld [tilespmem:s17+$0xFFFFFFD0];
	[tilespmem:s18+$0x2040 ss:$0x81] =	vst.msk $0xffff, v4  }
0x4a: {  	v6 =	vld [tilespmem:s17+$0xFFFFFFE0];
	[tilespmem:s18+$0x2850 ss:$0x81] =	vst.msk $0xffff, v3  }
0x4b: {  	s22 =	sshra.s32 s20, $0x2;
	s20 =	smov.u32 s21;
	v7 =	vld [tilespmem:s17+$0xFFFFFFF0];
	[tilespmem:s18+$0x3060 ss:$0x81] =	vst.msk $0xffff, v2  }
.Ltmp3:
0x4c: {  	v4 =	vld [tilespmem:s17+$0x0];
	[tilespmem:s18+$0x0 ss:$0x81] =	vst.msk $0xffff, v0;
	s18 =	sadd.s32 s22, s19;
	(pc) =	sbr.rel @p1 .LBB1_3-.Ltmp3, $4  }
0x4d: {  	v3 =	vld [tilespmem:s17+$0x10];
	[tilespmem:s18+$0x3870 ss:$0x81] =	vst.msk $0xffff, v1  }
0x4e: {  	[tilespmem:s18+$0x810 ss:$0x81] =	vst.msk $0xffff, v5;
	v2 =	vld [tilespmem:s17+$0x20]  }
0x4f: {  	v0 =	vld [tilespmem:s17+$0xFFFFFFC0];
	[tilespmem:s18+$0x1020 ss:$0x81] =	vst.msk $0xffff, v6;
	s17 =	sadd.s32 $0x80, s17  }
0x50: {  	s21 =	sadd.s32 $0x4, s21;
	v1 =	vld [tilespmem:s17+$0x30];
	[tilespmem:s18+$0x1830 ss:$0x81] =	vst.msk $0xffff, v7  }
.Ltmp4:
0x51: {  	_ = 	snop;
	(pc) =	sbr.rel .LBB1_4-.Ltmp4, $1  }
0x52: {  	_ =	sdelay $0x3  }
.LBB1_6:
0x53: {  	_ =	sfence.sel $0x180000  }
0x54: {  	s2 =	simm.s32 $0x1;
	[bflag:$0x0] =	sbarrier.arrive $0xFFFF  }
0x55: {  	s31 =	simm.s32 $0x2;
	[sflag:s2] =	ssyncpa.u1 $0x1  }
0x56: {  	[sflag:s31] =	ssyncpa.u1 $0x1  }
0x57: {  	p0 =	sne.s32 s0, $0x0;
	_ =	strace $0x9000004A  }
0x58: {  	s0 =	sadd.s32 @!p0 $0x100000, s1;
	[bflag:$0x2] =	sbarrier.arrive $0xFFFF  }
0x59: {  	[sflag:s0] =	ssyncadd.tile.s32 @!p0 $0x1;
	_ =	shalt  }
.Lfunc_end1:
_tile_overlayer_lowered:
.L_overlay_start_2:
0x5a: {  	(tag) =	ssettag $0x2  }
0x5b: {  	s0 =	rddreg [dreg:$0x0];
	s2 =	stileid.u32  }
0x5c: {  	s1 =	rddreg [dreg:$0x1];
	p0 =	sne.s32 s2, $0x0  }
0x5d: {  	s3 =	rddreg [dreg:$0x2];
	[bflag:$0x3] =	sbarrier.arrive $0xFFFF;
	s2 =	simm.s32 @!p0 $0x1C01  }
0x5e: {  	[timem:s3], [sflag:s2] =	dma.local @!p0 [hbm:s0], s1  }
0x5f: {  	s0 =	simm.s32 @!p0 $0x1  }
0x60: {  	_ =	swait.ge @!p0 [sflag:s0], s1  }
0x61: {  	s1 =	ssub.s32 @!p0 $0x0, s1;
	[sflag:s0] =	ssyncset.done @!p0 $0x0  }
0x62: {  	[sflag:s0] =	ssyncadd.s32 @!p0 s1  }
0x63: {  	[bflag:$0x3] =	sbarrier.arrive $0xFFFF  }
0x64: {  	_ =	shalt  }

</sc_bundles>
